<compile_context>
chip_gen: v7x
topology: tpu7x:2x2x1
jax: 0.10.2.dev20260603
libtpu: 0.0.44.dev20260713+nightly
codegen_flags: <defaults>
</compile_context>

<pallas_src>
import dataclasses
import functools

import jax
import jax.numpy as jnp
from jax import lax
from jax.experimental import pallas as pl
from jax.experimental.pallas import tpu as pltpu
from jax.experimental.pallas import tpu_sc as plsc

NC, NS, L = 2, 16, 16
NW = NC * NS
B = 16
S = 512
N = 256
H = 768
MAXPOS = 512
TYPES = 2
W = 128
STRIPS = H // W
SPC = STRIPS // NC
BS = B * S
SEG = B * N
NNZ = 16384
EPS = 1e-12

ROWS_PER_W = BS // NW
A_CHUNK = 32
A_STEPS = ROWS_PER_W // A_CHUNK

NNZ_PER_W = NNZ // NS
B_CHUNK = 64
B_STEPS = NNZ_PER_W // B_CHUNK
B_ITEMS = B_STEPS * SPC
ACC_ROWS = SPC * SEG
OUT_PER_W = ACC_ROWS // NS

_mesh = plsc.VectorSubcoreMesh(
    core_axis_name="c", subcore_axis_name="s", num_cores=NC, num_subcores=NS
)

_cp = pltpu.CompilerParams()
if "needs_layout_passes" in pltpu.CompilerParams.__dataclass_fields__:
    _cp = dataclasses.replace(_cp, needs_layout_passes=False)


@functools.partial(
    pl.kernel,
    out_type=jax.ShapeDtypeStruct((STRIPS * BS, W), jnp.float32),
    mesh=_mesh,
    scratch_types=[
        pltpu.VMEM((ROWS_PER_W,), jnp.int32),
        pltpu.VMEM((ROWS_PER_W,), jnp.int32),
        pltpu.VMEM((ROWS_PER_W,), jnp.int32),
        [pltpu.VMEM((A_CHUNK, H), jnp.float32) for _ in range(2)],
        [pltpu.VMEM((A_CHUNK, H), jnp.float32) for _ in range(2)],
        [pltpu.SemaphoreType.DMA for _ in range(2)],
        [pltpu.SemaphoreType.DMA for _ in range(2)],
    ],
    compiler_params=_cp,
)
def _phase_a(ids_hbm, pos_hbm, tt_hbm, wtab, pttab, flat_out,
             widx, pidx, tidx, wrows, prows, gsems, wsems):
    wid = lax.axis_index("s") * NC + lax.axis_index("c")
    base = wid * ROWS_PER_W

    _stage = [
        pltpu.make_async_copy(ids_hbm.at[pl.ds(base, ROWS_PER_W)], widx, wsems[0]),
        pltpu.make_async_copy(pos_hbm.at[pl.ds(base, ROWS_PER_W)], pidx, wsems[0]),
        pltpu.make_async_copy(tt_hbm.at[pl.ds(base, ROWS_PER_W)], tidx, wsems[0]),
    ]
    for d in _stage:
        d.start()
    for d in _stage:
        d.wait()

    @pl.loop(0, ROWS_PER_W // L)
    def _(c):
        sl = pl.ds(c * L, L)
        pidx.at[sl][...] = pidx.at[sl][...] + tidx.at[sl][...] * MAXPOS

    def issue_gathers(st, e):
        sl = pl.ds(st * A_CHUNK, A_CHUNK)
        pltpu.async_copy(wtab.at[widx.at[sl]], wrows[e], gsems[e])
        pltpu.async_copy(pttab.at[pidx.at[sl]], prows[e], gsems[e])

    def wait_gathers(st, e):
        sl = pl.ds(st * A_CHUNK, A_CHUNK)
        pltpu.make_async_copy(wtab.at[widx.at[sl]], wrows[e], gsems[e]).wait()
        pltpu.make_async_copy(pttab.at[pidx.at[sl]], prows[e], gsems[e]).wait()

    def compute(st, e):
        @plsc.parallel_loop(0, A_CHUNK, unroll=2)
        def _(r):
            for c in range(H // L):
                sl = (r, pl.ds(c * L, L))
                wrows[e].at[*sl][...] = (
                    wrows[e].at[*sl][...] + prows[e].at[*sl][...])

    def _write_descs(st, e):
        off = base + st * A_CHUNK
        for k in range(STRIPS):
            yield pltpu.make_async_copy(
                wrows[e].at[pl.ds(0, A_CHUNK), pl.ds(k * W, W)],
                flat_out.at[pl.ds(k * BS + off, A_CHUNK)], wsems[e])

    def issue_writes(st, e):
        for d in _write_descs(st, e):
            d.start()

    def wait_writes(st, e):
        for d in _write_descs(st, e):
            d.wait()

    issue_gathers(0, 0)

    @pl.loop(0, A_STEPS // 2)
    def _(p):
        st0 = p * 2

        @pl.when(p > 0)
        def _():
            wait_writes(st0 - 1, 1)

        issue_gathers(st0 + 1, 1)
        wait_gathers(st0, 0)
        compute(st0, 0)
        issue_writes(st0, 0)

        @pl.when(p + 1 < A_STEPS // 2)
        def _():
            wait_writes(st0, 0)
            issue_gathers(st0 + 2, 0)

        wait_gathers(st0 + 1, 1)
        compute(st0 + 1, 1)
        issue_writes(st0 + 1, 1)

    wait_writes(A_STEPS - 2, 0)
    wait_writes(A_STEPS - 1, 1)


@functools.partial(
    pl.kernel,
    out_type=jax.ShapeDtypeStruct((NC * ACC_ROWS, W), jnp.float32),
    mesh=_mesh,
    scratch_types=[
        pltpu.VMEM((NNZ_PER_W,), jnp.int32),
        pltpu.VMEM((NNZ_PER_W,), jnp.int32),
        pltpu.VMEM((NNZ_PER_W,), jnp.int32),
        pltpu.VMEM((NNZ_PER_W,), jnp.float32),
        [pltpu.VMEM((B_CHUNK,), jnp.int32) for _ in range(2)],
        [pltpu.VMEM((B_CHUNK,), jnp.int32) for _ in range(2)],
        [pltpu.VMEM((B_CHUNK, W), jnp.float32) for _ in range(2)],
        pltpu.VMEM_SHARED((ACC_ROWS, W), jnp.float32),
        [pltpu.SemaphoreType.DMA for _ in range(2)],
        [pltpu.SemaphoreType.DMA for _ in range(2)],
        pltpu.SemaphoreType.DMA,
    ],
    compiler_params=_cp,
)
def _phase_b(flat_hbm, bidx_hbm, nidx_hbm, sidx_hbm, vals_hbm, out_hbm,
             tmpb, tmpn, tmps, vals_v, segs, srcs, rows, acc, gsems, ssems, zsem):
    cid = lax.axis_index("c")
    sid = lax.axis_index("s")
    nbase = sid * NNZ_PER_W

    _stage = [
        pltpu.make_async_copy(bidx_hbm.at[pl.ds(nbase, NNZ_PER_W)], tmpb, zsem),
        pltpu.make_async_copy(nidx_hbm.at[pl.ds(nbase, NNZ_PER_W)], tmpn, zsem),
        pltpu.make_async_copy(sidx_hbm.at[pl.ds(nbase, NNZ_PER_W)], tmps, zsem),
        pltpu.make_async_copy(vals_hbm.at[pl.ds(nbase, NNZ_PER_W)], vals_v, zsem),
    ]
    for d in _stage:
        d.start()

    @pl.loop(0, B_CHUNK)
    def _(r):
        for c in range(W // L):
            rows[0].at[r, pl.ds(c * L, L)][...] = jnp.zeros((L,), jnp.float32)

    @pl.loop(0, OUT_PER_W // B_CHUNK)
    def _(z):
        pltpu.async_copy(
            rows[0], acc.at[pl.ds(sid * OUT_PER_W + z * B_CHUNK, B_CHUNK)], zsem)

    for d in _stage:
        d.wait()

    @pl.loop(0, OUT_PER_W // B_CHUNK)
    def _(z):
        pltpu.make_async_copy(
            rows[0], acc.at[pl.ds(sid * OUT_PER_W + z * B_CHUNK, B_CHUNK)],
            zsem).wait()

    def compute_idx(i, e):
        st = i // SPC
        k = i % SPC
        for c in range(B_CHUNK // L):
            sl = pl.ds(st * B_CHUNK + c * L, L)
            dst = pl.ds(c * L, L)
            bb = tmpb.at[sl][...]
            segs[e].at[dst][...] = bb * N + tmpn.at[sl][...] + k * SEG
            srcs[e].at[dst][...] = (
                bb * S + tmps.at[sl][...] + (cid * SPC + k) * BS)

    def issue_gather(e):
        pltpu.async_copy(flat_hbm.at[srcs[e]], rows[e], gsems[e])

    def wait_gather(e):
        pltpu.make_async_copy(flat_hbm.at[srcs[e]], rows[e], gsems[e]).wait()

    def scale(i, e):
        st = i // SPC

        @plsc.parallel_loop(0, B_CHUNK, unroll=4)
        def _(r):
            vb = plsc.load_gather(
                vals_v, [jnp.full((L,), st * B_CHUNK + r, jnp.int32)])
            for c in range(W // L):
                sl = (r, pl.ds(c * L, L))
                rows[e].at[*sl][...] = rows[e].at[*sl][...] * vb

    def issue_scatter(e):
        pltpu.async_copy(rows[e], acc.at[segs[e]], ssems[e], add=True)

    def wait_scatter(e):
        pltpu.make_async_copy(rows[e], acc.at[segs[e]], ssems[e]).wait()

    compute_idx(0, 0)
    issue_gather(0)

    plsc.subcore_barrier()

    @pl.loop(0, B_ITEMS // 2)
    def _(p):
        i0 = p * 2

        @pl.when(p > 0)
        def _():
            wait_scatter(1)

        compute_idx(i0 + 1, 1)
        issue_gather(1)
        wait_gather(0)
        scale(i0, 0)
        issue_scatter(0)

        @pl.when(p + 1 < B_ITEMS // 2)
        def _():
            wait_scatter(0)
            compute_idx(i0 + 2, 0)
            issue_gather(0)

        wait_gather(1)
        scale(i0 + 1, 1)
        issue_scatter(1)

    wait_scatter(0)
    wait_scatter(1)

    plsc.subcore_barrier()

    ro = sid * OUT_PER_W
    pltpu.sync_copy(acc.at[pl.ds(ro, OUT_PER_W)],
                    out_hbm.at[pl.ds(cid * ACC_ROWS + ro, OUT_PER_W)])


def _ptt_body(p_ref, t_ref, o_ref):
    for t in range(TYPES):
        o_ref[t * MAXPOS:(t + 1) * MAXPOS, :] = p_ref[...] + t_ref[t:t + 1, :]


_LN_R = 512


def _ln_body(x_ref, g_ref, b_ref, o_ref):
    xs = [x_ref[k] for k in range(STRIPS)]
    s1 = sum(jnp.sum(x, axis=-1, keepdims=True) for x in xs)
    s2 = sum(jnp.sum(x * x, axis=-1, keepdims=True) for x in xs)
    mu = s1 * (1.0 / H)
    var = s2 * (1.0 / H) - mu * mu
    inv = lax.rsqrt(var + EPS)
    for k in range(STRIPS):
        o_ref[:, k * W:(k + 1) * W] = (
            (xs[k] - mu) * inv * g_ref[0, k * W:(k + 1) * W]
            + b_ref[0, k * W:(k + 1) * W])


def kernel(input_ids, mask_indices, mask_values, position_ids, token_type_ids,
           word_emb, pos_emb, type_emb, ln_gamma, ln_beta):
    ids = jnp.asarray(input_ids, jnp.int32).reshape(BS)
    pos = jnp.asarray(position_ids, jnp.int32).reshape(BS)
    tts = jnp.asarray(token_type_ids, jnp.int32).reshape(BS)
    mask = jnp.asarray(mask_indices, jnp.int32)

    ptt = pl.pallas_call(
        _ptt_body,
        out_shape=jax.ShapeDtypeStruct((TYPES * MAXPOS, H), jnp.float32),
    )(pos_emb, type_emb)

    flat = _phase_a(ids, pos, tts, word_emb, ptt)
    node6 = _phase_b(flat, mask[0], mask[1], mask[2], mask_values)

    out = pl.pallas_call(
        _ln_body,
        grid=(SEG // _LN_R,),
        in_specs=[
            pl.BlockSpec((STRIPS, _LN_R, W), lambda i: (0, i, 0)),
            pl.BlockSpec((1, H), lambda i: (0, 0)),
            pl.BlockSpec((1, H), lambda i: (0, 0)),
        ],
        out_specs=pl.BlockSpec((_LN_R, H), lambda i: (i, 0)),
        out_shape=jax.ShapeDtypeStruct((SEG, H), jnp.float32),
    )(node6.reshape(STRIPS, SEG, W), ln_gamma.reshape(1, H), ln_beta.reshape(1, H))

    return out.reshape(B, N, H)

# --- scband reference (transcript-rebuilt; emitter-appended) ---
"""Pipeline reference for scband-gatbert-embeddings-28879360099207 (READ-ONLY COPY).

The authoritative reference and input builder live on the scoring server;
editing this copy changes nothing except your own understanding.
"""

import jax, jax.numpy as jnp
import numpy as np

VOCAB = 30522
H = 768
MAXPOS = 512
TYPES = 2
EPS = 1e-12
B = 16
S = 512  # max_subnodes
N = 256  # max_nodes
NNZ = 16384


def setup_inputs(seed: int = 0) -> dict:
    key = jax.random.key(seed)
    ks = jax.random.split(key, 10)
    input_ids = jax.random.randint(ks[0], (B, S), 0, VOCAB, dtype=jnp.int64 if jax.config.read('jax_enable_x64') else jnp.int32)
    position_ids = jax.random.randint(ks[1], (B, S), 0, MAXPOS)
    token_type_ids = jax.random.randint(ks[2], (B, S), 0, TYPES)
    b_idx = jax.random.randint(ks[3], (NNZ,), 0, B)
    n_idx = jax.random.randint(ks[4], (NNZ,), 0, N)
    s_idx = jax.random.randint(ks[5], (NNZ,), 0, S)
    mask_indices = jnp.stack([b_idx, n_idx, s_idx])
    mask_values = jax.random.uniform(ks[6], (NNZ,), dtype=jnp.float32)
    word_emb = jax.random.normal(ks[7], (VOCAB, H), dtype=jnp.float32) * 0.02
    pos_emb = jax.random.normal(ks[8], (MAXPOS, H), dtype=jnp.float32) * 0.02
    type_emb = jax.random.normal(ks[9], (TYPES, H), dtype=jnp.float32) * 0.02
    ln_gamma = jnp.ones((H,), dtype=jnp.float32)
    ln_beta = jnp.zeros((H,), dtype=jnp.float32)
    return {
        'input_ids': input_ids,
        'mask_indices': mask_indices,
        'mask_values': mask_values,
        'position_ids': position_ids,
        'token_type_ids': token_type_ids,
        'word_emb': word_emb,
        'pos_emb': pos_emb,
        'type_emb': type_emb,
        'ln_gamma': ln_gamma,
        'ln_beta': ln_beta,
    }


def reference(input_ids, mask_indices, mask_values, position_ids, token_type_ids, word_emb, pos_emb, type_emb, ln_gamma, ln_beta):
    batch, max_subnodes = input_ids.shape
    max_nodes = N
    # embedding lookups (gather)
    subnode_embeddings = jnp.take(word_emb, input_ids, axis=0)
    subnode_embeddings = subnode_embeddings + jnp.take(pos_emb, position_ids, axis=0)
    subnode_embeddings = subnode_embeddings + jnp.take(type_emb, token_type_ids, axis=0)
    # flatten to [batch*max_subnodes, H]
    flat = subnode_embeddings.reshape(batch * max_subnodes, -1)
    # sparse mm == gather rows, scale by values, segment-sum into node slots
    batch_node_indices = mask_indices[0] * max_nodes + mask_indices[1]
    batch_subnode_indices = mask_indices[0] * max_subnodes + mask_indices[2]
    gathered = flat[batch_subnode_indices] * mask_values[:, None]
    node_embeddings = jax.ops.segment_sum(gathered, batch_node_indices, num_segments=batch * max_nodes)
    node_embeddings = node_embeddings.reshape(batch, max_nodes, -1)
    # LayerNorm over last dim
    mu = jnp.mean(node_embeddings, axis=-1, keepdims=True)
    var = jnp.var(node_embeddings, axis=-1, keepdims=True)
    normed = (node_embeddings - mu) / jnp.sqrt(var + EPS)
    out = normed * ln_gamma + ln_beta
    # dropout is identity in eval mode
    return out

if __name__ == "__main__":
    import jax
    _d = setup_inputs()
    print(jax.jit(kernel)(*tuple(_d.values())))

</pallas_src>

<mosaic_0001>
#map = affine_map<(d0, d1) -> (0, 0)>
#map1 = affine_map<(d0, d1) -> (0)>
module attributes {stable_mosaic.version = 14 : i64} {
  func.func @_phase_b(%arg0: i32, %arg1: i32, %arg2: memref<49152x128xf32, #tpu.memory_space<hbm>>, %arg3: memref<16384xi32, #tpu.memory_space<hbm>>, %arg4: memref<16384xi32, #tpu.memory_space<hbm>>, %arg5: memref<16384xi32, #tpu.memory_space<hbm>>, %arg6: memref<16384xf32, #tpu.memory_space<hbm>>, %arg7: memref<24576x128xf32, #tpu.memory_space<hbm>>, %arg8: memref<1024xi32, #tpu.memory_space<vmem>>, %arg9: memref<1024xi32, #tpu.memory_space<vmem>>, %arg10: memref<1024xi32, #tpu.memory_space<vmem>>, %arg11: memref<1024xf32, #tpu.memory_space<vmem>>, %arg12: memref<64xi32, #tpu.memory_space<vmem>>, %arg13: memref<64xi32, #tpu.memory_space<vmem>>, %arg14: memref<64xi32, #tpu.memory_space<vmem>>, %arg15: memref<64xi32, #tpu.memory_space<vmem>>, %arg16: memref<64x128xf32, #tpu.memory_space<vmem>>, %arg17: memref<64x128xf32, #tpu.memory_space<vmem>>, %arg18: memref<12288x128xf32, #tpu.memory_space<vmem_shared>>, %arg19: memref<!tpu.dma_semaphore, #tpu.memory_space<semaphore_mem>>, %arg20: memref<!tpu.dma_semaphore, #tpu.memory_space<semaphore_mem>>, %arg21: memref<!tpu.dma_semaphore, #tpu.memory_space<semaphore_mem>>, %arg22: memref<!tpu.dma_semaphore, #tpu.memory_space<semaphore_mem>>, %arg23: memref<!tpu.dma_semaphore, #tpu.memory_space<semaphore_mem>>) attributes {dimension_semantics = [#tpu.dimension_semantics<core_parallel>, #tpu.dimension_semantics<subcore_parallel>], iteration_bounds = array<i64: 2, 16>, scalar_prefetch = 0 : i64, scratch_operands = 16 : i64, tpu.core_type = #tpu.core_type<sc_vector_subcore>, window_params = [{transform_indices = #map}, {transform_indices = #map1}, {transform_indices = #map1}, {transform_indices = #map1}, {transform_indices = #map1}, {transform_indices = #map}]} {
    %mul3A = arith.constant 1024 : i32
    %mul3A_0 = arith.muli %arg1, %mul3A : i32
    %dma_start3A = tpu.memref_slice %arg3[%mul3A_0] : memref<16384xi32, #tpu.memory_space<hbm>> -> memref<1024xi32, #tpu.memory_space<hbm>>
    %dma_start3A_1 = tpu.memref_slice %arg3[%mul3A_0] : memref<16384xi32, #tpu.memory_space<hbm>> -> memref<1024xi32, #tpu.memory_space<hbm>>
    tpu.enqueue_dma source(%dma_start3A_1 : memref<1024xi32, #tpu.memory_space<hbm>>) target(%arg8 : memref<1024xi32, #tpu.memory_space<vmem>>) target_semaphore(%arg23 : memref<!tpu.dma_semaphore, #tpu.memory_space<semaphore_mem>>)
    %dma_start3A_2 = tpu.memref_slice %arg4[%mul3A_0] : memref<16384xi32, #tpu.memory_space<hbm>> -> memref<1024xi32, #tpu.memory_space<hbm>>
    %dma_start3A_3 = tpu.memref_slice %arg4[%mul3A_0] : memref<16384xi32, #tpu.memory_space<hbm>> -> memref<1024xi32, #tpu.memory_space<hbm>>
    tpu.enqueue_dma source(%dma_start3A_3 : memref<1024xi32, #tpu.memory_space<hbm>>) target(%arg9 : memref<1024xi32, #tpu.memory_space<vmem>>) target_semaphore(%arg23 : memref<!tpu.dma_semaphore, #tpu.memory_space<semaphore_mem>>)
    %dma_start3A_4 = tpu.memref_slice %arg5[%mul3A_0] : memref<16384xi32, #tpu.memory_space<hbm>> -> memref<1024xi32, #tpu.memory_space<hbm>>
    %dma_start3A_5 = tpu.memref_slice %arg5[%mul3A_0] : memref<16384xi32, #tpu.memory_space<hbm>> -> memref<1024xi32, #tpu.memory_space<hbm>>
    tpu.enqueue_dma source(%dma_start3A_5 : memref<1024xi32, #tpu.memory_space<hbm>>) target(%arg10 : memref<1024xi32, #tpu.memory_space<vmem>>) target_semaphore(%arg23 : memref<!tpu.dma_semaphore, #tpu.memory_space<semaphore_mem>>)
    %dma_start3A_6 = tpu.memref_slice %arg6[%mul3A_0] : memref<16384xf32, #tpu.memory_space<hbm>> -> memref<1024xf32, #tpu.memory_space<hbm>>
    %dma_start3A_7 = tpu.memref_slice %arg6[%mul3A_0] : memref<16384xf32, #tpu.memory_space<hbm>> -> memref<1024xf32, #tpu.memory_space<hbm>>
    tpu.enqueue_dma source(%dma_start3A_7 : memref<1024xf32, #tpu.memory_space<hbm>>) target(%arg11 : memref<1024xf32, #tpu.memory_space<vmem>>) target_semaphore(%arg23 : memref<!tpu.dma_semaphore, #tpu.memory_space<semaphore_mem>>)
    %scan3A = arith.constant 0 : i32
    %scan3A_8 = arith.constant 64 : i32
    %scan3A_9 = arith.addi %scan3A, %scan3A_8 : i32
    %scan3A_10 = arith.constant 1 : i32
    scf.for %scan3A_162 = %scan3A to %scan3A_9 step %scan3A_10  : i32 {
      %mul3A_163 = arith.constant 1 : i32
      %mul3A_164 = arith.muli %scan3A_162, %mul3A_163 : i32
      %add3A_165 = arith.constant 0 : i32
      %add3A_166 = arith.addi %add3A_165, %mul3A_164 : i32
      %broadcast_in_dim3A = arith.constant 0.000000e+00 : f32
      %broadcast_in_dim3A_167 = vector.broadcast %broadcast_in_dim3A : f32 to vector<16xf32>
      %swap3A_168 = arith.index_cast %add3A_166 : i32 to index
      %swap3A_169 = arith.constant 0 : index
      %swap3A_170 = tpu.vector_load %arg16[%swap3A_168, %swap3A_169] {strides = array<i32>} : memref<64x128xf32, #tpu.memory_space<vmem>>, vector<16xf32>,
      tpu.vector_store %arg16[%swap3A_168, %swap3A_169], %broadcast_in_dim3A_167 {strides = array<i32>} : memref<64x128xf32, #tpu.memory_space<vmem>>, vector<16xf32>,
      %broadcast_in_dim3A_171 = arith.constant 0.000000e+00 : f32
      %broadcast_in_dim3A_172 = vector.broadcast %broadcast_in_dim3A_171 : f32 to vector<16xf32>
      %swap3A_173 = arith.index_cast %add3A_166 : i32 to index
      %swap3A_174 = arith.constant 16 : index
      %swap3A_175 = tpu.vector_load %arg16[%swap3A_173, %swap3A_174] {strides = array<i32>} : memref<64x128xf32, #tpu.memory_space<vmem>>, vector<16xf32>,
      tpu.vector_store %arg16[%swap3A_173, %swap3A_174], %broadcast_in_dim3A_172 {strides = array<i32>} : memref<64x128xf32, #tpu.memory_space<vmem>>, vector<16xf32>,
      %broadcast_in_dim3A_176 = arith.constant 0.000000e+00 : f32
      %broadcast_in_dim3A_177 = vector.broadcast %broadcast_in_dim3A_176 : f32 to vector<16xf32>
      %swap3A_178 = arith.index_cast %add3A_166 : i32 to index
      %swap3A_179 = arith.constant 32 : index
      %swap3A_180 = tpu.vector_load %arg16[%swap3A_178, %swap3A_179] {strides = array<i32>} : memref<64x128xf32, #tpu.memory_space<vmem>>, vector<16xf32>,
      tpu.vector_store %arg16[%swap3A_178, %swap3A_179], %broadcast_in_dim3A_177 {strides = array<i32>} : memref<64x128xf32, #tpu.memory_space<vmem>>, vector<16xf32>,
      %broadcast_in_dim3A_181 = arith.constant 0.000000e+00 : f32
      %broadcast_in_dim3A_182 = vector.broadcast %broadcast_in_dim3A_181 : f32 to vector<16xf32>
      %swap3A_183 = arith.index_cast %add3A_166 : i32 to index
      %swap3A_184 = arith.constant 48 : index
      %swap3A_185 = tpu.vector_load %arg16[%swap3A_183, %swap3A_184] {strides = array<i32>} : memref<64x128xf32, #tpu.memory_space<vmem>>, vector<16xf32>,
      tpu.vector_store %arg16[%swap3A_183, %swap3A_184], %broadcast_in_dim3A_182 {strides = array<i32>} : memref<64x128xf32, #tpu.memory_space<vmem>>, vector<16xf32>,
      %broadcast_in_dim3A_186 = arith.constant 0.000000e+00 : f32
      %broadcast_in_dim3A_187 = vector.broadcast %broadcast_in_dim3A_186 : f32 to vector<16xf32>
      %swap3A_188 = arith.index_cast %add3A_166 : i32 to index
      %swap3A_189 = arith.constant 64 : index
      %swap3A_190 = tpu.vector_load %arg16[%swap3A_188, %swap3A_189] {strides = array<i32>} : memref<64x128xf32, #tpu.memory_space<vmem>>, vector<16xf32>,
      tpu.vector_store %arg16[%swap3A_188, %swap3A_189], %broadcast_in_dim3A_187 {strides = array<i32>} : memref<64x128xf32, #tpu.memory_space<vmem>>, vector<16xf32>,
      %broadcast_in_dim3A_191 = arith.constant 0.000000e+00 : f32
      %broadcast_in_dim3A_192 = vector.broadcast %broadcast_in_dim3A_191 : f32 to vector<16xf32>
      %swap3A_193 = arith.index_cast %add3A_166 : i32 to index
      %swap3A_194 = arith.constant 80 : index
      %swap3A_195 = tpu.vector_load %arg16[%swap3A_193, %swap3A_194] {strides = array<i32>} : memref<64x128xf32, #tpu.memory_space<vmem>>, vector<16xf32>,
      tpu.vector_store %arg16[%swap3A_193, %swap3A_194], %broadcast_in_dim3A_192 {strides = array<i32>} : memref<64x128xf32, #tpu.memory_space<vmem>>, vector<16xf32>,
      %broadcast_in_dim3A_196 = arith.constant 0.000000e+00 : f32
      %broadcast_in_dim3A_197 = vector.broadcast %broadcast_in_dim3A_196 : f32 to vector<16xf32>
      %swap3A_198 = arith.index_cast %add3A_166 : i32 to index
      %swap3A_199 = arith.constant 96 : index
      %swap3A_200 = tpu.vector_load %arg16[%swap3A_198, %swap3A_199] {strides = array<i32>} : memref<64x128xf32, #tpu.memory_space<vmem>>, vector<16xf32>,
      tpu.vector_store %arg16[%swap3A_198, %swap3A_199], %broadcast_in_dim3A_197 {strides = array<i32>} : memref<64x128xf32, #tpu.memory_space<vmem>>, vector<16xf32>,
      %broadcast_in_dim3A_201 = arith.constant 0.000000e+00 : f32
      %broadcast_in_dim3A_202 = vector.broadcast %broadcast_in_dim3A_201 : f32 to vector<16xf32>
      %swap3A_203 = arith.index_cast %add3A_166 : i32 to index
      %swap3A_204 = arith.constant 112 : index
      %swap3A_205 = tpu.vector_load %arg16[%swap3A_203, %swap3A_204] {strides = array<i32>} : memref<64x128xf32, #tpu.memory_space<vmem>>, vector<16xf32>,
      tpu.vector_store %arg16[%swap3A_203, %swap3A_204], %broadcast_in_dim3A_202 {strides = array<i32>} : memref<64x128xf32, #tpu.memory_space<vmem>>, vector<16xf32>,
    }
    %scan3A_11 = arith.constant 64 : i32
    %scan3A_12 = arith.constant 0 : i32
    %scan3A_13 = arith.constant 12 : i32
    %scan3A_14 = arith.addi %scan3A_12, %scan3A_13 : i32
    %scan3A_15 = arith.constant 1 : i32
    scf.for %scan3A_162 = %scan3A_12 to %scan3A_14 step %scan3A_15  : i32 {
      %mul3A_163 = arith.constant 1 : i32
      %mul3A_164 = arith.muli %scan3A_162, %mul3A_163 : i32
      %add3A_165 = arith.constant 0 : i32
      %add3A_166 = arith.addi %add3A_165, %mul3A_164 : i32
      %mul3A_167 = arith.constant 768 : i32
      %mul3A_168 = arith.muli %arg1, %mul3A_167 : i32
      %mul3A_169 = arith.constant 64 : i32
      %mul3A_170 = arith.muli %add3A_166, %mul3A_169 : i32
      %add3A_171 = arith.addi %mul3A_168, %mul3A_170 : i32
      %dma_start3A_172 = arith.constant 0 : i32
      %dma_start3A_173 = tpu.memref_slice %arg18[%add3A_171, %dma_start3A_172] : memref<12288x128xf32, #tpu.memory_space<vmem_shared>> -> memref<64x128xf32, #tpu.memory_space<vmem_shared>>
      %dma_start3A_174 = arith.constant 0 : i32
      %dma_start3A_175 = tpu.memref_slice %arg18[%add3A_171, %dma_start3A_174] : memref<12288x128xf32, #tpu.memory_space<vmem_shared>> -> memref<64x128xf32, #tpu.memory_space<vmem_shared>>
      tpu.enqueue_dma source(%arg16 : memref<64x128xf32, #tpu.memory_space<vmem>>) target(%dma_start3A_175 : memref<64x128xf32, #tpu.memory_space<vmem_shared>>) target_semaphore(%arg23 : memref<!tpu.dma_semaphore, #tpu.memory_space<semaphore_mem>>)
    }
    %scan3A_16 = arith.constant 12 : i32
    %dma_wait3A = tpu.memref_slice %arg3[%mul3A_0] : memref<16384xi32, #tpu.memory_space<hbm>> -> memref<1024xi32, #tpu.memory_space<hbm>>
    %dma_wait3A_17 = tpu.memref_slice %arg3[%mul3A_0] : memref<16384xi32, #tpu.memory_space<hbm>> -> memref<1024xi32, #tpu.memory_space<hbm>>
    tpu.wait_dma2 semaphore(%arg23 : memref<!tpu.dma_semaphore, #tpu.memory_space<semaphore_mem>>) src(%dma_wait3A_17 : memref<1024xi32, #tpu.memory_space<hbm>>) dst(%arg8 : memref<1024xi32, #tpu.memory_space<vmem>>)
    %dma_wait3A_18 = tpu.memref_slice %arg4[%mul3A_0] : memref<16384xi32, #tpu.memory_space<hbm>> -> memref<1024xi32, #tpu.memory_space<hbm>>
    %dma_wait3A_19 = tpu.memref_slice %arg4[%mul3A_0] : memref<16384xi32, #tpu.memory_space<hbm>> -> memref<1024xi32, #tpu.memory_space<hbm>>
    tpu.wait_dma2 semaphore(%arg23 : memref<!tpu.dma_semaphore, #tpu.memory_space<semaphore_mem>>) src(%dma_wait3A_19 : memref<1024xi32, #tpu.memory_space<hbm>>) dst(%arg9 : memref<1024xi32, #tpu.memory_space<vmem>>)
    %dma_wait3A_20 = tpu.memref_slice %arg5[%mul3A_0] : memref<16384xi32, #tpu.memory_space<hbm>> -> memref<1024xi32, #tpu.memory_space<hbm>>
    %dma_wait3A_21 = tpu.memref_slice %arg5[%mul3A_0] : memref<16384xi32, #tpu.memory_space<hbm>> -> memref<1024xi32, #tpu.memory_space<hbm>>
    tpu.wait_dma2 semaphore(%arg23 : memref<!tpu.dma_semaphore, #tpu.memory_space<semaphore_mem>>) src(%dma_wait3A_21 : memref<1024xi32, #tpu.memory_space<hbm>>) dst(%arg10 : memref<1024xi32, #tpu.memory_space<vmem>>)
    %dma_wait3A_22 = tpu.memref_slice %arg6[%mul3A_0] : memref<16384xf32, #tpu.memory_space<hbm>> -> memref<1024xf32, #tpu.memory_space<hbm>>
    %dma_wait3A_23 = tpu.memref_slice %arg6[%mul3A_0] : memref<16384xf32, #tpu.memory_space<hbm>> -> memref<1024xf32, #tpu.memory_space<hbm>>
    tpu.wait_dma2 semaphore(%arg23 : memref<!tpu.dma_semaphore, #tpu.memory_space<semaphore_mem>>) src(%dma_wait3A_23 : memref<1024xf32, #tpu.memory_space<hbm>>) dst(%arg11 : memref<1024xf32, #tpu.memory_space<vmem>>)
    %scan3A_24 = arith.constant 0 : i32
    %scan3A_25 = arith.constant 12 : i32
    %scan3A_26 = arith.addi %scan3A_24, %scan3A_25 : i32
    %scan3A_27 = arith.constant 1 : i32
    scf.for %scan3A_162 = %scan3A_24 to %scan3A_26 step %scan3A_27  : i32 {
      %mul3A_163 = arith.constant 1 : i32
      %mul3A_164 = arith.muli %scan3A_162, %mul3A_163 : i32
      %add3A_165 = arith.constant 0 : i32
      %add3A_166 = arith.addi %add3A_165, %mul3A_164 : i32
      %mul3A_167 = arith.constant 768 : i32
      %mul3A_168 = arith.muli %arg1, %mul3A_167 : i32
      %mul3A_169 = arith.constant 64 : i32
      %mul3A_170 = arith.muli %add3A_166, %mul3A_169 : i32
      %add3A_171 = arith.addi %mul3A_168, %mul3A_170 : i32
      %dma_wait3A_172 = arith.constant 0 : i32
      %dma_wait3A_173 = tpu.memref_slice %arg18[%add3A_171, %dma_wait3A_172] : memref<12288x128xf32, #tpu.memory_space<vmem_shared>> -> memref<64x128xf32, #tpu.memory_space<vmem_shared>>
      %dma_wait3A_174 = arith.constant 0 : i32
      %dma_wait3A_175 = tpu.memref_slice %arg18[%add3A_171, %dma_wait3A_174] : memref<12288x128xf32, #tpu.memory_space<vmem_shared>> -> memref<64x128xf32, #tpu.memory_space<vmem_shared>>
      tpu.wait_dma2 semaphore(%arg23 : memref<!tpu.dma_semaphore, #tpu.memory_space<semaphore_mem>>) src(%arg16 : memref<64x128xf32, #tpu.memory_space<vmem>>) dst(%dma_wait3A_175 : memref<64x128xf32, #tpu.memory_space<vmem_shared>>)
    }
    %scan3A_28 = arith.constant 12 : i32
    %get3A = arith.constant 0 : index
    %get3A_29 = tpu.vector_load %arg8[%get3A] {strides = array<i32>} : memref<1024xi32, #tpu.memory_space<vmem>>, vector<16xi32>,
    %mul3A_30 = arith.constant 256 : i32
    %mul3A_31 = vector.broadcast %mul3A_30 : i32 to vector<16xi32>
    %mul3A_32 = arith.muli %get3A_29, %mul3A_31 : vector<16xi32>
    %get3A_33 = arith.constant 0 : index
    %get3A_34 = tpu.vector_load %arg9[%get3A_33] {strides = array<i32>} : memref<1024xi32, #tpu.memory_space<vmem>>, vector<16xi32>,
    %add3A = arith.addi %mul3A_32, %get3A_34 : vector<16xi32>
    %add3A_35 = arith.constant 0 : i32
    %add3A_36 = vector.broadcast %add3A_35 : i32 to vector<16xi32>
    %add3A_37 = arith.addi %add3A, %add3A_36 : vector<16xi32>
    %swap3A = arith.constant 0 : index
    %swap3A_38 = tpu.vector_load %arg12[%swap3A] {strides = array<i32>} : memref<64xi32, #tpu.memory_space<vmem>>, vector<16xi32>,
    tpu.vector_store %arg12[%swap3A], %add3A_37 {strides = array<i32>} : memref<64xi32, #tpu.memory_space<vmem>>, vector<16xi32>,
    %mul3A_39 = arith.constant 512 : i32
    %mul3A_40 = vector.broadcast %mul3A_39 : i32 to vector<16xi32>
    %mul3A_41 = arith.muli %get3A_29, %mul3A_40 : vector<16xi32>
    %get3A_42 = arith.constant 0 : index
    %get3A_43 = tpu.vector_load %arg10[%get3A_42] {strides = array<i32>} : memref<1024xi32, #tpu.memory_space<vmem>>, vector<16xi32>,
    %add3A_44 = arith.addi %mul3A_41, %get3A_43 : vector<16xi32>
    %mul3A_45 = arith.constant 3 : i32
    %mul3A_46 = arith.muli %arg0, %mul3A_45 : i32
    %add3A_47 = arith.constant 0 : i32
    %add3A_48 = arith.addi %mul3A_46, %add3A_47 : i32
    %mul3A_49 = arith.constant 8192 : i32
    %mul3A_50 = arith.muli %add3A_48, %mul3A_49 : i32
    %add3A_51 = vector.broadcast %mul3A_50 : i32 to vector<16xi32>
    %add3A_52 = arith.addi %add3A_44, %add3A_51 : vector<16xi32>
    %swap3A_53 = arith.constant 0 : index
    %swap3A_54 = tpu.vector_load %arg14[%swap3A_53] {strides = array<i32>} : memref<64xi32, #tpu.memory_space<vmem>>, vector<16xi32>,
    tpu.vector_store %arg14[%swap3A_53], %add3A_52 {strides = array<i32>} : memref<64xi32, #tpu.memory_space<vmem>>, vector<16xi32>,
    %get3A_55 = arith.constant 16 : index
    %get3A_56 = tpu.vector_load %arg8[%get3A_55] {strides = array<i32>} : memref<1024xi32, #tpu.memory_space<vmem>>, vector<16xi32>,
    %mul3A_57 = arith.constant 256 : i32
    %mul3A_58 = vector.broadcast %mul3A_57 : i32 to vector<16xi32>
    %mul3A_59 = arith.muli %get3A_56, %mul3A_58 : vector<16xi32>
    %get3A_60 = arith.constant 16 : index
    %get3A_61 = tpu.vector_load %arg9[%get3A_60] {strides = array<i32>} : memref<1024xi32, #tpu.memory_space<vmem>>, vector<16xi32>,
    %add3A_62 = arith.addi %mul3A_59, %get3A_61 : vector<16xi32>
    %add3A_63 = arith.constant 0 : i32
    %add3A_64 = vector.broadcast %add3A_63 : i32 to vector<16xi32>
    %add3A_65 = arith.addi %add3A_62, %add3A_64 : vector<16xi32>
    %swap3A_66 = arith.constant 16 : index
    %swap3A_67 = tpu.vector_load %arg12[%swap3A_66] {strides = array<i32>} : memref<64xi32, #tpu.memory_space<vmem>>, vector<16xi32>,
    tpu.vector_store %arg12[%swap3A_66], %add3A_65 {strides = array<i32>} : memref<64xi32, #tpu.memory_space<vmem>>, vector<16xi32>,
    %mul3A_68 = arith.constant 512 : i32
    %mul3A_69 = vector.broadcast %mul3A_68 : i32 to vector<16xi32>
    %mul3A_70 = arith.muli %get3A_56, %mul3A_69 : vector<16xi32>
    %get3A_71 = arith.constant 16 : index
    %get3A_72 = tpu.vector_load %arg10[%get3A_71] {strides = array<i32>} : memref<1024xi32, #tpu.memory_space<vmem>>, vector<16xi32>,
    %add3A_73 = arith.addi %mul3A_70, %get3A_72 : vector<16xi32>
    %mul3A_74 = arith.constant 3 : i32
    %mul3A_75 = arith.muli %arg0, %mul3A_74 : i32
    %add3A_76 = arith.constant 0 : i32
    %add3A_77 = arith.addi %mul3A_75, %add3A_76 : i32
    %mul3A_78 = arith.constant 8192 : i32
    %mul3A_79 = arith.muli %add3A_77, %mul3A_78 : i32
    %add3A_80 = vector.broadcast %mul3A_79 : i32 to vector<16xi32>
    %add3A_81 = arith.addi %add3A_73, %add3A_80 : vector<16xi32>
    %swap3A_82 = arith.constant 16 : index
    %swap3A_83 = tpu.vector_load %arg14[%swap3A_82] {strides = array<i32>} : memref<64xi32, #tpu.memory_space<vmem>>, vector<16xi32>,
    tpu.vector_store %arg14[%swap3A_82], %add3A_81 {strides = array<i32>} : memref<64xi32, #tpu.memory_space<vmem>>, vector<16xi32>,
    %get3A_84 = arith.constant 32 : index
    %get3A_85 = tpu.vector_load %arg8[%get3A_84] {strides = array<i32>} : memref<1024xi32, #tpu.memory_space<vmem>>, vector<16xi32>,
    %mul3A_86 = arith.constant 256 : i32
    %mul3A_87 = vector.broadcast %mul3A_86 : i32 to vector<16xi32>
    %mul3A_88 = arith.muli %get3A_85, %mul3A_87 : vector<16xi32>
    %get3A_89 = arith.constant 32 : index
    %get3A_90 = tpu.vector_load %arg9[%get3A_89] {strides = array<i32>} : memref<1024xi32, #tpu.memory_space<vmem>>, vector<16xi32>,
    %add3A_91 = arith.addi %mul3A_88, %get3A_90 : vector<16xi32>
    %add3A_92 = arith.constant 0 : i32
    %add3A_93 = vector.broadcast %add3A_92 : i32 to vector<16xi32>
    %add3A_94 = arith.addi %add3A_91, %add3A_93 : vector<16xi32>
    %swap3A_95 = arith.constant 32 : index
    %swap3A_96 = tpu.vector_load %arg12[%swap3A_95] {strides = array<i32>} : memref<64xi32, #tpu.memory_space<vmem>>, vector<16xi32>,
    tpu.vector_store %arg12[%swap3A_95], %add3A_94 {strides = array<i32>} : memref<64xi32, #tpu.memory_space<vmem>>, vector<16xi32>,
    %mul3A_97 = arith.constant 512 : i32
    %mul3A_98 = vector.broadcast %mul3A_97 : i32 to vector<16xi32>
    %mul3A_99 = arith.muli %get3A_85, %mul3A_98 : vector<16xi32>
    %get3A_100 = arith.constant 32 : index
    %get3A_101 = tpu.vector_load %arg10[%get3A_100] {strides = array<i32>} : memref<1024xi32, #tpu.memory_space<vmem>>, vector<16xi32>,
    %add3A_102 = arith.addi %mul3A_99, %get3A_101 : vector<16xi32>
    %mul3A_103 = arith.constant 3 : i32
    %mul3A_104 = arith.muli %arg0, %mul3A_103 : i32
    %add3A_105 = arith.constant 0 : i32
    %add3A_106 = arith.addi %mul3A_104, %add3A_105 : i32
    %mul3A_107 = arith.constant 8192 : i32
    %mul3A_108 = arith.muli %add3A_106, %mul3A_107 : i32
    %add3A_109 = vector.broadcast %mul3A_108 : i32 to vector<16xi32>
    %add3A_110 = arith.addi %add3A_102, %add3A_109 : vector<16xi32>
    %swap3A_111 = arith.constant 32 : index
    %swap3A_112 = tpu.vector_load %arg14[%swap3A_111] {strides = array<i32>} : memref<64xi32, #tpu.memory_space<vmem>>, vector<16xi32>,
    tpu.vector_store %arg14[%swap3A_111], %add3A_110 {strides = array<i32>} : memref<64xi32, #tpu.memory_space<vmem>>, vector<16xi32>,
    %get3A_113 = arith.constant 48 : index
    %get3A_114 = tpu.vector_load %arg8[%get3A_113] {strides = array<i32>} : memref<1024xi32, #tpu.memory_space<vmem>>, vector<16xi32>,
    %mul3A_115 = arith.constant 256 : i32
    %mul3A_116 = vector.broadcast %mul3A_115 : i32 to vector<16xi32>
    %mul3A_117 = arith.muli %get3A_114, %mul3A_116 : vector<16xi32>
    %get3A_118 = arith.constant 48 : index
    %get3A_119 = tpu.vector_load %arg9[%get3A_118] {strides = array<i32>} : memref<1024xi32, #tpu.memory_space<vmem>>, vector<16xi32>,
    %add3A_120 = arith.addi %mul3A_117, %get3A_119 : vector<16xi32>
    %add3A_121 = arith.constant 0 : i32
    %add3A_122 = vector.broadcast %add3A_121 : i32 to vector<16xi32>
    %add3A_123 = arith.addi %add3A_120, %add3A_122 : vector<16xi32>
    %swap3A_124 = arith.constant 48 : index
    %swap3A_125 = tpu.vector_load %arg12[%swap3A_124] {strides = array<i32>} : memref<64xi32, #tpu.memory_space<vmem>>, vector<16xi32>,
    tpu.vector_store %arg12[%swap3A_124], %add3A_123 {strides = array<i32>} : memref<64xi32, #tpu.memory_space<vmem>>, vector<16xi32>,
    %mul3A_126 = arith.constant 512 : i32
    %mul3A_127 = vector.broadcast %mul3A_126 : i32 to vector<16xi32>
    %mul3A_128 = arith.muli %get3A_114, %mul3A_127 : vector<16xi32>
    %get3A_129 = arith.constant 48 : index
    %get3A_130 = tpu.vector_load %arg10[%get3A_129] {strides = array<i32>} : memref<1024xi32, #tpu.memory_space<vmem>>, vector<16xi32>,
    %add3A_131 = arith.addi %mul3A_128, %get3A_130 : vector<16xi32>
    %mul3A_132 = arith.constant 3 : i32
    %mul3A_133 = arith.muli %arg0, %mul3A_132 : i32
    %add3A_134 = arith.constant 0 : i32
    %add3A_135 = arith.addi %mul3A_133, %add3A_134 : i32
    %mul3A_136 = arith.constant 8192 : i32
    %mul3A_137 = arith.muli %add3A_135, %mul3A_136 : i32
    %add3A_138 = vector.broadcast %mul3A_137 : i32 to vector<16xi32>
    %add3A_139 = arith.addi %add3A_131, %add3A_138 : vector<16xi32>
    %swap3A_140 = arith.constant 48 : index
    %swap3A_141 = tpu.vector_load %arg14[%swap3A_140] {strides = array<i32>} : memref<64xi32, #tpu.memory_space<vmem>>, vector<16xi32>,
    tpu.vector_store %arg14[%swap3A_140], %add3A_139 {strides = array<i32>} : memref<64xi32, #tpu.memory_space<vmem>>, vector<16xi32>,
    %dma_start3A_142 = arith.constant 0 : i32
    %dma_start3A_143 = arith.constant 0 : i32
    %dma_start3A_144 = tpu.memref_slice %arg2[%dma_start3A_142, %dma_start3A_143] : memref<49152x128xf32, #tpu.memory_space<hbm>> -> memref<49152x128xf32, #tpu.memory_space<hbm>>
    tpu.enqueue_indirect_dma source(%dma_start3A_144 : memref<49152x128xf32, #tpu.memory_space<hbm>>) target(%arg16 : memref<64x128xf32, #tpu.memory_space<vmem>>) offsets(%arg14 : memref<64xi32, #tpu.memory_space<vmem>>) semaphore(%arg19 : memref<!tpu.dma_semaphore, #tpu.memory_space<semaphore_mem>>)
    %barrier3A = arith.constant 0 : index
    tpu.barrier barrier_id(%barrier3A)
    %scan3A_145 = arith.constant 0 : i32
    %scan3A_146 = arith.constant 24 : i32
    %scan3A_147 = arith.addi %scan3A_145, %scan3A_146 : i32
    %scan3A_148 = arith.constant 1 : i32
    scf.for %scan3A_162 = %scan3A_145 to %scan3A_147 step %scan3A_148  : i32 {
      %mul3A_163 = arith.constant 1 : i32
      %mul3A_164 = arith.muli %scan3A_162, %mul3A_163 : i32
      %add3A_165 = arith.constant 0 : i32
      %add3A_166 = arith.addi %add3A_165, %mul3A_164 : i32
      %mul3A_167 = arith.constant 2 : i32
      %mul3A_168 = arith.muli %add3A_166, %mul3A_167 : i32
      %gt3A = arith.constant 0 : i32
      %gt3A_169 = arith.cmpi sgt, %add3A_166, %gt3A : i32
      %convert_element_type3A = arith.extui %gt3A_169 : i1 to i32
      %cond3A = arith.constant 0 : i32
      %cond3A_170 = arith.cmpi ne, %convert_element_type3A, %cond3A : i32
      scf.if %cond3A_170 {
        %dma_wait3A_412 = arith.constant 0 : i32
        %dma_wait3A_413 = arith.constant 0 : i32
        %dma_wait3A_414 = tpu.memref_slice %arg18[%dma_wait3A_412, %dma_wait3A_413] : memref<12288x128xf32, #tpu.memory_space<vmem_shared>> -> memref<12288x128xf32, #tpu.memory_space<vmem_shared>>
        tpu.wait_indirect_dma semaphore(%arg22 : memref<!tpu.dma_semaphore, #tpu.memory_space<semaphore_mem>>) src(%arg17 : memref<64x128xf32, #tpu.memory_space<vmem>>) dst(%dma_wait3A_414 : memref<12288x128xf32, #tpu.memory_space<vmem_shared>>)
      } else {
      }
      %add3A_171 = arith.constant 1 : i32
      %add3A_172 = arith.addi %mul3A_168, %add3A_171 : i32
      %jit3A = arith.constant 3 : i32
      %div3A = arith.divsi %add3A_172, %jit3A : i32
      %sign3A = arith.constant 0 : i32
      %sign3A_173 = arith.cmpi sgt, %add3A_172, %sign3A : i32
      %sign3A_174 = arith.extui %sign3A_173 : i1 to i32
      %sign3A_175 = arith.constant 0 : i32
      %sign3A_176 = arith.cmpi slt, %add3A_172, %sign3A_175 : i32
      %sign3A_177 = arith.extui %sign3A_176 : i1 to i32
      %sign3A_178 = arith.subi %sign3A_174, %sign3A_177 : i32
      %sign3A_179 = arith.constant 0 : i32
      %sign3A_180 = arith.cmpi sgt, %jit3A, %sign3A_179 : i32
      %sign3A_181 = arith.extui %sign3A_180 : i1 to i32
      %sign3A_182 = arith.constant 0 : i32
      %sign3A_183 = arith.cmpi slt, %jit3A, %sign3A_182 : i32
      %sign3A_184 = arith.extui %sign3A_183 : i1 to i32
      %sign3A_185 = arith.subi %sign3A_181, %sign3A_184 : i32
      %ne3A = arith.cmpi ne, %sign3A_178, %sign3A_185 : i32
      %rem3A = arith.remsi %add3A_172, %jit3A : i32
      %ne3A_186 = arith.constant 0 : i32
      %ne3A_187 = arith.cmpi ne, %rem3A, %ne3A_186 : i32
      %and3A = arith.andi %ne3A, %ne3A_187 : i1
      %sub3A = arith.constant 1 : i32
      %sub3A_188 = arith.subi %div3A, %sub3A : i32
      %select_n3A = arith.select %and3A, %sub3A_188, %div3A : i32
      %jit3A_189 = arith.constant 3 : i32
      %eq3A = arith.constant 0 : i32
      %eq3A_190 = arith.cmpi eq, %jit3A_189, %eq3A : i32
      %jit3A_191 = arith.constant 1 : i32
      %select_n3A_192 = arith.select %eq3A_190, %jit3A_191, %jit3A_189 : i32
      %rem3A_193 = arith.remsi %add3A_172, %select_n3A_192 : i32
      %ne3A_194 = arith.constant 0 : i32
      %ne3A_195 = arith.cmpi ne, %rem3A_193, %ne3A_194 : i32
      %lt3A = arith.constant 0 : i32
      %lt3A_196 = arith.cmpi slt, %rem3A_193, %lt3A : i32
      %lt3A_197 = arith.constant 0 : i32
      %lt3A_198 = arith.cmpi slt, %select_n3A_192, %lt3A_197 : i32
      %ne3A_199 = arith.xori %lt3A_196, %lt3A_198 : i1
      %and3A_200 = arith.andi %ne3A_199, %ne3A_195 : i1
      %add3A_201 = arith.addi %rem3A_193, %select_n3A_192 : i32
      %select_n3A_202 = arith.select %and3A_200, %add3A_201, %rem3A_193 : i32
      %mul3A_203 = arith.constant 64 : i32
      %mul3A_204 = arith.muli %select_n3A, %mul3A_203 : i32
      %add3A_205 = arith.constant 0 : i32
      %add3A_206 = arith.addi %mul3A_204, %add3A_205 : i32
      %get3A_207 = arith.index_cast %add3A_206 : i32 to index
      %get3A_208 = tpu.vector_load %arg8[%get3A_207] {strides = array<i32>} : memref<1024xi32, #tpu.memory_space<vmem>>, vector<16xi32>,
      %mul3A_209 = arith.constant 256 : i32
      %mul3A_210 = vector.broadcast %mul3A_209 : i32 to vector<16xi32>
      %mul3A_211 = arith.muli %get3A_208, %mul3A_210 : vector<16xi32>
      %get3A_212 = arith.index_cast %add3A_206 : i32 to index
      %get3A_213 = tpu.vector_load %arg9[%get3A_212] {strides = array<i32>} : memref<1024xi32, #tpu.memory_space<vmem>>, vector<16xi32>,
      %add3A_214 = arith.addi %mul3A_211, %get3A_213 : vector<16xi32>
      %mul3A_215 = arith.constant 4096 : i32
      %mul3A_216 = arith.muli %select_n3A_202, %mul3A_215 : i32
      %add3A_217 = vector.broadcast %mul3A_216 : i32 to vector<16xi32>
      %add3A_218 = arith.addi %add3A_214, %add3A_217 : vector<16xi32>
      %swap3A_219 = arith.constant 0 : index
      %swap3A_220 = tpu.vector_load %arg13[%swap3A_219] {strides = array<i32>} : memref<64xi32, #tpu.memory_space<vmem>>, vector<16xi32>,
      tpu.vector_store %arg13[%swap3A_219], %add3A_218 {strides = array<i32>} : memref<64xi32, #tpu.memory_space<vmem>>, vector<16xi32>,
      %mul3A_221 = arith.constant 512 : i32
      %mul3A_222 = vector.broadcast %mul3A_221 : i32 to vector<16xi32>
      %mul3A_223 = arith.muli %get3A_208, %mul3A_222 : vector<16xi32>
      %get3A_224 = arith.index_cast %add3A_206 : i32 to index
      %get3A_225 = tpu.vector_load %arg10[%get3A_224] {strides = array<i32>} : memref<1024xi32, #tpu.memory_space<vmem>>, vector<16xi32>,
      %add3A_226 = arith.addi %mul3A_223, %get3A_225 : vector<16xi32>
      %mul3A_227 = arith.constant 3 : i32
      %mul3A_228 = arith.muli %arg0, %mul3A_227 : i32
      %add3A_229 = arith.addi %mul3A_228, %select_n3A_202 : i32
      %mul3A_230 = arith.constant 8192 : i32
      %mul3A_231 = arith.muli %add3A_229, %mul3A_230 : i32
      %add3A_232 = vector.broadcast %mul3A_231 : i32 to vector<16xi32>
      %add3A_233 = arith.addi %add3A_226, %add3A_232 : vector<16xi32>
      %swap3A_234 = arith.constant 0 : index
      %swap3A_235 = tpu.vector_load %arg15[%swap3A_234] {strides = array<i32>} : memref<64xi32, #tpu.memory_space<vmem>>, vector<16xi32>,
      tpu.vector_store %arg15[%swap3A_234], %add3A_233 {strides = array<i32>} : memref<64xi32, #tpu.memory_space<vmem>>, vector<16xi32>,
      %mul3A_236 = arith.constant 64 : i32
      %mul3A_237 = arith.muli %select_n3A, %mul3A_236 : i32
      %add3A_238 = arith.constant 16 : i32
      %add3A_239 = arith.addi %mul3A_237, %add3A_238 : i32
      %get3A_240 = arith.index_cast %add3A_239 : i32 to index
      %get3A_241 = tpu.vector_load %arg8[%get3A_240] {strides = array<i32>} : memref<1024xi32, #tpu.memory_space<vmem>>, vector<16xi32>,
      %mul3A_242 = arith.constant 256 : i32
      %mul3A_243 = vector.broadcast %mul3A_242 : i32 to vector<16xi32>
      %mul3A_244 = arith.muli %get3A_241, %mul3A_243 : vector<16xi32>
      %get3A_245 = arith.index_cast %add3A_239 : i32 to index
      %get3A_246 = tpu.vector_load %arg9[%get3A_245] {strides = array<i32>} : memref<1024xi32, #tpu.memory_space<vmem>>, vector<16xi32>,
      %add3A_247 = arith.addi %mul3A_244, %get3A_246 : vector<16xi32>
      %mul3A_248 = arith.constant 4096 : i32
      %mul3A_249 = arith.muli %select_n3A_202, %mul3A_248 : i32
      %add3A_250 = vector.broadcast %mul3A_249 : i32 to vector<16xi32>
      %add3A_251 = arith.addi %add3A_247, %add3A_250 : vector<16xi32>
      %swap3A_252 = arith.constant 16 : index
      %swap3A_253 = tpu.vector_load %arg13[%swap3A_252] {strides = array<i32>} : memref<64xi32, #tpu.memory_space<vmem>>, vector<16xi32>,
      tpu.vector_store %arg13[%swap3A_252], %add3A_251 {strides = array<i32>} : memref<64xi32, #tpu.memory_space<vmem>>, vector<16xi32>,
      %mul3A_254 = arith.constant 512 : i32
      %mul3A_255 = vector.broadcast %mul3A_254 : i32 to vector<16xi32>
      %mul3A_256 = arith.muli %get3A_241, %mul3A_255 : vector<16xi32>
      %get3A_257 = arith.index_cast %add3A_239 : i32 to index
      %get3A_258 = tpu.vector_load %arg10[%get3A_257] {strides = array<i32>} : memref<1024xi32, #tpu.memory_space<vmem>>, vector<16xi32>,
      %add3A_259 = arith.addi %mul3A_256, %get3A_258 : vector<16xi32>
      %mul3A_260 = arith.constant 3 : i32
      %mul3A_261 = arith.muli %arg0, %mul3A_260 : i32
      %add3A_262 = arith.addi %mul3A_261, %select_n3A_202 : i32
      %mul3A_263 = arith.constant 8192 : i32
      %mul3A_264 = arith.muli %add3A_262, %mul3A_263 : i32
      %add3A_265 = vector.broadcast %mul3A_264 : i32 to vector<16xi32>
      %add3A_266 = arith.addi %add3A_259, %add3A_265 : vector<16xi32>
      %swap3A_267 = arith.constant 16 : index
      %swap3A_268 = tpu.vector_load %arg15[%swap3A_267] {strides = array<i32>} : memref<64xi32, #tpu.memory_space<vmem>>, vector<16xi32>,
      tpu.vector_store %arg15[%swap3A_267], %add3A_266 {strides = array<i32>} : memref<64xi32, #tpu.memory_space<vmem>>, vector<16xi32>,
      %mul3A_269 = arith.constant 64 : i32
      %mul3A_270 = arith.muli %select_n3A, %mul3A_269 : i32
      %add3A_271 = arith.constant 32 : i32
      %add3A_272 = arith.addi %mul3A_270, %add3A_271 : i32
      %get3A_273 = arith.index_cast %add3A_272 : i32 to index
      %get3A_274 = tpu.vector_load %arg8[%get3A_273] {strides = array<i32>} : memref<1024xi32, #tpu.memory_space<vmem>>, vector<16xi32>,
      %mul3A_275 = arith.constant 256 : i32
      %mul3A_276 = vector.broadcast %mul3A_275 : i32 to vector<16xi32>
      %mul3A_277 = arith.muli %get3A_274, %mul3A_276 : vector<16xi32>
      %get3A_278 = arith.index_cast %add3A_272 : i32 to index
      %get3A_279 = tpu.vector_load %arg9[%get3A_278] {strides = array<i32>} : memref<1024xi32, #tpu.memory_space<vmem>>, vector<16xi32>,
      %add3A_280 = arith.addi %mul3A_277, %get3A_279 : vector<16xi32>
      %mul3A_281 = arith.constant 4096 : i32
      %mul3A_282 = arith.muli %select_n3A_202, %mul3A_281 : i32
      %add3A_283 = vector.broadcast %mul3A_282 : i32 to vector<16xi32>
      %add3A_284 = arith.addi %add3A_280, %add3A_283 : vector<16xi32>
      %swap3A_285 = arith.constant 32 : index
      %swap3A_286 = tpu.vector_load %arg13[%swap3A_285] {strides = array<i32>} : memref<64xi32, #tpu.memory_space<vmem>>, vector<16xi32>,
      tpu.vector_store %arg13[%swap3A_285], %add3A_284 {strides = array<i32>} : memref<64xi32, #tpu.memory_space<vmem>>, vector<16xi32>,
      %mul3A_287 = arith.constant 512 : i32
      %mul3A_288 = vector.broadcast %mul3A_287 : i32 to vector<16xi32>
      %mul3A_289 = arith.muli %get3A_274, %mul3A_288 : vector<16xi32>
      %get3A_290 = arith.index_cast %add3A_272 : i32 to index
      %get3A_291 = tpu.vector_load %arg10[%get3A_290] {strides = array<i32>} : memref<1024xi32, #tpu.memory_space<vmem>>, vector<16xi32>,
      %add3A_292 = arith.addi %mul3A_289, %get3A_291 : vector<16xi32>
      %mul3A_293 = arith.constant 3 : i32
      %mul3A_294 = arith.muli %arg0, %mul3A_293 : i32
      %add3A_295 = arith.addi %mul3A_294, %select_n3A_202 : i32
      %mul3A_296 = arith.constant 8192 : i32
      %mul3A_297 = arith.muli %add3A_295, %mul3A_296 : i32
      %add3A_298 = vector.broadcast %mul3A_297 : i32 to vector<16xi32>
      %add3A_299 = arith.addi %add3A_292, %add3A_298 : vector<16xi32>
      %swap3A_300 = arith.constant 32 : index
      %swap3A_301 = tpu.vector_load %arg15[%swap3A_300] {strides = array<i32>} : memref<64xi32, #tpu.memory_space<vmem>>, vector<16xi32>,
      tpu.vector_store %arg15[%swap3A_300], %add3A_299 {strides = array<i32>} : memref<64xi32, #tpu.memory_space<vmem>>, vector<16xi32>,
      %mul3A_302 = arith.constant 64 : i32
      %mul3A_303 = arith.muli %select_n3A, %mul3A_302 : i32
      %add3A_304 = arith.constant 48 : i32
      %add3A_305 = arith.addi %mul3A_303, %add3A_304 : i32
      %get3A_306 = arith.index_cast %add3A_305 : i32 to index
      %get3A_307 = tpu.vector_load %arg8[%get3A_306] {strides = array<i32>} : memref<1024xi32, #tpu.memory_space<vmem>>, vector<16xi32>,
      %mul3A_308 = arith.constant 256 : i32
      %mul3A_309 = vector.broadcast %mul3A_308 : i32 to vector<16xi32>
      %mul3A_310 = arith.muli %get3A_307, %mul3A_309 : vector<16xi32>
      %get3A_311 = arith.index_cast %add3A_305 : i32 to index
      %get3A_312 = tpu.vector_load %arg9[%get3A_311] {strides = array<i32>} : memref<1024xi32, #tpu.memory_space<vmem>>, vector<16xi32>,
      %add3A_313 = arith.addi %mul3A_310, %get3A_312 : vector<16xi32>
      %mul3A_314 = arith.constant 4096 : i32
      %mul3A_315 = arith.muli %select_n3A_202, %mul3A_314 : i32
      %add3A_316 = vector.broadcast %mul3A_315 : i32 to vector<16xi32>
      %add3A_317 = arith.addi %add3A_313, %add3A_316 : vector<16xi32>
      %swap3A_318 = arith.constant 48 : index
      %swap3A_319 = tpu.vector_load %arg13[%swap3A_318] {strides = array<i32>} : memref<64xi32, #tpu.memory_space<vmem>>, vector<16xi32>,
      tpu.vector_store %arg13[%swap3A_318], %add3A_317 {strides = array<i32>} : memref<64xi32, #tpu.memory_space<vmem>>, vector<16xi32>,
      %mul3A_320 = arith.constant 512 : i32
      %mul3A_321 = vector.broadcast %mul3A_320 : i32 to vector<16xi32>
      %mul3A_322 = arith.muli %get3A_307, %mul3A_321 : vector<16xi32>
      %get3A_323 = arith.index_cast %add3A_305 : i32 to index
      %get3A_324 = tpu.vector_load %arg10[%get3A_323] {strides = array<i32>} : memref<1024xi32, #tpu.memory_space<vmem>>, vector<16xi32>,
      %add3A_325 = arith.addi %mul3A_322, %get3A_324 : vector<16xi32>
      %mul3A_326 = arith.constant 3 : i32
      %mul3A_327 = arith.muli %arg0, %mul3A_326 : i32
      %add3A_328 = arith.addi %mul3A_327, %select_n3A_202 : i32
      %mul3A_329 = arith.constant 8192 : i32
      %mul3A_330 = arith.muli %add3A_328, %mul3A_329 : i32
      %add3A_331 = vector.broadcast %mul3A_330 : i32 to vector<16xi32>
      %add3A_332 = arith.addi %add3A_325, %add3A_331 : vector<16xi32>
      %swap3A_333 = arith.constant 48 : index
      %swap3A_334 = tpu.vector_load %arg15[%swap3A_333] {strides = array<i32>} : memref<64xi32, #tpu.memory_space<vmem>>, vector<16xi32>,
      tpu.vector_store %arg15[%swap3A_333], %add3A_332 {strides = array<i32>} : memref<64xi32, #tpu.memory_space<vmem>>, vector<16xi32>,
      %dma_start3A_335 = arith.constant 0 : i32
      %dma_start3A_336 = arith.constant 0 : i32
      %dma_start3A_337 = tpu.memref_slice %arg2[%dma_start3A_335, %dma_start3A_336] : memref<49152x128xf32, #tpu.memory_space<hbm>> -> memref<49152x128xf32, #tpu.memory_space<hbm>>
      tpu.enqueue_indirect_dma source(%dma_start3A_337 : memref<49152x128xf32, #tpu.memory_space<hbm>>) target(%arg17 : memref<64x128xf32, #tpu.memory_space<vmem>>) offsets(%arg15 : memref<64xi32, #tpu.memory_space<vmem>>) semaphore(%arg20 : memref<!tpu.dma_semaphore, #tpu.memory_space<semaphore_mem>>)
      %dma_wait3A_338 = arith.constant 0 : i32
      %dma_wait3A_339 = arith.constant 0 : i32
      %dma_wait3A_340 = tpu.memref_slice %arg2[%dma_wait3A_338, %dma_wait3A_339] : memref<49152x128xf32, #tpu.memory_space<hbm>> -> memref<49152x128xf32, #tpu.memory_space<hbm>>
      tpu.wait_indirect_dma semaphore(%arg19 : memref<!tpu.dma_semaphore, #tpu.memory_space<semaphore_mem>>) src(%dma_wait3A_340 : memref<49152x128xf32, #tpu.memory_space<hbm>>) dst(%arg16 : memref<64x128xf32, #tpu.memory_space<vmem>>)
      %jit3A_341 = arith.constant 3 : i32
      %div3A_342 = arith.divsi %mul3A_168, %jit3A_341 : i32
      %sign3A_343 = arith.constant 0 : i32
      %sign3A_344 = arith.cmpi sgt, %mul3A_168, %sign3A_343 : i32
      %sign3A_345 = arith.extui %sign3A_344 : i1 to i32
      %sign3A_346 = arith.constant 0 : i32
      %sign3A_347 = arith.cmpi slt, %mul3A_168, %sign3A_346 : i32
      %sign3A_348 = arith.extui %sign3A_347 : i1 to i32
      %sign3A_349 = arith.subi %sign3A_345, %sign3A_348 : i32
      %sign3A_350 = arith.constant 0 : i32
      %sign3A_351 = arith.cmpi sgt, %jit3A_341, %sign3A_350 : i32
      %sign3A_352 = arith.extui %sign3A_351 : i1 to i32
      %sign3A_353 = arith.constant 0 : i32
      %sign3A_354 = arith.cmpi slt, %jit3A_341, %sign3A_353 : i32
      %sign3A_355 = arith.extui %sign3A_354 : i1 to i32
      %sign3A_356 = arith.subi %sign3A_352, %sign3A_355 : i32
      %ne3A_357 = arith.cmpi ne, %sign3A_349, %sign3A_356 : i32
      %rem3A_358 = arith.remsi %mul3A_168, %jit3A_341 : i32
      %ne3A_359 = arith.constant 0 : i32
      %ne3A_360 = arith.cmpi ne, %rem3A_358, %ne3A_359 : i32
      %and3A_361 = arith.andi %ne3A_357, %ne3A_360 : i1
      %sub3A_362 = arith.constant 1 : i32
      %sub3A_363 = arith.subi %div3A_342, %sub3A_362 : i32
      %select_n3A_364 = arith.select %and3A_361, %sub3A_363, %div3A_342 : i32
      %parallel_loop3A = arith.constant 0 : i32
      %parallel_loop3A_365 = arith.constant 64 : i32
      %parallel_loop3A_366 = arith.constant 1 : i32
      scf.for %parallel_loop3A_412 = %parallel_loop3A to %parallel_loop3A_365 step %parallel_loop3A_366  : i32 {
        %parallel_loop3A_413 = arith.constant 64 : i32
        %parallel_loop3A_414 = arith.muli %select_n3A_364, %parallel_loop3A_413 : i32
        %parallel_loop3A_415 = arith.addi %parallel_loop3A_414, %parallel_loop3A_412 : i32
        %parallel_loop3A_416 = vector.broadcast %parallel_loop3A_415 : i32 to vector<16xi32>
        %parallel_loop3A_417 = tpu.vector_load_idx %arg11[%parallel_loop3A_416] : memref<1024xf32, #tpu.memory_space<vmem>>[vector<16xi32>], vector<16xf32>,
        %parallel_loop3A_418 = arith.index_cast %parallel_loop3A_412 : i32 to index
        %parallel_loop3A_419 = arith.constant 0 : index
        %parallel_loop3A_420 = tpu.vector_load %arg16[%parallel_loop3A_418, %parallel_loop3A_419] {strides = array<i32>} : memref<64x128xf32, #tpu.memory_space<vmem>>, vector<16xf32>,
        %parallel_loop3A_421 = arith.mulf %parallel_loop3A_420, %parallel_loop3A_417 : vector<16xf32>
        %parallel_loop3A_422 = arith.index_cast %parallel_loop3A_412 : i32 to index
        %parallel_loop3A_423 = arith.constant 0 : index
        %parallel_loop3A_424 = tpu.vector_load %arg16[%parallel_loop3A_422, %parallel_loop3A_423] {strides = array<i32>} : memref<64x128xf32, #tpu.memory_space<vmem>>, vector<16xf32>,
        tpu.vector_store %arg16[%parallel_loop3A_422, %parallel_loop3A_423], %parallel_loop3A_421 {strides = array<i32>} : memref<64x128xf32, #tpu.memory_space<vmem>>, vector<16xf32>,
        %parallel_loop3A_425 = arith.index_cast %parallel_loop3A_412 : i32 to index
        %parallel_loop3A_426 = arith.constant 16 : index
        %parallel_loop3A_427 = tpu.vector_load %arg16[%parallel_loop3A_425, %parallel_loop3A_426] {strides = array<i32>} : memref<64x128xf32, #tpu.memory_space<vmem>>, vector<16xf32>,
        %parallel_loop3A_428 = arith.mulf %parallel_loop3A_427, %parallel_loop3A_417 : vector<16xf32>
        %parallel_loop3A_429 = arith.index_cast %parallel_loop3A_412 : i32 to index
        %parallel_loop3A_430 = arith.constant 16 : index
        %parallel_loop3A_431 = tpu.vector_load %arg16[%parallel_loop3A_429, %parallel_loop3A_430] {strides = array<i32>} : memref<64x128xf32, #tpu.memory_space<vmem>>, vector<16xf32>,
        tpu.vector_store %arg16[%parallel_loop3A_429, %parallel_loop3A_430], %parallel_loop3A_428 {strides = array<i32>} : memref<64x128xf32, #tpu.memory_space<vmem>>, vector<16xf32>,
        %parallel_loop3A_432 = arith.index_cast %parallel_loop3A_412 : i32 to index
        %parallel_loop3A_433 = arith.constant 32 : index
        %parallel_loop3A_434 = tpu.vector_load %arg16[%parallel_loop3A_432, %parallel_loop3A_433] {strides = array<i32>} : memref<64x128xf32, #tpu.memory_space<vmem>>, vector<16xf32>,
        %parallel_loop3A_435 = arith.mulf %parallel_loop3A_434, %parallel_loop3A_417 : vector<16xf32>
        %parallel_loop3A_436 = arith.index_cast %parallel_loop3A_412 : i32 to index
        %parallel_loop3A_437 = arith.constant 32 : index
        %parallel_loop3A_438 = tpu.vector_load %arg16[%parallel_loop3A_436, %parallel_loop3A_437] {strides = array<i32>} : memref<64x128xf32, #tpu.memory_space<vmem>>, vector<16xf32>,
        tpu.vector_store %arg16[%parallel_loop3A_436, %parallel_loop3A_437], %parallel_loop3A_435 {strides = array<i32>} : memref<64x128xf32, #tpu.memory_space<vmem>>, vector<16xf32>,
        %parallel_loop3A_439 = arith.index_cast %parallel_loop3A_412 : i32 to index
        %parallel_loop3A_440 = arith.constant 48 : index
        %parallel_loop3A_441 = tpu.vector_load %arg16[%parallel_loop3A_439, %parallel_loop3A_440] {strides = array<i32>} : memref<64x128xf32, #tpu.memory_space<vmem>>, vector<16xf32>,
        %parallel_loop3A_442 = arith.mulf %parallel_loop3A_441, %parallel_loop3A_417 : vector<16xf32>
        %parallel_loop3A_443 = arith.index_cast %parallel_loop3A_412 : i32 to index
        %parallel_loop3A_444 = arith.constant 48 : index
        %parallel_loop3A_445 = tpu.vector_load %arg16[%parallel_loop3A_443, %parallel_loop3A_444] {strides = array<i32>} : memref<64x128xf32, #tpu.memory_space<vmem>>, vector<16xf32>,
        tpu.vector_store %arg16[%parallel_loop3A_443, %parallel_loop3A_444], %parallel_loop3A_442 {strides = array<i32>} : memref<64x128xf32, #tpu.memory_space<vmem>>, vector<16xf32>,
        %parallel_loop3A_446 = arith.index_cast %parallel_loop3A_412 : i32 to index
        %parallel_loop3A_447 = arith.constant 64 : index
        %parallel_loop3A_448 = tpu.vector_load %arg16[%parallel_loop3A_446, %parallel_loop3A_447] {strides = array<i32>} : memref<64x128xf32, #tpu.memory_space<vmem>>, vector<16xf32>,
        %parallel_loop3A_449 = arith.mulf %parallel_loop3A_448, %parallel_loop3A_417 : vector<16xf32>
        %parallel_loop3A_450 = arith.index_cast %parallel_loop3A_412 : i32 to index
        %parallel_loop3A_451 = arith.constant 64 : index
        %parallel_loop3A_452 = tpu.vector_load %arg16[%parallel_loop3A_450, %parallel_loop3A_451] {strides = array<i32>} : memref<64x128xf32, #tpu.memory_space<vmem>>, vector<16xf32>,
        tpu.vector_store %arg16[%parallel_loop3A_450, %parallel_loop3A_451], %parallel_loop3A_449 {strides = array<i32>} : memref<64x128xf32, #tpu.memory_space<vmem>>, vector<16xf32>,
        %parallel_loop3A_453 = arith.index_cast %parallel_loop3A_412 : i32 to index
        %parallel_loop3A_454 = arith.constant 80 : index
        %parallel_loop3A_455 = tpu.vector_load %arg16[%parallel_loop3A_453, %parallel_loop3A_454] {strides = array<i32>} : memref<64x128xf32, #tpu.memory_space<vmem>>, vector<16xf32>,
        %parallel_loop3A_456 = arith.mulf %parallel_loop3A_455, %parallel_loop3A_417 : vector<16xf32>
        %parallel_loop3A_457 = arith.index_cast %parallel_loop3A_412 : i32 to index
        %parallel_loop3A_458 = arith.constant 80 : index
        %parallel_loop3A_459 = tpu.vector_load %arg16[%parallel_loop3A_457, %parallel_loop3A_458] {strides = array<i32>} : memref<64x128xf32, #tpu.memory_space<vmem>>, vector<16xf32>,
        tpu.vector_store %arg16[%parallel_loop3A_457, %parallel_loop3A_458], %parallel_loop3A_456 {strides = array<i32>} : memref<64x128xf32, #tpu.memory_space<vmem>>, vector<16xf32>,
        %parallel_loop3A_460 = arith.index_cast %parallel_loop3A_412 : i32 to index
        %parallel_loop3A_461 = arith.constant 96 : index
        %parallel_loop3A_462 = tpu.vector_load %arg16[%parallel_loop3A_460, %parallel_loop3A_461] {strides = array<i32>} : memref<64x128xf32, #tpu.memory_space<vmem>>, vector<16xf32>,
        %parallel_loop3A_463 = arith.mulf %parallel_loop3A_462, %parallel_loop3A_417 : vector<16xf32>
        %parallel_loop3A_464 = arith.index_cast %parallel_loop3A_412 : i32 to index
        %parallel_loop3A_465 = arith.constant 96 : index
        %parallel_loop3A_466 = tpu.vector_load %arg16[%parallel_loop3A_464, %parallel_loop3A_465] {strides = array<i32>} : memref<64x128xf32, #tpu.memory_space<vmem>>, vector<16xf32>,
        tpu.vector_store %arg16[%parallel_loop3A_464, %parallel_loop3A_465], %parallel_loop3A_463 {strides = array<i32>} : memref<64x128xf32, #tpu.memory_space<vmem>>, vector<16xf32>,
        %parallel_loop3A_467 = arith.index_cast %parallel_loop3A_412 : i32 to index
        %parallel_loop3A_468 = arith.constant 112 : index
        %parallel_loop3A_469 = tpu.vector_load %arg16[%parallel_loop3A_467, %parallel_loop3A_468] {strides = array<i32>} : memref<64x128xf32, #tpu.memory_space<vmem>>, vector<16xf32>,
        %parallel_loop3A_470 = arith.mulf %parallel_loop3A_469, %parallel_loop3A_417 : vector<16xf32>
        %parallel_loop3A_471 = arith.index_cast %parallel_loop3A_412 : i32 to index
        %parallel_loop3A_472 = arith.constant 112 : index
        %parallel_loop3A_473 = tpu.vector_load %arg16[%parallel_loop3A_471, %parallel_loop3A_472] {strides = array<i32>} : memref<64x128xf32, #tpu.memory_space<vmem>>, vector<16xf32>,
        tpu.vector_store %arg16[%parallel_loop3A_471, %parallel_loop3A_472], %parallel_loop3A_470 {strides = array<i32>} : memref<64x128xf32, #tpu.memory_space<vmem>>, vector<16xf32>,
      } {sc.loop_unroll_factor = 4 : i64, sc.parallel_access}
      %dma_start3A_367 = arith.constant 0 : i32
      %dma_start3A_368 = arith.constant 0 : i32
      %dma_start3A_369 = tpu.memref_slice %arg18[%dma_start3A_367, %dma_start3A_368] : memref<12288x128xf32, #tpu.memory_space<vmem_shared>> -> memref<12288x128xf32, #tpu.memory_space<vmem_shared>>
      tpu.enqueue_indirect_dma source(%arg16 : memref<64x128xf32, #tpu.memory_space<vmem>>) target(%dma_start3A_369 : memref<12288x128xf32, #tpu.memory_space<vmem_shared>>) offsets(%arg12 : memref<64xi32, #tpu.memory_space<vmem>>) semaphore(%arg21 : memref<!tpu.dma_semaphore, #tpu.memory_space<semaphore_mem>>) {add = true}
      %add3A_370 = arith.constant 1 : i32
      %add3A_371 = arith.addi %add3A_166, %add3A_370 : i32
      %lt3A_372 = arith.constant 24 : i32
      %lt3A_373 = arith.cmpi slt, %add3A_371, %lt3A_372 : i32
      %convert_element_type3A_374 = arith.extui %lt3A_373 : i1 to i32
      %cond3A_375 = arith.constant 0 : i32
      %cond3A_376 = arith.cmpi ne, %convert_element_type3A_374, %cond3A_375 : i32
      scf.if %cond3A_376 {
        %dma_wait3A_412 = arith.constant 0 : i32
        %dma_wait3A_413 = arith.constant 0 : i32
        %dma_wait3A_414 = tpu.memref_slice %arg18[%dma_wait3A_412, %dma_wait3A_413] : memref<12288x128xf32, #tpu.memory_space<vmem_shared>> -> memref<12288x128xf32, #tpu.memory_space<vmem_shared>>
        tpu.wait_indirect_dma semaphore(%arg21 : memref<!tpu.dma_semaphore, #tpu.memory_space<semaphore_mem>>) src(%arg16 : memref<64x128xf32, #tpu.memory_space<vmem>>) dst(%dma_wait3A_414 : memref<12288x128xf32, #tpu.memory_space<vmem_shared>>)
        %add3A_415 = arith.constant 2 : i32
        %add3A_416 = arith.addi %mul3A_168, %add3A_415 : i32
        %jit3A_417 = arith.constant 3 : i32
        %div3A_418 = arith.divsi %add3A_416, %jit3A_417 : i32
        %sign3A_419 = arith.constant 0 : i32
        %sign3A_420 = arith.cmpi sgt, %add3A_416, %sign3A_419 : i32
        %sign3A_421 = arith.extui %sign3A_420 : i1 to i32
        %sign3A_422 = arith.constant 0 : i32
        %sign3A_423 = arith.cmpi slt, %add3A_416, %sign3A_422 : i32
        %sign3A_424 = arith.extui %sign3A_423 : i1 to i32
        %sign3A_425 = arith.subi %sign3A_421, %sign3A_424 : i32
        %sign3A_426 = arith.constant 0 : i32
        %sign3A_427 = arith.cmpi sgt, %jit3A_417, %sign3A_426 : i32
        %sign3A_428 = arith.extui %sign3A_427 : i1 to i32
        %sign3A_429 = arith.constant 0 : i32
        %sign3A_430 = arith.cmpi slt, %jit3A_417, %sign3A_429 : i32
        %sign3A_431 = arith.extui %sign3A_430 : i1 to i32
        %sign3A_432 = arith.subi %sign3A_428, %sign3A_431 : i32
        %ne3A_433 = arith.cmpi ne, %sign3A_425, %sign3A_432 : i32
        %rem3A_434 = arith.remsi %add3A_416, %jit3A_417 : i32
        %ne3A_435 = arith.constant 0 : i32
        %ne3A_436 = arith.cmpi ne, %rem3A_434, %ne3A_435 : i32
        %and3A_437 = arith.andi %ne3A_433, %ne3A_436 : i1
        %sub3A_438 = arith.constant 1 : i32
        %sub3A_439 = arith.subi %div3A_418, %sub3A_438 : i32
        %select_n3A_440 = arith.select %and3A_437, %sub3A_439, %div3A_418 : i32
        %jit3A_441 = arith.constant 3 : i32
        %eq3A_442 = arith.constant 0 : i32
        %eq3A_443 = arith.cmpi eq, %jit3A_441, %eq3A_442 : i32
        %jit3A_444 = arith.constant 1 : i32
        %select_n3A_445 = arith.select %eq3A_443, %jit3A_444, %jit3A_441 : i32
        %rem3A_446 = arith.remsi %add3A_416, %select_n3A_445 : i32
        %ne3A_447 = arith.constant 0 : i32
        %ne3A_448 = arith.cmpi ne, %rem3A_446, %ne3A_447 : i32
        %lt3A_449 = arith.constant 0 : i32
        %lt3A_450 = arith.cmpi slt, %rem3A_446, %lt3A_449 : i32
        %lt3A_451 = arith.constant 0 : i32
        %lt3A_452 = arith.cmpi slt, %select_n3A_445, %lt3A_451 : i32
        %ne3A_453 = arith.xori %lt3A_450, %lt3A_452 : i1
        %and3A_454 = arith.andi %ne3A_453, %ne3A_448 : i1
        %add3A_455 = arith.addi %rem3A_446, %select_n3A_445 : i32
        %select_n3A_456 = arith.select %and3A_454, %add3A_455, %rem3A_446 : i32
        %mul3A_457 = arith.constant 64 : i32
        %mul3A_458 = arith.muli %select_n3A_440, %mul3A_457 : i32
        %add3A_459 = arith.constant 0 : i32
        %add3A_460 = arith.addi %mul3A_458, %add3A_459 : i32
        %get3A_461 = arith.index_cast %add3A_460 : i32 to index
        %get3A_462 = tpu.vector_load %arg8[%get3A_461] {strides = array<i32>} : memref<1024xi32, #tpu.memory_space<vmem>>, vector<16xi32>,
        %mul3A_463 = arith.constant 256 : i32
        %mul3A_464 = vector.broadcast %mul3A_463 : i32 to vector<16xi32>
        %mul3A_465 = arith.muli %get3A_462, %mul3A_464 : vector<16xi32>
        %get3A_466 = arith.index_cast %add3A_460 : i32 to index
        %get3A_467 = tpu.vector_load %arg9[%get3A_466] {strides = array<i32>} : memref<1024xi32, #tpu.memory_space<vmem>>, vector<16xi32>,
        %add3A_468 = arith.addi %mul3A_465, %get3A_467 : vector<16xi32>
        %mul3A_469 = arith.constant 4096 : i32
        %mul3A_470 = arith.muli %select_n3A_456, %mul3A_469 : i32
        %add3A_471 = vector.broadcast %mul3A_470 : i32 to vector<16xi32>
        %add3A_472 = arith.addi %add3A_468, %add3A_471 : vector<16xi32>
        %swap3A_473 = arith.constant 0 : index
        %swap3A_474 = tpu.vector_load %arg12[%swap3A_473] {strides = array<i32>} : memref<64xi32, #tpu.memory_space<vmem>>, vector<16xi32>,
        tpu.vector_store %arg12[%swap3A_473], %add3A_472 {strides = array<i32>} : memref<64xi32, #tpu.memory_space<vmem>>, vector<16xi32>,
        %mul3A_475 = arith.constant 512 : i32
        %mul3A_476 = vector.broadcast %mul3A_475 : i32 to vector<16xi32>
        %mul3A_477 = arith.muli %get3A_462, %mul3A_476 : vector<16xi32>
        %get3A_478 = arith.index_cast %add3A_460 : i32 to index
        %get3A_479 = tpu.vector_load %arg10[%get3A_478] {strides = array<i32>} : memref<1024xi32, #tpu.memory_space<vmem>>, vector<16xi32>,
        %add3A_480 = arith.addi %mul3A_477, %get3A_479 : vector<16xi32>
        %mul3A_481 = arith.constant 3 : i32
        %mul3A_482 = arith.muli %arg0, %mul3A_481 : i32
        %add3A_483 = arith.addi %mul3A_482, %select_n3A_456 : i32
        %mul3A_484 = arith.constant 8192 : i32
        %mul3A_485 = arith.muli %add3A_483, %mul3A_484 : i32
        %add3A_486 = vector.broadcast %mul3A_485 : i32 to vector<16xi32>
        %add3A_487 = arith.addi %add3A_480, %add3A_486 : vector<16xi32>
        %swap3A_488 = arith.constant 0 : index
        %swap3A_489 = tpu.vector_load %arg14[%swap3A_488] {strides = array<i32>} : memref<64xi32, #tpu.memory_space<vmem>>, vector<16xi32>,
        tpu.vector_store %arg14[%swap3A_488], %add3A_487 {strides = array<i32>} : memref<64xi32, #tpu.memory_space<vmem>>, vector<16xi32>,
        %mul3A_490 = arith.constant 64 : i32
        %mul3A_491 = arith.muli %select_n3A_440, %mul3A_490 : i32
        %add3A_492 = arith.constant 16 : i32
        %add3A_493 = arith.addi %mul3A_491, %add3A_492 : i32
        %get3A_494 = arith.index_cast %add3A_493 : i32 to index
        %get3A_495 = tpu.vector_load %arg8[%get3A_494] {strides = array<i32>} : memref<1024xi32, #tpu.memory_space<vmem>>, vector<16xi32>,
        %mul3A_496 = arith.constant 256 : i32
        %mul3A_497 = vector.broadcast %mul3A_496 : i32 to vector<16xi32>
        %mul3A_498 = arith.muli %get3A_495, %mul3A_497 : vector<16xi32>
        %get3A_499 = arith.index_cast %add3A_493 : i32 to index
        %get3A_500 = tpu.vector_load %arg9[%get3A_499] {strides = array<i32>} : memref<1024xi32, #tpu.memory_space<vmem>>, vector<16xi32>,
        %add3A_501 = arith.addi %mul3A_498, %get3A_500 : vector<16xi32>
        %mul3A_502 = arith.constant 4096 : i32
        %mul3A_503 = arith.muli %select_n3A_456, %mul3A_502 : i32
        %add3A_504 = vector.broadcast %mul3A_503 : i32 to vector<16xi32>
        %add3A_505 = arith.addi %add3A_501, %add3A_504 : vector<16xi32>
        %swap3A_506 = arith.constant 16 : index
        %swap3A_507 = tpu.vector_load %arg12[%swap3A_506] {strides = array<i32>} : memref<64xi32, #tpu.memory_space<vmem>>, vector<16xi32>,
        tpu.vector_store %arg12[%swap3A_506], %add3A_505 {strides = array<i32>} : memref<64xi32, #tpu.memory_space<vmem>>, vector<16xi32>,
        %mul3A_508 = arith.constant 512 : i32
        %mul3A_509 = vector.broadcast %mul3A_508 : i32 to vector<16xi32>
        %mul3A_510 = arith.muli %get3A_495, %mul3A_509 : vector<16xi32>
        %get3A_511 = arith.index_cast %add3A_493 : i32 to index
        %get3A_512 = tpu.vector_load %arg10[%get3A_511] {strides = array<i32>} : memref<1024xi32, #tpu.memory_space<vmem>>, vector<16xi32>,
        %add3A_513 = arith.addi %mul3A_510, %get3A_512 : vector<16xi32>
        %mul3A_514 = arith.constant 3 : i32
        %mul3A_515 = arith.muli %arg0, %mul3A_514 : i32
        %add3A_516 = arith.addi %mul3A_515, %select_n3A_456 : i32
        %mul3A_517 = arith.constant 8192 : i32
        %mul3A_518 = arith.muli %add3A_516, %mul3A_517 : i32
        %add3A_519 = vector.broadcast %mul3A_518 : i32 to vector<16xi32>
        %add3A_520 = arith.addi %add3A_513, %add3A_519 : vector<16xi32>
        %swap3A_521 = arith.constant 16 : index
        %swap3A_522 = tpu.vector_load %arg14[%swap3A_521] {strides = array<i32>} : memref<64xi32, #tpu.memory_space<vmem>>, vector<16xi32>,
        tpu.vector_store %arg14[%swap3A_521], %add3A_520 {strides = array<i32>} : memref<64xi32, #tpu.memory_space<vmem>>, vector<16xi32>,
        %mul3A_523 = arith.constant 64 : i32
        %mul3A_524 = arith.muli %select_n3A_440, %mul3A_523 : i32
        %add3A_525 = arith.constant 32 : i32
        %add3A_526 = arith.addi %mul3A_524, %add3A_525 : i32
        %get3A_527 = arith.index_cast %add3A_526 : i32 to index
        %get3A_528 = tpu.vector_load %arg8[%get3A_527] {strides = array<i32>} : memref<1024xi32, #tpu.memory_space<vmem>>, vector<16xi32>,
        %mul3A_529 = arith.constant 256 : i32
        %mul3A_530 = vector.broadcast %mul3A_529 : i32 to vector<16xi32>
        %mul3A_531 = arith.muli %get3A_528, %mul3A_530 : vector<16xi32>
        %get3A_532 = arith.index_cast %add3A_526 : i32 to index
        %get3A_533 = tpu.vector_load %arg9[%get3A_532] {strides = array<i32>} : memref<1024xi32, #tpu.memory_space<vmem>>, vector<16xi32>,
        %add3A_534 = arith.addi %mul3A_531, %get3A_533 : vector<16xi32>
        %mul3A_535 = arith.constant 4096 : i32
        %mul3A_536 = arith.muli %select_n3A_456, %mul3A_535 : i32
        %add3A_537 = vector.broadcast %mul3A_536 : i32 to vector<16xi32>
        %add3A_538 = arith.addi %add3A_534, %add3A_537 : vector<16xi32>
        %swap3A_539 = arith.constant 32 : index
        %swap3A_540 = tpu.vector_load %arg12[%swap3A_539] {strides = array<i32>} : memref<64xi32, #tpu.memory_space<vmem>>, vector<16xi32>,
        tpu.vector_store %arg12[%swap3A_539], %add3A_538 {strides = array<i32>} : memref<64xi32, #tpu.memory_space<vmem>>, vector<16xi32>,
        %mul3A_541 = arith.constant 512 : i32
        %mul3A_542 = vector.broadcast %mul3A_541 : i32 to vector<16xi32>
        %mul3A_543 = arith.muli %get3A_528, %mul3A_542 : vector<16xi32>
        %get3A_544 = arith.index_cast %add3A_526 : i32 to index
        %get3A_545 = tpu.vector_load %arg10[%get3A_544] {strides = array<i32>} : memref<1024xi32, #tpu.memory_space<vmem>>, vector<16xi32>,
        %add3A_546 = arith.addi %mul3A_543, %get3A_545 : vector<16xi32>
        %mul3A_547 = arith.constant 3 : i32
        %mul3A_548 = arith.muli %arg0, %mul3A_547 : i32
        %add3A_549 = arith.addi %mul3A_548, %select_n3A_456 : i32
        %mul3A_550 = arith.constant 8192 : i32
        %mul3A_551 = arith.muli %add3A_549, %mul3A_550 : i32
        %add3A_552 = vector.broadcast %mul3A_551 : i32 to vector<16xi32>
        %add3A_553 = arith.addi %add3A_546, %add3A_552 : vector<16xi32>
        %swap3A_554 = arith.constant 32 : index
        %swap3A_555 = tpu.vector_load %arg14[%swap3A_554] {strides = array<i32>} : memref<64xi32, #tpu.memory_space<vmem>>, vector<16xi32>,
        tpu.vector_store %arg14[%swap3A_554], %add3A_553 {strides = array<i32>} : memref<64xi32, #tpu.memory_space<vmem>>, vector<16xi32>,
        %mul3A_556 = arith.constant 64 : i32
        %mul3A_557 = arith.muli %select_n3A_440, %mul3A_556 : i32
        %add3A_558 = arith.constant 48 : i32
        %add3A_559 = arith.addi %mul3A_557, %add3A_558 : i32
        %get3A_560 = arith.index_cast %add3A_559 : i32 to index
        %get3A_561 = tpu.vector_load %arg8[%get3A_560] {strides = array<i32>} : memref<1024xi32, #tpu.memory_space<vmem>>, vector<16xi32>,
        %mul3A_562 = arith.constant 256 : i32
        %mul3A_563 = vector.broadcast %mul3A_562 : i32 to vector<16xi32>
        %mul3A_564 = arith.muli %get3A_561, %mul3A_563 : vector<16xi32>
        %get3A_565 = arith.index_cast %add3A_559 : i32 to index
        %get3A_566 = tpu.vector_load %arg9[%get3A_565] {strides = array<i32>} : memref<1024xi32, #tpu.memory_space<vmem>>, vector<16xi32>,
        %add3A_567 = arith.addi %mul3A_564, %get3A_566 : vector<16xi32>
        %mul3A_568 = arith.constant 4096 : i32
        %mul3A_569 = arith.muli %select_n3A_456, %mul3A_568 : i32
        %add3A_570 = vector.broadcast %mul3A_569 : i32 to vector<16xi32>
        %add3A_571 = arith.addi %add3A_567, %add3A_570 : vector<16xi32>
        %swap3A_572 = arith.constant 48 : index
        %swap3A_573 = tpu.vector_load %arg12[%swap3A_572] {strides = array<i32>} : memref<64xi32, #tpu.memory_space<vmem>>, vector<16xi32>,
        tpu.vector_store %arg12[%swap3A_572], %add3A_571 {strides = array<i32>} : memref<64xi32, #tpu.memory_space<vmem>>, vector<16xi32>,
        %mul3A_574 = arith.constant 512 : i32
        %mul3A_575 = vector.broadcast %mul3A_574 : i32 to vector<16xi32>
        %mul3A_576 = arith.muli %get3A_561, %mul3A_575 : vector<16xi32>
        %get3A_577 = arith.index_cast %add3A_559 : i32 to index
        %get3A_578 = tpu.vector_load %arg10[%get3A_577] {strides = array<i32>} : memref<1024xi32, #tpu.memory_space<vmem>>, vector<16xi32>,
        %add3A_579 = arith.addi %mul3A_576, %get3A_578 : vector<16xi32>
        %mul3A_580 = arith.constant 3 : i32
        %mul3A_581 = arith.muli %arg0, %mul3A_580 : i32
        %add3A_582 = arith.addi %mul3A_581, %select_n3A_456 : i32
        %mul3A_583 = arith.constant 8192 : i32
        %mul3A_584 = arith.muli %add3A_582, %mul3A_583 : i32
        %add3A_585 = vector.broadcast %mul3A_584 : i32 to vector<16xi32>
        %add3A_586 = arith.addi %add3A_579, %add3A_585 : vector<16xi32>
        %swap3A_587 = arith.constant 48 : index
        %swap3A_588 = tpu.vector_load %arg14[%swap3A_587] {strides = array<i32>} : memref<64xi32, #tpu.memory_space<vmem>>, vector<16xi32>,
        tpu.vector_store %arg14[%swap3A_587], %add3A_586 {strides = array<i32>} : memref<64xi32, #tpu.memory_space<vmem>>, vector<16xi32>,
        %dma_start3A_589 = arith.constant 0 : i32
        %dma_start3A_590 = arith.constant 0 : i32
        %dma_start3A_591 = tpu.memref_slice %arg2[%dma_start3A_589, %dma_start3A_590] : memref<49152x128xf32, #tpu.memory_space<hbm>> -> memref<49152x128xf32, #tpu.memory_space<hbm>>
        tpu.enqueue_indirect_dma source(%dma_start3A_591 : memref<49152x128xf32, #tpu.memory_space<hbm>>) target(%arg16 : memref<64x128xf32, #tpu.memory_space<vmem>>) offsets(%arg14 : memref<64xi32, #tpu.memory_space<vmem>>) semaphore(%arg19 : memref<!tpu.dma_semaphore, #tpu.memory_space<semaphore_mem>>)
      } else {
      }
      %dma_wait3A_377 = arith.constant 0 : i32
      %dma_wait3A_378 = arith.constant 0 : i32
      %dma_wait3A_379 = tpu.memref_slice %arg2[%dma_wait3A_377, %dma_wait3A_378] : memref<49152x128xf32, #tpu.memory_space<hbm>> -> memref<49152x128xf32, #tpu.memory_space<hbm>>
      tpu.wait_indirect_dma semaphore(%arg20 : memref<!tpu.dma_semaphore, #tpu.memory_space<semaphore_mem>>) src(%dma_wait3A_379 : memref<49152x128xf32, #tpu.memory_space<hbm>>) dst(%arg17 : memref<64x128xf32, #tpu.memory_space<vmem>>)
      %add3A_380 = arith.constant 1 : i32
      %add3A_381 = arith.addi %mul3A_168, %add3A_380 : i32
      %jit3A_382 = arith.constant 3 : i32
      %div3A_383 = arith.divsi %add3A_381, %jit3A_382 : i32
      %sign3A_384 = arith.constant 0 : i32
      %sign3A_385 = arith.cmpi sgt, %add3A_381, %sign3A_384 : i32
      %sign3A_386 = arith.extui %sign3A_385 : i1 to i32
      %sign3A_387 = arith.constant 0 : i32
      %sign3A_388 = arith.cmpi slt, %add3A_381, %sign3A_387 : i32
      %sign3A_389 = arith.extui %sign3A_388 : i1 to i32
      %sign3A_390 = arith.subi %sign3A_386, %sign3A_389 : i32
      %sign3A_391 = arith.constant 0 : i32
      %sign3A_392 = arith.cmpi sgt, %jit3A_382, %sign3A_391 : i32
      %sign3A_393 = arith.extui %sign3A_392 : i1 to i32
      %sign3A_394 = arith.constant 0 : i32
      %sign3A_395 = arith.cmpi slt, %jit3A_382, %sign3A_394 : i32
      %sign3A_396 = arith.extui %sign3A_395 : i1 to i32
      %sign3A_397 = arith.subi %sign3A_393, %sign3A_396 : i32
      %ne3A_398 = arith.cmpi ne, %sign3A_390, %sign3A_397 : i32
      %rem3A_399 = arith.remsi %add3A_381, %jit3A_382 : i32
      %ne3A_400 = arith.constant 0 : i32
      %ne3A_401 = arith.cmpi ne, %rem3A_399, %ne3A_400 : i32
      %and3A_402 = arith.andi %ne3A_398, %ne3A_401 : i1
      %sub3A_403 = arith.constant 1 : i32
      %sub3A_404 = arith.subi %div3A_383, %sub3A_403 : i32
      %select_n3A_405 = arith.select %and3A_402, %sub3A_404, %div3A_383 : i32
      %parallel_loop3A_406 = arith.constant 0 : i32
      %parallel_loop3A_407 = arith.constant 64 : i32
      %parallel_loop3A_408 = arith.constant 1 : i32
      scf.for %parallel_loop3A_412 = %parallel_loop3A_406 to %parallel_loop3A_407 step %parallel_loop3A_408  : i32 {
        %parallel_loop3A_413 = arith.constant 64 : i32
        %parallel_loop3A_414 = arith.muli %select_n3A_405, %parallel_loop3A_413 : i32
        %parallel_loop3A_415 = arith.addi %parallel_loop3A_414, %parallel_loop3A_412 : i32
        %parallel_loop3A_416 = vector.broadcast %parallel_loop3A_415 : i32 to vector<16xi32>
        %parallel_loop3A_417 = tpu.vector_load_idx %arg11[%parallel_loop3A_416] : memref<1024xf32, #tpu.memory_space<vmem>>[vector<16xi32>], vector<16xf32>,
        %parallel_loop3A_418 = arith.index_cast %parallel_loop3A_412 : i32 to index
        %parallel_loop3A_419 = arith.constant 0 : index
        %parallel_loop3A_420 = tpu.vector_load %arg17[%parallel_loop3A_418, %parallel_loop3A_419] {strides = array<i32>} : memref<64x128xf32, #tpu.memory_space<vmem>>, vector<16xf32>,
        %parallel_loop3A_421 = arith.mulf %parallel_loop3A_420, %parallel_loop3A_417 : vector<16xf32>
        %parallel_loop3A_422 = arith.index_cast %parallel_loop3A_412 : i32 to index
        %parallel_loop3A_423 = arith.constant 0 : index
        %parallel_loop3A_424 = tpu.vector_load %arg17[%parallel_loop3A_422, %parallel_loop3A_423] {strides = array<i32>} : memref<64x128xf32, #tpu.memory_space<vmem>>, vector<16xf32>,
        tpu.vector_store %arg17[%parallel_loop3A_422, %parallel_loop3A_423], %parallel_loop3A_421 {strides = array<i32>} : memref<64x128xf32, #tpu.memory_space<vmem>>, vector<16xf32>,
        %parallel_loop3A_425 = arith.index_cast %parallel_loop3A_412 : i32 to index
        %parallel_loop3A_426 = arith.constant 16 : index
        %parallel_loop3A_427 = tpu.vector_load %arg17[%parallel_loop3A_425, %parallel_loop3A_426] {strides = array<i32>} : memref<64x128xf32, #tpu.memory_space<vmem>>, vector<16xf32>,
        %parallel_loop3A_428 = arith.mulf %parallel_loop3A_427, %parallel_loop3A_417 : vector<16xf32>
        %parallel_loop3A_429 = arith.index_cast %parallel_loop3A_412 : i32 to index
        %parallel_loop3A_430 = arith.constant 16 : index
        %parallel_loop3A_431 = tpu.vector_load %arg17[%parallel_loop3A_429, %parallel_loop3A_430] {strides = array<i32>} : memref<64x128xf32, #tpu.memory_space<vmem>>, vector<16xf32>,
        tpu.vector_store %arg17[%parallel_loop3A_429, %parallel_loop3A_430], %parallel_loop3A_428 {strides = array<i32>} : memref<64x128xf32, #tpu.memory_space<vmem>>, vector<16xf32>,
        %parallel_loop3A_432 = arith.index_cast %parallel_loop3A_412 : i32 to index
        %parallel_loop3A_433 = arith.constant 32 : index
        %parallel_loop3A_434 = tpu.vector_load %arg17[%parallel_loop3A_432, %parallel_loop3A_433] {strides = array<i32>} : memref<64x128xf32, #tpu.memory_space<vmem>>, vector<16xf32>,
        %parallel_loop3A_435 = arith.mulf %parallel_loop3A_434, %parallel_loop3A_417 : vector<16xf32>
        %parallel_loop3A_436 = arith.index_cast %parallel_loop3A_412 : i32 to index
        %parallel_loop3A_437 = arith.constant 32 : index
        %parallel_loop3A_438 = tpu.vector_load %arg17[%parallel_loop3A_436, %parallel_loop3A_437] {strides = array<i32>} : memref<64x128xf32, #tpu.memory_space<vmem>>, vector<16xf32>,
        tpu.vector_store %arg17[%parallel_loop3A_436, %parallel_loop3A_437], %parallel_loop3A_435 {strides = array<i32>} : memref<64x128xf32, #tpu.memory_space<vmem>>, vector<16xf32>,
        %parallel_loop3A_439 = arith.index_cast %parallel_loop3A_412 : i32 to index
        %parallel_loop3A_440 = arith.constant 48 : index
        %parallel_loop3A_441 = tpu.vector_load %arg17[%parallel_loop3A_439, %parallel_loop3A_440] {strides = array<i32>} : memref<64x128xf32, #tpu.memory_space<vmem>>, vector<16xf32>,
        %parallel_loop3A_442 = arith.mulf %parallel_loop3A_441, %parallel_loop3A_417 : vector<16xf32>
        %parallel_loop3A_443 = arith.index_cast %parallel_loop3A_412 : i32 to index
        %parallel_loop3A_444 = arith.constant 48 : index
        %parallel_loop3A_445 = tpu.vector_load %arg17[%parallel_loop3A_443, %parallel_loop3A_444] {strides = array<i32>} : memref<64x128xf32, #tpu.memory_space<vmem>>, vector<16xf32>,
        tpu.vector_store %arg17[%parallel_loop3A_443, %parallel_loop3A_444], %parallel_loop3A_442 {strides = array<i32>} : memref<64x128xf32, #tpu.memory_space<vmem>>, vector<16xf32>,
        %parallel_loop3A_446 = arith.index_cast %parallel_loop3A_412 : i32 to index
        %parallel_loop3A_447 = arith.constant 64 : index
        %parallel_loop3A_448 = tpu.vector_load %arg17[%parallel_loop3A_446, %parallel_loop3A_447] {strides = array<i32>} : memref<64x128xf32, #tpu.memory_space<vmem>>, vector<16xf32>,
        %parallel_loop3A_449 = arith.mulf %parallel_loop3A_448, %parallel_loop3A_417 : vector<16xf32>
        %parallel_loop3A_450 = arith.index_cast %parallel_loop3A_412 : i32 to index
        %parallel_loop3A_451 = arith.constant 64 : index
        %parallel_loop3A_452 = tpu.vector_load %arg17[%parallel_loop3A_450, %parallel_loop3A_451] {strides = array<i32>} : memref<64x128xf32, #tpu.memory_space<vmem>>, vector<16xf32>,
        tpu.vector_store %arg17[%parallel_loop3A_450, %parallel_loop3A_451], %parallel_loop3A_449 {strides = array<i32>} : memref<64x128xf32, #tpu.memory_space<vmem>>, vector<16xf32>,
        %parallel_loop3A_453 = arith.index_cast %parallel_loop3A_412 : i32 to index
        %parallel_loop3A_454 = arith.constant 80 : index
        %parallel_loop3A_455 = tpu.vector_load %arg17[%parallel_loop3A_453, %parallel_loop3A_454] {strides = array<i32>} : memref<64x128xf32, #tpu.memory_space<vmem>>, vector<16xf32>,
        %parallel_loop3A_456 = arith.mulf %parallel_loop3A_455, %parallel_loop3A_417 : vector<16xf32>
        %parallel_loop3A_457 = arith.index_cast %parallel_loop3A_412 : i32 to index
        %parallel_loop3A_458 = arith.constant 80 : index
        %parallel_loop3A_459 = tpu.vector_load %arg17[%parallel_loop3A_457, %parallel_loop3A_458] {strides = array<i32>} : memref<64x128xf32, #tpu.memory_space<vmem>>, vector<16xf32>,
        tpu.vector_store %arg17[%parallel_loop3A_457, %parallel_loop3A_458], %parallel_loop3A_456 {strides = array<i32>} : memref<64x128xf32, #tpu.memory_space<vmem>>, vector<16xf32>,
        %parallel_loop3A_460 = arith.index_cast %parallel_loop3A_412 : i32 to index
        %parallel_loop3A_461 = arith.constant 96 : index
        %parallel_loop3A_462 = tpu.vector_load %arg17[%parallel_loop3A_460, %parallel_loop3A_461] {strides = array<i32>} : memref<64x128xf32, #tpu.memory_space<vmem>>, vector<16xf32>,
        %parallel_loop3A_463 = arith.mulf %parallel_loop3A_462, %parallel_loop3A_417 : vector<16xf32>
        %parallel_loop3A_464 = arith.index_cast %parallel_loop3A_412 : i32 to index
        %parallel_loop3A_465 = arith.constant 96 : index
        %parallel_loop3A_466 = tpu.vector_load %arg17[%parallel_loop3A_464, %parallel_loop3A_465] {strides = array<i32>} : memref<64x128xf32, #tpu.memory_space<vmem>>, vector<16xf32>,
        tpu.vector_store %arg17[%parallel_loop3A_464, %parallel_loop3A_465], %parallel_loop3A_463 {strides = array<i32>} : memref<64x128xf32, #tpu.memory_space<vmem>>, vector<16xf32>,
        %parallel_loop3A_467 = arith.index_cast %parallel_loop3A_412 : i32 to index
        %parallel_loop3A_468 = arith.constant 112 : index
        %parallel_loop3A_469 = tpu.vector_load %arg17[%parallel_loop3A_467, %parallel_loop3A_468] {strides = array<i32>} : memref<64x128xf32, #tpu.memory_space<vmem>>, vector<16xf32>,
        %parallel_loop3A_470 = arith.mulf %parallel_loop3A_469, %parallel_loop3A_417 : vector<16xf32>
        %parallel_loop3A_471 = arith.index_cast %parallel_loop3A_412 : i32 to index
        %parallel_loop3A_472 = arith.constant 112 : index
        %parallel_loop3A_473 = tpu.vector_load %arg17[%parallel_loop3A_471, %parallel_loop3A_472] {strides = array<i32>} : memref<64x128xf32, #tpu.memory_space<vmem>>, vector<16xf32>,
        tpu.vector_store %arg17[%parallel_loop3A_471, %parallel_loop3A_472], %parallel_loop3A_470 {strides = array<i32>} : memref<64x128xf32, #tpu.memory_space<vmem>>, vector<16xf32>,
      } {sc.loop_unroll_factor = 4 : i64, sc.parallel_access}
      %dma_start3A_409 = arith.constant 0 : i32
      %dma_start3A_410 = arith.constant 0 : i32
      %dma_start3A_411 = tpu.memref_slice %arg18[%dma_start3A_409, %dma_start3A_410] : memref<12288x128xf32, #tpu.memory_space<vmem_shared>> -> memref<12288x128xf32, #tpu.memory_space<vmem_shared>>
      tpu.enqueue_indirect_dma source(%arg17 : memref<64x128xf32, #tpu.memory_space<vmem>>) target(%dma_start3A_411 : memref<12288x128xf32, #tpu.memory_space<vmem_shared>>) offsets(%arg13 : memref<64xi32, #tpu.memory_space<vmem>>) semaphore(%arg22 : memref<!tpu.dma_semaphore, #tpu.memory_space<semaphore_mem>>) {add = true}
    }
    %scan3A_149 = arith.constant 24 : i32
    %dma_wait3A_150 = arith.constant 0 : i32
    %dma_wait3A_151 = arith.constant 0 : i32
    %dma_wait3A_152 = tpu.memref_slice %arg18[%dma_wait3A_150, %dma_wait3A_151] : memref<12288x128xf32, #tpu.memory_space<vmem_shared>> -> memref<12288x128xf32, #tpu.memory_space<vmem_shared>>
    tpu.wait_indirect_dma semaphore(%arg21 : memref<!tpu.dma_semaphore, #tpu.memory_space<semaphore_mem>>) src(%arg16 : memref<64x128xf32, #tpu.memory_space<vmem>>) dst(%dma_wait3A_152 : memref<12288x128xf32, #tpu.memory_space<vmem_shared>>)
    %dma_wait3A_153 = arith.constant 0 : i32
    %dma_wait3A_154 = arith.constant 0 : i32
    %dma_wait3A_155 = tpu.memref_slice %arg18[%dma_wait3A_153, %dma_wait3A_154] : memref<12288x128xf32, #tpu.memory_space<vmem_shared>> -> memref<12288x128xf32, #tpu.memory_space<vmem_shared>>
    tpu.wait_indirect_dma semaphore(%arg22 : memref<!tpu.dma_semaphore, #tpu.memory_space<semaphore_mem>>) src(%arg17 : memref<64x128xf32, #tpu.memory_space<vmem>>) dst(%dma_wait3A_155 : memref<12288x128xf32, #tpu.memory_space<vmem_shared>>)
    %barrier3A_156 = arith.constant 0 : index
    tpu.barrier barrier_id(%barrier3A_156)
    %mul3A_157 = arith.constant 768 : i32
    %mul3A_158 = arith.muli %arg1, %mul3A_157 : i32
    %mul3A_159 = arith.constant 12288 : i32
    %mul3A_160 = arith.muli %arg0, %mul3A_159 : i32
    %add3A_161 = arith.addi %mul3A_160, %mul3A_158 : i32
    "tpu.region"() ({
      %run_scoped3A = tpu.sem_alloc : memref<!tpu.dma_semaphore, #tpu.memory_space<semaphore_mem>>
      %dma_start3A_162 = arith.constant 0 : i32
      %dma_start3A_163 = tpu.memref_slice %arg7[%add3A_161, %dma_start3A_162] : memref<24576x128xf32, #tpu.memory_space<hbm>> -> memref<768x128xf32, #tpu.memory_space<hbm>>
      %dma_start3A_164 = arith.constant 0 : i32
      %dma_start3A_165 = tpu.memref_slice %arg18[%mul3A_158, %dma_start3A_164] : memref<12288x128xf32, #tpu.memory_space<vmem_shared>> -> memref<768x128xf32, #tpu.memory_space<vmem_shared>>
      tpu.enqueue_dma source(%dma_start3A_165 : memref<768x128xf32, #tpu.memory_space<vmem_shared>>) target(%dma_start3A_163 : memref<768x128xf32, #tpu.memory_space<hbm>>) target_semaphore(%run_scoped3A : memref<!tpu.dma_semaphore, #tpu.memory_space<semaphore_mem>>)
      %dma_wait3A_166 = arith.constant 0 : i32
      %dma_wait3A_167 = tpu.memref_slice %arg7[%add3A_161, %dma_wait3A_166] : memref<24576x128xf32, #tpu.memory_space<hbm>> -> memref<768x128xf32, #tpu.memory_space<hbm>>
      %dma_wait3A_168 = arith.constant 0 : i32
      %dma_wait3A_169 = tpu.memref_slice %arg18[%mul3A_158, %dma_wait3A_168] : memref<12288x128xf32, #tpu.memory_space<vmem_shared>> -> memref<768x128xf32, #tpu.memory_space<vmem_shared>>
      tpu.wait_dma2 semaphore(%run_scoped3A : memref<!tpu.dma_semaphore, #tpu.memory_space<semaphore_mem>>) src(%dma_wait3A_169 : memref<768x128xf32, #tpu.memory_space<vmem_shared>>) dst(%dma_wait3A_167 : memref<768x128xf32, #tpu.memory_space<hbm>>)
      tpu.yield
    }) : () -> ()
    return
  }
}

#map = affine_map<(d0, d1) -> (0)>
#map1 = affine_map<(d0, d1) -> (0, 0)>
module attributes {stable_mosaic.version = 14 : i64} {
  func.func @_phase_a(%arg0: i32, %arg1: i32, %arg2: memref<8192xi32, #tpu.memory_space<hbm>>, %arg3: memref<8192xi32, #tpu.memory_space<hbm>>, %arg4: memref<8192xi32, #tpu.memory_space<hbm>>, %arg5: memref<30522x768xf32, #tpu.memory_space<hbm>>, %arg6: memref<1024x768xf32, #tpu.memory_space<hbm>>, %arg7: memref<49152x128xf32, #tpu.memory_space<hbm>>, %arg8: memref<256xi32, #tpu.memory_space<vmem>>, %arg9: memref<256xi32, #tpu.memory_space<vmem>>, %arg10: memref<256xi32, #tpu.memory_space<vmem>>, %arg11: memref<32x768xf32, #tpu.memory_space<vmem>>, %arg12: memref<32x768xf32, #tpu.memory_space<vmem>>, %arg13: memref<32x768xf32, #tpu.memory_space<vmem>>, %arg14: memref<32x768xf32, #tpu.memory_space<vmem>>, %arg15: memref<!tpu.dma_semaphore, #tpu.memory_space<semaphore_mem>>, %arg16: memref<!tpu.dma_semaphore, #tpu.memory_space<semaphore_mem>>, %arg17: memref<!tpu.dma_semaphore, #tpu.memory_space<semaphore_mem>>, %arg18: memref<!tpu.dma_semaphore, #tpu.memory_space<semaphore_mem>>) attributes {dimension_semantics = [#tpu.dimension_semantics<core_parallel>, #tpu.dimension_semantics<subcore_parallel>], iteration_bounds = array<i64: 2, 16>, scalar_prefetch = 0 : i64, scratch_operands = 11 : i64, tpu.core_type = #tpu.core_type<sc_vector_subcore>, window_params = [{transform_indices = #map}, {transform_indices = #map}, {transform_indices = #map}, {transform_indices = #map1}, {transform_indices = #map1}, {transform_indices = #map1}]} {
    %mul3A = arith.constant 2 : i32
    %mul3A_0 = arith.muli %arg1, %mul3A : i32
    %add3A = arith.addi %mul3A_0, %arg0 : i32
    %mul3A_1 = arith.constant 256 : i32
    %mul3A_2 = arith.muli %add3A, %mul3A_1 : i32
    %dma_start3A = tpu.memref_slice %arg2[%mul3A_2] : memref<8192xi32, #tpu.memory_space<hbm>> -> memref<256xi32, #tpu.memory_space<hbm>>
    %dma_start3A_3 = tpu.memref_slice %arg2[%mul3A_2] : memref<8192xi32, #tpu.memory_space<hbm>> -> memref<256xi32, #tpu.memory_space<hbm>>
    tpu.enqueue_dma source(%dma_start3A_3 : memref<256xi32, #tpu.memory_space<hbm>>) target(%arg8 : memref<256xi32, #tpu.memory_space<vmem>>) target_semaphore(%arg17 : memref<!tpu.dma_semaphore, #tpu.memory_space<semaphore_mem>>)
    %dma_start3A_4 = tpu.memref_slice %arg3[%mul3A_2] : memref<8192xi32, #tpu.memory_space<hbm>> -> memref<256xi32, #tpu.memory_space<hbm>>
    %dma_start3A_5 = tpu.memref_slice %arg3[%mul3A_2] : memref<8192xi32, #tpu.memory_space<hbm>> -> memref<256xi32, #tpu.memory_space<hbm>>
    tpu.enqueue_dma source(%dma_start3A_5 : memref<256xi32, #tpu.memory_space<hbm>>) target(%arg9 : memref<256xi32, #tpu.memory_space<vmem>>) target_semaphore(%arg17 : memref<!tpu.dma_semaphore, #tpu.memory_space<semaphore_mem>>)
    %dma_start3A_6 = tpu.memref_slice %arg4[%mul3A_2] : memref<8192xi32, #tpu.memory_space<hbm>> -> memref<256xi32, #tpu.memory_space<hbm>>
    %dma_start3A_7 = tpu.memref_slice %arg4[%mul3A_2] : memref<8192xi32, #tpu.memory_space<hbm>> -> memref<256xi32, #tpu.memory_space<hbm>>
    tpu.enqueue_dma source(%dma_start3A_7 : memref<256xi32, #tpu.memory_space<hbm>>) target(%arg10 : memref<256xi32, #tpu.memory_space<vmem>>) target_semaphore(%arg17 : memref<!tpu.dma_semaphore, #tpu.memory_space<semaphore_mem>>)
    %dma_wait3A = tpu.memref_slice %arg2[%mul3A_2] : memref<8192xi32, #tpu.memory_space<hbm>> -> memref<256xi32, #tpu.memory_space<hbm>>
    %dma_wait3A_8 = tpu.memref_slice %arg2[%mul3A_2] : memref<8192xi32, #tpu.memory_space<hbm>> -> memref<256xi32, #tpu.memory_space<hbm>>
    tpu.wait_dma2 semaphore(%arg17 : memref<!tpu.dma_semaphore, #tpu.memory_space<semaphore_mem>>) src(%dma_wait3A_8 : memref<256xi32, #tpu.memory_space<hbm>>) dst(%arg8 : memref<256xi32, #tpu.memory_space<vmem>>)
    %dma_wait3A_9 = tpu.memref_slice %arg3[%mul3A_2] : memref<8192xi32, #tpu.memory_space<hbm>> -> memref<256xi32, #tpu.memory_space<hbm>>
    %dma_wait3A_10 = tpu.memref_slice %arg3[%mul3A_2] : memref<8192xi32, #tpu.memory_space<hbm>> -> memref<256xi32, #tpu.memory_space<hbm>>
    tpu.wait_dma2 semaphore(%arg17 : memref<!tpu.dma_semaphore, #tpu.memory_space<semaphore_mem>>) src(%dma_wait3A_10 : memref<256xi32, #tpu.memory_space<hbm>>) dst(%arg9 : memref<256xi32, #tpu.memory_space<vmem>>)
    %dma_wait3A_11 = tpu.memref_slice %arg4[%mul3A_2] : memref<8192xi32, #tpu.memory_space<hbm>> -> memref<256xi32, #tpu.memory_space<hbm>>
    %dma_wait3A_12 = tpu.memref_slice %arg4[%mul3A_2] : memref<8192xi32, #tpu.memory_space<hbm>> -> memref<256xi32, #tpu.memory_space<hbm>>
    tpu.wait_dma2 semaphore(%arg17 : memref<!tpu.dma_semaphore, #tpu.memory_space<semaphore_mem>>) src(%dma_wait3A_12 : memref<256xi32, #tpu.memory_space<hbm>>) dst(%arg10 : memref<256xi32, #tpu.memory_space<vmem>>)
    %scan3A = arith.constant 0 : i32
    %scan3A_13 = arith.constant 16 : i32
    %scan3A_14 = arith.addi %scan3A, %scan3A_13 : i32
    %scan3A_15 = arith.constant 1 : i32
    scf.for %scan3A_180 = %scan3A to %scan3A_14 step %scan3A_15  : i32 {
      %mul3A_181 = arith.constant 1 : i32
      %mul3A_182 = arith.muli %scan3A_180, %mul3A_181 : i32
      %add3A_183 = arith.constant 0 : i32
      %add3A_184 = arith.addi %add3A_183, %mul3A_182 : i32
      %mul3A_185 = arith.constant 16 : i32
      %mul3A_186 = arith.muli %add3A_184, %mul3A_185 : i32
      %get3A = arith.index_cast %mul3A_186 : i32 to index
      %get3A_187 = tpu.vector_load %arg9[%get3A] {strides = array<i32>} : memref<256xi32, #tpu.memory_space<vmem>>, vector<16xi32>,
      %get3A_188 = arith.index_cast %mul3A_186 : i32 to index
      %get3A_189 = tpu.vector_load %arg10[%get3A_188] {strides = array<i32>} : memref<256xi32, #tpu.memory_space<vmem>>, vector<16xi32>,
      %mul3A_190 = arith.constant 512 : i32
      %mul3A_191 = vector.broadcast %mul3A_190 : i32 to vector<16xi32>
      %mul3A_192 = arith.muli %get3A_189, %mul3A_191 : vector<16xi32>
      %add3A_193 = arith.addi %get3A_187, %mul3A_192 : vector<16xi32>
      %swap3A = arith.index_cast %mul3A_186 : i32 to index
      %swap3A_194 = tpu.vector_load %arg9[%swap3A] {strides = array<i32>} : memref<256xi32, #tpu.memory_space<vmem>>, vector<16xi32>,
      tpu.vector_store %arg9[%swap3A], %add3A_193 {strides = array<i32>} : memref<256xi32, #tpu.memory_space<vmem>>, vector<16xi32>,
    }
    %scan3A_16 = arith.constant 16 : i32
    %dma_start3A_17 = arith.constant 0 : i32
    %dma_start3A_18 = tpu.memref_slice %arg8[%dma_start3A_17] : memref<256xi32, #tpu.memory_space<vmem>> -> memref<32xi32, #tpu.memory_space<vmem>>
    %dma_start3A_19 = arith.constant 0 : i32
    %dma_start3A_20 = arith.constant 0 : i32
    %dma_start3A_21 = tpu.memref_slice %arg5[%dma_start3A_19, %dma_start3A_20] : memref<30522x768xf32, #tpu.memory_space<hbm>> -> memref<30522x768xf32, #tpu.memory_space<hbm>>
    tpu.enqueue_indirect_dma source(%dma_start3A_21 : memref<30522x768xf32, #tpu.memory_space<hbm>>) target(%arg11 : memref<32x768xf32, #tpu.memory_space<vmem>>) offsets(%dma_start3A_18 : memref<32xi32, #tpu.memory_space<vmem>>) semaphore(%arg15 : memref<!tpu.dma_semaphore, #tpu.memory_space<semaphore_mem>>)
    %dma_start3A_22 = arith.constant 0 : i32
    %dma_start3A_23 = tpu.memref_slice %arg9[%dma_start3A_22] : memref<256xi32, #tpu.memory_space<vmem>> -> memref<32xi32, #tpu.memory_space<vmem>>
    %dma_start3A_24 = arith.constant 0 : i32
    %dma_start3A_25 = arith.constant 0 : i32
    %dma_start3A_26 = tpu.memref_slice %arg6[%dma_start3A_24, %dma_start3A_25] : memref<1024x768xf32, #tpu.memory_space<hbm>> -> memref<1024x768xf32, #tpu.memory_space<hbm>>
    tpu.enqueue_indirect_dma source(%dma_start3A_26 : memref<1024x768xf32, #tpu.memory_space<hbm>>) target(%arg13 : memref<32x768xf32, #tpu.memory_space<vmem>>) offsets(%dma_start3A_23 : memref<32xi32, #tpu.memory_space<vmem>>) semaphore(%arg15 : memref<!tpu.dma_semaphore, #tpu.memory_space<semaphore_mem>>)
    %scan3A_27 = arith.constant 0 : i32
    %scan3A_28 = arith.constant 4 : i32
    %scan3A_29 = arith.addi %scan3A_27, %scan3A_28 : i32
    %scan3A_30 = arith.constant 1 : i32
    scf.for %scan3A_180 = %scan3A_27 to %scan3A_29 step %scan3A_30  : i32 {
      %mul3A_181 = arith.constant 1 : i32
      %mul3A_182 = arith.muli %scan3A_180, %mul3A_181 : i32
      %add3A_183 = arith.constant 0 : i32
      %add3A_184 = arith.addi %add3A_183, %mul3A_182 : i32
      %mul3A_185 = arith.constant 2 : i32
      %mul3A_186 = arith.muli %add3A_184, %mul3A_185 : i32
      %gt3A = arith.constant 0 : i32
      %gt3A_187 = arith.cmpi sgt, %add3A_184, %gt3A : i32
      %convert_element_type3A = arith.extui %gt3A_187 : i1 to i32
      %cond3A = arith.constant 0 : i32
      %cond3A_188 = arith.cmpi ne, %convert_element_type3A, %cond3A : i32
      scf.if %cond3A_188 {
        %sub3A = arith.constant 1 : i32
        %sub3A_388 = arith.subi %mul3A_186, %sub3A : i32
        %mul3A_389 = arith.constant 32 : i32
        %mul3A_390 = arith.muli %sub3A_388, %mul3A_389 : i32
        %add3A_391 = arith.addi %mul3A_2, %mul3A_390 : i32
        %add3A_392 = arith.constant 0 : i32
        %add3A_393 = arith.addi %add3A_392, %add3A_391 : i32
        %dma_wait3A_394 = arith.constant 0 : i32
        %dma_wait3A_395 = arith.constant 0 : i32
        %dma_wait3A_396 = tpu.memref_slice %arg12[%dma_wait3A_394, %dma_wait3A_395] : memref<32x768xf32, #tpu.memory_space<vmem>> -> memref<32x128xf32, #tpu.memory_space<vmem>>
        %dma_wait3A_397 = arith.constant 0 : i32
        %dma_wait3A_398 = tpu.memref_slice %arg7[%add3A_393, %dma_wait3A_397] : memref<49152x128xf32, #tpu.memory_space<hbm>> -> memref<32x128xf32, #tpu.memory_space<hbm>>
        %dma_wait3A_399 = arith.constant 0 : i32
        %dma_wait3A_400 = tpu.memref_slice %arg7[%add3A_393, %dma_wait3A_399] : memref<49152x128xf32, #tpu.memory_space<hbm>> -> memref<32x128xf32, #tpu.memory_space<hbm>>
        %dma_wait3A_401 = arith.constant 0 : i32
        %dma_wait3A_402 = arith.constant 0 : i32
        %dma_wait3A_403 = tpu.memref_slice %arg12[%dma_wait3A_401, %dma_wait3A_402] : memref<32x768xf32, #tpu.memory_space<vmem>> -> memref<32x128xf32, #tpu.memory_space<vmem>>
        tpu.wait_dma2 semaphore(%arg18 : memref<!tpu.dma_semaphore, #tpu.memory_space<semaphore_mem>>) src(%dma_wait3A_403 : memref<32x128xf32, #tpu.memory_space<vmem>>) dst(%dma_wait3A_400 : memref<32x128xf32, #tpu.memory_space<hbm>>)
        %add3A_404 = arith.constant 8192 : i32
        %add3A_405 = arith.addi %add3A_404, %add3A_391 : i32
        %dma_wait3A_406 = arith.constant 0 : i32
        %dma_wait3A_407 = arith.constant 128 : i32
        %dma_wait3A_408 = tpu.memref_slice %arg12[%dma_wait3A_406, %dma_wait3A_407] : memref<32x768xf32, #tpu.memory_space<vmem>> -> memref<32x128xf32, #tpu.memory_space<vmem>>
        %dma_wait3A_409 = arith.constant 0 : i32
        %dma_wait3A_410 = tpu.memref_slice %arg7[%add3A_405, %dma_wait3A_409] : memref<49152x128xf32, #tpu.memory_space<hbm>> -> memref<32x128xf32, #tpu.memory_space<hbm>>
        %dma_wait3A_411 = arith.constant 0 : i32
        %dma_wait3A_412 = tpu.memref_slice %arg7[%add3A_405, %dma_wait3A_411] : memref<49152x128xf32, #tpu.memory_space<hbm>> -> memref<32x128xf32, #tpu.memory_space<hbm>>
        %dma_wait3A_413 = arith.constant 0 : i32
        %dma_wait3A_414 = arith.constant 128 : i32
        %dma_wait3A_415 = tpu.memref_slice %arg12[%dma_wait3A_413, %dma_wait3A_414] : memref<32x768xf32, #tpu.memory_space<vmem>> -> memref<32x128xf32, #tpu.memory_space<vmem>>
        tpu.wait_dma2 semaphore(%arg18 : memref<!tpu.dma_semaphore, #tpu.memory_space<semaphore_mem>>) src(%dma_wait3A_415 : memref<32x128xf32, #tpu.memory_space<vmem>>) dst(%dma_wait3A_412 : memref<32x128xf32, #tpu.memory_space<hbm>>)
        %add3A_416 = arith.constant 16384 : i32
        %add3A_417 = arith.addi %add3A_416, %add3A_391 : i32
        %dma_wait3A_418 = arith.constant 0 : i32
        %dma_wait3A_419 = arith.constant 256 : i32
        %dma_wait3A_420 = tpu.memref_slice %arg12[%dma_wait3A_418, %dma_wait3A_419] : memref<32x768xf32, #tpu.memory_space<vmem>> -> memref<32x128xf32, #tpu.memory_space<vmem>>
        %dma_wait3A_421 = arith.constant 0 : i32
        %dma_wait3A_422 = tpu.memref_slice %arg7[%add3A_417, %dma_wait3A_421] : memref<49152x128xf32, #tpu.memory_space<hbm>> -> memref<32x128xf32, #tpu.memory_space<hbm>>
        %dma_wait3A_423 = arith.constant 0 : i32
        %dma_wait3A_424 = tpu.memref_slice %arg7[%add3A_417, %dma_wait3A_423] : memref<49152x128xf32, #tpu.memory_space<hbm>> -> memref<32x128xf32, #tpu.memory_space<hbm>>
        %dma_wait3A_425 = arith.constant 0 : i32
        %dma_wait3A_426 = arith.constant 256 : i32
        %dma_wait3A_427 = tpu.memref_slice %arg12[%dma_wait3A_425, %dma_wait3A_426] : memref<32x768xf32, #tpu.memory_space<vmem>> -> memref<32x128xf32, #tpu.memory_space<vmem>>
        tpu.wait_dma2 semaphore(%arg18 : memref<!tpu.dma_semaphore, #tpu.memory_space<semaphore_mem>>) src(%dma_wait3A_427 : memref<32x128xf32, #tpu.memory_space<vmem>>) dst(%dma_wait3A_424 : memref<32x128xf32, #tpu.memory_space<hbm>>)
        %add3A_428 = arith.constant 24576 : i32
        %add3A_429 = arith.addi %add3A_428, %add3A_391 : i32
        %dma_wait3A_430 = arith.constant 0 : i32
        %dma_wait3A_431 = arith.constant 384 : i32
        %dma_wait3A_432 = tpu.memref_slice %arg12[%dma_wait3A_430, %dma_wait3A_431] : memref<32x768xf32, #tpu.memory_space<vmem>> -> memref<32x128xf32, #tpu.memory_space<vmem>>
        %dma_wait3A_433 = arith.constant 0 : i32
        %dma_wait3A_434 = tpu.memref_slice %arg7[%add3A_429, %dma_wait3A_433] : memref<49152x128xf32, #tpu.memory_space<hbm>> -> memref<32x128xf32, #tpu.memory_space<hbm>>
        %dma_wait3A_435 = arith.constant 0 : i32
        %dma_wait3A_436 = tpu.memref_slice %arg7[%add3A_429, %dma_wait3A_435] : memref<49152x128xf32, #tpu.memory_space<hbm>> -> memref<32x128xf32, #tpu.memory_space<hbm>>
        %dma_wait3A_437 = arith.constant 0 : i32
        %dma_wait3A_438 = arith.constant 384 : i32
        %dma_wait3A_439 = tpu.memref_slice %arg12[%dma_wait3A_437, %dma_wait3A_438] : memref<32x768xf32, #tpu.memory_space<vmem>> -> memref<32x128xf32, #tpu.memory_space<vmem>>
        tpu.wait_dma2 semaphore(%arg18 : memref<!tpu.dma_semaphore, #tpu.memory_space<semaphore_mem>>) src(%dma_wait3A_439 : memref<32x128xf32, #tpu.memory_space<vmem>>) dst(%dma_wait3A_436 : memref<32x128xf32, #tpu.memory_space<hbm>>)
        %add3A_440 = arith.constant 32768 : i32
        %add3A_441 = arith.addi %add3A_440, %add3A_391 : i32
        %dma_wait3A_442 = arith.constant 0 : i32
        %dma_wait3A_443 = arith.constant 512 : i32
        %dma_wait3A_444 = tpu.memref_slice %arg12[%dma_wait3A_442, %dma_wait3A_443] : memref<32x768xf32, #tpu.memory_space<vmem>> -> memref<32x128xf32, #tpu.memory_space<vmem>>
        %dma_wait3A_445 = arith.constant 0 : i32
        %dma_wait3A_446 = tpu.memref_slice %arg7[%add3A_441, %dma_wait3A_445] : memref<49152x128xf32, #tpu.memory_space<hbm>> -> memref<32x128xf32, #tpu.memory_space<hbm>>
        %dma_wait3A_447 = arith.constant 0 : i32
        %dma_wait3A_448 = tpu.memref_slice %arg7[%add3A_441, %dma_wait3A_447] : memref<49152x128xf32, #tpu.memory_space<hbm>> -> memref<32x128xf32, #tpu.memory_space<hbm>>
        %dma_wait3A_449 = arith.constant 0 : i32
        %dma_wait3A_450 = arith.constant 512 : i32
        %dma_wait3A_451 = tpu.memref_slice %arg12[%dma_wait3A_449, %dma_wait3A_450] : memref<32x768xf32, #tpu.memory_space<vmem>> -> memref<32x128xf32, #tpu.memory_space<vmem>>
        tpu.wait_dma2 semaphore(%arg18 : memref<!tpu.dma_semaphore, #tpu.memory_space<semaphore_mem>>) src(%dma_wait3A_451 : memref<32x128xf32, #tpu.memory_space<vmem>>) dst(%dma_wait3A_448 : memref<32x128xf32, #tpu.memory_space<hbm>>)
        %add3A_452 = arith.constant 40960 : i32
        %add3A_453 = arith.addi %add3A_452, %add3A_391 : i32
        %dma_wait3A_454 = arith.constant 0 : i32
        %dma_wait3A_455 = arith.constant 640 : i32
        %dma_wait3A_456 = tpu.memref_slice %arg12[%dma_wait3A_454, %dma_wait3A_455] : memref<32x768xf32, #tpu.memory_space<vmem>> -> memref<32x128xf32, #tpu.memory_space<vmem>>
        %dma_wait3A_457 = arith.constant 0 : i32
        %dma_wait3A_458 = tpu.memref_slice %arg7[%add3A_453, %dma_wait3A_457] : memref<49152x128xf32, #tpu.memory_space<hbm>> -> memref<32x128xf32, #tpu.memory_space<hbm>>
        %dma_wait3A_459 = arith.constant 0 : i32
        %dma_wait3A_460 = tpu.memref_slice %arg7[%add3A_453, %dma_wait3A_459] : memref<49152x128xf32, #tpu.memory_space<hbm>> -> memref<32x128xf32, #tpu.memory_space<hbm>>
        %dma_wait3A_461 = arith.constant 0 : i32
        %dma_wait3A_462 = arith.constant 640 : i32
        %dma_wait3A_463 = tpu.memref_slice %arg12[%dma_wait3A_461, %dma_wait3A_462] : memref<32x768xf32, #tpu.memory_space<vmem>> -> memref<32x128xf32, #tpu.memory_space<vmem>>
        tpu.wait_dma2 semaphore(%arg18 : memref<!tpu.dma_semaphore, #tpu.memory_space<semaphore_mem>>) src(%dma_wait3A_463 : memref<32x128xf32, #tpu.memory_space<vmem>>) dst(%dma_wait3A_460 : memref<32x128xf32, #tpu.memory_space<hbm>>)
      } else {
      }
      %add3A_189 = arith.constant 1 : i32
      %add3A_190 = arith.addi %mul3A_186, %add3A_189 : i32
      %mul3A_191 = arith.constant 32 : i32
      %mul3A_192 = arith.muli %add3A_190, %mul3A_191 : i32
      %dma_start3A_193 = tpu.memref_slice %arg8[%mul3A_192] : memref<256xi32, #tpu.memory_space<vmem>> -> memref<32xi32, #tpu.memory_space<vmem>>
      %dma_start3A_194 = arith.constant 0 : i32
      %dma_start3A_195 = arith.constant 0 : i32
      %dma_start3A_196 = tpu.memref_slice %arg5[%dma_start3A_194, %dma_start3A_195] : memref<30522x768xf32, #tpu.memory_space<hbm>> -> memref<30522x768xf32, #tpu.memory_space<hbm>>
      tpu.enqueue_indirect_dma source(%dma_start3A_196 : memref<30522x768xf32, #tpu.memory_space<hbm>>) target(%arg12 : memref<32x768xf32, #tpu.memory_space<vmem>>) offsets(%dma_start3A_193 : memref<32xi32, #tpu.memory_space<vmem>>) semaphore(%arg16 : memref<!tpu.dma_semaphore, #tpu.memory_space<semaphore_mem>>)
      %dma_start3A_197 = tpu.memref_slice %arg9[%mul3A_192] : memref<256xi32, #tpu.memory_space<vmem>> -> memref<32xi32, #tpu.memory_space<vmem>>
      %dma_start3A_198 = arith.constant 0 : i32
      %dma_start3A_199 = arith.constant 0 : i32
      %dma_start3A_200 = tpu.memref_slice %arg6[%dma_start3A_198, %dma_start3A_199] : memref<1024x768xf32, #tpu.memory_space<hbm>> -> memref<1024x768xf32, #tpu.memory_space<hbm>>
      tpu.enqueue_indirect_dma source(%dma_start3A_200 : memref<1024x768xf32, #tpu.memory_space<hbm>>) target(%arg14 : memref<32x768xf32, #tpu.memory_space<vmem>>) offsets(%dma_start3A_197 : memref<32xi32, #tpu.memory_space<vmem>>) semaphore(%arg16 : memref<!tpu.dma_semaphore, #tpu.memory_space<semaphore_mem>>)
      %mul3A_201 = arith.constant 32 : i32
      %mul3A_202 = arith.muli %mul3A_186, %mul3A_201 : i32
      %dma_wait3A_203 = tpu.memref_slice %arg8[%mul3A_202] : memref<256xi32, #tpu.memory_space<vmem>> -> memref<32xi32, #tpu.memory_space<vmem>>
      %dma_wait3A_204 = arith.constant 0 : i32
      %dma_wait3A_205 = arith.constant 0 : i32
      %dma_wait3A_206 = tpu.memref_slice %arg5[%dma_wait3A_204, %dma_wait3A_205] : memref<30522x768xf32, #tpu.memory_space<hbm>> -> memref<30522x768xf32, #tpu.memory_space<hbm>>
      tpu.wait_indirect_dma semaphore(%arg15 : memref<!tpu.dma_semaphore, #tpu.memory_space<semaphore_mem>>) src(%dma_wait3A_206 : memref<30522x768xf32, #tpu.memory_space<hbm>>) dst(%arg11 : memref<32x768xf32, #tpu.memory_space<vmem>>)
      %dma_wait3A_207 = tpu.memref_slice %arg9[%mul3A_202] : memref<256xi32, #tpu.memory_space<vmem>> -> memref<32xi32, #tpu.memory_space<vmem>>
      %dma_wait3A_208 = arith.constant 0 : i32
      %dma_wait3A_209 = arith.constant 0 : i32
      %dma_wait3A_210 = tpu.memref_slice %arg6[%dma_wait3A_208, %dma_wait3A_209] : memref<1024x768xf32, #tpu.memory_space<hbm>> -> memref<1024x768xf32, #tpu.memory_space<hbm>>
      tpu.wait_indirect_dma semaphore(%arg15 : memref<!tpu.dma_semaphore, #tpu.memory_space<semaphore_mem>>) src(%dma_wait3A_210 : memref<1024x768xf32, #tpu.memory_space<hbm>>) dst(%arg13 : memref<32x768xf32, #tpu.memory_space<vmem>>)
      %parallel_loop3A = arith.constant 0 : i32
      %parallel_loop3A_211 = arith.constant 32 : i32
      %parallel_loop3A_212 = arith.constant 1 : i32
      scf.for %parallel_loop3A_388 = %parallel_loop3A to %parallel_loop3A_211 step %parallel_loop3A_212  : i32 {
        %parallel_loop3A_389 = arith.index_cast %parallel_loop3A_388 : i32 to index
        %parallel_loop3A_390 = arith.constant 0 : index
        %parallel_loop3A_391 = tpu.vector_load %arg11[%parallel_loop3A_389, %parallel_loop3A_390] {strides = array<i32>} : memref<32x768xf32, #tpu.memory_space<vmem>>, vector<16xf32>,
        %parallel_loop3A_392 = arith.index_cast %parallel_loop3A_388 : i32 to index
        %parallel_loop3A_393 = arith.constant 0 : index
        %parallel_loop3A_394 = tpu.vector_load %arg13[%parallel_loop3A_392, %parallel_loop3A_393] {strides = array<i32>} : memref<32x768xf32, #tpu.memory_space<vmem>>, vector<16xf32>,
        %parallel_loop3A_395 = arith.addf %parallel_loop3A_391, %parallel_loop3A_394 : vector<16xf32>
        %parallel_loop3A_396 = arith.index_cast %parallel_loop3A_388 : i32 to index
        %parallel_loop3A_397 = arith.constant 0 : index
        %parallel_loop3A_398 = tpu.vector_load %arg11[%parallel_loop3A_396, %parallel_loop3A_397] {strides = array<i32>} : memref<32x768xf32, #tpu.memory_space<vmem>>, vector<16xf32>,
        tpu.vector_store %arg11[%parallel_loop3A_396, %parallel_loop3A_397], %parallel_loop3A_395 {strides = array<i32>} : memref<32x768xf32, #tpu.memory_space<vmem>>, vector<16xf32>,
        %parallel_loop3A_399 = arith.index_cast %parallel_loop3A_388 : i32 to index
        %parallel_loop3A_400 = arith.constant 16 : index
        %parallel_loop3A_401 = tpu.vector_load %arg11[%parallel_loop3A_399, %parallel_loop3A_400] {strides = array<i32>} : memref<32x768xf32, #tpu.memory_space<vmem>>, vector<16xf32>,
        %parallel_loop3A_402 = arith.index_cast %parallel_loop3A_388 : i32 to index
        %parallel_loop3A_403 = arith.constant 16 : index
        %parallel_loop3A_404 = tpu.vector_load %arg13[%parallel_loop3A_402, %parallel_loop3A_403] {strides = array<i32>} : memref<32x768xf32, #tpu.memory_space<vmem>>, vector<16xf32>,
        %parallel_loop3A_405 = arith.addf %parallel_loop3A_401, %parallel_loop3A_404 : vector<16xf32>
        %parallel_loop3A_406 = arith.index_cast %parallel_loop3A_388 : i32 to index
        %parallel_loop3A_407 = arith.constant 16 : index
        %parallel_loop3A_408 = tpu.vector_load %arg11[%parallel_loop3A_406, %parallel_loop3A_407] {strides = array<i32>} : memref<32x768xf32, #tpu.memory_space<vmem>>, vector<16xf32>,
        tpu.vector_store %arg11[%parallel_loop3A_406, %parallel_loop3A_407], %parallel_loop3A_405 {strides = array<i32>} : memref<32x768xf32, #tpu.memory_space<vmem>>, vector<16xf32>,
        %parallel_loop3A_409 = arith.index_cast %parallel_loop3A_388 : i32 to index
        %parallel_loop3A_410 = arith.constant 32 : index
        %parallel_loop3A_411 = tpu.vector_load %arg11[%parallel_loop3A_409, %parallel_loop3A_410] {strides = array<i32>} : memref<32x768xf32, #tpu.memory_space<vmem>>, vector<16xf32>,
        %parallel_loop3A_412 = arith.index_cast %parallel_loop3A_388 : i32 to index
        %parallel_loop3A_413 = arith.constant 32 : index
        %parallel_loop3A_414 = tpu.vector_load %arg13[%parallel_loop3A_412, %parallel_loop3A_413] {strides = array<i32>} : memref<32x768xf32, #tpu.memory_space<vmem>>, vector<16xf32>,
        %parallel_loop3A_415 = arith.addf %parallel_loop3A_411, %parallel_loop3A_414 : vector<16xf32>
        %parallel_loop3A_416 = arith.index_cast %parallel_loop3A_388 : i32 to index
        %parallel_loop3A_417 = arith.constant 32 : index
        %parallel_loop3A_418 = tpu.vector_load %arg11[%parallel_loop3A_416, %parallel_loop3A_417] {strides = array<i32>} : memref<32x768xf32, #tpu.memory_space<vmem>>, vector<16xf32>,
        tpu.vector_store %arg11[%parallel_loop3A_416, %parallel_loop3A_417], %parallel_loop3A_415 {strides = array<i32>} : memref<32x768xf32, #tpu.memory_space<vmem>>, vector<16xf32>,
        %parallel_loop3A_419 = arith.index_cast %parallel_loop3A_388 : i32 to index
        %parallel_loop3A_420 = arith.constant 48 : index
        %parallel_loop3A_421 = tpu.vector_load %arg11[%parallel_loop3A_419, %parallel_loop3A_420] {strides = array<i32>} : memref<32x768xf32, #tpu.memory_space<vmem>>, vector<16xf32>,
        %parallel_loop3A_422 = arith.index_cast %parallel_loop3A_388 : i32 to index
        %parallel_loop3A_423 = arith.constant 48 : index
        %parallel_loop3A_424 = tpu.vector_load %arg13[%parallel_loop3A_422, %parallel_loop3A_423] {strides = array<i32>} : memref<32x768xf32, #tpu.memory_space<vmem>>, vector<16xf32>,
        %parallel_loop3A_425 = arith.addf %parallel_loop3A_421, %parallel_loop3A_424 : vector<16xf32>
        %parallel_loop3A_426 = arith.index_cast %parallel_loop3A_388 : i32 to index
        %parallel_loop3A_427 = arith.constant 48 : index
        %parallel_loop3A_428 = tpu.vector_load %arg11[%parallel_loop3A_426, %parallel_loop3A_427] {strides = array<i32>} : memref<32x768xf32, #tpu.memory_space<vmem>>, vector<16xf32>,
        tpu.vector_store %arg11[%parallel_loop3A_426, %parallel_loop3A_427], %parallel_loop3A_425 {strides = array<i32>} : memref<32x768xf32, #tpu.memory_space<vmem>>, vector<16xf32>,
        %parallel_loop3A_429 = arith.index_cast %parallel_loop3A_388 : i32 to index
        %parallel_loop3A_430 = arith.constant 64 : index
        %parallel_loop3A_431 = tpu.vector_load %arg11[%parallel_loop3A_429, %parallel_loop3A_430] {strides = array<i32>} : memref<32x768xf32, #tpu.memory_space<vmem>>, vector<16xf32>,
        %parallel_loop3A_432 = arith.index_cast %parallel_loop3A_388 : i32 to index
        %parallel_loop3A_433 = arith.constant 64 : index
        %parallel_loop3A_434 = tpu.vector_load %arg13[%parallel_loop3A_432, %parallel_loop3A_433] {strides = array<i32>} : memref<32x768xf32, #tpu.memory_space<vmem>>, vector<16xf32>,
        %parallel_loop3A_435 = arith.addf %parallel_loop3A_431, %parallel_loop3A_434 : vector<16xf32>
        %parallel_loop3A_436 = arith.index_cast %parallel_loop3A_388 : i32 to index
        %parallel_loop3A_437 = arith.constant 64 : index
        %parallel_loop3A_438 = tpu.vector_load %arg11[%parallel_loop3A_436, %parallel_loop3A_437] {strides = array<i32>} : memref<32x768xf32, #tpu.memory_space<vmem>>, vector<16xf32>,
        tpu.vector_store %arg11[%parallel_loop3A_436, %parallel_loop3A_437], %parallel_loop3A_435 {strides = array<i32>} : memref<32x768xf32, #tpu.memory_space<vmem>>, vector<16xf32>,
        %parallel_loop3A_439 = arith.index_cast %parallel_loop3A_388 : i32 to index
        %parallel_loop3A_440 = arith.constant 80 : index
        %parallel_loop3A_441 = tpu.vector_load %arg11[%parallel_loop3A_439, %parallel_loop3A_440] {strides = array<i32>} : memref<32x768xf32, #tpu.memory_space<vmem>>, vector<16xf32>,
        %parallel_loop3A_442 = arith.index_cast %parallel_loop3A_388 : i32 to index
        %parallel_loop3A_443 = arith.constant 80 : index
        %parallel_loop3A_444 = tpu.vector_load %arg13[%parallel_loop3A_442, %parallel_loop3A_443] {strides = array<i32>} : memref<32x768xf32, #tpu.memory_space<vmem>>, vector<16xf32>,
        %parallel_loop3A_445 = arith.addf %parallel_loop3A_441, %parallel_loop3A_444 : vector<16xf32>
        %parallel_loop3A_446 = arith.index_cast %parallel_loop3A_388 : i32 to index
        %parallel_loop3A_447 = arith.constant 80 : index
        %parallel_loop3A_448 = tpu.vector_load %arg11[%parallel_loop3A_446, %parallel_loop3A_447] {strides = array<i32>} : memref<32x768xf32, #tpu.memory_space<vmem>>, vector<16xf32>,
        tpu.vector_store %arg11[%parallel_loop3A_446, %parallel_loop3A_447], %parallel_loop3A_445 {strides = array<i32>} : memref<32x768xf32, #tpu.memory_space<vmem>>, vector<16xf32>,
        %parallel_loop3A_449 = arith.index_cast %parallel_loop3A_388 : i32 to index
        %parallel_loop3A_450 = arith.constant 96 : index
        %parallel_loop3A_451 = tpu.vector_load %arg11[%parallel_loop3A_449, %parallel_loop3A_450] {strides = array<i32>} : memref<32x768xf32, #tpu.memory_space<vmem>>, vector<16xf32>,
        %parallel_loop3A_452 = arith.index_cast %parallel_loop3A_388 : i32 to index
        %parallel_loop3A_453 = arith.constant 96 : index
        %parallel_loop3A_454 = tpu.vector_load %arg13[%parallel_loop3A_452, %parallel_loop3A_453] {strides = array<i32>} : memref<32x768xf32, #tpu.memory_space<vmem>>, vector<16xf32>,
        %parallel_loop3A_455 = arith.addf %parallel_loop3A_451, %parallel_loop3A_454 : vector<16xf32>
        %parallel_loop3A_456 = arith.index_cast %parallel_loop3A_388 : i32 to index
        %parallel_loop3A_457 = arith.constant 96 : index
        %parallel_loop3A_458 = tpu.vector_load %arg11[%parallel_loop3A_456, %parallel_loop3A_457] {strides = array<i32>} : memref<32x768xf32, #tpu.memory_space<vmem>>, vector<16xf32>,
        tpu.vector_store %arg11[%parallel_loop3A_456, %parallel_loop3A_457], %parallel_loop3A_455 {strides = array<i32>} : memref<32x768xf32, #tpu.memory_space<vmem>>, vector<16xf32>,
        %parallel_loop3A_459 = arith.index_cast %parallel_loop3A_388 : i32 to index
        %parallel_loop3A_460 = arith.constant 112 : index
        %parallel_loop3A_461 = tpu.vector_load %arg11[%parallel_loop3A_459, %parallel_loop3A_460] {strides = array<i32>} : memref<32x768xf32, #tpu.memory_space<vmem>>, vector<16xf32>,
        %parallel_loop3A_462 = arith.index_cast %parallel_loop3A_388 : i32 to index
        %parallel_loop3A_463 = arith.constant 112 : index
        %parallel_loop3A_464 = tpu.vector_load %arg13[%parallel_loop3A_462, %parallel_loop3A_463] {strides = array<i32>} : memref<32x768xf32, #tpu.memory_space<vmem>>, vector<16xf32>,
        %parallel_loop3A_465 = arith.addf %parallel_loop3A_461, %parallel_loop3A_464 : vector<16xf32>
        %parallel_loop3A_466 = arith.index_cast %parallel_loop3A_388 : i32 to index
        %parallel_loop3A_467 = arith.constant 112 : index
        %parallel_loop3A_468 = tpu.vector_load %arg11[%parallel_loop3A_466, %parallel_loop3A_467] {strides = array<i32>} : memref<32x768xf32, #tpu.memory_space<vmem>>, vector<16xf32>,
        tpu.vector_store %arg11[%parallel_loop3A_466, %parallel_loop3A_467], %parallel_loop3A_465 {strides = array<i32>} : memref<32x768xf32, #tpu.memory_space<vmem>>, vector<16xf32>,
        %parallel_loop3A_469 = arith.index_cast %parallel_loop3A_388 : i32 to index
        %parallel_loop3A_470 = arith.constant 128 : index
        %parallel_loop3A_471 = tpu.vector_load %arg11[%parallel_loop3A_469, %parallel_loop3A_470] {strides = array<i32>} : memref<32x768xf32, #tpu.memory_space<vmem>>, vector<16xf32>,
        %parallel_loop3A_472 = arith.index_cast %parallel_loop3A_388 : i32 to index
        %parallel_loop3A_473 = arith.constant 128 : index
        %parallel_loop3A_474 = tpu.vector_load %arg13[%parallel_loop3A_472, %parallel_loop3A_473] {strides = array<i32>} : memref<32x768xf32, #tpu.memory_space<vmem>>, vector<16xf32>,
        %parallel_loop3A_475 = arith.addf %parallel_loop3A_471, %parallel_loop3A_474 : vector<16xf32>
        %parallel_loop3A_476 = arith.index_cast %parallel_loop3A_388 : i32 to index
        %parallel_loop3A_477 = arith.constant 128 : index
        %parallel_loop3A_478 = tpu.vector_load %arg11[%parallel_loop3A_476, %parallel_loop3A_477] {strides = array<i32>} : memref<32x768xf32, #tpu.memory_space<vmem>>, vector<16xf32>,
        tpu.vector_store %arg11[%parallel_loop3A_476, %parallel_loop3A_477], %parallel_loop3A_475 {strides = array<i32>} : memref<32x768xf32, #tpu.memory_space<vmem>>, vector<16xf32>,
        %parallel_loop3A_479 = arith.index_cast %parallel_loop3A_388 : i32 to index
        %parallel_loop3A_480 = arith.constant 144 : index
        %parallel_loop3A_481 = tpu.vector_load %arg11[%parallel_loop3A_479, %parallel_loop3A_480] {strides = array<i32>} : memref<32x768xf32, #tpu.memory_space<vmem>>, vector<16xf32>,
        %parallel_loop3A_482 = arith.index_cast %parallel_loop3A_388 : i32 to index
        %parallel_loop3A_483 = arith.constant 144 : index
        %parallel_loop3A_484 = tpu.vector_load %arg13[%parallel_loop3A_482, %parallel_loop3A_483] {strides = array<i32>} : memref<32x768xf32, #tpu.memory_space<vmem>>, vector<16xf32>,
        %parallel_loop3A_485 = arith.addf %parallel_loop3A_481, %parallel_loop3A_484 : vector<16xf32>
        %parallel_loop3A_486 = arith.index_cast %parallel_loop3A_388 : i32 to index
        %parallel_loop3A_487 = arith.constant 144 : index
        %parallel_loop3A_488 = tpu.vector_load %arg11[%parallel_loop3A_486, %parallel_loop3A_487] {strides = array<i32>} : memref<32x768xf32, #tpu.memory_space<vmem>>, vector<16xf32>,
        tpu.vector_store %arg11[%parallel_loop3A_486, %parallel_loop3A_487], %parallel_loop3A_485 {strides = array<i32>} : memref<32x768xf32, #tpu.memory_space<vmem>>, vector<16xf32>,
        %parallel_loop3A_489 = arith.index_cast %parallel_loop3A_388 : i32 to index
        %parallel_loop3A_490 = arith.constant 160 : index
        %parallel_loop3A_491 = tpu.vector_load %arg11[%parallel_loop3A_489, %parallel_loop3A_490] {strides = array<i32>} : memref<32x768xf32, #tpu.memory_space<vmem>>, vector<16xf32>,
        %parallel_loop3A_492 = arith.index_cast %parallel_loop3A_388 : i32 to index
        %parallel_loop3A_493 = arith.constant 160 : index
        %parallel_loop3A_494 = tpu.vector_load %arg13[%parallel_loop3A_492, %parallel_loop3A_493] {strides = array<i32>} : memref<32x768xf32, #tpu.memory_space<vmem>>, vector<16xf32>,
        %parallel_loop3A_495 = arith.addf %parallel_loop3A_491, %parallel_loop3A_494 : vector<16xf32>
        %parallel_loop3A_496 = arith.index_cast %parallel_loop3A_388 : i32 to index
        %parallel_loop3A_497 = arith.constant 160 : index
        %parallel_loop3A_498 = tpu.vector_load %arg11[%parallel_loop3A_496, %parallel_loop3A_497] {strides = array<i32>} : memref<32x768xf32, #tpu.memory_space<vmem>>, vector<16xf32>,
        tpu.vector_store %arg11[%parallel_loop3A_496, %parallel_loop3A_497], %parallel_loop3A_495 {strides = array<i32>} : memref<32x768xf32, #tpu.memory_space<vmem>>, vector<16xf32>,
        %parallel_loop3A_499 = arith.index_cast %parallel_loop3A_388 : i32 to index
        %parallel_loop3A_500 = arith.constant 176 : index
        %parallel_loop3A_501 = tpu.vector_load %arg11[%parallel_loop3A_499, %parallel_loop3A_500] {strides = array<i32>} : memref<32x768xf32, #tpu.memory_space<vmem>>, vector<16xf32>,
        %parallel_loop3A_502 = arith.index_cast %parallel_loop3A_388 : i32 to index
        %parallel_loop3A_503 = arith.constant 176 : index
        %parallel_loop3A_504 = tpu.vector_load %arg13[%parallel_loop3A_502, %parallel_loop3A_503] {strides = array<i32>} : memref<32x768xf32, #tpu.memory_space<vmem>>, vector<16xf32>,
        %parallel_loop3A_505 = arith.addf %parallel_loop3A_501, %parallel_loop3A_504 : vector<16xf32>
        %parallel_loop3A_506 = arith.index_cast %parallel_loop3A_388 : i32 to index
        %parallel_loop3A_507 = arith.constant 176 : index
        %parallel_loop3A_508 = tpu.vector_load %arg11[%parallel_loop3A_506, %parallel_loop3A_507] {strides = array<i32>} : memref<32x768xf32, #tpu.memory_space<vmem>>, vector<16xf32>,
        tpu.vector_store %arg11[%parallel_loop3A_506, %parallel_loop3A_507], %parallel_loop3A_505 {strides = array<i32>} : memref<32x768xf32, #tpu.memory_space<vmem>>, vector<16xf32>,
        %parallel_loop3A_509 = arith.index_cast %parallel_loop3A_388 : i32 to index
        %parallel_loop3A_510 = arith.constant 192 : index
        %parallel_loop3A_511 = tpu.vector_load %arg11[%parallel_loop3A_509, %parallel_loop3A_510] {strides = array<i32>} : memref<32x768xf32, #tpu.memory_space<vmem>>, vector<16xf32>,
        %parallel_loop3A_512 = arith.index_cast %parallel_loop3A_388 : i32 to index
        %parallel_loop3A_513 = arith.constant 192 : index
        %parallel_loop3A_514 = tpu.vector_load %arg13[%parallel_loop3A_512, %parallel_loop3A_513] {strides = array<i32>} : memref<32x768xf32, #tpu.memory_space<vmem>>, vector<16xf32>,
        %parallel_loop3A_515 = arith.addf %parallel_loop3A_511, %parallel_loop3A_514 : vector<16xf32>
        %parallel_loop3A_516 = arith.index_cast %parallel_loop3A_388 : i32 to index
        %parallel_loop3A_517 = arith.constant 192 : index
        %parallel_loop3A_518 = tpu.vector_load %arg11[%parallel_loop3A_516, %parallel_loop3A_517] {strides = array<i32>} : memref<32x768xf32, #tpu.memory_space<vmem>>, vector<16xf32>,
        tpu.vector_store %arg11[%parallel_loop3A_516, %parallel_loop3A_517], %parallel_loop3A_515 {strides = array<i32>} : memref<32x768xf32, #tpu.memory_space<vmem>>, vector<16xf32>,
        %parallel_loop3A_519 = arith.index_cast %parallel_loop3A_388 : i32 to index
        %parallel_loop3A_520 = arith.constant 208 : index
        %parallel_loop3A_521 = tpu.vector_load %arg11[%parallel_loop3A_519, %parallel_loop3A_520] {strides = array<i32>} : memref<32x768xf32, #tpu.memory_space<vmem>>, vector<16xf32>,
        %parallel_loop3A_522 = arith.index_cast %parallel_loop3A_388 : i32 to index
        %parallel_loop3A_523 = arith.constant 208 : index
        %parallel_loop3A_524 = tpu.vector_load %arg13[%parallel_loop3A_522, %parallel_loop3A_523] {strides = array<i32>} : memref<32x768xf32, #tpu.memory_space<vmem>>, vector<16xf32>,
        %parallel_loop3A_525 = arith.addf %parallel_loop3A_521, %parallel_loop3A_524 : vector<16xf32>
        %parallel_loop3A_526 = arith.index_cast %parallel_loop3A_388 : i32 to index
        %parallel_loop3A_527 = arith.constant 208 : index
        %parallel_loop3A_528 = tpu.vector_load %arg11[%parallel_loop3A_526, %parallel_loop3A_527] {strides = array<i32>} : memref<32x768xf32, #tpu.memory_space<vmem>>, vector<16xf32>,
        tpu.vector_store %arg11[%parallel_loop3A_526, %parallel_loop3A_527], %parallel_loop3A_525 {strides = array<i32>} : memref<32x768xf32, #tpu.memory_space<vmem>>, vector<16xf32>,
        %parallel_loop3A_529 = arith.index_cast %parallel_loop3A_388 : i32 to index
        %parallel_loop3A_530 = arith.constant 224 : index
        %parallel_loop3A_531 = tpu.vector_load %arg11[%parallel_loop3A_529, %parallel_loop3A_530] {strides = array<i32>} : memref<32x768xf32, #tpu.memory_space<vmem>>, vector<16xf32>,
        %parallel_loop3A_532 = arith.index_cast %parallel_loop3A_388 : i32 to index
        %parallel_loop3A_533 = arith.constant 224 : index
        %parallel_loop3A_534 = tpu.vector_load %arg13[%parallel_loop3A_532, %parallel_loop3A_533] {strides = array<i32>} : memref<32x768xf32, #tpu.memory_space<vmem>>, vector<16xf32>,
        %parallel_loop3A_535 = arith.addf %parallel_loop3A_531, %parallel_loop3A_534 : vector<16xf32>
        %parallel_loop3A_536 = arith.index_cast %parallel_loop3A_388 : i32 to index
        %parallel_loop3A_537 = arith.constant 224 : index
        %parallel_loop3A_538 = tpu.vector_load %arg11[%parallel_loop3A_536, %parallel_loop3A_537] {strides = array<i32>} : memref<32x768xf32, #tpu.memory_space<vmem>>, vector<16xf32>,
        tpu.vector_store %arg11[%parallel_loop3A_536, %parallel_loop3A_537], %parallel_loop3A_535 {strides = array<i32>} : memref<32x768xf32, #tpu.memory_space<vmem>>, vector<16xf32>,
        %parallel_loop3A_539 = arith.index_cast %parallel_loop3A_388 : i32 to index
        %parallel_loop3A_540 = arith.constant 240 : index
        %parallel_loop3A_541 = tpu.vector_load %arg11[%parallel_loop3A_539, %parallel_loop3A_540] {strides = array<i32>} : memref<32x768xf32, #tpu.memory_space<vmem>>, vector<16xf32>,
        %parallel_loop3A_542 = arith.index_cast %parallel_loop3A_388 : i32 to index
        %parallel_loop3A_543 = arith.constant 240 : index
        %parallel_loop3A_544 = tpu.vector_load %arg13[%parallel_loop3A_542, %parallel_loop3A_543] {strides = array<i32>} : memref<32x768xf32, #tpu.memory_space<vmem>>, vector<16xf32>,
        %parallel_loop3A_545 = arith.addf %parallel_loop3A_541, %parallel_loop3A_544 : vector<16xf32>
        %parallel_loop3A_546 = arith.index_cast %parallel_loop3A_388 : i32 to index
        %parallel_loop3A_547 = arith.constant 240 : index
        %parallel_loop3A_548 = tpu.vector_load %arg11[%parallel_loop3A_546, %parallel_loop3A_547] {strides = array<i32>} : memref<32x768xf32, #tpu.memory_space<vmem>>, vector<16xf32>,
        tpu.vector_store %arg11[%parallel_loop3A_546, %parallel_loop3A_547], %parallel_loop3A_545 {strides = array<i32>} : memref<32x768xf32, #tpu.memory_space<vmem>>, vector<16xf32>,
        %parallel_loop3A_549 = arith.index_cast %parallel_loop3A_388 : i32 to index
        %parallel_loop3A_550 = arith.constant 256 : index
        %parallel_loop3A_551 = tpu.vector_load %arg11[%parallel_loop3A_549, %parallel_loop3A_550] {strides = array<i32>} : memref<32x768xf32, #tpu.memory_space<vmem>>, vector<16xf32>,
        %parallel_loop3A_552 = arith.index_cast %parallel_loop3A_388 : i32 to index
        %parallel_loop3A_553 = arith.constant 256 : index
        %parallel_loop3A_554 = tpu.vector_load %arg13[%parallel_loop3A_552, %parallel_loop3A_553] {strides = array<i32>} : memref<32x768xf32, #tpu.memory_space<vmem>>, vector<16xf32>,
        %parallel_loop3A_555 = arith.addf %parallel_loop3A_551, %parallel_loop3A_554 : vector<16xf32>
        %parallel_loop3A_556 = arith.index_cast %parallel_loop3A_388 : i32 to index
        %parallel_loop3A_557 = arith.constant 256 : index
        %parallel_loop3A_558 = tpu.vector_load %arg11[%parallel_loop3A_556, %parallel_loop3A_557] {strides = array<i32>} : memref<32x768xf32, #tpu.memory_space<vmem>>, vector<16xf32>,
        tpu.vector_store %arg11[%parallel_loop3A_556, %parallel_loop3A_557], %parallel_loop3A_555 {strides = array<i32>} : memref<32x768xf32, #tpu.memory_space<vmem>>, vector<16xf32>,
        %parallel_loop3A_559 = arith.index_cast %parallel_loop3A_388 : i32 to index
        %parallel_loop3A_560 = arith.constant 272 : index
        %parallel_loop3A_561 = tpu.vector_load %arg11[%parallel_loop3A_559, %parallel_loop3A_560] {strides = array<i32>} : memref<32x768xf32, #tpu.memory_space<vmem>>, vector<16xf32>,
        %parallel_loop3A_562 = arith.index_cast %parallel_loop3A_388 : i32 to index
        %parallel_loop3A_563 = arith.constant 272 : index
        %parallel_loop3A_564 = tpu.vector_load %arg13[%parallel_loop3A_562, %parallel_loop3A_563] {strides = array<i32>} : memref<32x768xf32, #tpu.memory_space<vmem>>, vector<16xf32>,
        %parallel_loop3A_565 = arith.addf %parallel_loop3A_561, %parallel_loop3A_564 : vector<16xf32>
        %parallel_loop3A_566 = arith.index_cast %parallel_loop3A_388 : i32 to index
        %parallel_loop3A_567 = arith.constant 272 : index
        %parallel_loop3A_568 = tpu.vector_load %arg11[%parallel_loop3A_566, %parallel_loop3A_567] {strides = array<i32>} : memref<32x768xf32, #tpu.memory_space<vmem>>, vector<16xf32>,
        tpu.vector_store %arg11[%parallel_loop3A_566, %parallel_loop3A_567], %parallel_loop3A_565 {strides = array<i32>} : memref<32x768xf32, #tpu.memory_space<vmem>>, vector<16xf32>,
        %parallel_loop3A_569 = arith.index_cast %parallel_loop3A_388 : i32 to index
        %parallel_loop3A_570 = arith.constant 288 : index
        %parallel_loop3A_571 = tpu.vector_load %arg11[%parallel_loop3A_569, %parallel_loop3A_570] {strides = array<i32>} : memref<32x768xf32, #tpu.memory_space<vmem>>, vector<16xf32>,
        %parallel_loop3A_572 = arith.index_cast %parallel_loop3A_388 : i32 to index
        %parallel_loop3A_573 = arith.constant 288 : index
        %parallel_loop3A_574 = tpu.vector_load %arg13[%parallel_loop3A_572, %parallel_loop3A_573] {strides = array<i32>} : memref<32x768xf32, #tpu.memory_space<vmem>>, vector<16xf32>,
        %parallel_loop3A_575 = arith.addf %parallel_loop3A_571, %parallel_loop3A_574 : vector<16xf32>
        %parallel_loop3A_576 = arith.index_cast %parallel_loop3A_388 : i32 to index
        %parallel_loop3A_577 = arith.constant 288 : index
        %parallel_loop3A_578 = tpu.vector_load %arg11[%parallel_loop3A_576, %parallel_loop3A_577] {strides = array<i32>} : memref<32x768xf32, #tpu.memory_space<vmem>>, vector<16xf32>,
        tpu.vector_store %arg11[%parallel_loop3A_576, %parallel_loop3A_577], %parallel_loop3A_575 {strides = array<i32>} : memref<32x768xf32, #tpu.memory_space<vmem>>, vector<16xf32>,
        %parallel_loop3A_579 = arith.index_cast %parallel_loop3A_388 : i32 to index
        %parallel_loop3A_580 = arith.constant 304 : index
        %parallel_loop3A_581 = tpu.vector_load %arg11[%parallel_loop3A_579, %parallel_loop3A_580] {strides = array<i32>} : memref<32x768xf32, #tpu.memory_space<vmem>>, vector<16xf32>,
        %parallel_loop3A_582 = arith.index_cast %parallel_loop3A_388 : i32 to index
        %parallel_loop3A_583 = arith.constant 304 : index
        %parallel_loop3A_584 = tpu.vector_load %arg13[%parallel_loop3A_582, %parallel_loop3A_583] {strides = array<i32>} : memref<32x768xf32, #tpu.memory_space<vmem>>, vector<16xf32>,
        %parallel_loop3A_585 = arith.addf %parallel_loop3A_581, %parallel_loop3A_584 : vector<16xf32>
        %parallel_loop3A_586 = arith.index_cast %parallel_loop3A_388 : i32 to index
        %parallel_loop3A_587 = arith.constant 304 : index
        %parallel_loop3A_588 = tpu.vector_load %arg11[%parallel_loop3A_586, %parallel_loop3A_587] {strides = array<i32>} : memref<32x768xf32, #tpu.memory_space<vmem>>, vector<16xf32>,
        tpu.vector_store %arg11[%parallel_loop3A_586, %parallel_loop3A_587], %parallel_loop3A_585 {strides = array<i32>} : memref<32x768xf32, #tpu.memory_space<vmem>>, vector<16xf32>,
        %parallel_loop3A_589 = arith.index_cast %parallel_loop3A_388 : i32 to index
        %parallel_loop3A_590 = arith.constant 320 : index
        %parallel_loop3A_591 = tpu.vector_load %arg11[%parallel_loop3A_589, %parallel_loop3A_590] {strides = array<i32>} : memref<32x768xf32, #tpu.memory_space<vmem>>, vector<16xf32>,
        %parallel_loop3A_592 = arith.index_cast %parallel_loop3A_388 : i32 to index
        %parallel_loop3A_593 = arith.constant 320 : index
        %parallel_loop3A_594 = tpu.vector_load %arg13[%parallel_loop3A_592, %parallel_loop3A_593] {strides = array<i32>} : memref<32x768xf32, #tpu.memory_space<vmem>>, vector<16xf32>,
        %parallel_loop3A_595 = arith.addf %parallel_loop3A_591, %parallel_loop3A_594 : vector<16xf32>
        %parallel_loop3A_596 = arith.index_cast %parallel_loop3A_388 : i32 to index
        %parallel_loop3A_597 = arith.constant 320 : index
        %parallel_loop3A_598 = tpu.vector_load %arg11[%parallel_loop3A_596, %parallel_loop3A_597] {strides = array<i32>} : memref<32x768xf32, #tpu.memory_space<vmem>>, vector<16xf32>,
        tpu.vector_store %arg11[%parallel_loop3A_596, %parallel_loop3A_597], %parallel_loop3A_595 {strides = array<i32>} : memref<32x768xf32, #tpu.memory_space<vmem>>, vector<16xf32>,
        %parallel_loop3A_599 = arith.index_cast %parallel_loop3A_388 : i32 to index
        %parallel_loop3A_600 = arith.constant 336 : index
        %parallel_loop3A_601 = tpu.vector_load %arg11[%parallel_loop3A_599, %parallel_loop3A_600] {strides = array<i32>} : memref<32x768xf32, #tpu.memory_space<vmem>>, vector<16xf32>,
        %parallel_loop3A_602 = arith.index_cast %parallel_loop3A_388 : i32 to index
        %parallel_loop3A_603 = arith.constant 336 : index
        %parallel_loop3A_604 = tpu.vector_load %arg13[%parallel_loop3A_602, %parallel_loop3A_603] {strides = array<i32>} : memref<32x768xf32, #tpu.memory_space<vmem>>, vector<16xf32>,
        %parallel_loop3A_605 = arith.addf %parallel_loop3A_601, %parallel_loop3A_604 : vector<16xf32>
        %parallel_loop3A_606 = arith.index_cast %parallel_loop3A_388 : i32 to index
        %parallel_loop3A_607 = arith.constant 336 : index
        %parallel_loop3A_608 = tpu.vector_load %arg11[%parallel_loop3A_606, %parallel_loop3A_607] {strides = array<i32>} : memref<32x768xf32, #tpu.memory_space<vmem>>, vector<16xf32>,
        tpu.vector_store %arg11[%parallel_loop3A_606, %parallel_loop3A_607], %parallel_loop3A_605 {strides = array<i32>} : memref<32x768xf32, #tpu.memory_space<vmem>>, vector<16xf32>,
        %parallel_loop3A_609 = arith.index_cast %parallel_loop3A_388 : i32 to index
        %parallel_loop3A_610 = arith.constant 352 : index
        %parallel_loop3A_611 = tpu.vector_load %arg11[%parallel_loop3A_609, %parallel_loop3A_610] {strides = array<i32>} : memref<32x768xf32, #tpu.memory_space<vmem>>, vector<16xf32>,
        %parallel_loop3A_612 = arith.index_cast %parallel_loop3A_388 : i32 to index
        %parallel_loop3A_613 = arith.constant 352 : index
        %parallel_loop3A_614 = tpu.vector_load %arg13[%parallel_loop3A_612, %parallel_loop3A_613] {strides = array<i32>} : memref<32x768xf32, #tpu.memory_space<vmem>>, vector<16xf32>,
        %parallel_loop3A_615 = arith.addf %parallel_loop3A_611, %parallel_loop3A_614 : vector<16xf32>
        %parallel_loop3A_616 = arith.index_cast %parallel_loop3A_388 : i32 to index
        %parallel_loop3A_617 = arith.constant 352 : index
        %parallel_loop3A_618 = tpu.vector_load %arg11[%parallel_loop3A_616, %parallel_loop3A_617] {strides = array<i32>} : memref<32x768xf32, #tpu.memory_space<vmem>>, vector<16xf32>,
        tpu.vector_store %arg11[%parallel_loop3A_616, %parallel_loop3A_617], %parallel_loop3A_615 {strides = array<i32>} : memref<32x768xf32, #tpu.memory_space<vmem>>, vector<16xf32>,
        %parallel_loop3A_619 = arith.index_cast %parallel_loop3A_388 : i32 to index
        %parallel_loop3A_620 = arith.constant 368 : index
        %parallel_loop3A_621 = tpu.vector_load %arg11[%parallel_loop3A_619, %parallel_loop3A_620] {strides = array<i32>} : memref<32x768xf32, #tpu.memory_space<vmem>>, vector<16xf32>,
        %parallel_loop3A_622 = arith.index_cast %parallel_loop3A_388 : i32 to index
        %parallel_loop3A_623 = arith.constant 368 : index
        %parallel_loop3A_624 = tpu.vector_load %arg13[%parallel_loop3A_622, %parallel_loop3A_623] {strides = array<i32>} : memref<32x768xf32, #tpu.memory_space<vmem>>, vector<16xf32>,
        %parallel_loop3A_625 = arith.addf %parallel_loop3A_621, %parallel_loop3A_624 : vector<16xf32>
        %parallel_loop3A_626 = arith.index_cast %parallel_loop3A_388 : i32 to index
        %parallel_loop3A_627 = arith.constant 368 : index
        %parallel_loop3A_628 = tpu.vector_load %arg11[%parallel_loop3A_626, %parallel_loop3A_627] {strides = array<i32>} : memref<32x768xf32, #tpu.memory_space<vmem>>, vector<16xf32>,
        tpu.vector_store %arg11[%parallel_loop3A_626, %parallel_loop3A_627], %parallel_loop3A_625 {strides = array<i32>} : memref<32x768xf32, #tpu.memory_space<vmem>>, vector<16xf32>,
        %parallel_loop3A_629 = arith.index_cast %parallel_loop3A_388 : i32 to index
        %parallel_loop3A_630 = arith.constant 384 : index
        %parallel_loop3A_631 = tpu.vector_load %arg11[%parallel_loop3A_629, %parallel_loop3A_630] {strides = array<i32>} : memref<32x768xf32, #tpu.memory_space<vmem>>, vector<16xf32>,
        %parallel_loop3A_632 = arith.index_cast %parallel_loop3A_388 : i32 to index
        %parallel_loop3A_633 = arith.constant 384 : index
        %parallel_loop3A_634 = tpu.vector_load %arg13[%parallel_loop3A_632, %parallel_loop3A_633] {strides = array<i32>} : memref<32x768xf32, #tpu.memory_space<vmem>>, vector<16xf32>,
        %parallel_loop3A_635 = arith.addf %parallel_loop3A_631, %parallel_loop3A_634 : vector<16xf32>
        %parallel_loop3A_636 = arith.index_cast %parallel_loop3A_388 : i32 to index
        %parallel_loop3A_637 = arith.constant 384 : index
        %parallel_loop3A_638 = tpu.vector_load %arg11[%parallel_loop3A_636, %parallel_loop3A_637] {strides = array<i32>} : memref<32x768xf32, #tpu.memory_space<vmem>>, vector<16xf32>,
        tpu.vector_store %arg11[%parallel_loop3A_636, %parallel_loop3A_637], %parallel_loop3A_635 {strides = array<i32>} : memref<32x768xf32, #tpu.memory_space<vmem>>, vector<16xf32>,
        %parallel_loop3A_639 = arith.index_cast %parallel_loop3A_388 : i32 to index
        %parallel_loop3A_640 = arith.constant 400 : index
        %parallel_loop3A_641 = tpu.vector_load %arg11[%parallel_loop3A_639, %parallel_loop3A_640] {strides = array<i32>} : memref<32x768xf32, #tpu.memory_space<vmem>>, vector<16xf32>,
        %parallel_loop3A_642 = arith.index_cast %parallel_loop3A_388 : i32 to index
        %parallel_loop3A_643 = arith.constant 400 : index
        %parallel_loop3A_644 = tpu.vector_load %arg13[%parallel_loop3A_642, %parallel_loop3A_643] {strides = array<i32>} : memref<32x768xf32, #tpu.memory_space<vmem>>, vector<16xf32>,
        %parallel_loop3A_645 = arith.addf %parallel_loop3A_641, %parallel_loop3A_644 : vector<16xf32>
        %parallel_loop3A_646 = arith.index_cast %parallel_loop3A_388 : i32 to index
        %parallel_loop3A_647 = arith.constant 400 : index
        %parallel_loop3A_648 = tpu.vector_load %arg11[%parallel_loop3A_646, %parallel_loop3A_647] {strides = array<i32>} : memref<32x768xf32, #tpu.memory_space<vmem>>, vector<16xf32>,
        tpu.vector_store %arg11[%parallel_loop3A_646, %parallel_loop3A_647], %parallel_loop3A_645 {strides = array<i32>} : memref<32x768xf32, #tpu.memory_space<vmem>>, vector<16xf32>,
        %parallel_loop3A_649 = arith.index_cast %parallel_loop3A_388 : i32 to index
        %parallel_loop3A_650 = arith.constant 416 : index
        %parallel_loop3A_651 = tpu.vector_load %arg11[%parallel_loop3A_649, %parallel_loop3A_650] {strides = array<i32>} : memref<32x768xf32, #tpu.memory_space<vmem>>, vector<16xf32>,
        %parallel_loop3A_652 = arith.index_cast %parallel_loop3A_388 : i32 to index
        %parallel_loop3A_653 = arith.constant 416 : index
        %parallel_loop3A_654 = tpu.vector_load %arg13[%parallel_loop3A_652, %parallel_loop3A_653] {strides = array<i32>} : memref<32x768xf32, #tpu.memory_space<vmem>>, vector<16xf32>,
        %parallel_loop3A_655 = arith.addf %parallel_loop3A_651, %parallel_loop3A_654 : vector<16xf32>
        %parallel_loop3A_656 = arith.index_cast %parallel_loop3A_388 : i32 to index
        %parallel_loop3A_657 = arith.constant 416 : index
        %parallel_loop3A_658 = tpu.vector_load %arg11[%parallel_loop3A_656, %parallel_loop3A_657] {strides = array<i32>} : memref<32x768xf32, #tpu.memory_space<vmem>>, vector<16xf32>,
        tpu.vector_store %arg11[%parallel_loop3A_656, %parallel_loop3A_657], %parallel_loop3A_655 {strides = array<i32>} : memref<32x768xf32, #tpu.memory_space<vmem>>, vector<16xf32>,
        %parallel_loop3A_659 = arith.index_cast %parallel_loop3A_388 : i32 to index
        %parallel_loop3A_660 = arith.constant 432 : index
        %parallel_loop3A_661 = tpu.vector_load %arg11[%parallel_loop3A_659, %parallel_loop3A_660] {strides = array<i32>} : memref<32x768xf32, #tpu.memory_space<vmem>>, vector<16xf32>,
        %parallel_loop3A_662 = arith.index_cast %parallel_loop3A_388 : i32 to index
        %parallel_loop3A_663 = arith.constant 432 : index
        %parallel_loop3A_664 = tpu.vector_load %arg13[%parallel_loop3A_662, %parallel_loop3A_663] {strides = array<i32>} : memref<32x768xf32, #tpu.memory_space<vmem>>, vector<16xf32>,
        %parallel_loop3A_665 = arith.addf %parallel_loop3A_661, %parallel_loop3A_664 : vector<16xf32>
        %parallel_loop3A_666 = arith.index_cast %parallel_loop3A_388 : i32 to index
        %parallel_loop3A_667 = arith.constant 432 : index
        %parallel_loop3A_668 = tpu.vector_load %arg11[%parallel_loop3A_666, %parallel_loop3A_667] {strides = array<i32>} : memref<32x768xf32, #tpu.memory_space<vmem>>, vector<16xf32>,
        tpu.vector_store %arg11[%parallel_loop3A_666, %parallel_loop3A_667], %parallel_loop3A_665 {strides = array<i32>} : memref<32x768xf32, #tpu.memory_space<vmem>>, vector<16xf32>,
        %parallel_loop3A_669 = arith.index_cast %parallel_loop3A_388 : i32 to index
        %parallel_loop3A_670 = arith.constant 448 : index
        %parallel_loop3A_671 = tpu.vector_load %arg11[%parallel_loop3A_669, %parallel_loop3A_670] {strides = array<i32>} : memref<32x768xf32, #tpu.memory_space<vmem>>, vector<16xf32>,
        %parallel_loop3A_672 = arith.index_cast %parallel_loop3A_388 : i32 to index
        %parallel_loop3A_673 = arith.constant 448 : index
        %parallel_loop3A_674 = tpu.vector_load %arg13[%parallel_loop3A_672, %parallel_loop3A_673] {strides = array<i32>} : memref<32x768xf32, #tpu.memory_space<vmem>>, vector<16xf32>,
        %parallel_loop3A_675 = arith.addf %parallel_loop3A_671, %parallel_loop3A_674 : vector<16xf32>
        %parallel_loop3A_676 = arith.index_cast %parallel_loop3A_388 : i32 to index
        %parallel_loop3A_677 = arith.constant 448 : index
        %parallel_loop3A_678 = tpu.vector_load %arg11[%parallel_loop3A_676, %parallel_loop3A_677] {strides = array<i32>} : memref<32x768xf32, #tpu.memory_space<vmem>>, vector<16xf32>,
        tpu.vector_store %arg11[%parallel_loop3A_676, %parallel_loop3A_677], %parallel_loop3A_675 {strides = array<i32>} : memref<32x768xf32, #tpu.memory_space<vmem>>, vector<16xf32>,
        %parallel_loop3A_679 = arith.index_cast %parallel_loop3A_388 : i32 to index
        %parallel_loop3A_680 = arith.constant 464 : index
        %parallel_loop3A_681 = tpu.vector_load %arg11[%parallel_loop3A_679, %parallel_loop3A_680] {strides = array<i32>} : memref<32x768xf32, #tpu.memory_space<vmem>>, vector<16xf32>,
        %parallel_loop3A_682 = arith.index_cast %parallel_loop3A_388 : i32 to index
        %parallel_loop3A_683 = arith.constant 464 : index
        %parallel_loop3A_684 = tpu.vector_load %arg13[%parallel_loop3A_682, %parallel_loop3A_683] {strides = array<i32>} : memref<32x768xf32, #tpu.memory_space<vmem>>, vector<16xf32>,
        %parallel_loop3A_685 = arith.addf %parallel_loop3A_681, %parallel_loop3A_684 : vector<16xf32>
        %parallel_loop3A_686 = arith.index_cast %parallel_loop3A_388 : i32 to index
        %parallel_loop3A_687 = arith.constant 464 : index
        %parallel_loop3A_688 = tpu.vector_load %arg11[%parallel_loop3A_686, %parallel_loop3A_687] {strides = array<i32>} : memref<32x768xf32, #tpu.memory_space<vmem>>, vector<16xf32>,
        tpu.vector_store %arg11[%parallel_loop3A_686, %parallel_loop3A_687], %parallel_loop3A_685 {strides = array<i32>} : memref<32x768xf32, #tpu.memory_space<vmem>>, vector<16xf32>,
        %parallel_loop3A_689 = arith.index_cast %parallel_loop3A_388 : i32 to index
        %parallel_loop3A_690 = arith.constant 480 : index
        %parallel_loop3A_691 = tpu.vector_load %arg11[%parallel_loop3A_689, %parallel_loop3A_690] {strides = array<i32>} : memref<32x768xf32, #tpu.memory_space<vmem>>, vector<16xf32>,
        %parallel_loop3A_692 = arith.index_cast %parallel_loop3A_388 : i32 to index
        %parallel_loop3A_693 = arith.constant 480 : index
        %parallel_loop3A_694 = tpu.vector_load %arg13[%parallel_loop3A_692, %parallel_loop3A_693] {strides = array<i32>} : memref<32x768xf32, #tpu.memory_space<vmem>>, vector<16xf32>,
        %parallel_loop3A_695 = arith.addf %parallel_loop3A_691, %parallel_loop3A_694 : vector<16xf32>
        %parallel_loop3A_696 = arith.index_cast %parallel_loop3A_388 : i32 to index
        %parallel_loop3A_697 = arith.constant 480 : index
        %parallel_loop3A_698 = tpu.vector_load %arg11[%parallel_loop3A_696, %parallel_loop3A_697] {strides = array<i32>} : memref<32x768xf32, #tpu.memory_space<vmem>>, vector<16xf32>,
        tpu.vector_store %arg11[%parallel_loop3A_696, %parallel_loop3A_697], %parallel_loop3A_695 {strides = array<i32>} : memref<32x768xf32, #tpu.memory_space<vmem>>, vector<16xf32>,
        %parallel_loop3A_699 = arith.index_cast %parallel_loop3A_388 : i32 to index
        %parallel_loop3A_700 = arith.constant 496 : index
        %parallel_loop3A_701 = tpu.vector_load %arg11[%parallel_loop3A_699, %parallel_loop3A_700] {strides = array<i32>} : memref<32x768xf32, #tpu.memory_space<vmem>>, vector<16xf32>,
        %parallel_loop3A_702 = arith.index_cast %parallel_loop3A_388 : i32 to index
        %parallel_loop3A_703 = arith.constant 496 : index
        %parallel_loop3A_704 = tpu.vector_load %arg13[%parallel_loop3A_702, %parallel_loop3A_703] {strides = array<i32>} : memref<32x768xf32, #tpu.memory_space<vmem>>, vector<16xf32>,
        %parallel_loop3A_705 = arith.addf %parallel_loop3A_701, %parallel_loop3A_704 : vector<16xf32>
        %parallel_loop3A_706 = arith.index_cast %parallel_loop3A_388 : i32 to index
        %parallel_loop3A_707 = arith.constant 496 : index
        %parallel_loop3A_708 = tpu.vector_load %arg11[%parallel_loop3A_706, %parallel_loop3A_707] {strides = array<i32>} : memref<32x768xf32, #tpu.memory_space<vmem>>, vector<16xf32>,
        tpu.vector_store %arg11[%parallel_loop3A_706, %parallel_loop3A_707], %parallel_loop3A_705 {strides = array<i32>} : memref<32x768xf32, #tpu.memory_space<vmem>>, vector<16xf32>,
        %parallel_loop3A_709 = arith.index_cast %parallel_loop3A_388 : i32 to index
        %parallel_loop3A_710 = arith.constant 512 : index
        %parallel_loop3A_711 = tpu.vector_load %arg11[%parallel_loop3A_709, %parallel_loop3A_710] {strides = array<i32>} : memref<32x768xf32, #tpu.memory_space<vmem>>, vector<16xf32>,
        %parallel_loop3A_712 = arith.index_cast %parallel_loop3A_388 : i32 to index
        %parallel_loop3A_713 = arith.constant 512 : index
        %parallel_loop3A_714 = tpu.vector_load %arg13[%parallel_loop3A_712, %parallel_loop3A_713] {strides = array<i32>} : memref<32x768xf32, #tpu.memory_space<vmem>>, vector<16xf32>,
        %parallel_loop3A_715 = arith.addf %parallel_loop3A_711, %parallel_loop3A_714 : vector<16xf32>
        %parallel_loop3A_716 = arith.index_cast %parallel_loop3A_388 : i32 to index
        %parallel_loop3A_717 = arith.constant 512 : index
        %parallel_loop3A_718 = tpu.vector_load %arg11[%parallel_loop3A_716, %parallel_loop3A_717] {strides = array<i32>} : memref<32x768xf32, #tpu.memory_space<vmem>>, vector<16xf32>,
        tpu.vector_store %arg11[%parallel_loop3A_716, %parallel_loop3A_717], %parallel_loop3A_715 {strides = array<i32>} : memref<32x768xf32, #tpu.memory_space<vmem>>, vector<16xf32>,
        %parallel_loop3A_719 = arith.index_cast %parallel_loop3A_388 : i32 to index
        %parallel_loop3A_720 = arith.constant 528 : index
        %parallel_loop3A_721 = tpu.vector_load %arg11[%parallel_loop3A_719, %parallel_loop3A_720] {strides = array<i32>} : memref<32x768xf32, #tpu.memory_space<vmem>>, vector<16xf32>,
        %parallel_loop3A_722 = arith.index_cast %parallel_loop3A_388 : i32 to index
        %parallel_loop3A_723 = arith.constant 528 : index
        %parallel_loop3A_724 = tpu.vector_load %arg13[%parallel_loop3A_722, %parallel_loop3A_723] {strides = array<i32>} : memref<32x768xf32, #tpu.memory_space<vmem>>, vector<16xf32>,
        %parallel_loop3A_725 = arith.addf %parallel_loop3A_721, %parallel_loop3A_724 : vector<16xf32>
        %parallel_loop3A_726 = arith.index_cast %parallel_loop3A_388 : i32 to index
        %parallel_loop3A_727 = arith.constant 528 : index
        %parallel_loop3A_728 = tpu.vector_load %arg11[%parallel_loop3A_726, %parallel_loop3A_727] {strides = array<i32>} : memref<32x768xf32, #tpu.memory_space<vmem>>, vector<16xf32>,
        tpu.vector_store %arg11[%parallel_loop3A_726, %parallel_loop3A_727], %parallel_loop3A_725 {strides = array<i32>} : memref<32x768xf32, #tpu.memory_space<vmem>>, vector<16xf32>,
        %parallel_loop3A_729 = arith.index_cast %parallel_loop3A_388 : i32 to index
        %parallel_loop3A_730 = arith.constant 544 : index
        %parallel_loop3A_731 = tpu.vector_load %arg11[%parallel_loop3A_729, %parallel_loop3A_730] {strides = array<i32>} : memref<32x768xf32, #tpu.memory_space<vmem>>, vector<16xf32>,
        %parallel_loop3A_732 = arith.index_cast %parallel_loop3A_388 : i32 to index
        %parallel_loop3A_733 = arith.constant 544 : index
        %parallel_loop3A_734 = tpu.vector_load %arg13[%parallel_loop3A_732, %parallel_loop3A_733] {strides = array<i32>} : memref<32x768xf32, #tpu.memory_space<vmem>>, vector<16xf32>,
        %parallel_loop3A_735 = arith.addf %parallel_loop3A_731, %parallel_loop3A_734 : vector<16xf32>
        %parallel_loop3A_736 = arith.index_cast %parallel_loop3A_388 : i32 to index
        %parallel_loop3A_737 = arith.constant 544 : index
        %parallel_loop3A_738 = tpu.vector_load %arg11[%parallel_loop3A_736, %parallel_loop3A_737] {strides = array<i32>} : memref<32x768xf32, #tpu.memory_space<vmem>>, vector<16xf32>,
        tpu.vector_store %arg11[%parallel_loop3A_736, %parallel_loop3A_737], %parallel_loop3A_735 {strides = array<i32>} : memref<32x768xf32, #tpu.memory_space<vmem>>, vector<16xf32>,
        %parallel_loop3A_739 = arith.index_cast %parallel_loop3A_388 : i32 to index
        %parallel_loop3A_740 = arith.constant 560 : index
        %parallel_loop3A_741 = tpu.vector_load %arg11[%parallel_loop3A_739, %parallel_loop3A_740] {strides = array<i32>} : memref<32x768xf32, #tpu.memory_space<vmem>>, vector<16xf32>,
        %parallel_loop3A_742 = arith.index_cast %parallel_loop3A_388 : i32 to index
        %parallel_loop3A_743 = arith.constant 560 : index
        %parallel_loop3A_744 = tpu.vector_load %arg13[%parallel_loop3A_742, %parallel_loop3A_743] {strides = array<i32>} : memref<32x768xf32, #tpu.memory_space<vmem>>, vector<16xf32>,
        %parallel_loop3A_745 = arith.addf %parallel_loop3A_741, %parallel_loop3A_744 : vector<16xf32>
        %parallel_loop3A_746 = arith.index_cast %parallel_loop3A_388 : i32 to index
        %parallel_loop3A_747 = arith.constant 560 : index
        %parallel_loop3A_748 = tpu.vector_load %arg11[%parallel_loop3A_746, %parallel_loop3A_747] {strides = array<i32>} : memref<32x768xf32, #tpu.memory_space<vmem>>, vector<16xf32>,
        tpu.vector_store %arg11[%parallel_loop3A_746, %parallel_loop3A_747], %parallel_loop3A_745 {strides = array<i32>} : memref<32x768xf32, #tpu.memory_space<vmem>>, vector<16xf32>,
        %parallel_loop3A_749 = arith.index_cast %parallel_loop3A_388 : i32 to index
        %parallel_loop3A_750 = arith.constant 576 : index
        %parallel_loop3A_751 = tpu.vector_load %arg11[%parallel_loop3A_749, %parallel_loop3A_750] {strides = array<i32>} : memref<32x768xf32, #tpu.memory_space<vmem>>, vector<16xf32>,
        %parallel_loop3A_752 = arith.index_cast %parallel_loop3A_388 : i32 to index
        %parallel_loop3A_753 = arith.constant 576 : index
        %parallel_loop3A_754 = tpu.vector_load %arg13[%parallel_loop3A_752, %parallel_loop3A_753] {strides = array<i32>} : memref<32x768xf32, #tpu.memory_space<vmem>>, vector<16xf32>,
        %parallel_loop3A_755 = arith.addf %parallel_loop3A_751, %parallel_loop3A_754 : vector<16xf32>
        %parallel_loop3A_756 = arith.index_cast %parallel_loop3A_388 : i32 to index
        %parallel_loop3A_757 = arith.constant 576 : index
        %parallel_loop3A_758 = tpu.vector_load %arg11[%parallel_loop3A_756, %parallel_loop3A_757] {strides = array<i32>} : memref<32x768xf32, #tpu.memory_space<vmem>>, vector<16xf32>,
        tpu.vector_store %arg11[%parallel_loop3A_756, %parallel_loop3A_757], %parallel_loop3A_755 {strides = array<i32>} : memref<32x768xf32, #tpu.memory_space<vmem>>, vector<16xf32>,
        %parallel_loop3A_759 = arith.index_cast %parallel_loop3A_388 : i32 to index
        %parallel_loop3A_760 = arith.constant 592 : index
        %parallel_loop3A_761 = tpu.vector_load %arg11[%parallel_loop3A_759, %parallel_loop3A_760] {strides = array<i32>} : memref<32x768xf32, #tpu.memory_space<vmem>>, vector<16xf32>,
        %parallel_loop3A_762 = arith.index_cast %parallel_loop3A_388 : i32 to index
        %parallel_loop3A_763 = arith.constant 592 : index
        %parallel_loop3A_764 = tpu.vector_load %arg13[%parallel_loop3A_762, %parallel_loop3A_763] {strides = array<i32>} : memref<32x768xf32, #tpu.memory_space<vmem>>, vector<16xf32>,
        %parallel_loop3A_765 = arith.addf %parallel_loop3A_761, %parallel_loop3A_764 : vector<16xf32>
        %parallel_loop3A_766 = arith.index_cast %parallel_loop3A_388 : i32 to index
        %parallel_loop3A_767 = arith.constant 592 : index
        %parallel_loop3A_768 = tpu.vector_load %arg11[%parallel_loop3A_766, %parallel_loop3A_767] {strides = array<i32>} : memref<32x768xf32, #tpu.memory_space<vmem>>, vector<16xf32>,
        tpu.vector_store %arg11[%parallel_loop3A_766, %parallel_loop3A_767], %parallel_loop3A_765 {strides = array<i32>} : memref<32x768xf32, #tpu.memory_space<vmem>>, vector<16xf32>,
        %parallel_loop3A_769 = arith.index_cast %parallel_loop3A_388 : i32 to index
        %parallel_loop3A_770 = arith.constant 608 : index
        %parallel_loop3A_771 = tpu.vector_load %arg11[%parallel_loop3A_769, %parallel_loop3A_770] {strides = array<i32>} : memref<32x768xf32, #tpu.memory_space<vmem>>, vector<16xf32>,
        %parallel_loop3A_772 = arith.index_cast %parallel_loop3A_388 : i32 to index
        %parallel_loop3A_773 = arith.constant 608 : index
        %parallel_loop3A_774 = tpu.vector_load %arg13[%parallel_loop3A_772, %parallel_loop3A_773] {strides = array<i32>} : memref<32x768xf32, #tpu.memory_space<vmem>>, vector<16xf32>,
        %parallel_loop3A_775 = arith.addf %parallel_loop3A_771, %parallel_loop3A_774 : vector<16xf32>
        %parallel_loop3A_776 = arith.index_cast %parallel_loop3A_388 : i32 to index
        %parallel_loop3A_777 = arith.constant 608 : index
        %parallel_loop3A_778 = tpu.vector_load %arg11[%parallel_loop3A_776, %parallel_loop3A_777] {strides = array<i32>} : memref<32x768xf32, #tpu.memory_space<vmem>>, vector<16xf32>,
        tpu.vector_store %arg11[%parallel_loop3A_776, %parallel_loop3A_777], %parallel_loop3A_775 {strides = array<i32>} : memref<32x768xf32, #tpu.memory_space<vmem>>, vector<16xf32>,
        %parallel_loop3A_779 = arith.index_cast %parallel_loop3A_388 : i32 to index
        %parallel_loop3A_780 = arith.constant 624 : index
        %parallel_loop3A_781 = tpu.vector_load %arg11[%parallel_loop3A_779, %parallel_loop3A_780] {strides = array<i32>} : memref<32x768xf32, #tpu.memory_space<vmem>>, vector<16xf32>,
        %parallel_loop3A_782 = arith.index_cast %parallel_loop3A_388 : i32 to index
        %parallel_loop3A_783 = arith.constant 624 : index
        %parallel_loop3A_784 = tpu.vector_load %arg13[%parallel_loop3A_782, %parallel_loop3A_783] {strides = array<i32>} : memref<32x768xf32, #tpu.memory_space<vmem>>, vector<16xf32>,
        %parallel_loop3A_785 = arith.addf %parallel_loop3A_781, %parallel_loop3A_784 : vector<16xf32>
        %parallel_loop3A_786 = arith.index_cast %parallel_loop3A_388 : i32 to index
        %parallel_loop3A_787 = arith.constant 624 : index
        %parallel_loop3A_788 = tpu.vector_load %arg11[%parallel_loop3A_786, %parallel_loop3A_787] {strides = array<i32>} : memref<32x768xf32, #tpu.memory_space<vmem>>, vector<16xf32>,
        tpu.vector_store %arg11[%parallel_loop3A_786, %parallel_loop3A_787], %parallel_loop3A_785 {strides = array<i32>} : memref<32x768xf32, #tpu.memory_space<vmem>>, vector<16xf32>,
        %parallel_loop3A_789 = arith.index_cast %parallel_loop3A_388 : i32 to index
        %parallel_loop3A_790 = arith.constant 640 : index
        %parallel_loop3A_791 = tpu.vector_load %arg11[%parallel_loop3A_789, %parallel_loop3A_790] {strides = array<i32>} : memref<32x768xf32, #tpu.memory_space<vmem>>, vector<16xf32>,
        %parallel_loop3A_792 = arith.index_cast %parallel_loop3A_388 : i32 to index
        %parallel_loop3A_793 = arith.constant 640 : index
        %parallel_loop3A_794 = tpu.vector_load %arg13[%parallel_loop3A_792, %parallel_loop3A_793] {strides = array<i32>} : memref<32x768xf32, #tpu.memory_space<vmem>>, vector<16xf32>,
        %parallel_loop3A_795 = arith.addf %parallel_loop3A_791, %parallel_loop3A_794 : vector<16xf32>
        %parallel_loop3A_796 = arith.index_cast %parallel_loop3A_388 : i32 to index
        %parallel_loop3A_797 = arith.constant 640 : index
        %parallel_loop3A_798 = tpu.vector_load %arg11[%parallel_loop3A_796, %parallel_loop3A_797] {strides = array<i32>} : memref<32x768xf32, #tpu.memory_space<vmem>>, vector<16xf32>,
        tpu.vector_store %arg11[%parallel_loop3A_796, %parallel_loop3A_797], %parallel_loop3A_795 {strides = array<i32>} : memref<32x768xf32, #tpu.memory_space<vmem>>, vector<16xf32>,
        %parallel_loop3A_799 = arith.index_cast %parallel_loop3A_388 : i32 to index
        %parallel_loop3A_800 = arith.constant 656 : index
        %parallel_loop3A_801 = tpu.vector_load %arg11[%parallel_loop3A_799, %parallel_loop3A_800] {strides = array<i32>} : memref<32x768xf32, #tpu.memory_space<vmem>>, vector<16xf32>,
        %parallel_loop3A_802 = arith.index_cast %parallel_loop3A_388 : i32 to index
        %parallel_loop3A_803 = arith.constant 656 : index
        %parallel_loop3A_804 = tpu.vector_load %arg13[%parallel_loop3A_802, %parallel_loop3A_803] {strides = array<i32>} : memref<32x768xf32, #tpu.memory_space<vmem>>, vector<16xf32>,
        %parallel_loop3A_805 = arith.addf %parallel_loop3A_801, %parallel_loop3A_804 : vector<16xf32>
        %parallel_loop3A_806 = arith.index_cast %parallel_loop3A_388 : i32 to index
        %parallel_loop3A_807 = arith.constant 656 : index
        %parallel_loop3A_808 = tpu.vector_load %arg11[%parallel_loop3A_806, %parallel_loop3A_807] {strides = array<i32>} : memref<32x768xf32, #tpu.memory_space<vmem>>, vector<16xf32>,
        tpu.vector_store %arg11[%parallel_loop3A_806, %parallel_loop3A_807], %parallel_loop3A_805 {strides = array<i32>} : memref<32x768xf32, #tpu.memory_space<vmem>>, vector<16xf32>,
        %parallel_loop3A_809 = arith.index_cast %parallel_loop3A_388 : i32 to index
        %parallel_loop3A_810 = arith.constant 672 : index
        %parallel_loop3A_811 = tpu.vector_load %arg11[%parallel_loop3A_809, %parallel_loop3A_810] {strides = array<i32>} : memref<32x768xf32, #tpu.memory_space<vmem>>, vector<16xf32>,
        %parallel_loop3A_812 = arith.index_cast %parallel_loop3A_388 : i32 to index
        %parallel_loop3A_813 = arith.constant 672 : index
        %parallel_loop3A_814 = tpu.vector_load %arg13[%parallel_loop3A_812, %parallel_loop3A_813] {strides = array<i32>} : memref<32x768xf32, #tpu.memory_space<vmem>>, vector<16xf32>,
        %parallel_loop3A_815 = arith.addf %parallel_loop3A_811, %parallel_loop3A_814 : vector<16xf32>
        %parallel_loop3A_816 = arith.index_cast %parallel_loop3A_388 : i32 to index
        %parallel_loop3A_817 = arith.constant 672 : index
        %parallel_loop3A_818 = tpu.vector_load %arg11[%parallel_loop3A_816, %parallel_loop3A_817] {strides = array<i32>} : memref<32x768xf32, #tpu.memory_space<vmem>>, vector<16xf32>,
        tpu.vector_store %arg11[%parallel_loop3A_816, %parallel_loop3A_817], %parallel_loop3A_815 {strides = array<i32>} : memref<32x768xf32, #tpu.memory_space<vmem>>, vector<16xf32>,
        %parallel_loop3A_819 = arith.index_cast %parallel_loop3A_388 : i32 to index
        %parallel_loop3A_820 = arith.constant 688 : index
        %parallel_loop3A_821 = tpu.vector_load %arg11[%parallel_loop3A_819, %parallel_loop3A_820] {strides = array<i32>} : memref<32x768xf32, #tpu.memory_space<vmem>>, vector<16xf32>,
        %parallel_loop3A_822 = arith.index_cast %parallel_loop3A_388 : i32 to index
        %parallel_loop3A_823 = arith.constant 688 : index
        %parallel_loop3A_824 = tpu.vector_load %arg13[%parallel_loop3A_822, %parallel_loop3A_823] {strides = array<i32>} : memref<32x768xf32, #tpu.memory_space<vmem>>, vector<16xf32>,
        %parallel_loop3A_825 = arith.addf %parallel_loop3A_821, %parallel_loop3A_824 : vector<16xf32>
        %parallel_loop3A_826 = arith.index_cast %parallel_loop3A_388 : i32 to index
        %parallel_loop3A_827 = arith.constant 688 : index
        %parallel_loop3A_828 = tpu.vector_load %arg11[%parallel_loop3A_826, %parallel_loop3A_827] {strides = array<i32>} : memref<32x768xf32, #tpu.memory_space<vmem>>, vector<16xf32>,
        tpu.vector_store %arg11[%parallel_loop3A_826, %parallel_loop3A_827], %parallel_loop3A_825 {strides = array<i32>} : memref<32x768xf32, #tpu.memory_space<vmem>>, vector<16xf32>,
        %parallel_loop3A_829 = arith.index_cast %parallel_loop3A_388 : i32 to index
        %parallel_loop3A_830 = arith.constant 704 : index
        %parallel_loop3A_831 = tpu.vector_load %arg11[%parallel_loop3A_829, %parallel_loop3A_830] {strides = array<i32>} : memref<32x768xf32, #tpu.memory_space<vmem>>, vector<16xf32>,
        %parallel_loop3A_832 = arith.index_cast %parallel_loop3A_388 : i32 to index
        %parallel_loop3A_833 = arith.constant 704 : index
        %parallel_loop3A_834 = tpu.vector_load %arg13[%parallel_loop3A_832, %parallel_loop3A_833] {strides = array<i32>} : memref<32x768xf32, #tpu.memory_space<vmem>>, vector<16xf32>,
        %parallel_loop3A_835 = arith.addf %parallel_loop3A_831, %parallel_loop3A_834 : vector<16xf32>
        %parallel_loop3A_836 = arith.index_cast %parallel_loop3A_388 : i32 to index
        %parallel_loop3A_837 = arith.constant 704 : index
        %parallel_loop3A_838 = tpu.vector_load %arg11[%parallel_loop3A_836, %parallel_loop3A_837] {strides = array<i32>} : memref<32x768xf32, #tpu.memory_space<vmem>>, vector<16xf32>,
        tpu.vector_store %arg11[%parallel_loop3A_836, %parallel_loop3A_837], %parallel_loop3A_835 {strides = array<i32>} : memref<32x768xf32, #tpu.memory_space<vmem>>, vector<16xf32>,
        %parallel_loop3A_839 = arith.index_cast %parallel_loop3A_388 : i32 to index
        %parallel_loop3A_840 = arith.constant 720 : index
        %parallel_loop3A_841 = tpu.vector_load %arg11[%parallel_loop3A_839, %parallel_loop3A_840] {strides = array<i32>} : memref<32x768xf32, #tpu.memory_space<vmem>>, vector<16xf32>,
        %parallel_loop3A_842 = arith.index_cast %parallel_loop3A_388 : i32 to index
        %parallel_loop3A_843 = arith.constant 720 : index
        %parallel_loop3A_844 = tpu.vector_load %arg13[%parallel_loop3A_842, %parallel_loop3A_843] {strides = array<i32>} : memref<32x768xf32, #tpu.memory_space<vmem>>, vector<16xf32>,
        %parallel_loop3A_845 = arith.addf %parallel_loop3A_841, %parallel_loop3A_844 : vector<16xf32>
        %parallel_loop3A_846 = arith.index_cast %parallel_loop3A_388 : i32 to index
        %parallel_loop3A_847 = arith.constant 720 : index
        %parallel_loop3A_848 = tpu.vector_load %arg11[%parallel_loop3A_846, %parallel_loop3A_847] {strides = array<i32>} : memref<32x768xf32, #tpu.memory_space<vmem>>, vector<16xf32>,
        tpu.vector_store %arg11[%parallel_loop3A_846, %parallel_loop3A_847], %parallel_loop3A_845 {strides = array<i32>} : memref<32x768xf32, #tpu.memory_space<vmem>>, vector<16xf32>,
        %parallel_loop3A_849 = arith.index_cast %parallel_loop3A_388 : i32 to index
        %parallel_loop3A_850 = arith.constant 736 : index
        %parallel_loop3A_851 = tpu.vector_load %arg11[%parallel_loop3A_849, %parallel_loop3A_850] {strides = array<i32>} : memref<32x768xf32, #tpu.memory_space<vmem>>, vector<16xf32>,
        %parallel_loop3A_852 = arith.index_cast %parallel_loop3A_388 : i32 to index
        %parallel_loop3A_853 = arith.constant 736 : index
        %parallel_loop3A_854 = tpu.vector_load %arg13[%parallel_loop3A_852, %parallel_loop3A_853] {strides = array<i32>} : memref<32x768xf32, #tpu.memory_space<vmem>>, vector<16xf32>,
        %parallel_loop3A_855 = arith.addf %parallel_loop3A_851, %parallel_loop3A_854 : vector<16xf32>
        %parallel_loop3A_856 = arith.index_cast %parallel_loop3A_388 : i32 to index
        %parallel_loop3A_857 = arith.constant 736 : index
        %parallel_loop3A_858 = tpu.vector_load %arg11[%parallel_loop3A_856, %parallel_loop3A_857] {strides = array<i32>} : memref<32x768xf32, #tpu.memory_space<vmem>>, vector<16xf32>,
        tpu.vector_store %arg11[%parallel_loop3A_856, %parallel_loop3A_857], %parallel_loop3A_855 {strides = array<i32>} : memref<32x768xf32, #tpu.memory_space<vmem>>, vector<16xf32>,
        %parallel_loop3A_859 = arith.index_cast %parallel_loop3A_388 : i32 to index
        %parallel_loop3A_860 = arith.constant 752 : index
        %parallel_loop3A_861 = tpu.vector_load %arg11[%parallel_loop3A_859, %parallel_loop3A_860] {strides = array<i32>} : memref<32x768xf32, #tpu.memory_space<vmem>>, vector<16xf32>,
        %parallel_loop3A_862 = arith.index_cast %parallel_loop3A_388 : i32 to index
        %parallel_loop3A_863 = arith.constant 752 : index
        %parallel_loop3A_864 = tpu.vector_load %arg13[%parallel_loop3A_862, %parallel_loop3A_863] {strides = array<i32>} : memref<32x768xf32, #tpu.memory_space<vmem>>, vector<16xf32>,
        %parallel_loop3A_865 = arith.addf %parallel_loop3A_861, %parallel_loop3A_864 : vector<16xf32>
        %parallel_loop3A_866 = arith.index_cast %parallel_loop3A_388 : i32 to index
        %parallel_loop3A_867 = arith.constant 752 : index
        %parallel_loop3A_868 = tpu.vector_load %arg11[%parallel_loop3A_866, %parallel_loop3A_867] {strides = array<i32>} : memref<32x768xf32, #tpu.memory_space<vmem>>, vector<16xf32>,
        tpu.vector_store %arg11[%parallel_loop3A_866, %parallel_loop3A_867], %parallel_loop3A_865 {strides = array<i32>} : memref<32x768xf32, #tpu.memory_space<vmem>>, vector<16xf32>,
      } {sc.loop_unroll_factor = 2 : i64, sc.parallel_access}
      %mul3A_213 = arith.constant 32 : i32
      %mul3A_214 = arith.muli %mul3A_186, %mul3A_213 : i32
      %add3A_215 = arith.addi %mul3A_2, %mul3A_214 : i32
      %add3A_216 = arith.constant 0 : i32
      %add3A_217 = arith.addi %add3A_216, %add3A_215 : i32
      %dma_start3A_218 = arith.constant 0 : i32
      %dma_start3A_219 = arith.constant 0 : i32
      %dma_start3A_220 = tpu.memref_slice %arg11[%dma_start3A_218, %dma_start3A_219] : memref<32x768xf32, #tpu.memory_space<vmem>> -> memref<32x128xf32, #tpu.memory_space<vmem>>
      %dma_start3A_221 = arith.constant 0 : i32
      %dma_start3A_222 = tpu.memref_slice %arg7[%add3A_217, %dma_start3A_221] : memref<49152x128xf32, #tpu.memory_space<hbm>> -> memref<32x128xf32, #tpu.memory_space<hbm>>
      %dma_start3A_223 = arith.constant 0 : i32
      %dma_start3A_224 = tpu.memref_slice %arg7[%add3A_217, %dma_start3A_223] : memref<49152x128xf32, #tpu.memory_space<hbm>> -> memref<32x128xf32, #tpu.memory_space<hbm>>
      %dma_start3A_225 = arith.constant 0 : i32
      %dma_start3A_226 = arith.constant 0 : i32
      %dma_start3A_227 = tpu.memref_slice %arg11[%dma_start3A_225, %dma_start3A_226] : memref<32x768xf32, #tpu.memory_space<vmem>> -> memref<32x128xf32, #tpu.memory_space<vmem>>
      tpu.enqueue_dma source(%dma_start3A_227 : memref<32x128xf32, #tpu.memory_space<vmem>>) target(%dma_start3A_224 : memref<32x128xf32, #tpu.memory_space<hbm>>) target_semaphore(%arg17 : memref<!tpu.dma_semaphore, #tpu.memory_space<semaphore_mem>>)
      %add3A_228 = arith.constant 8192 : i32
      %add3A_229 = arith.addi %add3A_228, %add3A_215 : i32
      %dma_start3A_230 = arith.constant 0 : i32
      %dma_start3A_231 = arith.constant 128 : i32
      %dma_start3A_232 = tpu.memref_slice %arg11[%dma_start3A_230, %dma_start3A_231] : memref<32x768xf32, #tpu.memory_space<vmem>> -> memref<32x128xf32, #tpu.memory_space<vmem>>
      %dma_start3A_233 = arith.constant 0 : i32
      %dma_start3A_234 = tpu.memref_slice %arg7[%add3A_229, %dma_start3A_233] : memref<49152x128xf32, #tpu.memory_space<hbm>> -> memref<32x128xf32, #tpu.memory_space<hbm>>
      %dma_start3A_235 = arith.constant 0 : i32
      %dma_start3A_236 = tpu.memref_slice %arg7[%add3A_229, %dma_start3A_235] : memref<49152x128xf32, #tpu.memory_space<hbm>> -> memref<32x128xf32, #tpu.memory_space<hbm>>
      %dma_start3A_237 = arith.constant 0 : i32
      %dma_start3A_238 = arith.constant 128 : i32
      %dma_start3A_239 = tpu.memref_slice %arg11[%dma_start3A_237, %dma_start3A_238] : memref<32x768xf32, #tpu.memory_space<vmem>> -> memref<32x128xf32, #tpu.memory_space<vmem>>
      tpu.enqueue_dma source(%dma_start3A_239 : memref<32x128xf32, #tpu.memory_space<vmem>>) target(%dma_start3A_236 : memref<32x128xf32, #tpu.memory_space<hbm>>) target_semaphore(%arg17 : memref<!tpu.dma_semaphore, #tpu.memory_space<semaphore_mem>>)
      %add3A_240 = arith.constant 16384 : i32
      %add3A_241 = arith.addi %add3A_240, %add3A_215 : i32
      %dma_start3A_242 = arith.constant 0 : i32
      %dma_start3A_243 = arith.constant 256 : i32
      %dma_start3A_244 = tpu.memref_slice %arg11[%dma_start3A_242, %dma_start3A_243] : memref<32x768xf32, #tpu.memory_space<vmem>> -> memref<32x128xf32, #tpu.memory_space<vmem>>
      %dma_start3A_245 = arith.constant 0 : i32
      %dma_start3A_246 = tpu.memref_slice %arg7[%add3A_241, %dma_start3A_245] : memref<49152x128xf32, #tpu.memory_space<hbm>> -> memref<32x128xf32, #tpu.memory_space<hbm>>
      %dma_start3A_247 = arith.constant 0 : i32
      %dma_start3A_248 = tpu.memref_slice %arg7[%add3A_241, %dma_start3A_247] : memref<49152x128xf32, #tpu.memory_space<hbm>> -> memref<32x128xf32, #tpu.memory_space<hbm>>
      %dma_start3A_249 = arith.constant 0 : i32
      %dma_start3A_250 = arith.constant 256 : i32
      %dma_start3A_251 = tpu.memref_slice %arg11[%dma_start3A_249, %dma_start3A_250] : memref<32x768xf32, #tpu.memory_space<vmem>> -> memref<32x128xf32, #tpu.memory_space<vmem>>
      tpu.enqueue_dma source(%dma_start3A_251 : memref<32x128xf32, #tpu.memory_space<vmem>>) target(%dma_start3A_248 : memref<32x128xf32, #tpu.memory_space<hbm>>) target_semaphore(%arg17 : memref<!tpu.dma_semaphore, #tpu.memory_space<semaphore_mem>>)
      %add3A_252 = arith.constant 24576 : i32
      %add3A_253 = arith.addi %add3A_252, %add3A_215 : i32
      %dma_start3A_254 = arith.constant 0 : i32
      %dma_start3A_255 = arith.constant 384 : i32
      %dma_start3A_256 = tpu.memref_slice %arg11[%dma_start3A_254, %dma_start3A_255] : memref<32x768xf32, #tpu.memory_space<vmem>> -> memref<32x128xf32, #tpu.memory_space<vmem>>
      %dma_start3A_257 = arith.constant 0 : i32
      %dma_start3A_258 = tpu.memref_slice %arg7[%add3A_253, %dma_start3A_257] : memref<49152x128xf32, #tpu.memory_space<hbm>> -> memref<32x128xf32, #tpu.memory_space<hbm>>
      %dma_start3A_259 = arith.constant 0 : i32
      %dma_start3A_260 = tpu.memref_slice %arg7[%add3A_253, %dma_start3A_259] : memref<49152x128xf32, #tpu.memory_space<hbm>> -> memref<32x128xf32, #tpu.memory_space<hbm>>
      %dma_start3A_261 = arith.constant 0 : i32
      %dma_start3A_262 = arith.constant 384 : i32
      %dma_start3A_263 = tpu.memref_slice %arg11[%dma_start3A_261, %dma_start3A_262] : memref<32x768xf32, #tpu.memory_space<vmem>> -> memref<32x128xf32, #tpu.memory_space<vmem>>
      tpu.enqueue_dma source(%dma_start3A_263 : memref<32x128xf32, #tpu.memory_space<vmem>>) target(%dma_start3A_260 : memref<32x128xf32, #tpu.memory_space<hbm>>) target_semaphore(%arg17 : memref<!tpu.dma_semaphore, #tpu.memory_space<semaphore_mem>>)
      %add3A_264 = arith.constant 32768 : i32
      %add3A_265 = arith.addi %add3A_264, %add3A_215 : i32
      %dma_start3A_266 = arith.constant 0 : i32
      %dma_start3A_267 = arith.constant 512 : i32
      %dma_start3A_268 = tpu.memref_slice %arg11[%dma_start3A_266, %dma_start3A_267] : memref<32x768xf32, #tpu.memory_space<vmem>> -> memref<32x128xf32, #tpu.memory_space<vmem>>
      %dma_start3A_269 = arith.constant 0 : i32
      %dma_start3A_270 = tpu.memref_slice %arg7[%add3A_265, %dma_start3A_269] : memref<49152x128xf32, #tpu.memory_space<hbm>> -> memref<32x128xf32, #tpu.memory_space<hbm>>
      %dma_start3A_271 = arith.constant 0 : i32
      %dma_start3A_272 = tpu.memref_slice %arg7[%add3A_265, %dma_start3A_271] : memref<49152x128xf32, #tpu.memory_space<hbm>> -> memref<32x128xf32, #tpu.memory_space<hbm>>
      %dma_start3A_273 = arith.constant 0 : i32
      %dma_start3A_274 = arith.constant 512 : i32
      %dma_start3A_275 = tpu.memref_slice %arg11[%dma_start3A_273, %dma_start3A_274] : memref<32x768xf32, #tpu.memory_space<vmem>> -> memref<32x128xf32, #tpu.memory_space<vmem>>
      tpu.enqueue_dma source(%dma_start3A_275 : memref<32x128xf32, #tpu.memory_space<vmem>>) target(%dma_start3A_272 : memref<32x128xf32, #tpu.memory_space<hbm>>) target_semaphore(%arg17 : memref<!tpu.dma_semaphore, #tpu.memory_space<semaphore_mem>>)
      %add3A_276 = arith.constant 40960 : i32
      %add3A_277 = arith.addi %add3A_276, %add3A_215 : i32
      %dma_start3A_278 = arith.constant 0 : i32
      %dma_start3A_279 = arith.constant 640 : i32
      %dma_start3A_280 = tpu.memref_slice %arg11[%dma_start3A_278, %dma_start3A_279] : memref<32x768xf32, #tpu.memory_space<vmem>> -> memref<32x128xf32, #tpu.memory_space<vmem>>
      %dma_start3A_281 = arith.constant 0 : i32
      %dma_start3A_282 = tpu.memref_slice %arg7[%add3A_277, %dma_start3A_281] : memref<49152x128xf32, #tpu.memory_space<hbm>> -> memref<32x128xf32, #tpu.memory_space<hbm>>
      %dma_start3A_283 = arith.constant 0 : i32
      %dma_start3A_284 = tpu.memref_slice %arg7[%add3A_277, %dma_start3A_283] : memref<49152x128xf32, #tpu.memory_space<hbm>> -> memref<32x128xf32, #tpu.memory_space<hbm>>
      %dma_start3A_285 = arith.constant 0 : i32
      %dma_start3A_286 = arith.constant 640 : i32
      %dma_start3A_287 = tpu.memref_slice %arg11[%dma_start3A_285, %dma_start3A_286] : memref<32x768xf32, #tpu.memory_space<vmem>> -> memref<32x128xf32, #tpu.memory_space<vmem>>
      tpu.enqueue_dma source(%dma_start3A_287 : memref<32x128xf32, #tpu.memory_space<vmem>>) target(%dma_start3A_284 : memref<32x128xf32, #tpu.memory_space<hbm>>) target_semaphore(%arg17 : memref<!tpu.dma_semaphore, #tpu.memory_space<semaphore_mem>>)
      %add3A_288 = arith.constant 1 : i32
      %add3A_289 = arith.addi %add3A_184, %add3A_288 : i32
      %lt3A = arith.constant 4 : i32
      %lt3A_290 = arith.cmpi slt, %add3A_289, %lt3A : i32
      %convert_element_type3A_291 = arith.extui %lt3A_290 : i1 to i32
      %cond3A_292 = arith.constant 0 : i32
      %cond3A_293 = arith.cmpi ne, %convert_element_type3A_291, %cond3A_292 : i32
      scf.if %cond3A_293 {
        %mul3A_388 = arith.constant 32 : i32
        %mul3A_389 = arith.muli %mul3A_186, %mul3A_388 : i32
        %add3A_390 = arith.addi %mul3A_2, %mul3A_389 : i32
        %add3A_391 = arith.constant 0 : i32
        %add3A_392 = arith.addi %add3A_391, %add3A_390 : i32
        %dma_wait3A_393 = arith.constant 0 : i32
        %dma_wait3A_394 = arith.constant 0 : i32
        %dma_wait3A_395 = tpu.memref_slice %arg11[%dma_wait3A_393, %dma_wait3A_394] : memref<32x768xf32, #tpu.memory_space<vmem>> -> memref<32x128xf32, #tpu.memory_space<vmem>>
        %dma_wait3A_396 = arith.constant 0 : i32
        %dma_wait3A_397 = tpu.memref_slice %arg7[%add3A_392, %dma_wait3A_396] : memref<49152x128xf32, #tpu.memory_space<hbm>> -> memref<32x128xf32, #tpu.memory_space<hbm>>
        %dma_wait3A_398 = arith.constant 0 : i32
        %dma_wait3A_399 = tpu.memref_slice %arg7[%add3A_392, %dma_wait3A_398] : memref<49152x128xf32, #tpu.memory_space<hbm>> -> memref<32x128xf32, #tpu.memory_space<hbm>>
        %dma_wait3A_400 = arith.constant 0 : i32
        %dma_wait3A_401 = arith.constant 0 : i32
        %dma_wait3A_402 = tpu.memref_slice %arg11[%dma_wait3A_400, %dma_wait3A_401] : memref<32x768xf32, #tpu.memory_space<vmem>> -> memref<32x128xf32, #tpu.memory_space<vmem>>
        tpu.wait_dma2 semaphore(%arg17 : memref<!tpu.dma_semaphore, #tpu.memory_space<semaphore_mem>>) src(%dma_wait3A_402 : memref<32x128xf32, #tpu.memory_space<vmem>>) dst(%dma_wait3A_399 : memref<32x128xf32, #tpu.memory_space<hbm>>)
        %add3A_403 = arith.constant 8192 : i32
        %add3A_404 = arith.addi %add3A_403, %add3A_390 : i32
        %dma_wait3A_405 = arith.constant 0 : i32
        %dma_wait3A_406 = arith.constant 128 : i32
        %dma_wait3A_407 = tpu.memref_slice %arg11[%dma_wait3A_405, %dma_wait3A_406] : memref<32x768xf32, #tpu.memory_space<vmem>> -> memref<32x128xf32, #tpu.memory_space<vmem>>
        %dma_wait3A_408 = arith.constant 0 : i32
        %dma_wait3A_409 = tpu.memref_slice %arg7[%add3A_404, %dma_wait3A_408] : memref<49152x128xf32, #tpu.memory_space<hbm>> -> memref<32x128xf32, #tpu.memory_space<hbm>>
        %dma_wait3A_410 = arith.constant 0 : i32
        %dma_wait3A_411 = tpu.memref_slice %arg7[%add3A_404, %dma_wait3A_410] : memref<49152x128xf32, #tpu.memory_space<hbm>> -> memref<32x128xf32, #tpu.memory_space<hbm>>
        %dma_wait3A_412 = arith.constant 0 : i32
        %dma_wait3A_413 = arith.constant 128 : i32
        %dma_wait3A_414 = tpu.memref_slice %arg11[%dma_wait3A_412, %dma_wait3A_413] : memref<32x768xf32, #tpu.memory_space<vmem>> -> memref<32x128xf32, #tpu.memory_space<vmem>>
        tpu.wait_dma2 semaphore(%arg17 : memref<!tpu.dma_semaphore, #tpu.memory_space<semaphore_mem>>) src(%dma_wait3A_414 : memref<32x128xf32, #tpu.memory_space<vmem>>) dst(%dma_wait3A_411 : memref<32x128xf32, #tpu.memory_space<hbm>>)
        %add3A_415 = arith.constant 16384 : i32
        %add3A_416 = arith.addi %add3A_415, %add3A_390 : i32
        %dma_wait3A_417 = arith.constant 0 : i32
        %dma_wait3A_418 = arith.constant 256 : i32
        %dma_wait3A_419 = tpu.memref_slice %arg11[%dma_wait3A_417, %dma_wait3A_418] : memref<32x768xf32, #tpu.memory_space<vmem>> -> memref<32x128xf32, #tpu.memory_space<vmem>>
        %dma_wait3A_420 = arith.constant 0 : i32
        %dma_wait3A_421 = tpu.memref_slice %arg7[%add3A_416, %dma_wait3A_420] : memref<49152x128xf32, #tpu.memory_space<hbm>> -> memref<32x128xf32, #tpu.memory_space<hbm>>
        %dma_wait3A_422 = arith.constant 0 : i32
        %dma_wait3A_423 = tpu.memref_slice %arg7[%add3A_416, %dma_wait3A_422] : memref<49152x128xf32, #tpu.memory_space<hbm>> -> memref<32x128xf32, #tpu.memory_space<hbm>>
        %dma_wait3A_424 = arith.constant 0 : i32
        %dma_wait3A_425 = arith.constant 256 : i32
        %dma_wait3A_426 = tpu.memref_slice %arg11[%dma_wait3A_424, %dma_wait3A_425] : memref<32x768xf32, #tpu.memory_space<vmem>> -> memref<32x128xf32, #tpu.memory_space<vmem>>
        tpu.wait_dma2 semaphore(%arg17 : memref<!tpu.dma_semaphore, #tpu.memory_space<semaphore_mem>>) src(%dma_wait3A_426 : memref<32x128xf32, #tpu.memory_space<vmem>>) dst(%dma_wait3A_423 : memref<32x128xf32, #tpu.memory_space<hbm>>)
        %add3A_427 = arith.constant 24576 : i32
        %add3A_428 = arith.addi %add3A_427, %add3A_390 : i32
        %dma_wait3A_429 = arith.constant 0 : i32
        %dma_wait3A_430 = arith.constant 384 : i32
        %dma_wait3A_431 = tpu.memref_slice %arg11[%dma_wait3A_429, %dma_wait3A_430] : memref<32x768xf32, #tpu.memory_space<vmem>> -> memref<32x128xf32, #tpu.memory_space<vmem>>
        %dma_wait3A_432 = arith.constant 0 : i32
        %dma_wait3A_433 = tpu.memref_slice %arg7[%add3A_428, %dma_wait3A_432] : memref<49152x128xf32, #tpu.memory_space<hbm>> -> memref<32x128xf32, #tpu.memory_space<hbm>>
        %dma_wait3A_434 = arith.constant 0 : i32
        %dma_wait3A_435 = tpu.memref_slice %arg7[%add3A_428, %dma_wait3A_434] : memref<49152x128xf32, #tpu.memory_space<hbm>> -> memref<32x128xf32, #tpu.memory_space<hbm>>
        %dma_wait3A_436 = arith.constant 0 : i32
        %dma_wait3A_437 = arith.constant 384 : i32
        %dma_wait3A_438 = tpu.memref_slice %arg11[%dma_wait3A_436, %dma_wait3A_437] : memref<32x768xf32, #tpu.memory_space<vmem>> -> memref<32x128xf32, #tpu.memory_space<vmem>>
        tpu.wait_dma2 semaphore(%arg17 : memref<!tpu.dma_semaphore, #tpu.memory_space<semaphore_mem>>) src(%dma_wait3A_438 : memref<32x128xf32, #tpu.memory_space<vmem>>) dst(%dma_wait3A_435 : memref<32x128xf32, #tpu.memory_space<hbm>>)
        %add3A_439 = arith.constant 32768 : i32
        %add3A_440 = arith.addi %add3A_439, %add3A_390 : i32
        %dma_wait3A_441 = arith.constant 0 : i32
        %dma_wait3A_442 = arith.constant 512 : i32
        %dma_wait3A_443 = tpu.memref_slice %arg11[%dma_wait3A_441, %dma_wait3A_442] : memref<32x768xf32, #tpu.memory_space<vmem>> -> memref<32x128xf32, #tpu.memory_space<vmem>>
        %dma_wait3A_444 = arith.constant 0 : i32
        %dma_wait3A_445 = tpu.memref_slice %arg7[%add3A_440, %dma_wait3A_444] : memref<49152x128xf32, #tpu.memory_space<hbm>> -> memref<32x128xf32, #tpu.memory_space<hbm>>
        %dma_wait3A_446 = arith.constant 0 : i32
        %dma_wait3A_447 = tpu.memref_slice %arg7[%add3A_440, %dma_wait3A_446] : memref<49152x128xf32, #tpu.memory_space<hbm>> -> memref<32x128xf32, #tpu.memory_space<hbm>>
        %dma_wait3A_448 = arith.constant 0 : i32
        %dma_wait3A_449 = arith.constant 512 : i32
        %dma_wait3A_450 = tpu.memref_slice %arg11[%dma_wait3A_448, %dma_wait3A_449] : memref<32x768xf32, #tpu.memory_space<vmem>> -> memref<32x128xf32, #tpu.memory_space<vmem>>
        tpu.wait_dma2 semaphore(%arg17 : memref<!tpu.dma_semaphore, #tpu.memory_space<semaphore_mem>>) src(%dma_wait3A_450 : memref<32x128xf32, #tpu.memory_space<vmem>>) dst(%dma_wait3A_447 : memref<32x128xf32, #tpu.memory_space<hbm>>)
        %add3A_451 = arith.constant 40960 : i32
        %add3A_452 = arith.addi %add3A_451, %add3A_390 : i32
        %dma_wait3A_453 = arith.constant 0 : i32
        %dma_wait3A_454 = arith.constant 640 : i32
        %dma_wait3A_455 = tpu.memref_slice %arg11[%dma_wait3A_453, %dma_wait3A_454] : memref<32x768xf32, #tpu.memory_space<vmem>> -> memref<32x128xf32, #tpu.memory_space<vmem>>
        %dma_wait3A_456 = arith.constant 0 : i32
        %dma_wait3A_457 = tpu.memref_slice %arg7[%add3A_452, %dma_wait3A_456] : memref<49152x128xf32, #tpu.memory_space<hbm>> -> memref<32x128xf32, #tpu.memory_space<hbm>>
        %dma_wait3A_458 = arith.constant 0 : i32
        %dma_wait3A_459 = tpu.memref_slice %arg7[%add3A_452, %dma_wait3A_458] : memref<49152x128xf32, #tpu.memory_space<hbm>> -> memref<32x128xf32, #tpu.memory_space<hbm>>
        %dma_wait3A_460 = arith.constant 0 : i32
        %dma_wait3A_461 = arith.constant 640 : i32
        %dma_wait3A_462 = tpu.memref_slice %arg11[%dma_wait3A_460, %dma_wait3A_461] : memref<32x768xf32, #tpu.memory_space<vmem>> -> memref<32x128xf32, #tpu.memory_space<vmem>>
        tpu.wait_dma2 semaphore(%arg17 : memref<!tpu.dma_semaphore, #tpu.memory_space<semaphore_mem>>) src(%dma_wait3A_462 : memref<32x128xf32, #tpu.memory_space<vmem>>) dst(%dma_wait3A_459 : memref<32x128xf32, #tpu.memory_space<hbm>>)
        %add3A_463 = arith.constant 2 : i32
        %add3A_464 = arith.addi %mul3A_186, %add3A_463 : i32
        %mul3A_465 = arith.constant 32 : i32
        %mul3A_466 = arith.muli %add3A_464, %mul3A_465 : i32
        %dma_start3A_467 = tpu.memref_slice %arg8[%mul3A_466] : memref<256xi32, #tpu.memory_space<vmem>> -> memref<32xi32, #tpu.memory_space<vmem>>
        %dma_start3A_468 = arith.constant 0 : i32
        %dma_start3A_469 = arith.constant 0 : i32
        %dma_start3A_470 = tpu.memref_slice %arg5[%dma_start3A_468, %dma_start3A_469] : memref<30522x768xf32, #tpu.memory_space<hbm>> -> memref<30522x768xf32, #tpu.memory_space<hbm>>
        tpu.enqueue_indirect_dma source(%dma_start3A_470 : memref<30522x768xf32, #tpu.memory_space<hbm>>) target(%arg11 : memref<32x768xf32, #tpu.memory_space<vmem>>) offsets(%dma_start3A_467 : memref<32xi32, #tpu.memory_space<vmem>>) semaphore(%arg15 : memref<!tpu.dma_semaphore, #tpu.memory_space<semaphore_mem>>)
        %dma_start3A_471 = tpu.memref_slice %arg9[%mul3A_466] : memref<256xi32, #tpu.memory_space<vmem>> -> memref<32xi32, #tpu.memory_space<vmem>>
        %dma_start3A_472 = arith.constant 0 : i32
        %dma_start3A_473 = arith.constant 0 : i32
        %dma_start3A_474 = tpu.memref_slice %arg6[%dma_start3A_472, %dma_start3A_473] : memref<1024x768xf32, #tpu.memory_space<hbm>> -> memref<1024x768xf32, #tpu.memory_space<hbm>>
        tpu.enqueue_indirect_dma source(%dma_start3A_474 : memref<1024x768xf32, #tpu.memory_space<hbm>>) target(%arg13 : memref<32x768xf32, #tpu.memory_space<vmem>>) offsets(%dma_start3A_471 : memref<32xi32, #tpu.memory_space<vmem>>) semaphore(%arg15 : memref<!tpu.dma_semaphore, #tpu.memory_space<semaphore_mem>>)
      } else {
      }
      %add3A_294 = arith.constant 1 : i32
      %add3A_295 = arith.addi %mul3A_186, %add3A_294 : i32
      %mul3A_296 = arith.constant 32 : i32
      %mul3A_297 = arith.muli %add3A_295, %mul3A_296 : i32
      %dma_wait3A_298 = tpu.memref_slice %arg8[%mul3A_297] : memref<256xi32, #tpu.memory_space<vmem>> -> memref<32xi32, #tpu.memory_space<vmem>>
      %dma_wait3A_299 = arith.constant 0 : i32
      %dma_wait3A_300 = arith.constant 0 : i32
      %dma_wait3A_301 = tpu.memref_slice %arg5[%dma_wait3A_299, %dma_wait3A_300] : memref<30522x768xf32, #tpu.memory_space<hbm>> -> memref<30522x768xf32, #tpu.memory_space<hbm>>
      tpu.wait_indirect_dma semaphore(%arg16 : memref<!tpu.dma_semaphore, #tpu.memory_space<semaphore_mem>>) src(%dma_wait3A_301 : memref<30522x768xf32, #tpu.memory_space<hbm>>) dst(%arg12 : memref<32x768xf32, #tpu.memory_space<vmem>>)
      %dma_wait3A_302 = tpu.memref_slice %arg9[%mul3A_297] : memref<256xi32, #tpu.memory_space<vmem>> -> memref<32xi32, #tpu.memory_space<vmem>>
      %dma_wait3A_303 = arith.constant 0 : i32
      %dma_wait3A_304 = arith.constant 0 : i32
      %dma_wait3A_305 = tpu.memref_slice %arg6[%dma_wait3A_303, %dma_wait3A_304] : memref<1024x768xf32, #tpu.memory_space<hbm>> -> memref<1024x768xf32, #tpu.memory_space<hbm>>
      tpu.wait_indirect_dma semaphore(%arg16 : memref<!tpu.dma_semaphore, #tpu.memory_space<semaphore_mem>>) src(%dma_wait3A_305 : memref<1024x768xf32, #tpu.memory_space<hbm>>) dst(%arg14 : memref<32x768xf32, #tpu.memory_space<vmem>>)
      %add3A_306 = arith.constant 1 : i32
      %add3A_307 = arith.addi %mul3A_186, %add3A_306 : i32
      %parallel_loop3A_308 = arith.constant 0 : i32
      %parallel_loop3A_309 = arith.constant 32 : i32
      %parallel_loop3A_310 = arith.constant 1 : i32
      scf.for %parallel_loop3A_388 = %parallel_loop3A_308 to %parallel_loop3A_309 step %parallel_loop3A_310  : i32 {
        %parallel_loop3A_389 = arith.index_cast %parallel_loop3A_388 : i32 to index
        %parallel_loop3A_390 = arith.constant 0 : index
        %parallel_loop3A_391 = tpu.vector_load %arg12[%parallel_loop3A_389, %parallel_loop3A_390] {strides = array<i32>} : memref<32x768xf32, #tpu.memory_space<vmem>>, vector<16xf32>,
        %parallel_loop3A_392 = arith.index_cast %parallel_loop3A_388 : i32 to index
        %parallel_loop3A_393 = arith.constant 0 : index
        %parallel_loop3A_394 = tpu.vector_load %arg14[%parallel_loop3A_392, %parallel_loop3A_393] {strides = array<i32>} : memref<32x768xf32, #tpu.memory_space<vmem>>, vector<16xf32>,
        %parallel_loop3A_395 = arith.addf %parallel_loop3A_391, %parallel_loop3A_394 : vector<16xf32>
        %parallel_loop3A_396 = arith.index_cast %parallel_loop3A_388 : i32 to index
        %parallel_loop3A_397 = arith.constant 0 : index
        %parallel_loop3A_398 = tpu.vector_load %arg12[%parallel_loop3A_396, %parallel_loop3A_397] {strides = array<i32>} : memref<32x768xf32, #tpu.memory_space<vmem>>, vector<16xf32>,
        tpu.vector_store %arg12[%parallel_loop3A_396, %parallel_loop3A_397], %parallel_loop3A_395 {strides = array<i32>} : memref<32x768xf32, #tpu.memory_space<vmem>>, vector<16xf32>,
        %parallel_loop3A_399 = arith.index_cast %parallel_loop3A_388 : i32 to index
        %parallel_loop3A_400 = arith.constant 16 : index
        %parallel_loop3A_401 = tpu.vector_load %arg12[%parallel_loop3A_399, %parallel_loop3A_400] {strides = array<i32>} : memref<32x768xf32, #tpu.memory_space<vmem>>, vector<16xf32>,
        %parallel_loop3A_402 = arith.index_cast %parallel_loop3A_388 : i32 to index
        %parallel_loop3A_403 = arith.constant 16 : index
        %parallel_loop3A_404 = tpu.vector_load %arg14[%parallel_loop3A_402, %parallel_loop3A_403] {strides = array<i32>} : memref<32x768xf32, #tpu.memory_space<vmem>>, vector<16xf32>,
        %parallel_loop3A_405 = arith.addf %parallel_loop3A_401, %parallel_loop3A_404 : vector<16xf32>
        %parallel_loop3A_406 = arith.index_cast %parallel_loop3A_388 : i32 to index
        %parallel_loop3A_407 = arith.constant 16 : index
        %parallel_loop3A_408 = tpu.vector_load %arg12[%parallel_loop3A_406, %parallel_loop3A_407] {strides = array<i32>} : memref<32x768xf32, #tpu.memory_space<vmem>>, vector<16xf32>,
        tpu.vector_store %arg12[%parallel_loop3A_406, %parallel_loop3A_407], %parallel_loop3A_405 {strides = array<i32>} : memref<32x768xf32, #tpu.memory_space<vmem>>, vector<16xf32>,
        %parallel_loop3A_409 = arith.index_cast %parallel_loop3A_388 : i32 to index
        %parallel_loop3A_410 = arith.constant 32 : index
        %parallel_loop3A_411 = tpu.vector_load %arg12[%parallel_loop3A_409, %parallel_loop3A_410] {strides = array<i32>} : memref<32x768xf32, #tpu.memory_space<vmem>>, vector<16xf32>,
        %parallel_loop3A_412 = arith.index_cast %parallel_loop3A_388 : i32 to index
        %parallel_loop3A_413 = arith.constant 32 : index
        %parallel_loop3A_414 = tpu.vector_load %arg14[%parallel_loop3A_412, %parallel_loop3A_413] {strides = array<i32>} : memref<32x768xf32, #tpu.memory_space<vmem>>, vector<16xf32>,
        %parallel_loop3A_415 = arith.addf %parallel_loop3A_411, %parallel_loop3A_414 : vector<16xf32>
        %parallel_loop3A_416 = arith.index_cast %parallel_loop3A_388 : i32 to index
        %parallel_loop3A_417 = arith.constant 32 : index
        %parallel_loop3A_418 = tpu.vector_load %arg12[%parallel_loop3A_416, %parallel_loop3A_417] {strides = array<i32>} : memref<32x768xf32, #tpu.memory_space<vmem>>, vector<16xf32>,
        tpu.vector_store %arg12[%parallel_loop3A_416, %parallel_loop3A_417], %parallel_loop3A_415 {strides = array<i32>} : memref<32x768xf32, #tpu.memory_space<vmem>>, vector<16xf32>,
        %parallel_loop3A_419 = arith.index_cast %parallel_loop3A_388 : i32 to index
        %parallel_loop3A_420 = arith.constant 48 : index
        %parallel_loop3A_421 = tpu.vector_load %arg12[%parallel_loop3A_419, %parallel_loop3A_420] {strides = array<i32>} : memref<32x768xf32, #tpu.memory_space<vmem>>, vector<16xf32>,
        %parallel_loop3A_422 = arith.index_cast %parallel_loop3A_388 : i32 to index
        %parallel_loop3A_423 = arith.constant 48 : index
        %parallel_loop3A_424 = tpu.vector_load %arg14[%parallel_loop3A_422, %parallel_loop3A_423] {strides = array<i32>} : memref<32x768xf32, #tpu.memory_space<vmem>>, vector<16xf32>,
        %parallel_loop3A_425 = arith.addf %parallel_loop3A_421, %parallel_loop3A_424 : vector<16xf32>
        %parallel_loop3A_426 = arith.index_cast %parallel_loop3A_388 : i32 to index
        %parallel_loop3A_427 = arith.constant 48 : index
        %parallel_loop3A_428 = tpu.vector_load %arg12[%parallel_loop3A_426, %parallel_loop3A_427] {strides = array<i32>} : memref<32x768xf32, #tpu.memory_space<vmem>>, vector<16xf32>,
        tpu.vector_store %arg12[%parallel_loop3A_426, %parallel_loop3A_427], %parallel_loop3A_425 {strides = array<i32>} : memref<32x768xf32, #tpu.memory_space<vmem>>, vector<16xf32>,
        %parallel_loop3A_429 = arith.index_cast %parallel_loop3A_388 : i32 to index
        %parallel_loop3A_430 = arith.constant 64 : index
        %parallel_loop3A_431 = tpu.vector_load %arg12[%parallel_loop3A_429, %parallel_loop3A_430] {strides = array<i32>} : memref<32x768xf32, #tpu.memory_space<vmem>>, vector<16xf32>,
        %parallel_loop3A_432 = arith.index_cast %parallel_loop3A_388 : i32 to index
        %parallel_loop3A_433 = arith.constant 64 : index
        %parallel_loop3A_434 = tpu.vector_load %arg14[%parallel_loop3A_432, %parallel_loop3A_433] {strides = array<i32>} : memref<32x768xf32, #tpu.memory_space<vmem>>, vector<16xf32>,
        %parallel_loop3A_435 = arith.addf %parallel_loop3A_431, %parallel_loop3A_434 : vector<16xf32>
        %parallel_loop3A_436 = arith.index_cast %parallel_loop3A_388 : i32 to index
        %parallel_loop3A_437 = arith.constant 64 : index
        %parallel_loop3A_438 = tpu.vector_load %arg12[%parallel_loop3A_436, %parallel_loop3A_437] {strides = array<i32>} : memref<32x768xf32, #tpu.memory_space<vmem>>, vector<16xf32>,
        tpu.vector_store %arg12[%parallel_loop3A_436, %parallel_loop3A_437], %parallel_loop3A_435 {strides = array<i32>} : memref<32x768xf32, #tpu.memory_space<vmem>>, vector<16xf32>,
        %parallel_loop3A_439 = arith.index_cast %parallel_loop3A_388 : i32 to index
        %parallel_loop3A_440 = arith.constant 80 : index
        %parallel_loop3A_441 = tpu.vector_load %arg12[%parallel_loop3A_439, %parallel_loop3A_440] {strides = array<i32>} : memref<32x768xf32, #tpu.memory_space<vmem>>, vector<16xf32>,
        %parallel_loop3A_442 = arith.index_cast %parallel_loop3A_388 : i32 to index
        %parallel_loop3A_443 = arith.constant 80 : index
        %parallel_loop3A_444 = tpu.vector_load %arg14[%parallel_loop3A_442, %parallel_loop3A_443] {strides = array<i32>} : memref<32x768xf32, #tpu.memory_space<vmem>>, vector<16xf32>,
        %parallel_loop3A_445 = arith.addf %parallel_loop3A_441, %parallel_loop3A_444 : vector<16xf32>
        %parallel_loop3A_446 = arith.index_cast %parallel_loop3A_388 : i32 to index
        %parallel_loop3A_447 = arith.constant 80 : index
        %parallel_loop3A_448 = tpu.vector_load %arg12[%parallel_loop3A_446, %parallel_loop3A_447] {strides = array<i32>} : memref<32x768xf32, #tpu.memory_space<vmem>>, vector<16xf32>,
        tpu.vector_store %arg12[%parallel_loop3A_446, %parallel_loop3A_447], %parallel_loop3A_445 {strides = array<i32>} : memref<32x768xf32, #tpu.memory_space<vmem>>, vector<16xf32>,
        %parallel_loop3A_449 = arith.index_cast %parallel_loop3A_388 : i32 to index
        %parallel_loop3A_450 = arith.constant 96 : index
        %parallel_loop3A_451 = tpu.vector_load %arg12[%parallel_loop3A_449, %parallel_loop3A_450] {strides = array<i32>} : memref<32x768xf32, #tpu.memory_space<vmem>>, vector<16xf32>,
        %parallel_loop3A_452 = arith.index_cast %parallel_loop3A_388 : i32 to index
        %parallel_loop3A_453 = arith.constant 96 : index
        %parallel_loop3A_454 = tpu.vector_load %arg14[%parallel_loop3A_452, %parallel_loop3A_453] {strides = array<i32>} : memref<32x768xf32, #tpu.memory_space<vmem>>, vector<16xf32>,
        %parallel_loop3A_455 = arith.addf %parallel_loop3A_451, %parallel_loop3A_454 : vector<16xf32>
        %parallel_loop3A_456 = arith.index_cast %parallel_loop3A_388 : i32 to index
        %parallel_loop3A_457 = arith.constant 96 : index
        %parallel_loop3A_458 = tpu.vector_load %arg12[%parallel_loop3A_456, %parallel_loop3A_457] {strides = array<i32>} : memref<32x768xf32, #tpu.memory_space<vmem>>, vector<16xf32>,
        tpu.vector_store %arg12[%parallel_loop3A_456, %parallel_loop3A_457], %parallel_loop3A_455 {strides = array<i32>} : memref<32x768xf32, #tpu.memory_space<vmem>>, vector<16xf32>,
        %parallel_loop3A_459 = arith.index_cast %parallel_loop3A_388 : i32 to index
        %parallel_loop3A_460 = arith.constant 112 : index
        %parallel_loop3A_461 = tpu.vector_load %arg12[%parallel_loop3A_459, %parallel_loop3A_460] {strides = array<i32>} : memref<32x768xf32, #tpu.memory_space<vmem>>, vector<16xf32>,
        %parallel_loop3A_462 = arith.index_cast %parallel_loop3A_388 : i32 to index
        %parallel_loop3A_463 = arith.constant 112 : index
        %parallel_loop3A_464 = tpu.vector_load %arg14[%parallel_loop3A_462, %parallel_loop3A_463] {strides = array<i32>} : memref<32x768xf32, #tpu.memory_space<vmem>>, vector<16xf32>,
        %parallel_loop3A_465 = arith.addf %parallel_loop3A_461, %parallel_loop3A_464 : vector<16xf32>
        %parallel_loop3A_466 = arith.index_cast %parallel_loop3A_388 : i32 to index
        %parallel_loop3A_467 = arith.constant 112 : index
        %parallel_loop3A_468 = tpu.vector_load %arg12[%parallel_loop3A_466, %parallel_loop3A_467] {strides = array<i32>} : memref<32x768xf32, #tpu.memory_space<vmem>>, vector<16xf32>,
        tpu.vector_store %arg12[%parallel_loop3A_466, %parallel_loop3A_467], %parallel_loop3A_465 {strides = array<i32>} : memref<32x768xf32, #tpu.memory_space<vmem>>, vector<16xf32>,
        %parallel_loop3A_469 = arith.index_cast %parallel_loop3A_388 : i32 to index
        %parallel_loop3A_470 = arith.constant 128 : index
        %parallel_loop3A_471 = tpu.vector_load %arg12[%parallel_loop3A_469, %parallel_loop3A_470] {strides = array<i32>} : memref<32x768xf32, #tpu.memory_space<vmem>>, vector<16xf32>,
        %parallel_loop3A_472 = arith.index_cast %parallel_loop3A_388 : i32 to index
        %parallel_loop3A_473 = arith.constant 128 : index
        %parallel_loop3A_474 = tpu.vector_load %arg14[%parallel_loop3A_472, %parallel_loop3A_473] {strides = array<i32>} : memref<32x768xf32, #tpu.memory_space<vmem>>, vector<16xf32>,
        %parallel_loop3A_475 = arith.addf %parallel_loop3A_471, %parallel_loop3A_474 : vector<16xf32>
        %parallel_loop3A_476 = arith.index_cast %parallel_loop3A_388 : i32 to index
        %parallel_loop3A_477 = arith.constant 128 : index
        %parallel_loop3A_478 = tpu.vector_load %arg12[%parallel_loop3A_476, %parallel_loop3A_477] {strides = array<i32>} : memref<32x768xf32, #tpu.memory_space<vmem>>, vector<16xf32>,
        tpu.vector_store %arg12[%parallel_loop3A_476, %parallel_loop3A_477], %parallel_loop3A_475 {strides = array<i32>} : memref<32x768xf32, #tpu.memory_space<vmem>>, vector<16xf32>,
        %parallel_loop3A_479 = arith.index_cast %parallel_loop3A_388 : i32 to index
        %parallel_loop3A_480 = arith.constant 144 : index
        %parallel_loop3A_481 = tpu.vector_load %arg12[%parallel_loop3A_479, %parallel_loop3A_480] {strides = array<i32>} : memref<32x768xf32, #tpu.memory_space<vmem>>, vector<16xf32>,
        %parallel_loop3A_482 = arith.index_cast %parallel_loop3A_388 : i32 to index
        %parallel_loop3A_483 = arith.constant 144 : index
        %parallel_loop3A_484 = tpu.vector_load %arg14[%parallel_loop3A_482, %parallel_loop3A_483] {strides = array<i32>} : memref<32x768xf32, #tpu.memory_space<vmem>>, vector<16xf32>,
        %parallel_loop3A_485 = arith.addf %parallel_loop3A_481, %parallel_loop3A_484 : vector<16xf32>
        %parallel_loop3A_486 = arith.index_cast %parallel_loop3A_388 : i32 to index
        %parallel_loop3A_487 = arith.constant 144 : index
        %parallel_loop3A_488 = tpu.vector_load %arg12[%parallel_loop3A_486, %parallel_loop3A_487] {strides = array<i32>} : memref<32x768xf32, #tpu.memory_space<vmem>>, vector<16xf32>,
        tpu.vector_store %arg12[%parallel_loop3A_486, %parallel_loop3A_487], %parallel_loop3A_485 {strides = array<i32>} : memref<32x768xf32, #tpu.memory_space<vmem>>, vector<16xf32>,
        %parallel_loop3A_489 = arith.index_cast %parallel_loop3A_388 : i32 to index
        %parallel_loop3A_490 = arith.constant 160 : index
        %parallel_loop3A_491 = tpu.vector_load %arg12[%parallel_loop3A_489, %parallel_loop3A_490] {strides = array<i32>} : memref<32x768xf32, #tpu.memory_space<vmem>>, vector<16xf32>,
        %parallel_loop3A_492 = arith.index_cast %parallel_loop3A_388 : i32 to index
        %parallel_loop3A_493 = arith.constant 160 : index
        %parallel_loop3A_494 = tpu.vector_load %arg14[%parallel_loop3A_492, %parallel_loop3A_493] {strides = array<i32>} : memref<32x768xf32, #tpu.memory_space<vmem>>, vector<16xf32>,
        %parallel_loop3A_495 = arith.addf %parallel_loop3A_491, %parallel_loop3A_494 : vector<16xf32>
        %parallel_loop3A_496 = arith.index_cast %parallel_loop3A_388 : i32 to index
        %parallel_loop3A_497 = arith.constant 160 : index
        %parallel_loop3A_498 = tpu.vector_load %arg12[%parallel_loop3A_496, %parallel_loop3A_497] {strides = array<i32>} : memref<32x768xf32, #tpu.memory_space<vmem>>, vector<16xf32>,
        tpu.vector_store %arg12[%parallel_loop3A_496, %parallel_loop3A_497], %parallel_loop3A_495 {strides = array<i32>} : memref<32x768xf32, #tpu.memory_space<vmem>>, vector<16xf32>,
        %parallel_loop3A_499 = arith.index_cast %parallel_loop3A_388 : i32 to index
        %parallel_loop3A_500 = arith.constant 176 : index
        %parallel_loop3A_501 = tpu.vector_load %arg12[%parallel_loop3A_499, %parallel_loop3A_500] {strides = array<i32>} : memref<32x768xf32, #tpu.memory_space<vmem>>, vector<16xf32>,
        %parallel_loop3A_502 = arith.index_cast %parallel_loop3A_388 : i32 to index
        %parallel_loop3A_503 = arith.constant 176 : index
        %parallel_loop3A_504 = tpu.vector_load %arg14[%parallel_loop3A_502, %parallel_loop3A_503] {strides = array<i32>} : memref<32x768xf32, #tpu.memory_space<vmem>>, vector<16xf32>,
        %parallel_loop3A_505 = arith.addf %parallel_loop3A_501, %parallel_loop3A_504 : vector<16xf32>
        %parallel_loop3A_506 = arith.index_cast %parallel_loop3A_388 : i32 to index
        %parallel_loop3A_507 = arith.constant 176 : index
        %parallel_loop3A_508 = tpu.vector_load %arg12[%parallel_loop3A_506, %parallel_loop3A_507] {strides = array<i32>} : memref<32x768xf32, #tpu.memory_space<vmem>>, vector<16xf32>,
        tpu.vector_store %arg12[%parallel_loop3A_506, %parallel_loop3A_507], %parallel_loop3A_505 {strides = array<i32>} : memref<32x768xf32, #tpu.memory_space<vmem>>, vector<16xf32>,
        %parallel_loop3A_509 = arith.index_cast %parallel_loop3A_388 : i32 to index
        %parallel_loop3A_510 = arith.constant 192 : index
        %parallel_loop3A_511 = tpu.vector_load %arg12[%parallel_loop3A_509, %parallel_loop3A_510] {strides = array<i32>} : memref<32x768xf32, #tpu.memory_space<vmem>>, vector<16xf32>,
        %parallel_loop3A_512 = arith.index_cast %parallel_loop3A_388 : i32 to index
        %parallel_loop3A_513 = arith.constant 192 : index
        %parallel_loop3A_514 = tpu.vector_load %arg14[%parallel_loop3A_512, %parallel_loop3A_513] {strides = array<i32>} : memref<32x768xf32, #tpu.memory_space<vmem>>, vector<16xf32>,
        %parallel_loop3A_515 = arith.addf %parallel_loop3A_511, %parallel_loop3A_514 : vector<16xf32>
        %parallel_loop3A_516 = arith.index_cast %parallel_loop3A_388 : i32 to index
        %parallel_loop3A_517 = arith.constant 192 : index
        %parallel_loop3A_518 = tpu.vector_load %arg12[%parallel_loop3A_516, %parallel_loop3A_517] {strides = array<i32>} : memref<32x768xf32, #tpu.memory_space<vmem>>, vector<16xf32>,
        tpu.vector_store %arg12[%parallel_loop3A_516, %parallel_loop3A_517], %parallel_loop3A_515 {strides = array<i32>} : memref<32x768xf32, #tpu.memory_space<vmem>>, vector<16xf32>,
        %parallel_loop3A_519 = arith.index_cast %parallel_loop3A_388 : i32 to index
        %parallel_loop3A_520 = arith.constant 208 : index
        %parallel_loop3A_521 = tpu.vector_load %arg12[%parallel_loop3A_519, %parallel_loop3A_520] {strides = array<i32>} : memref<32x768xf32, #tpu.memory_space<vmem>>, vector<16xf32>,
        %parallel_loop3A_522 = arith.index_cast %parallel_loop3A_388 : i32 to index
        %parallel_loop3A_523 = arith.constant 208 : index
        %parallel_loop3A_524 = tpu.vector_load %arg14[%parallel_loop3A_522, %parallel_loop3A_523] {strides = array<i32>} : memref<32x768xf32, #tpu.memory_space<vmem>>, vector<16xf32>,
        %parallel_loop3A_525 = arith.addf %parallel_loop3A_521, %parallel_loop3A_524 : vector<16xf32>
        %parallel_loop3A_526 = arith.index_cast %parallel_loop3A_388 : i32 to index
        %parallel_loop3A_527 = arith.constant 208 : index
        %parallel_loop3A_528 = tpu.vector_load %arg12[%parallel_loop3A_526, %parallel_loop3A_527] {strides = array<i32>} : memref<32x768xf32, #tpu.memory_space<vmem>>, vector<16xf32>,
        tpu.vector_store %arg12[%parallel_loop3A_526, %parallel_loop3A_527], %parallel_loop3A_525 {strides = array<i32>} : memref<32x768xf32, #tpu.memory_space<vmem>>, vector<16xf32>,
        %parallel_loop3A_529 = arith.index_cast %parallel_loop3A_388 : i32 to index
        %parallel_loop3A_530 = arith.constant 224 : index
        %parallel_loop3A_531 = tpu.vector_load %arg12[%parallel_loop3A_529, %parallel_loop3A_530] {strides = array<i32>} : memref<32x768xf32, #tpu.memory_space<vmem>>, vector<16xf32>,
        %parallel_loop3A_532 = arith.index_cast %parallel_loop3A_388 : i32 to index
        %parallel_loop3A_533 = arith.constant 224 : index
        %parallel_loop3A_534 = tpu.vector_load %arg14[%parallel_loop3A_532, %parallel_loop3A_533] {strides = array<i32>} : memref<32x768xf32, #tpu.memory_space<vmem>>, vector<16xf32>,
        %parallel_loop3A_535 = arith.addf %parallel_loop3A_531, %parallel_loop3A_534 : vector<16xf32>
        %parallel_loop3A_536 = arith.index_cast %parallel_loop3A_388 : i32 to index
        %parallel_loop3A_537 = arith.constant 224 : index
        %parallel_loop3A_538 = tpu.vector_load %arg12[%parallel_loop3A_536, %parallel_loop3A_537] {strides = array<i32>} : memref<32x768xf32, #tpu.memory_space<vmem>>, vector<16xf32>,
        tpu.vector_store %arg12[%parallel_loop3A_536, %parallel_loop3A_537], %parallel_loop3A_535 {strides = array<i32>} : memref<32x768xf32, #tpu.memory_space<vmem>>, vector<16xf32>,
        %parallel_loop3A_539 = arith.index_cast %parallel_loop3A_388 : i32 to index
        %parallel_loop3A_540 = arith.constant 240 : index
        %parallel_loop3A_541 = tpu.vector_load %arg12[%parallel_loop3A_539, %parallel_loop3A_540] {strides = array<i32>} : memref<32x768xf32, #tpu.memory_space<vmem>>, vector<16xf32>,
        %parallel_loop3A_542 = arith.index_cast %parallel_loop3A_388 : i32 to index
        %parallel_loop3A_543 = arith.constant 240 : index
        %parallel_loop3A_544 = tpu.vector_load %arg14[%parallel_loop3A_542, %parallel_loop3A_543] {strides = array<i32>} : memref<32x768xf32, #tpu.memory_space<vmem>>, vector<16xf32>,
        %parallel_loop3A_545 = arith.addf %parallel_loop3A_541, %parallel_loop3A_544 : vector<16xf32>
        %parallel_loop3A_546 = arith.index_cast %parallel_loop3A_388 : i32 to index
        %parallel_loop3A_547 = arith.constant 240 : index
        %parallel_loop3A_548 = tpu.vector_load %arg12[%parallel_loop3A_546, %parallel_loop3A_547] {strides = array<i32>} : memref<32x768xf32, #tpu.memory_space<vmem>>, vector<16xf32>,
        tpu.vector_store %arg12[%parallel_loop3A_546, %parallel_loop3A_547], %parallel_loop3A_545 {strides = array<i32>} : memref<32x768xf32, #tpu.memory_space<vmem>>, vector<16xf32>,
        %parallel_loop3A_549 = arith.index_cast %parallel_loop3A_388 : i32 to index
        %parallel_loop3A_550 = arith.constant 256 : index
        %parallel_loop3A_551 = tpu.vector_load %arg12[%parallel_loop3A_549, %parallel_loop3A_550] {strides = array<i32>} : memref<32x768xf32, #tpu.memory_space<vmem>>, vector<16xf32>,
        %parallel_loop3A_552 = arith.index_cast %parallel_loop3A_388 : i32 to index
        %parallel_loop3A_553 = arith.constant 256 : index
        %parallel_loop3A_554 = tpu.vector_load %arg14[%parallel_loop3A_552, %parallel_loop3A_553] {strides = array<i32>} : memref<32x768xf32, #tpu.memory_space<vmem>>, vector<16xf32>,
        %parallel_loop3A_555 = arith.addf %parallel_loop3A_551, %parallel_loop3A_554 : vector<16xf32>
        %parallel_loop3A_556 = arith.index_cast %parallel_loop3A_388 : i32 to index
        %parallel_loop3A_557 = arith.constant 256 : index
        %parallel_loop3A_558 = tpu.vector_load %arg12[%parallel_loop3A_556, %parallel_loop3A_557] {strides = array<i32>} : memref<32x768xf32, #tpu.memory_space<vmem>>, vector<16xf32>,
        tpu.vector_store %arg12[%parallel_loop3A_556, %parallel_loop3A_557], %parallel_loop3A_555 {strides = array<i32>} : memref<32x768xf32, #tpu.memory_space<vmem>>, vector<16xf32>,
        %parallel_loop3A_559 = arith.index_cast %parallel_loop3A_388 : i32 to index
        %parallel_loop3A_560 = arith.constant 272 : index
        %parallel_loop3A_561 = tpu.vector_load %arg12[%parallel_loop3A_559, %parallel_loop3A_560] {strides = array<i32>} : memref<32x768xf32, #tpu.memory_space<vmem>>, vector<16xf32>,
        %parallel_loop3A_562 = arith.index_cast %parallel_loop3A_388 : i32 to index
        %parallel_loop3A_563 = arith.constant 272 : index
        %parallel_loop3A_564 = tpu.vector_load %arg14[%parallel_loop3A_562, %parallel_loop3A_563] {strides = array<i32>} : memref<32x768xf32, #tpu.memory_space<vmem>>, vector<16xf32>,
        %parallel_loop3A_565 = arith.addf %parallel_loop3A_561, %parallel_loop3A_564 : vector<16xf32>
        %parallel_loop3A_566 = arith.index_cast %parallel_loop3A_388 : i32 to index
        %parallel_loop3A_567 = arith.constant 272 : index
        %parallel_loop3A_568 = tpu.vector_load %arg12[%parallel_loop3A_566, %parallel_loop3A_567] {strides = array<i32>} : memref<32x768xf32, #tpu.memory_space<vmem>>, vector<16xf32>,
        tpu.vector_store %arg12[%parallel_loop3A_566, %parallel_loop3A_567], %parallel_loop3A_565 {strides = array<i32>} : memref<32x768xf32, #tpu.memory_space<vmem>>, vector<16xf32>,
        %parallel_loop3A_569 = arith.index_cast %parallel_loop3A_388 : i32 to index
        %parallel_loop3A_570 = arith.constant 288 : index
        %parallel_loop3A_571 = tpu.vector_load %arg12[%parallel_loop3A_569, %parallel_loop3A_570] {strides = array<i32>} : memref<32x768xf32, #tpu.memory_space<vmem>>, vector<16xf32>,
        %parallel_loop3A_572 = arith.index_cast %parallel_loop3A_388 : i32 to index
        %parallel_loop3A_573 = arith.constant 288 : index
        %parallel_loop3A_574 = tpu.vector_load %arg14[%parallel_loop3A_572, %parallel_loop3A_573] {strides = array<i32>} : memref<32x768xf32, #tpu.memory_space<vmem>>, vector<16xf32>,
        %parallel_loop3A_575 = arith.addf %parallel_loop3A_571, %parallel_loop3A_574 : vector<16xf32>
        %parallel_loop3A_576 = arith.index_cast %parallel_loop3A_388 : i32 to index
        %parallel_loop3A_577 = arith.constant 288 : index
        %parallel_loop3A_578 = tpu.vector_load %arg12[%parallel_loop3A_576, %parallel_loop3A_577] {strides = array<i32>} : memref<32x768xf32, #tpu.memory_space<vmem>>, vector<16xf32>,
        tpu.vector_store %arg12[%parallel_loop3A_576, %parallel_loop3A_577], %parallel_loop3A_575 {strides = array<i32>} : memref<32x768xf32, #tpu.memory_space<vmem>>, vector<16xf32>,
        %parallel_loop3A_579 = arith.index_cast %parallel_loop3A_388 : i32 to index
        %parallel_loop3A_580 = arith.constant 304 : index
        %parallel_loop3A_581 = tpu.vector_load %arg12[%parallel_loop3A_579, %parallel_loop3A_580] {strides = array<i32>} : memref<32x768xf32, #tpu.memory_space<vmem>>, vector<16xf32>,
        %parallel_loop3A_582 = arith.index_cast %parallel_loop3A_388 : i32 to index
        %parallel_loop3A_583 = arith.constant 304 : index
        %parallel_loop3A_584 = tpu.vector_load %arg14[%parallel_loop3A_582, %parallel_loop3A_583] {strides = array<i32>} : memref<32x768xf32, #tpu.memory_space<vmem>>, vector<16xf32>,
        %parallel_loop3A_585 = arith.addf %parallel_loop3A_581, %parallel_loop3A_584 : vector<16xf32>
        %parallel_loop3A_586 = arith.index_cast %parallel_loop3A_388 : i32 to index
        %parallel_loop3A_587 = arith.constant 304 : index
        %parallel_loop3A_588 = tpu.vector_load %arg12[%parallel_loop3A_586, %parallel_loop3A_587] {strides = array<i32>} : memref<32x768xf32, #tpu.memory_space<vmem>>, vector<16xf32>,
        tpu.vector_store %arg12[%parallel_loop3A_586, %parallel_loop3A_587], %parallel_loop3A_585 {strides = array<i32>} : memref<32x768xf32, #tpu.memory_space<vmem>>, vector<16xf32>,
        %parallel_loop3A_589 = arith.index_cast %parallel_loop3A_388 : i32 to index
        %parallel_loop3A_590 = arith.constant 320 : index
        %parallel_loop3A_591 = tpu.vector_load %arg12[%parallel_loop3A_589, %parallel_loop3A_590] {strides = array<i32>} : memref<32x768xf32, #tpu.memory_space<vmem>>, vector<16xf32>,
        %parallel_loop3A_592 = arith.index_cast %parallel_loop3A_388 : i32 to index
        %parallel_loop3A_593 = arith.constant 320 : index
        %parallel_loop3A_594 = tpu.vector_load %arg14[%parallel_loop3A_592, %parallel_loop3A_593] {strides = array<i32>} : memref<32x768xf32, #tpu.memory_space<vmem>>, vector<16xf32>,
        %parallel_loop3A_595 = arith.addf %parallel_loop3A_591, %parallel_loop3A_594 : vector<16xf32>
        %parallel_loop3A_596 = arith.index_cast %parallel_loop3A_388 : i32 to index
        %parallel_loop3A_597 = arith.constant 320 : index
        %parallel_loop3A_598 = tpu.vector_load %arg12[%parallel_loop3A_596, %parallel_loop3A_597] {strides = array<i32>} : memref<32x768xf32, #tpu.memory_space<vmem>>, vector<16xf32>,
        tpu.vector_store %arg12[%parallel_loop3A_596, %parallel_loop3A_597], %parallel_loop3A_595 {strides = array<i32>} : memref<32x768xf32, #tpu.memory_space<vmem>>, vector<16xf32>,
        %parallel_loop3A_599 = arith.index_cast %parallel_loop3A_388 : i32 to index
        %parallel_loop3A_600 = arith.constant 336 : index
        %parallel_loop3A_601 = tpu.vector_load %arg12[%parallel_loop3A_599, %parallel_loop3A_600] {strides = array<i32>} : memref<32x768xf32, #tpu.memory_space<vmem>>, vector<16xf32>,
        %parallel_loop3A_602 = arith.index_cast %parallel_loop3A_388 : i32 to index
        %parallel_loop3A_603 = arith.constant 336 : index
        %parallel_loop3A_604 = tpu.vector_load %arg14[%parallel_loop3A_602, %parallel_loop3A_603] {strides = array<i32>} : memref<32x768xf32, #tpu.memory_space<vmem>>, vector<16xf32>,
        %parallel_loop3A_605 = arith.addf %parallel_loop3A_601, %parallel_loop3A_604 : vector<16xf32>
        %parallel_loop3A_606 = arith.index_cast %parallel_loop3A_388 : i32 to index
        %parallel_loop3A_607 = arith.constant 336 : index
        %parallel_loop3A_608 = tpu.vector_load %arg12[%parallel_loop3A_606, %parallel_loop3A_607] {strides = array<i32>} : memref<32x768xf32, #tpu.memory_space<vmem>>, vector<16xf32>,
        tpu.vector_store %arg12[%parallel_loop3A_606, %parallel_loop3A_607], %parallel_loop3A_605 {strides = array<i32>} : memref<32x768xf32, #tpu.memory_space<vmem>>, vector<16xf32>,
        %parallel_loop3A_609 = arith.index_cast %parallel_loop3A_388 : i32 to index
        %parallel_loop3A_610 = arith.constant 352 : index
        %parallel_loop3A_611 = tpu.vector_load %arg12[%parallel_loop3A_609, %parallel_loop3A_610] {strides = array<i32>} : memref<32x768xf32, #tpu.memory_space<vmem>>, vector<16xf32>,
        %parallel_loop3A_612 = arith.index_cast %parallel_loop3A_388 : i32 to index
        %parallel_loop3A_613 = arith.constant 352 : index
        %parallel_loop3A_614 = tpu.vector_load %arg14[%parallel_loop3A_612, %parallel_loop3A_613] {strides = array<i32>} : memref<32x768xf32, #tpu.memory_space<vmem>>, vector<16xf32>,
        %parallel_loop3A_615 = arith.addf %parallel_loop3A_611, %parallel_loop3A_614 : vector<16xf32>
        %parallel_loop3A_616 = arith.index_cast %parallel_loop3A_388 : i32 to index
        %parallel_loop3A_617 = arith.constant 352 : index
        %parallel_loop3A_618 = tpu.vector_load %arg12[%parallel_loop3A_616, %parallel_loop3A_617] {strides = array<i32>} : memref<32x768xf32, #tpu.memory_space<vmem>>, vector<16xf32>,
        tpu.vector_store %arg12[%parallel_loop3A_616, %parallel_loop3A_617], %parallel_loop3A_615 {strides = array<i32>} : memref<32x768xf32, #tpu.memory_space<vmem>>, vector<16xf32>,
        %parallel_loop3A_619 = arith.index_cast %parallel_loop3A_388 : i32 to index
        %parallel_loop3A_620 = arith.constant 368 : index
        %parallel_loop3A_621 = tpu.vector_load %arg12[%parallel_loop3A_619, %parallel_loop3A_620] {strides = array<i32>} : memref<32x768xf32, #tpu.memory_space<vmem>>, vector<16xf32>,
        %parallel_loop3A_622 = arith.index_cast %parallel_loop3A_388 : i32 to index
        %parallel_loop3A_623 = arith.constant 368 : index
        %parallel_loop3A_624 = tpu.vector_load %arg14[%parallel_loop3A_622, %parallel_loop3A_623] {strides = array<i32>} : memref<32x768xf32, #tpu.memory_space<vmem>>, vector<16xf32>,
        %parallel_loop3A_625 = arith.addf %parallel_loop3A_621, %parallel_loop3A_624 : vector<16xf32>
        %parallel_loop3A_626 = arith.index_cast %parallel_loop3A_388 : i32 to index
        %parallel_loop3A_627 = arith.constant 368 : index
        %parallel_loop3A_628 = tpu.vector_load %arg12[%parallel_loop3A_626, %parallel_loop3A_627] {strides = array<i32>} : memref<32x768xf32, #tpu.memory_space<vmem>>, vector<16xf32>,
        tpu.vector_store %arg12[%parallel_loop3A_626, %parallel_loop3A_627], %parallel_loop3A_625 {strides = array<i32>} : memref<32x768xf32, #tpu.memory_space<vmem>>, vector<16xf32>,
        %parallel_loop3A_629 = arith.index_cast %parallel_loop3A_388 : i32 to index
        %parallel_loop3A_630 = arith.constant 384 : index
        %parallel_loop3A_631 = tpu.vector_load %arg12[%parallel_loop3A_629, %parallel_loop3A_630] {strides = array<i32>} : memref<32x768xf32, #tpu.memory_space<vmem>>, vector<16xf32>,
        %parallel_loop3A_632 = arith.index_cast %parallel_loop3A_388 : i32 to index
        %parallel_loop3A_633 = arith.constant 384 : index
        %parallel_loop3A_634 = tpu.vector_load %arg14[%parallel_loop3A_632, %parallel_loop3A_633] {strides = array<i32>} : memref<32x768xf32, #tpu.memory_space<vmem>>, vector<16xf32>,
        %parallel_loop3A_635 = arith.addf %parallel_loop3A_631, %parallel_loop3A_634 : vector<16xf32>
        %parallel_loop3A_636 = arith.index_cast %parallel_loop3A_388 : i32 to index
        %parallel_loop3A_637 = arith.constant 384 : index
        %parallel_loop3A_638 = tpu.vector_load %arg12[%parallel_loop3A_636, %parallel_loop3A_637] {strides = array<i32>} : memref<32x768xf32, #tpu.memory_space<vmem>>, vector<16xf32>,
        tpu.vector_store %arg12[%parallel_loop3A_636, %parallel_loop3A_637], %parallel_loop3A_635 {strides = array<i32>} : memref<32x768xf32, #tpu.memory_space<vmem>>, vector<16xf32>,
        %parallel_loop3A_639 = arith.index_cast %parallel_loop3A_388 : i32 to index
        %parallel_loop3A_640 = arith.constant 400 : index
        %parallel_loop3A_641 = tpu.vector_load %arg12[%parallel_loop3A_639, %parallel_loop3A_640] {strides = array<i32>} : memref<32x768xf32, #tpu.memory_space<vmem>>, vector<16xf32>,
        %parallel_loop3A_642 = arith.index_cast %parallel_loop3A_388 : i32 to index
        %parallel_loop3A_643 = arith.constant 400 : index
        %parallel_loop3A_644 = tpu.vector_load %arg14[%parallel_loop3A_642, %parallel_loop3A_643] {strides = array<i32>} : memref<32x768xf32, #tpu.memory_space<vmem>>, vector<16xf32>,
        %parallel_loop3A_645 = arith.addf %parallel_loop3A_641, %parallel_loop3A_644 : vector<16xf32>
        %parallel_loop3A_646 = arith.index_cast %parallel_loop3A_388 : i32 to index
        %parallel_loop3A_647 = arith.constant 400 : index
        %parallel_loop3A_648 = tpu.vector_load %arg12[%parallel_loop3A_646, %parallel_loop3A_647] {strides = array<i32>} : memref<32x768xf32, #tpu.memory_space<vmem>>, vector<16xf32>,
        tpu.vector_store %arg12[%parallel_loop3A_646, %parallel_loop3A_647], %parallel_loop3A_645 {strides = array<i32>} : memref<32x768xf32, #tpu.memory_space<vmem>>, vector<16xf32>,
        %parallel_loop3A_649 = arith.index_cast %parallel_loop3A_388 : i32 to index
        %parallel_loop3A_650 = arith.constant 416 : index
        %parallel_loop3A_651 = tpu.vector_load %arg12[%parallel_loop3A_649, %parallel_loop3A_650] {strides = array<i32>} : memref<32x768xf32, #tpu.memory_space<vmem>>, vector<16xf32>,
        %parallel_loop3A_652 = arith.index_cast %parallel_loop3A_388 : i32 to index
        %parallel_loop3A_653 = arith.constant 416 : index
        %parallel_loop3A_654 = tpu.vector_load %arg14[%parallel_loop3A_652, %parallel_loop3A_653] {strides = array<i32>} : memref<32x768xf32, #tpu.memory_space<vmem>>, vector<16xf32>,
        %parallel_loop3A_655 = arith.addf %parallel_loop3A_651, %parallel_loop3A_654 : vector<16xf32>
        %parallel_loop3A_656 = arith.index_cast %parallel_loop3A_388 : i32 to index
        %parallel_loop3A_657 = arith.constant 416 : index
        %parallel_loop3A_658 = tpu.vector_load %arg12[%parallel_loop3A_656, %parallel_loop3A_657] {strides = array<i32>} : memref<32x768xf32, #tpu.memory_space<vmem>>, vector<16xf32>,
        tpu.vector_store %arg12[%parallel_loop3A_656, %parallel_loop3A_657], %parallel_loop3A_655 {strides = array<i32>} : memref<32x768xf32, #tpu.memory_space<vmem>>, vector<16xf32>,
        %parallel_loop3A_659 = arith.index_cast %parallel_loop3A_388 : i32 to index
        %parallel_loop3A_660 = arith.constant 432 : index
        %parallel_loop3A_661 = tpu.vector_load %arg12[%parallel_loop3A_659, %parallel_loop3A_660] {strides = array<i32>} : memref<32x768xf32, #tpu.memory_space<vmem>>, vector<16xf32>,
        %parallel_loop3A_662 = arith.index_cast %parallel_loop3A_388 : i32 to index
        %parallel_loop3A_663 = arith.constant 432 : index
        %parallel_loop3A_664 = tpu.vector_load %arg14[%parallel_loop3A_662, %parallel_loop3A_663] {strides = array<i32>} : memref<32x768xf32, #tpu.memory_space<vmem>>, vector<16xf32>,
        %parallel_loop3A_665 = arith.addf %parallel_loop3A_661, %parallel_loop3A_664 : vector<16xf32>
        %parallel_loop3A_666 = arith.index_cast %parallel_loop3A_388 : i32 to index
        %parallel_loop3A_667 = arith.constant 432 : index
        %parallel_loop3A_668 = tpu.vector_load %arg12[%parallel_loop3A_666, %parallel_loop3A_667] {strides = array<i32>} : memref<32x768xf32, #tpu.memory_space<vmem>>, vector<16xf32>,
        tpu.vector_store %arg12[%parallel_loop3A_666, %parallel_loop3A_667], %parallel_loop3A_665 {strides = array<i32>} : memref<32x768xf32, #tpu.memory_space<vmem>>, vector<16xf32>,
        %parallel_loop3A_669 = arith.index_cast %parallel_loop3A_388 : i32 to index
        %parallel_loop3A_670 = arith.constant 448 : index
        %parallel_loop3A_671 = tpu.vector_load %arg12[%parallel_loop3A_669, %parallel_loop3A_670] {strides = array<i32>} : memref<32x768xf32, #tpu.memory_space<vmem>>, vector<16xf32>,
        %parallel_loop3A_672 = arith.index_cast %parallel_loop3A_388 : i32 to index
        %parallel_loop3A_673 = arith.constant 448 : index
        %parallel_loop3A_674 = tpu.vector_load %arg14[%parallel_loop3A_672, %parallel_loop3A_673] {strides = array<i32>} : memref<32x768xf32, #tpu.memory_space<vmem>>, vector<16xf32>,
        %parallel_loop3A_675 = arith.addf %parallel_loop3A_671, %parallel_loop3A_674 : vector<16xf32>
        %parallel_loop3A_676 = arith.index_cast %parallel_loop3A_388 : i32 to index
        %parallel_loop3A_677 = arith.constant 448 : index
        %parallel_loop3A_678 = tpu.vector_load %arg12[%parallel_loop3A_676, %parallel_loop3A_677] {strides = array<i32>} : memref<32x768xf32, #tpu.memory_space<vmem>>, vector<16xf32>,
        tpu.vector_store %arg12[%parallel_loop3A_676, %parallel_loop3A_677], %parallel_loop3A_675 {strides = array<i32>} : memref<32x768xf32, #tpu.memory_space<vmem>>, vector<16xf32>,
        %parallel_loop3A_679 = arith.index_cast %parallel_loop3A_388 : i32 to index
        %parallel_loop3A_680 = arith.constant 464 : index
        %parallel_loop3A_681 = tpu.vector_load %arg12[%parallel_loop3A_679, %parallel_loop3A_680] {strides = array<i32>} : memref<32x768xf32, #tpu.memory_space<vmem>>, vector<16xf32>,
        %parallel_loop3A_682 = arith.index_cast %parallel_loop3A_388 : i32 to index
        %parallel_loop3A_683 = arith.constant 464 : index
        %parallel_loop3A_684 = tpu.vector_load %arg14[%parallel_loop3A_682, %parallel_loop3A_683] {strides = array<i32>} : memref<32x768xf32, #tpu.memory_space<vmem>>, vector<16xf32>,
        %parallel_loop3A_685 = arith.addf %parallel_loop3A_681, %parallel_loop3A_684 : vector<16xf32>
        %parallel_loop3A_686 = arith.index_cast %parallel_loop3A_388 : i32 to index
        %parallel_loop3A_687 = arith.constant 464 : index
        %parallel_loop3A_688 = tpu.vector_load %arg12[%parallel_loop3A_686, %parallel_loop3A_687] {strides = array<i32>} : memref<32x768xf32, #tpu.memory_space<vmem>>, vector<16xf32>,
        tpu.vector_store %arg12[%parallel_loop3A_686, %parallel_loop3A_687], %parallel_loop3A_685 {strides = array<i32>} : memref<32x768xf32, #tpu.memory_space<vmem>>, vector<16xf32>,
        %parallel_loop3A_689 = arith.index_cast %parallel_loop3A_388 : i32 to index
        %parallel_loop3A_690 = arith.constant 480 : index
        %parallel_loop3A_691 = tpu.vector_load %arg12[%parallel_loop3A_689, %parallel_loop3A_690] {strides = array<i32>} : memref<32x768xf32, #tpu.memory_space<vmem>>, vector<16xf32>,
        %parallel_loop3A_692 = arith.index_cast %parallel_loop3A_388 : i32 to index
        %parallel_loop3A_693 = arith.constant 480 : index
        %parallel_loop3A_694 = tpu.vector_load %arg14[%parallel_loop3A_692, %parallel_loop3A_693] {strides = array<i32>} : memref<32x768xf32, #tpu.memory_space<vmem>>, vector<16xf32>,
        %parallel_loop3A_695 = arith.addf %parallel_loop3A_691, %parallel_loop3A_694 : vector<16xf32>
        %parallel_loop3A_696 = arith.index_cast %parallel_loop3A_388 : i32 to index
        %parallel_loop3A_697 = arith.constant 480 : index
        %parallel_loop3A_698 = tpu.vector_load %arg12[%parallel_loop3A_696, %parallel_loop3A_697] {strides = array<i32>} : memref<32x768xf32, #tpu.memory_space<vmem>>, vector<16xf32>,
        tpu.vector_store %arg12[%parallel_loop3A_696, %parallel_loop3A_697], %parallel_loop3A_695 {strides = array<i32>} : memref<32x768xf32, #tpu.memory_space<vmem>>, vector<16xf32>,
        %parallel_loop3A_699 = arith.index_cast %parallel_loop3A_388 : i32 to index
        %parallel_loop3A_700 = arith.constant 496 : index
        %parallel_loop3A_701 = tpu.vector_load %arg12[%parallel_loop3A_699, %parallel_loop3A_700] {strides = array<i32>} : memref<32x768xf32, #tpu.memory_space<vmem>>, vector<16xf32>,
        %parallel_loop3A_702 = arith.index_cast %parallel_loop3A_388 : i32 to index
        %parallel_loop3A_703 = arith.constant 496 : index
        %parallel_loop3A_704 = tpu.vector_load %arg14[%parallel_loop3A_702, %parallel_loop3A_703] {strides = array<i32>} : memref<32x768xf32, #tpu.memory_space<vmem>>, vector<16xf32>,
        %parallel_loop3A_705 = arith.addf %parallel_loop3A_701, %parallel_loop3A_704 : vector<16xf32>
        %parallel_loop3A_706 = arith.index_cast %parallel_loop3A_388 : i32 to index
        %parallel_loop3A_707 = arith.constant 496 : index
        %parallel_loop3A_708 = tpu.vector_load %arg12[%parallel_loop3A_706, %parallel_loop3A_707] {strides = array<i32>} : memref<32x768xf32, #tpu.memory_space<vmem>>, vector<16xf32>,
        tpu.vector_store %arg12[%parallel_loop3A_706, %parallel_loop3A_707], %parallel_loop3A_705 {strides = array<i32>} : memref<32x768xf32, #tpu.memory_space<vmem>>, vector<16xf32>,
        %parallel_loop3A_709 = arith.index_cast %parallel_loop3A_388 : i32 to index
        %parallel_loop3A_710 = arith.constant 512 : index
        %parallel_loop3A_711 = tpu.vector_load %arg12[%parallel_loop3A_709, %parallel_loop3A_710] {strides = array<i32>} : memref<32x768xf32, #tpu.memory_space<vmem>>, vector<16xf32>,
        %parallel_loop3A_712 = arith.index_cast %parallel_loop3A_388 : i32 to index
        %parallel_loop3A_713 = arith.constant 512 : index
        %parallel_loop3A_714 = tpu.vector_load %arg14[%parallel_loop3A_712, %parallel_loop3A_713] {strides = array<i32>} : memref<32x768xf32, #tpu.memory_space<vmem>>, vector<16xf32>,
        %parallel_loop3A_715 = arith.addf %parallel_loop3A_711, %parallel_loop3A_714 : vector<16xf32>
        %parallel_loop3A_716 = arith.index_cast %parallel_loop3A_388 : i32 to index
        %parallel_loop3A_717 = arith.constant 512 : index
        %parallel_loop3A_718 = tpu.vector_load %arg12[%parallel_loop3A_716, %parallel_loop3A_717] {strides = array<i32>} : memref<32x768xf32, #tpu.memory_space<vmem>>, vector<16xf32>,
        tpu.vector_store %arg12[%parallel_loop3A_716, %parallel_loop3A_717], %parallel_loop3A_715 {strides = array<i32>} : memref<32x768xf32, #tpu.memory_space<vmem>>, vector<16xf32>,
        %parallel_loop3A_719 = arith.index_cast %parallel_loop3A_388 : i32 to index
        %parallel_loop3A_720 = arith.constant 528 : index
        %parallel_loop3A_721 = tpu.vector_load %arg12[%parallel_loop3A_719, %parallel_loop3A_720] {strides = array<i32>} : memref<32x768xf32, #tpu.memory_space<vmem>>, vector<16xf32>,
        %parallel_loop3A_722 = arith.index_cast %parallel_loop3A_388 : i32 to index
        %parallel_loop3A_723 = arith.constant 528 : index
        %parallel_loop3A_724 = tpu.vector_load %arg14[%parallel_loop3A_722, %parallel_loop3A_723] {strides = array<i32>} : memref<32x768xf32, #tpu.memory_space<vmem>>, vector<16xf32>,
        %parallel_loop3A_725 = arith.addf %parallel_loop3A_721, %parallel_loop3A_724 : vector<16xf32>
        %parallel_loop3A_726 = arith.index_cast %parallel_loop3A_388 : i32 to index
        %parallel_loop3A_727 = arith.constant 528 : index
        %parallel_loop3A_728 = tpu.vector_load %arg12[%parallel_loop3A_726, %parallel_loop3A_727] {strides = array<i32>} : memref<32x768xf32, #tpu.memory_space<vmem>>, vector<16xf32>,
        tpu.vector_store %arg12[%parallel_loop3A_726, %parallel_loop3A_727], %parallel_loop3A_725 {strides = array<i32>} : memref<32x768xf32, #tpu.memory_space<vmem>>, vector<16xf32>,
        %parallel_loop3A_729 = arith.index_cast %parallel_loop3A_388 : i32 to index
        %parallel_loop3A_730 = arith.constant 544 : index
        %parallel_loop3A_731 = tpu.vector_load %arg12[%parallel_loop3A_729, %parallel_loop3A_730] {strides = array<i32>} : memref<32x768xf32, #tpu.memory_space<vmem>>, vector<16xf32>,
        %parallel_loop3A_732 = arith.index_cast %parallel_loop3A_388 : i32 to index
        %parallel_loop3A_733 = arith.constant 544 : index
        %parallel_loop3A_734 = tpu.vector_load %arg14[%parallel_loop3A_732, %parallel_loop3A_733] {strides = array<i32>} : memref<32x768xf32, #tpu.memory_space<vmem>>, vector<16xf32>,
        %parallel_loop3A_735 = arith.addf %parallel_loop3A_731, %parallel_loop3A_734 : vector<16xf32>
        %parallel_loop3A_736 = arith.index_cast %parallel_loop3A_388 : i32 to index
        %parallel_loop3A_737 = arith.constant 544 : index
        %parallel_loop3A_738 = tpu.vector_load %arg12[%parallel_loop3A_736, %parallel_loop3A_737] {strides = array<i32>} : memref<32x768xf32, #tpu.memory_space<vmem>>, vector<16xf32>,
        tpu.vector_store %arg12[%parallel_loop3A_736, %parallel_loop3A_737], %parallel_loop3A_735 {strides = array<i32>} : memref<32x768xf32, #tpu.memory_space<vmem>>, vector<16xf32>,
        %parallel_loop3A_739 = arith.index_cast %parallel_loop3A_388 : i32 to index
        %parallel_loop3A_740 = arith.constant 560 : index
        %parallel_loop3A_741 = tpu.vector_load %arg12[%parallel_loop3A_739, %parallel_loop3A_740] {strides = array<i32>} : memref<32x768xf32, #tpu.memory_space<vmem>>, vector<16xf32>,
        %parallel_loop3A_742 = arith.index_cast %parallel_loop3A_388 : i32 to index
        %parallel_loop3A_743 = arith.constant 560 : index
        %parallel_loop3A_744 = tpu.vector_load %arg14[%parallel_loop3A_742, %parallel_loop3A_743] {strides = array<i32>} : memref<32x768xf32, #tpu.memory_space<vmem>>, vector<16xf32>,
        %parallel_loop3A_745 = arith.addf %parallel_loop3A_741, %parallel_loop3A_744 : vector<16xf32>
        %parallel_loop3A_746 = arith.index_cast %parallel_loop3A_388 : i32 to index
        %parallel_loop3A_747 = arith.constant 560 : index
        %parallel_loop3A_748 = tpu.vector_load %arg12[%parallel_loop3A_746, %parallel_loop3A_747] {strides = array<i32>} : memref<32x768xf32, #tpu.memory_space<vmem>>, vector<16xf32>,
        tpu.vector_store %arg12[%parallel_loop3A_746, %parallel_loop3A_747], %parallel_loop3A_745 {strides = array<i32>} : memref<32x768xf32, #tpu.memory_space<vmem>>, vector<16xf32>,
        %parallel_loop3A_749 = arith.index_cast %parallel_loop3A_388 : i32 to index
        %parallel_loop3A_750 = arith.constant 576 : index
        %parallel_loop3A_751 = tpu.vector_load %arg12[%parallel_loop3A_749, %parallel_loop3A_750] {strides = array<i32>} : memref<32x768xf32, #tpu.memory_space<vmem>>, vector<16xf32>,
        %parallel_loop3A_752 = arith.index_cast %parallel_loop3A_388 : i32 to index
        %parallel_loop3A_753 = arith.constant 576 : index
        %parallel_loop3A_754 = tpu.vector_load %arg14[%parallel_loop3A_752, %parallel_loop3A_753] {strides = array<i32>} : memref<32x768xf32, #tpu.memory_space<vmem>>, vector<16xf32>,
        %parallel_loop3A_755 = arith.addf %parallel_loop3A_751, %parallel_loop3A_754 : vector<16xf32>
        %parallel_loop3A_756 = arith.index_cast %parallel_loop3A_388 : i32 to index
        %parallel_loop3A_757 = arith.constant 576 : index
        %parallel_loop3A_758 = tpu.vector_load %arg12[%parallel_loop3A_756, %parallel_loop3A_757] {strides = array<i32>} : memref<32x768xf32, #tpu.memory_space<vmem>>, vector<16xf32>,
        tpu.vector_store %arg12[%parallel_loop3A_756, %parallel_loop3A_757], %parallel_loop3A_755 {strides = array<i32>} : memref<32x768xf32, #tpu.memory_space<vmem>>, vector<16xf32>,
        %parallel_loop3A_759 = arith.index_cast %parallel_loop3A_388 : i32 to index
        %parallel_loop3A_760 = arith.constant 592 : index
        %parallel_loop3A_761 = tpu.vector_load %arg12[%parallel_loop3A_759, %parallel_loop3A_760] {strides = array<i32>} : memref<32x768xf32, #tpu.memory_space<vmem>>, vector<16xf32>,
        %parallel_loop3A_762 = arith.index_cast %parallel_loop3A_388 : i32 to index
        %parallel_loop3A_763 = arith.constant 592 : index
        %parallel_loop3A_764 = tpu.vector_load %arg14[%parallel_loop3A_762, %parallel_loop3A_763] {strides = array<i32>} : memref<32x768xf32, #tpu.memory_space<vmem>>, vector<16xf32>,
        %parallel_loop3A_765 = arith.addf %parallel_loop3A_761, %parallel_loop3A_764 : vector<16xf32>
        %parallel_loop3A_766 = arith.index_cast %parallel_loop3A_388 : i32 to index
        %parallel_loop3A_767 = arith.constant 592 : index
        %parallel_loop3A_768 = tpu.vector_load %arg12[%parallel_loop3A_766, %parallel_loop3A_767] {strides = array<i32>} : memref<32x768xf32, #tpu.memory_space<vmem>>, vector<16xf32>,
        tpu.vector_store %arg12[%parallel_loop3A_766, %parallel_loop3A_767], %parallel_loop3A_765 {strides = array<i32>} : memref<32x768xf32, #tpu.memory_space<vmem>>, vector<16xf32>,
        %parallel_loop3A_769 = arith.index_cast %parallel_loop3A_388 : i32 to index
        %parallel_loop3A_770 = arith.constant 608 : index
        %parallel_loop3A_771 = tpu.vector_load %arg12[%parallel_loop3A_769, %parallel_loop3A_770] {strides = array<i32>} : memref<32x768xf32, #tpu.memory_space<vmem>>, vector<16xf32>,
        %parallel_loop3A_772 = arith.index_cast %parallel_loop3A_388 : i32 to index
        %parallel_loop3A_773 = arith.constant 608 : index
        %parallel_loop3A_774 = tpu.vector_load %arg14[%parallel_loop3A_772, %parallel_loop3A_773] {strides = array<i32>} : memref<32x768xf32, #tpu.memory_space<vmem>>, vector<16xf32>,
        %parallel_loop3A_775 = arith.addf %parallel_loop3A_771, %parallel_loop3A_774 : vector<16xf32>
        %parallel_loop3A_776 = arith.index_cast %parallel_loop3A_388 : i32 to index
        %parallel_loop3A_777 = arith.constant 608 : index
        %parallel_loop3A_778 = tpu.vector_load %arg12[%parallel_loop3A_776, %parallel_loop3A_777] {strides = array<i32>} : memref<32x768xf32, #tpu.memory_space<vmem>>, vector<16xf32>,
        tpu.vector_store %arg12[%parallel_loop3A_776, %parallel_loop3A_777], %parallel_loop3A_775 {strides = array<i32>} : memref<32x768xf32, #tpu.memory_space<vmem>>, vector<16xf32>,
        %parallel_loop3A_779 = arith.index_cast %parallel_loop3A_388 : i32 to index
        %parallel_loop3A_780 = arith.constant 624 : index
        %parallel_loop3A_781 = tpu.vector_load %arg12[%parallel_loop3A_779, %parallel_loop3A_780] {strides = array<i32>} : memref<32x768xf32, #tpu.memory_space<vmem>>, vector<16xf32>,
        %parallel_loop3A_782 = arith.index_cast %parallel_loop3A_388 : i32 to index
        %parallel_loop3A_783 = arith.constant 624 : index
        %parallel_loop3A_784 = tpu.vector_load %arg14[%parallel_loop3A_782, %parallel_loop3A_783] {strides = array<i32>} : memref<32x768xf32, #tpu.memory_space<vmem>>, vector<16xf32>,
        %parallel_loop3A_785 = arith.addf %parallel_loop3A_781, %parallel_loop3A_784 : vector<16xf32>
        %parallel_loop3A_786 = arith.index_cast %parallel_loop3A_388 : i32 to index
        %parallel_loop3A_787 = arith.constant 624 : index
        %parallel_loop3A_788 = tpu.vector_load %arg12[%parallel_loop3A_786, %parallel_loop3A_787] {strides = array<i32>} : memref<32x768xf32, #tpu.memory_space<vmem>>, vector<16xf32>,
        tpu.vector_store %arg12[%parallel_loop3A_786, %parallel_loop3A_787], %parallel_loop3A_785 {strides = array<i32>} : memref<32x768xf32, #tpu.memory_space<vmem>>, vector<16xf32>,
        %parallel_loop3A_789 = arith.index_cast %parallel_loop3A_388 : i32 to index
        %parallel_loop3A_790 = arith.constant 640 : index
        %parallel_loop3A_791 = tpu.vector_load %arg12[%parallel_loop3A_789, %parallel_loop3A_790] {strides = array<i32>} : memref<32x768xf32, #tpu.memory_space<vmem>>, vector<16xf32>,
        %parallel_loop3A_792 = arith.index_cast %parallel_loop3A_388 : i32 to index
        %parallel_loop3A_793 = arith.constant 640 : index
        %parallel_loop3A_794 = tpu.vector_load %arg14[%parallel_loop3A_792, %parallel_loop3A_793] {strides = array<i32>} : memref<32x768xf32, #tpu.memory_space<vmem>>, vector<16xf32>,
        %parallel_loop3A_795 = arith.addf %parallel_loop3A_791, %parallel_loop3A_794 : vector<16xf32>
        %parallel_loop3A_796 = arith.index_cast %parallel_loop3A_388 : i32 to index
        %parallel_loop3A_797 = arith.constant 640 : index
        %parallel_loop3A_798 = tpu.vector_load %arg12[%parallel_loop3A_796, %parallel_loop3A_797] {strides = array<i32>} : memref<32x768xf32, #tpu.memory_space<vmem>>, vector<16xf32>,
        tpu.vector_store %arg12[%parallel_loop3A_796, %parallel_loop3A_797], %parallel_loop3A_795 {strides = array<i32>} : memref<32x768xf32, #tpu.memory_space<vmem>>, vector<16xf32>,
        %parallel_loop3A_799 = arith.index_cast %parallel_loop3A_388 : i32 to index
        %parallel_loop3A_800 = arith.constant 656 : index
        %parallel_loop3A_801 = tpu.vector_load %arg12[%parallel_loop3A_799, %parallel_loop3A_800] {strides = array<i32>} : memref<32x768xf32, #tpu.memory_space<vmem>>, vector<16xf32>,
        %parallel_loop3A_802 = arith.index_cast %parallel_loop3A_388 : i32 to index
        %parallel_loop3A_803 = arith.constant 656 : index
        %parallel_loop3A_804 = tpu.vector_load %arg14[%parallel_loop3A_802, %parallel_loop3A_803] {strides = array<i32>} : memref<32x768xf32, #tpu.memory_space<vmem>>, vector<16xf32>,
        %parallel_loop3A_805 = arith.addf %parallel_loop3A_801, %parallel_loop3A_804 : vector<16xf32>
        %parallel_loop3A_806 = arith.index_cast %parallel_loop3A_388 : i32 to index
        %parallel_loop3A_807 = arith.constant 656 : index
        %parallel_loop3A_808 = tpu.vector_load %arg12[%parallel_loop3A_806, %parallel_loop3A_807] {strides = array<i32>} : memref<32x768xf32, #tpu.memory_space<vmem>>, vector<16xf32>,
        tpu.vector_store %arg12[%parallel_loop3A_806, %parallel_loop3A_807], %parallel_loop3A_805 {strides = array<i32>} : memref<32x768xf32, #tpu.memory_space<vmem>>, vector<16xf32>,
        %parallel_loop3A_809 = arith.index_cast %parallel_loop3A_388 : i32 to index
        %parallel_loop3A_810 = arith.constant 672 : index
        %parallel_loop3A_811 = tpu.vector_load %arg12[%parallel_loop3A_809, %parallel_loop3A_810] {strides = array<i32>} : memref<32x768xf32, #tpu.memory_space<vmem>>, vector<16xf32>,
        %parallel_loop3A_812 = arith.index_cast %parallel_loop3A_388 : i32 to index
        %parallel_loop3A_813 = arith.constant 672 : index
        %parallel_loop3A_814 = tpu.vector_load %arg14[%parallel_loop3A_812, %parallel_loop3A_813] {strides = array<i32>} : memref<32x768xf32, #tpu.memory_space<vmem>>, vector<16xf32>,
        %parallel_loop3A_815 = arith.addf %parallel_loop3A_811, %parallel_loop3A_814 : vector<16xf32>
        %parallel_loop3A_816 = arith.index_cast %parallel_loop3A_388 : i32 to index
        %parallel_loop3A_817 = arith.constant 672 : index
        %parallel_loop3A_818 = tpu.vector_load %arg12[%parallel_loop3A_816, %parallel_loop3A_817] {strides = array<i32>} : memref<32x768xf32, #tpu.memory_space<vmem>>, vector<16xf32>,
        tpu.vector_store %arg12[%parallel_loop3A_816, %parallel_loop3A_817], %parallel_loop3A_815 {strides = array<i32>} : memref<32x768xf32, #tpu.memory_space<vmem>>, vector<16xf32>,
        %parallel_loop3A_819 = arith.index_cast %parallel_loop3A_388 : i32 to index
        %parallel_loop3A_820 = arith.constant 688 : index
        %parallel_loop3A_821 = tpu.vector_load %arg12[%parallel_loop3A_819, %parallel_loop3A_820] {strides = array<i32>} : memref<32x768xf32, #tpu.memory_space<vmem>>, vector<16xf32>,
        %parallel_loop3A_822 = arith.index_cast %parallel_loop3A_388 : i32 to index
        %parallel_loop3A_823 = arith.constant 688 : index
        %parallel_loop3A_824 = tpu.vector_load %arg14[%parallel_loop3A_822, %parallel_loop3A_823] {strides = array<i32>} : memref<32x768xf32, #tpu.memory_space<vmem>>, vector<16xf32>,
        %parallel_loop3A_825 = arith.addf %parallel_loop3A_821, %parallel_loop3A_824 : vector<16xf32>
        %parallel_loop3A_826 = arith.index_cast %parallel_loop3A_388 : i32 to index
        %parallel_loop3A_827 = arith.constant 688 : index
        %parallel_loop3A_828 = tpu.vector_load %arg12[%parallel_loop3A_826, %parallel_loop3A_827] {strides = array<i32>} : memref<32x768xf32, #tpu.memory_space<vmem>>, vector<16xf32>,
        tpu.vector_store %arg12[%parallel_loop3A_826, %parallel_loop3A_827], %parallel_loop3A_825 {strides = array<i32>} : memref<32x768xf32, #tpu.memory_space<vmem>>, vector<16xf32>,
        %parallel_loop3A_829 = arith.index_cast %parallel_loop3A_388 : i32 to index
        %parallel_loop3A_830 = arith.constant 704 : index
        %parallel_loop3A_831 = tpu.vector_load %arg12[%parallel_loop3A_829, %parallel_loop3A_830] {strides = array<i32>} : memref<32x768xf32, #tpu.memory_space<vmem>>, vector<16xf32>,
        %parallel_loop3A_832 = arith.index_cast %parallel_loop3A_388 : i32 to index
        %parallel_loop3A_833 = arith.constant 704 : index
        %parallel_loop3A_834 = tpu.vector_load %arg14[%parallel_loop3A_832, %parallel_loop3A_833] {strides = array<i32>} : memref<32x768xf32, #tpu.memory_space<vmem>>, vector<16xf32>,
        %parallel_loop3A_835 = arith.addf %parallel_loop3A_831, %parallel_loop3A_834 : vector<16xf32>
        %parallel_loop3A_836 = arith.index_cast %parallel_loop3A_388 : i32 to index
        %parallel_loop3A_837 = arith.constant 704 : index
        %parallel_loop3A_838 = tpu.vector_load %arg12[%parallel_loop3A_836, %parallel_loop3A_837] {strides = array<i32>} : memref<32x768xf32, #tpu.memory_space<vmem>>, vector<16xf32>,
        tpu.vector_store %arg12[%parallel_loop3A_836, %parallel_loop3A_837], %parallel_loop3A_835 {strides = array<i32>} : memref<32x768xf32, #tpu.memory_space<vmem>>, vector<16xf32>,
        %parallel_loop3A_839 = arith.index_cast %parallel_loop3A_388 : i32 to index
        %parallel_loop3A_840 = arith.constant 720 : index
        %parallel_loop3A_841 = tpu.vector_load %arg12[%parallel_loop3A_839, %parallel_loop3A_840] {strides = array<i32>} : memref<32x768xf32, #tpu.memory_space<vmem>>, vector<16xf32>,
        %parallel_loop3A_842 = arith.index_cast %parallel_loop3A_388 : i32 to index
        %parallel_loop3A_843 = arith.constant 720 : index
        %parallel_loop3A_844 = tpu.vector_load %arg14[%parallel_loop3A_842, %parallel_loop3A_843] {strides = array<i32>} : memref<32x768xf32, #tpu.memory_space<vmem>>, vector<16xf32>,
        %parallel_loop3A_845 = arith.addf %parallel_loop3A_841, %parallel_loop3A_844 : vector<16xf32>
        %parallel_loop3A_846 = arith.index_cast %parallel_loop3A_388 : i32 to index
        %parallel_loop3A_847 = arith.constant 720 : index
        %parallel_loop3A_848 = tpu.vector_load %arg12[%parallel_loop3A_846, %parallel_loop3A_847] {strides = array<i32>} : memref<32x768xf32, #tpu.memory_space<vmem>>, vector<16xf32>,
        tpu.vector_store %arg12[%parallel_loop3A_846, %parallel_loop3A_847], %parallel_loop3A_845 {strides = array<i32>} : memref<32x768xf32, #tpu.memory_space<vmem>>, vector<16xf32>,
        %parallel_loop3A_849 = arith.index_cast %parallel_loop3A_388 : i32 to index
        %parallel_loop3A_850 = arith.constant 736 : index
        %parallel_loop3A_851 = tpu.vector_load %arg12[%parallel_loop3A_849, %parallel_loop3A_850] {strides = array<i32>} : memref<32x768xf32, #tpu.memory_space<vmem>>, vector<16xf32>,
        %parallel_loop3A_852 = arith.index_cast %parallel_loop3A_388 : i32 to index
        %parallel_loop3A_853 = arith.constant 736 : index
        %parallel_loop3A_854 = tpu.vector_load %arg14[%parallel_loop3A_852, %parallel_loop3A_853] {strides = array<i32>} : memref<32x768xf32, #tpu.memory_space<vmem>>, vector<16xf32>,
        %parallel_loop3A_855 = arith.addf %parallel_loop3A_851, %parallel_loop3A_854 : vector<16xf32>
        %parallel_loop3A_856 = arith.index_cast %parallel_loop3A_388 : i32 to index
        %parallel_loop3A_857 = arith.constant 736 : index
        %parallel_loop3A_858 = tpu.vector_load %arg12[%parallel_loop3A_856, %parallel_loop3A_857] {strides = array<i32>} : memref<32x768xf32, #tpu.memory_space<vmem>>, vector<16xf32>,
        tpu.vector_store %arg12[%parallel_loop3A_856, %parallel_loop3A_857], %parallel_loop3A_855 {strides = array<i32>} : memref<32x768xf32, #tpu.memory_space<vmem>>, vector<16xf32>,
        %parallel_loop3A_859 = arith.index_cast %parallel_loop3A_388 : i32 to index
        %parallel_loop3A_860 = arith.constant 752 : index
        %parallel_loop3A_861 = tpu.vector_load %arg12[%parallel_loop3A_859, %parallel_loop3A_860] {strides = array<i32>} : memref<32x768xf32, #tpu.memory_space<vmem>>, vector<16xf32>,
        %parallel_loop3A_862 = arith.index_cast %parallel_loop3A_388 : i32 to index
        %parallel_loop3A_863 = arith.constant 752 : index
        %parallel_loop3A_864 = tpu.vector_load %arg14[%parallel_loop3A_862, %parallel_loop3A_863] {strides = array<i32>} : memref<32x768xf32, #tpu.memory_space<vmem>>, vector<16xf32>,
        %parallel_loop3A_865 = arith.addf %parallel_loop3A_861, %parallel_loop3A_864 : vector<16xf32>
        %parallel_loop3A_866 = arith.index_cast %parallel_loop3A_388 : i32 to index
        %parallel_loop3A_867 = arith.constant 752 : index
        %parallel_loop3A_868 = tpu.vector_load %arg12[%parallel_loop3A_866, %parallel_loop3A_867] {strides = array<i32>} : memref<32x768xf32, #tpu.memory_space<vmem>>, vector<16xf32>,
        tpu.vector_store %arg12[%parallel_loop3A_866, %parallel_loop3A_867], %parallel_loop3A_865 {strides = array<i32>} : memref<32x768xf32, #tpu.memory_space<vmem>>, vector<16xf32>,
      } {sc.loop_unroll_factor = 2 : i64, sc.parallel_access}
      %add3A_311 = arith.constant 1 : i32
      %add3A_312 = arith.addi %mul3A_186, %add3A_311 : i32
      %mul3A_313 = arith.constant 32 : i32
      %mul3A_314 = arith.muli %add3A_312, %mul3A_313 : i32
      %add3A_315 = arith.addi %mul3A_2, %mul3A_314 : i32
      %add3A_316 = arith.constant 0 : i32
      %add3A_317 = arith.addi %add3A_316, %add3A_315 : i32
      %dma_start3A_318 = arith.constant 0 : i32
      %dma_start3A_319 = arith.constant 0 : i32
      %dma_start3A_320 = tpu.memref_slice %arg12[%dma_start3A_318, %dma_start3A_319] : memref<32x768xf32, #tpu.memory_space<vmem>> -> memref<32x128xf32, #tpu.memory_space<vmem>>
      %dma_start3A_321 = arith.constant 0 : i32
      %dma_start3A_322 = tpu.memref_slice %arg7[%add3A_317, %dma_start3A_321] : memref<49152x128xf32, #tpu.memory_space<hbm>> -> memref<32x128xf32, #tpu.memory_space<hbm>>
      %dma_start3A_323 = arith.constant 0 : i32
      %dma_start3A_324 = tpu.memref_slice %arg7[%add3A_317, %dma_start3A_323] : memref<49152x128xf32, #tpu.memory_space<hbm>> -> memref<32x128xf32, #tpu.memory_space<hbm>>
      %dma_start3A_325 = arith.constant 0 : i32
      %dma_start3A_326 = arith.constant 0 : i32
      %dma_start3A_327 = tpu.memref_slice %arg12[%dma_start3A_325, %dma_start3A_326] : memref<32x768xf32, #tpu.memory_space<vmem>> -> memref<32x128xf32, #tpu.memory_space<vmem>>
      tpu.enqueue_dma source(%dma_start3A_327 : memref<32x128xf32, #tpu.memory_space<vmem>>) target(%dma_start3A_324 : memref<32x128xf32, #tpu.memory_space<hbm>>) target_semaphore(%arg18 : memref<!tpu.dma_semaphore, #tpu.memory_space<semaphore_mem>>)
      %add3A_328 = arith.constant 8192 : i32
      %add3A_329 = arith.addi %add3A_328, %add3A_315 : i32
      %dma_start3A_330 = arith.constant 0 : i32
      %dma_start3A_331 = arith.constant 128 : i32
      %dma_start3A_332 = tpu.memref_slice %arg12[%dma_start3A_330, %dma_start3A_331] : memref<32x768xf32, #tpu.memory_space<vmem>> -> memref<32x128xf32, #tpu.memory_space<vmem>>
      %dma_start3A_333 = arith.constant 0 : i32
      %dma_start3A_334 = tpu.memref_slice %arg7[%add3A_329, %dma_start3A_333] : memref<49152x128xf32, #tpu.memory_space<hbm>> -> memref<32x128xf32, #tpu.memory_space<hbm>>
      %dma_start3A_335 = arith.constant 0 : i32
      %dma_start3A_336 = tpu.memref_slice %arg7[%add3A_329, %dma_start3A_335] : memref<49152x128xf32, #tpu.memory_space<hbm>> -> memref<32x128xf32, #tpu.memory_space<hbm>>
      %dma_start3A_337 = arith.constant 0 : i32
      %dma_start3A_338 = arith.constant 128 : i32
      %dma_start3A_339 = tpu.memref_slice %arg12[%dma_start3A_337, %dma_start3A_338] : memref<32x768xf32, #tpu.memory_space<vmem>> -> memref<32x128xf32, #tpu.memory_space<vmem>>
      tpu.enqueue_dma source(%dma_start3A_339 : memref<32x128xf32, #tpu.memory_space<vmem>>) target(%dma_start3A_336 : memref<32x128xf32, #tpu.memory_space<hbm>>) target_semaphore(%arg18 : memref<!tpu.dma_semaphore, #tpu.memory_space<semaphore_mem>>)
      %add3A_340 = arith.constant 16384 : i32
      %add3A_341 = arith.addi %add3A_340, %add3A_315 : i32
      %dma_start3A_342 = arith.constant 0 : i32
      %dma_start3A_343 = arith.constant 256 : i32
      %dma_start3A_344 = tpu.memref_slice %arg12[%dma_start3A_342, %dma_start3A_343] : memref<32x768xf32, #tpu.memory_space<vmem>> -> memref<32x128xf32, #tpu.memory_space<vmem>>
      %dma_start3A_345 = arith.constant 0 : i32
      %dma_start3A_346 = tpu.memref_slice %arg7[%add3A_341, %dma_start3A_345] : memref<49152x128xf32, #tpu.memory_space<hbm>> -> memref<32x128xf32, #tpu.memory_space<hbm>>
      %dma_start3A_347 = arith.constant 0 : i32
      %dma_start3A_348 = tpu.memref_slice %arg7[%add3A_341, %dma_start3A_347] : memref<49152x128xf32, #tpu.memory_space<hbm>> -> memref<32x128xf32, #tpu.memory_space<hbm>>
      %dma_start3A_349 = arith.constant 0 : i32
      %dma_start3A_350 = arith.constant 256 : i32
      %dma_start3A_351 = tpu.memref_slice %arg12[%dma_start3A_349, %dma_start3A_350] : memref<32x768xf32, #tpu.memory_space<vmem>> -> memref<32x128xf32, #tpu.memory_space<vmem>>
      tpu.enqueue_dma source(%dma_start3A_351 : memref<32x128xf32, #tpu.memory_space<vmem>>) target(%dma_start3A_348 : memref<32x128xf32, #tpu.memory_space<hbm>>) target_semaphore(%arg18 : memref<!tpu.dma_semaphore, #tpu.memory_space<semaphore_mem>>)
      %add3A_352 = arith.constant 24576 : i32
      %add3A_353 = arith.addi %add3A_352, %add3A_315 : i32
      %dma_start3A_354 = arith.constant 0 : i32
      %dma_start3A_355 = arith.constant 384 : i32
      %dma_start3A_356 = tpu.memref_slice %arg12[%dma_start3A_354, %dma_start3A_355] : memref<32x768xf32, #tpu.memory_space<vmem>> -> memref<32x128xf32, #tpu.memory_space<vmem>>
      %dma_start3A_357 = arith.constant 0 : i32
      %dma_start3A_358 = tpu.memref_slice %arg7[%add3A_353, %dma_start3A_357] : memref<49152x128xf32, #tpu.memory_space<hbm>> -> memref<32x128xf32, #tpu.memory_space<hbm>>
      %dma_start3A_359 = arith.constant 0 : i32
      %dma_start3A_360 = tpu.memref_slice %arg7[%add3A_353, %dma_start3A_359] : memref<49152x128xf32, #tpu.memory_space<hbm>> -> memref<32x128xf32, #tpu.memory_space<hbm>>
      %dma_start3A_361 = arith.constant 0 : i32
      %dma_start3A_362 = arith.constant 384 : i32
      %dma_start3A_363 = tpu.memref_slice %arg12[%dma_start3A_361, %dma_start3A_362] : memref<32x768xf32, #tpu.memory_space<vmem>> -> memref<32x128xf32, #tpu.memory_space<vmem>>
      tpu.enqueue_dma source(%dma_start3A_363 : memref<32x128xf32, #tpu.memory_space<vmem>>) target(%dma_start3A_360 : memref<32x128xf32, #tpu.memory_space<hbm>>) target_semaphore(%arg18 : memref<!tpu.dma_semaphore, #tpu.memory_space<semaphore_mem>>)
      %add3A_364 = arith.constant 32768 : i32
      %add3A_365 = arith.addi %add3A_364, %add3A_315 : i32
      %dma_start3A_366 = arith.constant 0 : i32
      %dma_start3A_367 = arith.constant 512 : i32
      %dma_start3A_368 = tpu.memref_slice %arg12[%dma_start3A_366, %dma_start3A_367] : memref<32x768xf32, #tpu.memory_space<vmem>> -> memref<32x128xf32, #tpu.memory_space<vmem>>
      %dma_start3A_369 = arith.constant 0 : i32
      %dma_start3A_370 = tpu.memref_slice %arg7[%add3A_365, %dma_start3A_369] : memref<49152x128xf32, #tpu.memory_space<hbm>> -> memref<32x128xf32, #tpu.memory_space<hbm>>
      %dma_start3A_371 = arith.constant 0 : i32
      %dma_start3A_372 = tpu.memref_slice %arg7[%add3A_365, %dma_start3A_371] : memref<49152x128xf32, #tpu.memory_space<hbm>> -> memref<32x128xf32, #tpu.memory_space<hbm>>
      %dma_start3A_373 = arith.constant 0 : i32
      %dma_start3A_374 = arith.constant 512 : i32
      %dma_start3A_375 = tpu.memref_slice %arg12[%dma_start3A_373, %dma_start3A_374] : memref<32x768xf32, #tpu.memory_space<vmem>> -> memref<32x128xf32, #tpu.memory_space<vmem>>
      tpu.enqueue_dma source(%dma_start3A_375 : memref<32x128xf32, #tpu.memory_space<vmem>>) target(%dma_start3A_372 : memref<32x128xf32, #tpu.memory_space<hbm>>) target_semaphore(%arg18 : memref<!tpu.dma_semaphore, #tpu.memory_space<semaphore_mem>>)
      %add3A_376 = arith.constant 40960 : i32
      %add3A_377 = arith.addi %add3A_376, %add3A_315 : i32
      %dma_start3A_378 = arith.constant 0 : i32
      %dma_start3A_379 = arith.constant 640 : i32
      %dma_start3A_380 = tpu.memref_slice %arg12[%dma_start3A_378, %dma_start3A_379] : memref<32x768xf32, #tpu.memory_space<vmem>> -> memref<32x128xf32, #tpu.memory_space<vmem>>
      %dma_start3A_381 = arith.constant 0 : i32
      %dma_start3A_382 = tpu.memref_slice %arg7[%add3A_377, %dma_start3A_381] : memref<49152x128xf32, #tpu.memory_space<hbm>> -> memref<32x128xf32, #tpu.memory_space<hbm>>
      %dma_start3A_383 = arith.constant 0 : i32
      %dma_start3A_384 = tpu.memref_slice %arg7[%add3A_377, %dma_start3A_383] : memref<49152x128xf32, #tpu.memory_space<hbm>> -> memref<32x128xf32, #tpu.memory_space<hbm>>
      %dma_start3A_385 = arith.constant 0 : i32
      %dma_start3A_386 = arith.constant 640 : i32
      %dma_start3A_387 = tpu.memref_slice %arg12[%dma_start3A_385, %dma_start3A_386] : memref<32x768xf32, #tpu.memory_space<vmem>> -> memref<32x128xf32, #tpu.memory_space<vmem>>
      tpu.enqueue_dma source(%dma_start3A_387 : memref<32x128xf32, #tpu.memory_space<vmem>>) target(%dma_start3A_384 : memref<32x128xf32, #tpu.memory_space<hbm>>) target_semaphore(%arg18 : memref<!tpu.dma_semaphore, #tpu.memory_space<semaphore_mem>>)
    }
    %scan3A_31 = arith.constant 4 : i32
    %add3A_32 = arith.constant 192 : i32
    %add3A_33 = arith.addi %mul3A_2, %add3A_32 : i32
    %add3A_34 = arith.constant 0 : i32
    %add3A_35 = arith.addi %add3A_34, %add3A_33 : i32
    %dma_wait3A_36 = arith.constant 0 : i32
    %dma_wait3A_37 = arith.constant 0 : i32
    %dma_wait3A_38 = tpu.memref_slice %arg11[%dma_wait3A_36, %dma_wait3A_37] : memref<32x768xf32, #tpu.memory_space<vmem>> -> memref<32x128xf32, #tpu.memory_space<vmem>>
    %dma_wait3A_39 = arith.constant 0 : i32
    %dma_wait3A_40 = tpu.memref_slice %arg7[%add3A_35, %dma_wait3A_39] : memref<49152x128xf32, #tpu.memory_space<hbm>> -> memref<32x128xf32, #tpu.memory_space<hbm>>
    %dma_wait3A_41 = arith.constant 0 : i32
    %dma_wait3A_42 = tpu.memref_slice %arg7[%add3A_35, %dma_wait3A_41] : memref<49152x128xf32, #tpu.memory_space<hbm>> -> memref<32x128xf32, #tpu.memory_space<hbm>>
    %dma_wait3A_43 = arith.constant 0 : i32
    %dma_wait3A_44 = arith.constant 0 : i32
    %dma_wait3A_45 = tpu.memref_slice %arg11[%dma_wait3A_43, %dma_wait3A_44] : memref<32x768xf32, #tpu.memory_space<vmem>> -> memref<32x128xf32, #tpu.memory_space<vmem>>
    tpu.wait_dma2 semaphore(%arg17 : memref<!tpu.dma_semaphore, #tpu.memory_space<semaphore_mem>>) src(%dma_wait3A_45 : memref<32x128xf32, #tpu.memory_space<vmem>>) dst(%dma_wait3A_42 : memref<32x128xf32, #tpu.memory_space<hbm>>)
    %add3A_46 = arith.constant 8192 : i32
    %add3A_47 = arith.addi %add3A_46, %add3A_33 : i32
    %dma_wait3A_48 = arith.constant 0 : i32
    %dma_wait3A_49 = arith.constant 128 : i32
    %dma_wait3A_50 = tpu.memref_slice %arg11[%dma_wait3A_48, %dma_wait3A_49] : memref<32x768xf32, #tpu.memory_space<vmem>> -> memref<32x128xf32, #tpu.memory_space<vmem>>
    %dma_wait3A_51 = arith.constant 0 : i32
    %dma_wait3A_52 = tpu.memref_slice %arg7[%add3A_47, %dma_wait3A_51] : memref<49152x128xf32, #tpu.memory_space<hbm>> -> memref<32x128xf32, #tpu.memory_space<hbm>>
    %dma_wait3A_53 = arith.constant 0 : i32
    %dma_wait3A_54 = tpu.memref_slice %arg7[%add3A_47, %dma_wait3A_53] : memref<49152x128xf32, #tpu.memory_space<hbm>> -> memref<32x128xf32, #tpu.memory_space<hbm>>
    %dma_wait3A_55 = arith.constant 0 : i32
    %dma_wait3A_56 = arith.constant 128 : i32
    %dma_wait3A_57 = tpu.memref_slice %arg11[%dma_wait3A_55, %dma_wait3A_56] : memref<32x768xf32, #tpu.memory_space<vmem>> -> memref<32x128xf32, #tpu.memory_space<vmem>>
    tpu.wait_dma2 semaphore(%arg17 : memref<!tpu.dma_semaphore, #tpu.memory_space<semaphore_mem>>) src(%dma_wait3A_57 : memref<32x128xf32, #tpu.memory_space<vmem>>) dst(%dma_wait3A_54 : memref<32x128xf32, #tpu.memory_space<hbm>>)
    %add3A_58 = arith.constant 16384 : i32
    %add3A_59 = arith.addi %add3A_58, %add3A_33 : i32
    %dma_wait3A_60 = arith.constant 0 : i32
    %dma_wait3A_61 = arith.constant 256 : i32
    %dma_wait3A_62 = tpu.memref_slice %arg11[%dma_wait3A_60, %dma_wait3A_61] : memref<32x768xf32, #tpu.memory_space<vmem>> -> memref<32x128xf32, #tpu.memory_space<vmem>>
    %dma_wait3A_63 = arith.constant 0 : i32
    %dma_wait3A_64 = tpu.memref_slice %arg7[%add3A_59, %dma_wait3A_63] : memref<49152x128xf32, #tpu.memory_space<hbm>> -> memref<32x128xf32, #tpu.memory_space<hbm>>
    %dma_wait3A_65 = arith.constant 0 : i32
    %dma_wait3A_66 = tpu.memref_slice %arg7[%add3A_59, %dma_wait3A_65] : memref<49152x128xf32, #tpu.memory_space<hbm>> -> memref<32x128xf32, #tpu.memory_space<hbm>>
    %dma_wait3A_67 = arith.constant 0 : i32
    %dma_wait3A_68 = arith.constant 256 : i32
    %dma_wait3A_69 = tpu.memref_slice %arg11[%dma_wait3A_67, %dma_wait3A_68] : memref<32x768xf32, #tpu.memory_space<vmem>> -> memref<32x128xf32, #tpu.memory_space<vmem>>
    tpu.wait_dma2 semaphore(%arg17 : memref<!tpu.dma_semaphore, #tpu.memory_space<semaphore_mem>>) src(%dma_wait3A_69 : memref<32x128xf32, #tpu.memory_space<vmem>>) dst(%dma_wait3A_66 : memref<32x128xf32, #tpu.memory_space<hbm>>)
    %add3A_70 = arith.constant 24576 : i32
    %add3A_71 = arith.addi %add3A_70, %add3A_33 : i32
    %dma_wait3A_72 = arith.constant 0 : i32
    %dma_wait3A_73 = arith.constant 384 : i32
    %dma_wait3A_74 = tpu.memref_slice %arg11[%dma_wait3A_72, %dma_wait3A_73] : memref<32x768xf32, #tpu.memory_space<vmem>> -> memref<32x128xf32, #tpu.memory_space<vmem>>
    %dma_wait3A_75 = arith.constant 0 : i32
    %dma_wait3A_76 = tpu.memref_slice %arg7[%add3A_71, %dma_wait3A_75] : memref<49152x128xf32, #tpu.memory_space<hbm>> -> memref<32x128xf32, #tpu.memory_space<hbm>>
    %dma_wait3A_77 = arith.constant 0 : i32
    %dma_wait3A_78 = tpu.memref_slice %arg7[%add3A_71, %dma_wait3A_77] : memref<49152x128xf32, #tpu.memory_space<hbm>> -> memref<32x128xf32, #tpu.memory_space<hbm>>
    %dma_wait3A_79 = arith.constant 0 : i32
    %dma_wait3A_80 = arith.constant 384 : i32
    %dma_wait3A_81 = tpu.memref_slice %arg11[%dma_wait3A_79, %dma_wait3A_80] : memref<32x768xf32, #tpu.memory_space<vmem>> -> memref<32x128xf32, #tpu.memory_space<vmem>>
    tpu.wait_dma2 semaphore(%arg17 : memref<!tpu.dma_semaphore, #tpu.memory_space<semaphore_mem>>) src(%dma_wait3A_81 : memref<32x128xf32, #tpu.memory_space<vmem>>) dst(%dma_wait3A_78 : memref<32x128xf32, #tpu.memory_space<hbm>>)
    %add3A_82 = arith.constant 32768 : i32
    %add3A_83 = arith.addi %add3A_82, %add3A_33 : i32
    %dma_wait3A_84 = arith.constant 0 : i32
    %dma_wait3A_85 = arith.constant 512 : i32
    %dma_wait3A_86 = tpu.memref_slice %arg11[%dma_wait3A_84, %dma_wait3A_85] : memref<32x768xf32, #tpu.memory_space<vmem>> -> memref<32x128xf32, #tpu.memory_space<vmem>>
    %dma_wait3A_87 = arith.constant 0 : i32
    %dma_wait3A_88 = tpu.memref_slice %arg7[%add3A_83, %dma_wait3A_87] : memref<49152x128xf32, #tpu.memory_space<hbm>> -> memref<32x128xf32, #tpu.memory_space<hbm>>
    %dma_wait3A_89 = arith.constant 0 : i32
    %dma_wait3A_90 = tpu.memref_slice %arg7[%add3A_83, %dma_wait3A_89] : memref<49152x128xf32, #tpu.memory_space<hbm>> -> memref<32x128xf32, #tpu.memory_space<hbm>>
    %dma_wait3A_91 = arith.constant 0 : i32
    %dma_wait3A_92 = arith.constant 512 : i32
    %dma_wait3A_93 = tpu.memref_slice %arg11[%dma_wait3A_91, %dma_wait3A_92] : memref<32x768xf32, #tpu.memory_space<vmem>> -> memref<32x128xf32, #tpu.memory_space<vmem>>
    tpu.wait_dma2 semaphore(%arg17 : memref<!tpu.dma_semaphore, #tpu.memory_space<semaphore_mem>>) src(%dma_wait3A_93 : memref<32x128xf32, #tpu.memory_space<vmem>>) dst(%dma_wait3A_90 : memref<32x128xf32, #tpu.memory_space<hbm>>)
    %add3A_94 = arith.constant 40960 : i32
    %add3A_95 = arith.addi %add3A_94, %add3A_33 : i32
    %dma_wait3A_96 = arith.constant 0 : i32
    %dma_wait3A_97 = arith.constant 640 : i32
    %dma_wait3A_98 = tpu.memref_slice %arg11[%dma_wait3A_96, %dma_wait3A_97] : memref<32x768xf32, #tpu.memory_space<vmem>> -> memref<32x128xf32, #tpu.memory_space<vmem>>
    %dma_wait3A_99 = arith.constant 0 : i32
    %dma_wait3A_100 = tpu.memref_slice %arg7[%add3A_95, %dma_wait3A_99] : memref<49152x128xf32, #tpu.memory_space<hbm>> -> memref<32x128xf32, #tpu.memory_space<hbm>>
    %dma_wait3A_101 = arith.constant 0 : i32
    %dma_wait3A_102 = tpu.memref_slice %arg7[%add3A_95, %dma_wait3A_101] : memref<49152x128xf32, #tpu.memory_space<hbm>> -> memref<32x128xf32, #tpu.memory_space<hbm>>
    %dma_wait3A_103 = arith.constant 0 : i32
    %dma_wait3A_104 = arith.constant 640 : i32
    %dma_wait3A_105 = tpu.memref_slice %arg11[%dma_wait3A_103, %dma_wait3A_104] : memref<32x768xf32, #tpu.memory_space<vmem>> -> memref<32x128xf32, #tpu.memory_space<vmem>>
    tpu.wait_dma2 semaphore(%arg17 : memref<!tpu.dma_semaphore, #tpu.memory_space<semaphore_mem>>) src(%dma_wait3A_105 : memref<32x128xf32, #tpu.memory_space<vmem>>) dst(%dma_wait3A_102 : memref<32x128xf32, #tpu.memory_space<hbm>>)
    %add3A_106 = arith.constant 224 : i32
    %add3A_107 = arith.addi %mul3A_2, %add3A_106 : i32
    %add3A_108 = arith.constant 0 : i32
    %add3A_109 = arith.addi %add3A_108, %add3A_107 : i32
    %dma_wait3A_110 = arith.constant 0 : i32
    %dma_wait3A_111 = arith.constant 0 : i32
    %dma_wait3A_112 = tpu.memref_slice %arg12[%dma_wait3A_110, %dma_wait3A_111] : memref<32x768xf32, #tpu.memory_space<vmem>> -> memref<32x128xf32, #tpu.memory_space<vmem>>
    %dma_wait3A_113 = arith.constant 0 : i32
    %dma_wait3A_114 = tpu.memref_slice %arg7[%add3A_109, %dma_wait3A_113] : memref<49152x128xf32, #tpu.memory_space<hbm>> -> memref<32x128xf32, #tpu.memory_space<hbm>>
    %dma_wait3A_115 = arith.constant 0 : i32
    %dma_wait3A_116 = tpu.memref_slice %arg7[%add3A_109, %dma_wait3A_115] : memref<49152x128xf32, #tpu.memory_space<hbm>> -> memref<32x128xf32, #tpu.memory_space<hbm>>
    %dma_wait3A_117 = arith.constant 0 : i32
    %dma_wait3A_118 = arith.constant 0 : i32
    %dma_wait3A_119 = tpu.memref_slice %arg12[%dma_wait3A_117, %dma_wait3A_118] : memref<32x768xf32, #tpu.memory_space<vmem>> -> memref<32x128xf32, #tpu.memory_space<vmem>>
    tpu.wait_dma2 semaphore(%arg18 : memref<!tpu.dma_semaphore, #tpu.memory_space<semaphore_mem>>) src(%dma_wait3A_119 : memref<32x128xf32, #tpu.memory_space<vmem>>) dst(%dma_wait3A_116 : memref<32x128xf32, #tpu.memory_space<hbm>>)
    %add3A_120 = arith.constant 8192 : i32
    %add3A_121 = arith.addi %add3A_120, %add3A_107 : i32
    %dma_wait3A_122 = arith.constant 0 : i32
    %dma_wait3A_123 = arith.constant 128 : i32
    %dma_wait3A_124 = tpu.memref_slice %arg12[%dma_wait3A_122, %dma_wait3A_123] : memref<32x768xf32, #tpu.memory_space<vmem>> -> memref<32x128xf32, #tpu.memory_space<vmem>>
    %dma_wait3A_125 = arith.constant 0 : i32
    %dma_wait3A_126 = tpu.memref_slice %arg7[%add3A_121, %dma_wait3A_125] : memref<49152x128xf32, #tpu.memory_space<hbm>> -> memref<32x128xf32, #tpu.memory_space<hbm>>
    %dma_wait3A_127 = arith.constant 0 : i32
    %dma_wait3A_128 = tpu.memref_slice %arg7[%add3A_121, %dma_wait3A_127] : memref<49152x128xf32, #tpu.memory_space<hbm>> -> memref<32x128xf32, #tpu.memory_space<hbm>>
    %dma_wait3A_129 = arith.constant 0 : i32
    %dma_wait3A_130 = arith.constant 128 : i32
    %dma_wait3A_131 = tpu.memref_slice %arg12[%dma_wait3A_129, %dma_wait3A_130] : memref<32x768xf32, #tpu.memory_space<vmem>> -> memref<32x128xf32, #tpu.memory_space<vmem>>
    tpu.wait_dma2 semaphore(%arg18 : memref<!tpu.dma_semaphore, #tpu.memory_space<semaphore_mem>>) src(%dma_wait3A_131 : memref<32x128xf32, #tpu.memory_space<vmem>>) dst(%dma_wait3A_128 : memref<32x128xf32, #tpu.memory_space<hbm>>)
    %add3A_132 = arith.constant 16384 : i32
    %add3A_133 = arith.addi %add3A_132, %add3A_107 : i32
    %dma_wait3A_134 = arith.constant 0 : i32
    %dma_wait3A_135 = arith.constant 256 : i32
    %dma_wait3A_136 = tpu.memref_slice %arg12[%dma_wait3A_134, %dma_wait3A_135] : memref<32x768xf32, #tpu.memory_space<vmem>> -> memref<32x128xf32, #tpu.memory_space<vmem>>
    %dma_wait3A_137 = arith.constant 0 : i32
    %dma_wait3A_138 = tpu.memref_slice %arg7[%add3A_133, %dma_wait3A_137] : memref<49152x128xf32, #tpu.memory_space<hbm>> -> memref<32x128xf32, #tpu.memory_space<hbm>>
    %dma_wait3A_139 = arith.constant 0 : i32
    %dma_wait3A_140 = tpu.memref_slice %arg7[%add3A_133, %dma_wait3A_139] : memref<49152x128xf32, #tpu.memory_space<hbm>> -> memref<32x128xf32, #tpu.memory_space<hbm>>
    %dma_wait3A_141 = arith.constant 0 : i32
    %dma_wait3A_142 = arith.constant 256 : i32
    %dma_wait3A_143 = tpu.memref_slice %arg12[%dma_wait3A_141, %dma_wait3A_142] : memref<32x768xf32, #tpu.memory_space<vmem>> -> memref<32x128xf32, #tpu.memory_space<vmem>>
    tpu.wait_dma2 semaphore(%arg18 : memref<!tpu.dma_semaphore, #tpu.memory_space<semaphore_mem>>) src(%dma_wait3A_143 : memref<32x128xf32, #tpu.memory_space<vmem>>) dst(%dma_wait3A_140 : memref<32x128xf32, #tpu.memory_space<hbm>>)
    %add3A_144 = arith.constant 24576 : i32
    %add3A_145 = arith.addi %add3A_144, %add3A_107 : i32
    %dma_wait3A_146 = arith.constant 0 : i32
    %dma_wait3A_147 = arith.constant 384 : i32
    %dma_wait3A_148 = tpu.memref_slice %arg12[%dma_wait3A_146, %dma_wait3A_147] : memref<32x768xf32, #tpu.memory_space<vmem>> -> memref<32x128xf32, #tpu.memory_space<vmem>>
    %dma_wait3A_149 = arith.constant 0 : i32
    %dma_wait3A_150 = tpu.memref_slice %arg7[%add3A_145, %dma_wait3A_149] : memref<49152x128xf32, #tpu.memory_space<hbm>> -> memref<32x128xf32, #tpu.memory_space<hbm>>
    %dma_wait3A_151 = arith.constant 0 : i32
    %dma_wait3A_152 = tpu.memref_slice %arg7[%add3A_145, %dma_wait3A_151] : memref<49152x128xf32, #tpu.memory_space<hbm>> -> memref<32x128xf32, #tpu.memory_space<hbm>>
    %dma_wait3A_153 = arith.constant 0 : i32
    %dma_wait3A_154 = arith.constant 384 : i32
    %dma_wait3A_155 = tpu.memref_slice %arg12[%dma_wait3A_153, %dma_wait3A_154] : memref<32x768xf32, #tpu.memory_space<vmem>> -> memref<32x128xf32, #tpu.memory_space<vmem>>
    tpu.wait_dma2 semaphore(%arg18 : memref<!tpu.dma_semaphore, #tpu.memory_space<semaphore_mem>>) src(%dma_wait3A_155 : memref<32x128xf32, #tpu.memory_space<vmem>>) dst(%dma_wait3A_152 : memref<32x128xf32, #tpu.memory_space<hbm>>)
    %add3A_156 = arith.constant 32768 : i32
    %add3A_157 = arith.addi %add3A_156, %add3A_107 : i32
    %dma_wait3A_158 = arith.constant 0 : i32
    %dma_wait3A_159 = arith.constant 512 : i32
    %dma_wait3A_160 = tpu.memref_slice %arg12[%dma_wait3A_158, %dma_wait3A_159] : memref<32x768xf32, #tpu.memory_space<vmem>> -> memref<32x128xf32, #tpu.memory_space<vmem>>
    %dma_wait3A_161 = arith.constant 0 : i32
    %dma_wait3A_162 = tpu.memref_slice %arg7[%add3A_157, %dma_wait3A_161] : memref<49152x128xf32, #tpu.memory_space<hbm>> -> memref<32x128xf32, #tpu.memory_space<hbm>>
    %dma_wait3A_163 = arith.constant 0 : i32
    %dma_wait3A_164 = tpu.memref_slice %arg7[%add3A_157, %dma_wait3A_163] : memref<49152x128xf32, #tpu.memory_space<hbm>> -> memref<32x128xf32, #tpu.memory_space<hbm>>
    %dma_wait3A_165 = arith.constant 0 : i32
    %dma_wait3A_166 = arith.constant 512 : i32
    %dma_wait3A_167 = tpu.memref_slice %arg12[%dma_wait3A_165, %dma_wait3A_166] : memref<32x768xf32, #tpu.memory_space<vmem>> -> memref<32x128xf32, #tpu.memory_space<vmem>>
    tpu.wait_dma2 semaphore(%arg18 : memref<!tpu.dma_semaphore, #tpu.memory_space<semaphore_mem>>) src(%dma_wait3A_167 : memref<32x128xf32, #tpu.memory_space<vmem>>) dst(%dma_wait3A_164 : memref<32x128xf32, #tpu.memory_space<hbm>>)
    %add3A_168 = arith.constant 40960 : i32
    %add3A_169 = arith.addi %add3A_168, %add3A_107 : i32
    %dma_wait3A_170 = arith.constant 0 : i32
    %dma_wait3A_171 = arith.constant 640 : i32
    %dma_wait3A_172 = tpu.memref_slice %arg12[%dma_wait3A_170, %dma_wait3A_171] : memref<32x768xf32, #tpu.memory_space<vmem>> -> memref<32x128xf32, #tpu.memory_space<vmem>>
    %dma_wait3A_173 = arith.constant 0 : i32
    %dma_wait3A_174 = tpu.memref_slice %arg7[%add3A_169, %dma_wait3A_173] : memref<49152x128xf32, #tpu.memory_space<hbm>> -> memref<32x128xf32, #tpu.memory_space<hbm>>
    %dma_wait3A_175 = arith.constant 0 : i32
    %dma_wait3A_176 = tpu.memref_slice %arg7[%add3A_169, %dma_wait3A_175] : memref<49152x128xf32, #tpu.memory_space<hbm>> -> memref<32x128xf32, #tpu.memory_space<hbm>>
    %dma_wait3A_177 = arith.constant 0 : i32
    %dma_wait3A_178 = arith.constant 640 : i32
    %dma_wait3A_179 = tpu.memref_slice %arg12[%dma_wait3A_177, %dma_wait3A_178] : memref<32x768xf32, #tpu.memory_space<vmem>> -> memref<32x128xf32, #tpu.memory_space<vmem>>
    tpu.wait_dma2 semaphore(%arg18 : memref<!tpu.dma_semaphore, #tpu.memory_space<semaphore_mem>>) src(%dma_wait3A_179 : memref<32x128xf32, #tpu.memory_space<vmem>>) dst(%dma_wait3A_176 : memref<32x128xf32, #tpu.memory_space<hbm>>)
    return
  }
}

module attributes {stable_mosaic.version = 14 : i64} {
  func.func @_ptt_body(%arg0: memref<512x768xf32, #tpu.memory_space<vmem>>, %arg1: memref<2x768xf32, #tpu.memory_space<vmem>>, %arg2: memref<1024x768xf32, #tpu.memory_space<vmem>>) attributes {dimension_semantics = [], scalar_prefetch = 0 : i64, scratch_operands = 0 : i64, tpu.core_type = #tpu.core_type<tc>} {
    %get3A = arith.constant 0 : index
    %get3A_0 = arith.constant 0 : index
    %get3A_1 = vector.load %arg0[%get3A, %get3A_0] : memref<512x768xf32, #tpu.memory_space<vmem>>, vector<512x768xf32>
    %get3A_2 = arith.constant 0 : index
    %get3A_3 = arith.constant 0 : index
    %get3A_4 = vector.load %arg1[%get3A_2, %get3A_3] : memref<2x768xf32, #tpu.memory_space<vmem>>, vector<1x768xf32>
    %add3A = vector.broadcast %get3A_4 : vector<1x768xf32> to vector<512x768xf32>
    %add3A_5 = arith.addf %get3A_1, %add3A : vector<512x768xf32>
    %swap3A = arith.constant 0 : index
    %swap3A_6 = arith.constant 0 : index
    %swap3A_7 = vector.load %arg2[%swap3A, %swap3A_6] : memref<1024x768xf32, #tpu.memory_space<vmem>>, vector<512x768xf32>
    tpu.vector_store %arg2[%swap3A, %swap3A_6], %add3A_5 {strides = array<i32>} : memref<1024x768xf32, #tpu.memory_space<vmem>>, vector<512x768xf32>,
    %get3A_8 = arith.constant 0 : index
    %get3A_9 = arith.constant 0 : index
    %get3A_10 = vector.load %arg0[%get3A_8, %get3A_9] : memref<512x768xf32, #tpu.memory_space<vmem>>, vector<512x768xf32>
    %get3A_11 = arith.constant 1 : index
    %get3A_12 = arith.constant 0 : index
    %get3A_13 = vector.load %arg1[%get3A_11, %get3A_12] : memref<2x768xf32, #tpu.memory_space<vmem>>, vector<1x768xf32>
    %add3A_14 = vector.broadcast %get3A_13 : vector<1x768xf32> to vector<512x768xf32>
    %add3A_15 = arith.addf %get3A_10, %add3A_14 : vector<512x768xf32>
    %swap3A_16 = arith.constant 512 : index
    %swap3A_17 = arith.constant 0 : index
    %swap3A_18 = vector.load %arg2[%swap3A_16, %swap3A_17] : memref<1024x768xf32, #tpu.memory_space<vmem>>, vector<512x768xf32>
    tpu.vector_store %arg2[%swap3A_16, %swap3A_17], %add3A_15 {strides = array<i32>} : memref<1024x768xf32, #tpu.memory_space<vmem>>, vector<512x768xf32>,
    return
  }
}

module attributes {stable_mosaic.version = 14 : i64} {
  func.func @_ln_body(%arg0: i32, %arg1: memref<6x512x128xf32, #tpu.memory_space<vmem>>, %arg2: memref<1x768xf32, #tpu.memory_space<vmem>>, %arg3: memref<1x768xf32, #tpu.memory_space<vmem>>, %arg4: memref<512x768xf32, #tpu.memory_space<vmem>>) attributes {dimension_semantics = [#tpu.dimension_semantics<arbitrary>], iteration_bounds = array<i64: 8>, scalar_prefetch = 0 : i64, scratch_operands = 0 : i64, tpu.core_type = #tpu.core_type<tc>, window_params = [{transform_indices = @transform_0, window_bounds = array<i64: 6, 512, 128>}, {pipeline_mode = #tpu.pipeline_mode<synchronous>, transform_indices = @transform_1, window_bounds = array<i64: 1, 768>}, {pipeline_mode = #tpu.pipeline_mode<synchronous>, transform_indices = @transform_2, window_bounds = array<i64: 1, 768>}, {transform_indices = @transform_3, window_bounds = array<i64: 512, 768>}]} {
    %get3A = arith.constant 0 : index
    %get3A_0 = arith.constant 0 : index
    %get3A_1 = arith.constant 0 : index
    %get3A_2 = vector.load %arg1[%get3A, %get3A_0, %get3A_1] : memref<6x512x128xf32, #tpu.memory_space<vmem>>, vector<1x512x128xf32>
    %get3A_3 = vector.shape_cast %get3A_2 : vector<1x512x128xf32> to vector<512x128xf32>
    %get3A_4 = arith.constant 1 : index
    %get3A_5 = arith.constant 0 : index
    %get3A_6 = arith.constant 0 : index
    %get3A_7 = vector.load %arg1[%get3A_4, %get3A_5, %get3A_6] : memref<6x512x128xf32, #tpu.memory_space<vmem>>, vector<1x512x128xf32>
    %get3A_8 = vector.shape_cast %get3A_7 : vector<1x512x128xf32> to vector<512x128xf32>
    %get3A_9 = arith.constant 2 : index
    %get3A_10 = arith.constant 0 : index
    %get3A_11 = arith.constant 0 : index
    %get3A_12 = vector.load %arg1[%get3A_9, %get3A_10, %get3A_11] : memref<6x512x128xf32, #tpu.memory_space<vmem>>, vector<1x512x128xf32>
    %get3A_13 = vector.shape_cast %get3A_12 : vector<1x512x128xf32> to vector<512x128xf32>
    %get3A_14 = arith.constant 3 : index
    %get3A_15 = arith.constant 0 : index
    %get3A_16 = arith.constant 0 : index
    %get3A_17 = vector.load %arg1[%get3A_14, %get3A_15, %get3A_16] : memref<6x512x128xf32, #tpu.memory_space<vmem>>, vector<1x512x128xf32>
    %get3A_18 = vector.shape_cast %get3A_17 : vector<1x512x128xf32> to vector<512x128xf32>
    %get3A_19 = arith.constant 4 : index
    %get3A_20 = arith.constant 0 : index
    %get3A_21 = arith.constant 0 : index
    %get3A_22 = vector.load %arg1[%get3A_19, %get3A_20, %get3A_21] : memref<6x512x128xf32, #tpu.memory_space<vmem>>, vector<1x512x128xf32>
    %get3A_23 = vector.shape_cast %get3A_22 : vector<1x512x128xf32> to vector<512x128xf32>
    %get3A_24 = arith.constant 5 : index
    %get3A_25 = arith.constant 0 : index
    %get3A_26 = arith.constant 0 : index
    %get3A_27 = vector.load %arg1[%get3A_24, %get3A_25, %get3A_26] : memref<6x512x128xf32, #tpu.memory_space<vmem>>, vector<1x512x128xf32>
    %get3A_28 = vector.shape_cast %get3A_27 : vector<1x512x128xf32> to vector<512x128xf32>
    %reduce_sum3A = arith.constant dense<0.000000e+00> : vector<512xf32>
    %reduce_sum3A_29 = vector.multi_reduction <add>, %get3A_3, %reduce_sum3A [1] : vector<512x128xf32> to vector<512xf32>
    %broadcast_in_dim3A = vector.shape_cast %reduce_sum3A_29 : vector<512xf32> to vector<512x1xf32>
    %add3A = arith.constant 0.000000e+00 : f32
    %add3A_30 = vector.broadcast %add3A : f32 to vector<512x1xf32>
    %add3A_31 = arith.addf %add3A_30, %broadcast_in_dim3A : vector<512x1xf32>
    %reduce_sum3A_32 = arith.constant dense<0.000000e+00> : vector<512xf32>
    %reduce_sum3A_33 = vector.multi_reduction <add>, %get3A_8, %reduce_sum3A_32 [1] : vector<512x128xf32> to vector<512xf32>
    %broadcast_in_dim3A_34 = vector.shape_cast %reduce_sum3A_33 : vector<512xf32> to vector<512x1xf32>
    %add3A_35 = arith.addf %add3A_31, %broadcast_in_dim3A_34 : vector<512x1xf32>
    %reduce_sum3A_36 = arith.constant dense<0.000000e+00> : vector<512xf32>
    %reduce_sum3A_37 = vector.multi_reduction <add>, %get3A_13, %reduce_sum3A_36 [1] : vector<512x128xf32> to vector<512xf32>
    %broadcast_in_dim3A_38 = vector.shape_cast %reduce_sum3A_37 : vector<512xf32> to vector<512x1xf32>
    %add3A_39 = arith.addf %add3A_35, %broadcast_in_dim3A_38 : vector<512x1xf32>
    %reduce_sum3A_40 = arith.constant dense<0.000000e+00> : vector<512xf32>
    %reduce_sum3A_41 = vector.multi_reduction <add>, %get3A_18, %reduce_sum3A_40 [1] : vector<512x128xf32> to vector<512xf32>
    %broadcast_in_dim3A_42 = vector.shape_cast %reduce_sum3A_41 : vector<512xf32> to vector<512x1xf32>
    %add3A_43 = arith.addf %add3A_39, %broadcast_in_dim3A_42 : vector<512x1xf32>
    %reduce_sum3A_44 = arith.constant dense<0.000000e+00> : vector<512xf32>
    %reduce_sum3A_45 = vector.multi_reduction <add>, %get3A_23, %reduce_sum3A_44 [1] : vector<512x128xf32> to vector<512xf32>
    %broadcast_in_dim3A_46 = vector.shape_cast %reduce_sum3A_45 : vector<512xf32> to vector<512x1xf32>
    %add3A_47 = arith.addf %add3A_43, %broadcast_in_dim3A_46 : vector<512x1xf32>
    %reduce_sum3A_48 = arith.constant dense<0.000000e+00> : vector<512xf32>
    %reduce_sum3A_49 = vector.multi_reduction <add>, %get3A_28, %reduce_sum3A_48 [1] : vector<512x128xf32> to vector<512xf32>
    %broadcast_in_dim3A_50 = vector.shape_cast %reduce_sum3A_49 : vector<512xf32> to vector<512x1xf32>
    %add3A_51 = arith.addf %add3A_47, %broadcast_in_dim3A_50 : vector<512x1xf32>
    %mul3A = arith.mulf %get3A_3, %get3A_3 : vector<512x128xf32>
    %reduce_sum3A_52 = arith.constant dense<0.000000e+00> : vector<512xf32>
    %reduce_sum3A_53 = vector.multi_reduction <add>, %mul3A, %reduce_sum3A_52 [1] : vector<512x128xf32> to vector<512xf32>
    %broadcast_in_dim3A_54 = vector.shape_cast %reduce_sum3A_53 : vector<512xf32> to vector<512x1xf32>
    %add3A_55 = arith.constant 0.000000e+00 : f32
    %add3A_56 = vector.broadcast %add3A_55 : f32 to vector<512x1xf32>
    %add3A_57 = arith.addf %add3A_56, %broadcast_in_dim3A_54 : vector<512x1xf32>
    %mul3A_58 = arith.mulf %get3A_8, %get3A_8 : vector<512x128xf32>
    %reduce_sum3A_59 = arith.constant dense<0.000000e+00> : vector<512xf32>
    %reduce_sum3A_60 = vector.multi_reduction <add>, %mul3A_58, %reduce_sum3A_59 [1] : vector<512x128xf32> to vector<512xf32>
    %broadcast_in_dim3A_61 = vector.shape_cast %reduce_sum3A_60 : vector<512xf32> to vector<512x1xf32>
    %add3A_62 = arith.addf %add3A_57, %broadcast_in_dim3A_61 : vector<512x1xf32>
    %mul3A_63 = arith.mulf %get3A_13, %get3A_13 : vector<512x128xf32>
    %reduce_sum3A_64 = arith.constant dense<0.000000e+00> : vector<512xf32>
    %reduce_sum3A_65 = vector.multi_reduction <add>, %mul3A_63, %reduce_sum3A_64 [1] : vector<512x128xf32> to vector<512xf32>
    %broadcast_in_dim3A_66 = vector.shape_cast %reduce_sum3A_65 : vector<512xf32> to vector<512x1xf32>
    %add3A_67 = arith.addf %add3A_62, %broadcast_in_dim3A_66 : vector<512x1xf32>
    %mul3A_68 = arith.mulf %get3A_18, %get3A_18 : vector<512x128xf32>
    %reduce_sum3A_69 = arith.constant dense<0.000000e+00> : vector<512xf32>
    %reduce_sum3A_70 = vector.multi_reduction <add>, %mul3A_68, %reduce_sum3A_69 [1] : vector<512x128xf32> to vector<512xf32>
    %broadcast_in_dim3A_71 = vector.shape_cast %reduce_sum3A_70 : vector<512xf32> to vector<512x1xf32>
    %add3A_72 = arith.addf %add3A_67, %broadcast_in_dim3A_71 : vector<512x1xf32>
    %mul3A_73 = arith.mulf %get3A_23, %get3A_23 : vector<512x128xf32>
    %reduce_sum3A_74 = arith.constant dense<0.000000e+00> : vector<512xf32>
    %reduce_sum3A_75 = vector.multi_reduction <add>, %mul3A_73, %reduce_sum3A_74 [1] : vector<512x128xf32> to vector<512xf32>
    %broadcast_in_dim3A_76 = vector.shape_cast %reduce_sum3A_75 : vector<512xf32> to vector<512x1xf32>
    %add3A_77 = arith.addf %add3A_72, %broadcast_in_dim3A_76 : vector<512x1xf32>
    %mul3A_78 = arith.mulf %get3A_28, %get3A_28 : vector<512x128xf32>
    %reduce_sum3A_79 = arith.constant dense<0.000000e+00> : vector<512xf32>
    %reduce_sum3A_80 = vector.multi_reduction <add>, %mul3A_78, %reduce_sum3A_79 [1] : vector<512x128xf32> to vector<512xf32>
    %broadcast_in_dim3A_81 = vector.shape_cast %reduce_sum3A_80 : vector<512xf32> to vector<512x1xf32>
    %add3A_82 = arith.addf %add3A_77, %broadcast_in_dim3A_81 : vector<512x1xf32>
    %mul3A_83 = arith.constant 0.00130208337 : f32
    %mul3A_84 = vector.broadcast %mul3A_83 : f32 to vector<512x1xf32>
    %mul3A_85 = arith.mulf %add3A_51, %mul3A_84 : vector<512x1xf32>
    %mul3A_86 = arith.constant 0.00130208337 : f32
    %mul3A_87 = vector.broadcast %mul3A_86 : f32 to vector<512x1xf32>
    %mul3A_88 = arith.mulf %add3A_82, %mul3A_87 : vector<512x1xf32>
    %mul3A_89 = arith.mulf %mul3A_85, %mul3A_85 : vector<512x1xf32>
    %sub3A = arith.subf %mul3A_88, %mul3A_89 : vector<512x1xf32>
    %add3A_90 = arith.constant 9.99999996E-13 : f32
    %add3A_91 = vector.broadcast %add3A_90 : f32 to vector<512x1xf32>
    %add3A_92 = arith.addf %sub3A, %add3A_91 : vector<512x1xf32>
    %rsqrt3A = math.rsqrt %add3A_92 : vector<512x1xf32>
    %sub3A_93 = vector.broadcast %mul3A_85 : vector<512x1xf32> to vector<512x128xf32>
    %sub3A_94 = arith.subf %get3A_3, %sub3A_93 : vector<512x128xf32>
    %mul3A_95 = vector.broadcast %rsqrt3A : vector<512x1xf32> to vector<512x128xf32>
    %mul3A_96 = arith.mulf %sub3A_94, %mul3A_95 : vector<512x128xf32>
    %get3A_97 = arith.constant 0 : index
    %get3A_98 = arith.constant 0 : index
    %get3A_99 = vector.load %arg2[%get3A_97, %get3A_98] : memref<1x768xf32, #tpu.memory_space<vmem>>, vector<1x128xf32>
    %get3A_100 = vector.shape_cast %get3A_99 : vector<1x128xf32> to vector<128xf32>
    %broadcast_in_dim3A_101 = vector.shape_cast %get3A_100 : vector<128xf32> to vector<1x128xf32>
    %mul3A_102 = vector.broadcast %broadcast_in_dim3A_101 : vector<1x128xf32> to vector<512x128xf32>
    %mul3A_103 = arith.mulf %mul3A_96, %mul3A_102 : vector<512x128xf32>
    %get3A_104 = arith.constant 0 : index
    %get3A_105 = arith.constant 0 : index
    %get3A_106 = vector.load %arg3[%get3A_104, %get3A_105] : memref<1x768xf32, #tpu.memory_space<vmem>>, vector<1x128xf32>
    %get3A_107 = vector.shape_cast %get3A_106 : vector<1x128xf32> to vector<128xf32>
    %broadcast_in_dim3A_108 = vector.shape_cast %get3A_107 : vector<128xf32> to vector<1x128xf32>
    %add3A_109 = vector.broadcast %broadcast_in_dim3A_108 : vector<1x128xf32> to vector<512x128xf32>
    %add3A_110 = arith.addf %mul3A_103, %add3A_109 : vector<512x128xf32>
    %swap3A = arith.constant 0 : index
    %swap3A_111 = arith.constant 0 : index
    %swap3A_112 = vector.load %arg4[%swap3A, %swap3A_111] : memref<512x768xf32, #tpu.memory_space<vmem>>, vector<512x128xf32>
    tpu.vector_store %arg4[%swap3A, %swap3A_111], %add3A_110 {strides = array<i32>} : memref<512x768xf32, #tpu.memory_space<vmem>>, vector<512x128xf32>,
    %sub3A_113 = vector.broadcast %mul3A_85 : vector<512x1xf32> to vector<512x128xf32>
    %sub3A_114 = arith.subf %get3A_8, %sub3A_113 : vector<512x128xf32>
    %mul3A_115 = vector.broadcast %rsqrt3A : vector<512x1xf32> to vector<512x128xf32>
    %mul3A_116 = arith.mulf %sub3A_114, %mul3A_115 : vector<512x128xf32>
    %get3A_117 = arith.constant 0 : index
    %get3A_118 = arith.constant 128 : index
    %get3A_119 = vector.load %arg2[%get3A_117, %get3A_118] : memref<1x768xf32, #tpu.memory_space<vmem>>, vector<1x128xf32>
    %get3A_120 = vector.shape_cast %get3A_119 : vector<1x128xf32> to vector<128xf32>
    %broadcast_in_dim3A_121 = vector.shape_cast %get3A_120 : vector<128xf32> to vector<1x128xf32>
    %mul3A_122 = vector.broadcast %broadcast_in_dim3A_121 : vector<1x128xf32> to vector<512x128xf32>
    %mul3A_123 = arith.mulf %mul3A_116, %mul3A_122 : vector<512x128xf32>
    %get3A_124 = arith.constant 0 : index
    %get3A_125 = arith.constant 128 : index
    %get3A_126 = vector.load %arg3[%get3A_124, %get3A_125] : memref<1x768xf32, #tpu.memory_space<vmem>>, vector<1x128xf32>
    %get3A_127 = vector.shape_cast %get3A_126 : vector<1x128xf32> to vector<128xf32>
    %broadcast_in_dim3A_128 = vector.shape_cast %get3A_127 : vector<128xf32> to vector<1x128xf32>
    %add3A_129 = vector.broadcast %broadcast_in_dim3A_128 : vector<1x128xf32> to vector<512x128xf32>
    %add3A_130 = arith.addf %mul3A_123, %add3A_129 : vector<512x128xf32>
    %swap3A_131 = arith.constant 0 : index
    %swap3A_132 = arith.constant 128 : index
    %swap3A_133 = vector.load %arg4[%swap3A_131, %swap3A_132] : memref<512x768xf32, #tpu.memory_space<vmem>>, vector<512x128xf32>
    tpu.vector_store %arg4[%swap3A_131, %swap3A_132], %add3A_130 {strides = array<i32>} : memref<512x768xf32, #tpu.memory_space<vmem>>, vector<512x128xf32>,
    %sub3A_134 = vector.broadcast %mul3A_85 : vector<512x1xf32> to vector<512x128xf32>
    %sub3A_135 = arith.subf %get3A_13, %sub3A_134 : vector<512x128xf32>
    %mul3A_136 = vector.broadcast %rsqrt3A : vector<512x1xf32> to vector<512x128xf32>
    %mul3A_137 = arith.mulf %sub3A_135, %mul3A_136 : vector<512x128xf32>
    %get3A_138 = arith.constant 0 : index
    %get3A_139 = arith.constant 256 : index
    %get3A_140 = vector.load %arg2[%get3A_138, %get3A_139] : memref<1x768xf32, #tpu.memory_space<vmem>>, vector<1x128xf32>
    %get3A_141 = vector.shape_cast %get3A_140 : vector<1x128xf32> to vector<128xf32>
    %broadcast_in_dim3A_142 = vector.shape_cast %get3A_141 : vector<128xf32> to vector<1x128xf32>
    %mul3A_143 = vector.broadcast %broadcast_in_dim3A_142 : vector<1x128xf32> to vector<512x128xf32>
    %mul3A_144 = arith.mulf %mul3A_137, %mul3A_143 : vector<512x128xf32>
    %get3A_145 = arith.constant 0 : index
    %get3A_146 = arith.constant 256 : index
    %get3A_147 = vector.load %arg3[%get3A_145, %get3A_146] : memref<1x768xf32, #tpu.memory_space<vmem>>, vector<1x128xf32>
    %get3A_148 = vector.shape_cast %get3A_147 : vector<1x128xf32> to vector<128xf32>
    %broadcast_in_dim3A_149 = vector.shape_cast %get3A_148 : vector<128xf32> to vector<1x128xf32>
    %add3A_150 = vector.broadcast %broadcast_in_dim3A_149 : vector<1x128xf32> to vector<512x128xf32>
    %add3A_151 = arith.addf %mul3A_144, %add3A_150 : vector<512x128xf32>
    %swap3A_152 = arith.constant 0 : index
    %swap3A_153 = arith.constant 256 : index
    %swap3A_154 = vector.load %arg4[%swap3A_152, %swap3A_153] : memref<512x768xf32, #tpu.memory_space<vmem>>, vector<512x128xf32>
    tpu.vector_store %arg4[%swap3A_152, %swap3A_153], %add3A_151 {strides = array<i32>} : memref<512x768xf32, #tpu.memory_space<vmem>>, vector<512x128xf32>,
    %sub3A_155 = vector.broadcast %mul3A_85 : vector<512x1xf32> to vector<512x128xf32>
    %sub3A_156 = arith.subf %get3A_18, %sub3A_155 : vector<512x128xf32>
    %mul3A_157 = vector.broadcast %rsqrt3A : vector<512x1xf32> to vector<512x128xf32>
    %mul3A_158 = arith.mulf %sub3A_156, %mul3A_157 : vector<512x128xf32>
    %get3A_159 = arith.constant 0 : index
    %get3A_160 = arith.constant 384 : index
    %get3A_161 = vector.load %arg2[%get3A_159, %get3A_160] : memref<1x768xf32, #tpu.memory_space<vmem>>, vector<1x128xf32>
    %get3A_162 = vector.shape_cast %get3A_161 : vector<1x128xf32> to vector<128xf32>
    %broadcast_in_dim3A_163 = vector.shape_cast %get3A_162 : vector<128xf32> to vector<1x128xf32>
    %mul3A_164 = vector.broadcast %broadcast_in_dim3A_163 : vector<1x128xf32> to vector<512x128xf32>
    %mul3A_165 = arith.mulf %mul3A_158, %mul3A_164 : vector<512x128xf32>
    %get3A_166 = arith.constant 0 : index
    %get3A_167 = arith.constant 384 : index
    %get3A_168 = vector.load %arg3[%get3A_166, %get3A_167] : memref<1x768xf32, #tpu.memory_space<vmem>>, vector<1x128xf32>
    %get3A_169 = vector.shape_cast %get3A_168 : vector<1x128xf32> to vector<128xf32>
    %broadcast_in_dim3A_170 = vector.shape_cast %get3A_169 : vector<128xf32> to vector<1x128xf32>
    %add3A_171 = vector.broadcast %broadcast_in_dim3A_170 : vector<1x128xf32> to vector<512x128xf32>
    %add3A_172 = arith.addf %mul3A_165, %add3A_171 : vector<512x128xf32>
    %swap3A_173 = arith.constant 0 : index
    %swap3A_174 = arith.constant 384 : index
    %swap3A_175 = vector.load %arg4[%swap3A_173, %swap3A_174] : memref<512x768xf32, #tpu.memory_space<vmem>>, vector<512x128xf32>
    tpu.vector_store %arg4[%swap3A_173, %swap3A_174], %add3A_172 {strides = array<i32>} : memref<512x768xf32, #tpu.memory_space<vmem>>, vector<512x128xf32>,
    %sub3A_176 = vector.broadcast %mul3A_85 : vector<512x1xf32> to vector<512x128xf32>
    %sub3A_177 = arith.subf %get3A_23, %sub3A_176 : vector<512x128xf32>
    %mul3A_178 = vector.broadcast %rsqrt3A : vector<512x1xf32> to vector<512x128xf32>
    %mul3A_179 = arith.mulf %sub3A_177, %mul3A_178 : vector<512x128xf32>
    %get3A_180 = arith.constant 0 : index
    %get3A_181 = arith.constant 512 : index
    %get3A_182 = vector.load %arg2[%get3A_180, %get3A_181] : memref<1x768xf32, #tpu.memory_space<vmem>>, vector<1x128xf32>
    %get3A_183 = vector.shape_cast %get3A_182 : vector<1x128xf32> to vector<128xf32>
    %broadcast_in_dim3A_184 = vector.shape_cast %get3A_183 : vector<128xf32> to vector<1x128xf32>
    %mul3A_185 = vector.broadcast %broadcast_in_dim3A_184 : vector<1x128xf32> to vector<512x128xf32>
    %mul3A_186 = arith.mulf %mul3A_179, %mul3A_185 : vector<512x128xf32>
    %get3A_187 = arith.constant 0 : index
    %get3A_188 = arith.constant 512 : index
    %get3A_189 = vector.load %arg3[%get3A_187, %get3A_188] : memref<1x768xf32, #tpu.memory_space<vmem>>, vector<1x128xf32>
    %get3A_190 = vector.shape_cast %get3A_189 : vector<1x128xf32> to vector<128xf32>
    %broadcast_in_dim3A_191 = vector.shape_cast %get3A_190 : vector<128xf32> to vector<1x128xf32>
    %add3A_192 = vector.broadcast %broadcast_in_dim3A_191 : vector<1x128xf32> to vector<512x128xf32>
    %add3A_193 = arith.addf %mul3A_186, %add3A_192 : vector<512x128xf32>
    %swap3A_194 = arith.constant 0 : index
    %swap3A_195 = arith.constant 512 : index
    %swap3A_196 = vector.load %arg4[%swap3A_194, %swap3A_195] : memref<512x768xf32, #tpu.memory_space<vmem>>, vector<512x128xf32>
    tpu.vector_store %arg4[%swap3A_194, %swap3A_195], %add3A_193 {strides = array<i32>} : memref<512x768xf32, #tpu.memory_space<vmem>>, vector<512x128xf32>,
    %sub3A_197 = vector.broadcast %mul3A_85 : vector<512x1xf32> to vector<512x128xf32>
    %sub3A_198 = arith.subf %get3A_28, %sub3A_197 : vector<512x128xf32>
    %mul3A_199 = vector.broadcast %rsqrt3A : vector<512x1xf32> to vector<512x128xf32>
    %mul3A_200 = arith.mulf %sub3A_198, %mul3A_199 : vector<512x128xf32>
    %get3A_201 = arith.constant 0 : index
    %get3A_202 = arith.constant 640 : index
    %get3A_203 = vector.load %arg2[%get3A_201, %get3A_202] : memref<1x768xf32, #tpu.memory_space<vmem>>, vector<1x128xf32>
    %get3A_204 = vector.shape_cast %get3A_203 : vector<1x128xf32> to vector<128xf32>
    %broadcast_in_dim3A_205 = vector.shape_cast %get3A_204 : vector<128xf32> to vector<1x128xf32>
    %mul3A_206 = vector.broadcast %broadcast_in_dim3A_205 : vector<1x128xf32> to vector<512x128xf32>
    %mul3A_207 = arith.mulf %mul3A_200, %mul3A_206 : vector<512x128xf32>
    %get3A_208 = arith.constant 0 : index
    %get3A_209 = arith.constant 640 : index
    %get3A_210 = vector.load %arg3[%get3A_208, %get3A_209] : memref<1x768xf32, #tpu.memory_space<vmem>>, vector<1x128xf32>
    %get3A_211 = vector.shape_cast %get3A_210 : vector<1x128xf32> to vector<128xf32>
    %broadcast_in_dim3A_212 = vector.shape_cast %get3A_211 : vector<128xf32> to vector<1x128xf32>
    %add3A_213 = vector.broadcast %broadcast_in_dim3A_212 : vector<1x128xf32> to vector<512x128xf32>
    %add3A_214 = arith.addf %mul3A_207, %add3A_213 : vector<512x128xf32>
    %swap3A_215 = arith.constant 0 : index
    %swap3A_216 = arith.constant 640 : index
    %swap3A_217 = vector.load %arg4[%swap3A_215, %swap3A_216] : memref<512x768xf32, #tpu.memory_space<vmem>>, vector<512x128xf32>
    tpu.vector_store %arg4[%swap3A_215, %swap3A_216], %add3A_214 {strides = array<i32>} : memref<512x768xf32, #tpu.memory_space<vmem>>, vector<512x128xf32>,
    return
  }
  func.func @transform_0(%arg0: i32) -> (i32, i32, i32) {
    %c0_i32 = arith.constant 0 : i32
    %c0_i32_0 = arith.constant 0 : i32
    %c0_i32_1 = arith.constant 0 : i32
    return %c0_i32, %arg0, %c0_i32_0 : i32, i32, i32
  }
  func.func @transform_1(%arg0: i32) -> (i32, i32) {
    %c0_i32 = arith.constant 0 : i32
    %c0_i32_0 = arith.constant 0 : i32
    %c0_i32_1 = arith.constant 0 : i32
    return %c0_i32, %c0_i32_0 : i32, i32
  }
  func.func @transform_2(%arg0: i32) -> (i32, i32) {
    %c0_i32 = arith.constant 0 : i32
    %c0_i32_0 = arith.constant 0 : i32
    %c0_i32_1 = arith.constant 0 : i32
    return %c0_i32, %c0_i32_0 : i32, i32
  }
  func.func @transform_3(%arg0: i32) -> (i32, i32) {
    %c0_i32 = arith.constant 0 : i32
    %c0_i32_0 = arith.constant 0 : i32
    return %arg0, %c0_i32 : i32, i32
  }
}

</mosaic_0001>

<sc_bundles>
// kernel: kernel.6.cloned.1.call-start
scs
__scs_entry_jumppad:
0x0: {  	(pc) =	sbr.rel $0x88, $3  }
0x1: {  	(tag) =	ssettag $0x0;
	lr =	simm.s32 $0x1  }
0x2: {  	[smem:$0x3F97] =	sst lr;
	_ =	strace $0xD0000000  }
0x3: {  	_ = 	snop  }
0x4: {  	_ = 	snop  }
0x5: {  	_ = 	snop  }
0x6: {  	_ = 	snop  }
0x7: {  	_ = 	snop  }
__scs_overlays_trampoline_lowered:
0x8: {  	[smem:$0x3FA6] =	sst s0  }
0x9: {  	[smem:$0x3FA7] =	sst s1  }
0xa: {  	[smem:$0x3FA8] =	sst s2  }
0xb: {  	[smem:$0x3FA9] =	sst s3  }
0xc: {  	[smem:$0x3FAA] =	sst s4  }
0xd: {  	[smem:$0x3FAB] =	sst s5  }
0xe: {  	[smem:$0x3FAC] =	sst s6  }
0xf: {  	[smem:$0x3FAD] =	sst s7  }
0x10: {  	[smem:$0x3FAE] =	sst s8  }
0x11: {  	[smem:$0x3FAF] =	sst s9;
	s0 =	simm.s32 @!p0 $0x0  }
0x12: {  	s1 =	sld [smem:$0x3F95];
	s0 =	simm.s32 @p0 $0x1  }
0x13: {  	[smem:$0x3FB0] =	sst s0;
	s0 =	simm.s32 @!p1 $0x0  }
0x14: {  	s2 =	sld [smem:$0x3F94];
	s0 =	simm.s32 @p1 $0x1  }
0x15: {  	[smem:$0x3FB1] =	sst s0;
	s0 =	simm.s32 @!p2 $0x0  }
0x16: {  	s3 =	sld [smem:$0x3FDB];
	s0 =	simm.s32 @p2 $0x1  }
0x17: {  	s4 =	simm.s32 $0x1BF5;
	[smem:$0x3FB3] =	sst s0  }
0x18: {  	s0 =	sld [smem:$0x3F96];
	_ =	swait.ge [sflag:s4], $0x0  }
0x19: {  	s7 =	sld [smem:$0x3F97]  }
0x1a: {  	s8 =	sadd.s32 $0xFFFFE003, lr  }
0x1b: {  	s9 =	sadd.s32 $0xFFFFFEF7, lr;
	s5 =	simm.s32 $0xFFFFFFFF;
	p2 =	slt.u32 s8, $0xFFFFF086  }
0x1c: {  	p1 =	slt.u32 s9, $0xF7A;
	s5 =	simm.s32 @!p2 $0x0  }
0x1d: {  	s5 =	simm.s32 @p1 $0x1;
	p0 =	seq.s32 s7, s2  }
0x1e: {  	s7 =	smul.u32 @!p0 $0xF7A, s2;
	p2 =	seq.s32 @!p0 s5, $0x0  }
0x1f: {  	s9 =	smul.u32 $0xF7A, s1;
	s8 =	simm.s32 @!p0 $0x1BF5;
	p2 =	por !p2, p0  }
0x20: {  	[sflag:s8] =	ssyncset.s32 @!p0 $0xFFFFF086;
	s6 =	sadd.s32 @!p0 s3, s7;
	s7 =	simm.s32 @!p0 $0x108  }
0x21: {  	s3 =	sadd.s32 s3, s9;
	s6 =	sadd.s32 @!p0 $0x88, s6;
	s7 =	simm.s32 @p2 $0x1082  }
0x22: {  	[simem:s7], [sflag:s8] =	dma.local @!p0 [hbm:s6], $0xF7A  }
0x23: {  	s9 =	sor.u32 $0xD0000000, s2;
	s6 =	simm.s32 $0x108;
	_ =	swait.ge @!p0 [sflag:s8], $0x0  }
0x24: {  	s3 =	sadd.s32 $0x88, s3;
	s6 =	simm.s32 @!p1 $0x1082;
	[sflag:s4] =	ssyncset.s32 $0xFFFFF086  }
0x25: {  	[simem:s6], [sflag:s4] =	dma.local [hbm:s3], $0xF7A  }
0x26: {  	[smem:$0x3F97] =	sst s1;
	(tag) =	ssettag s2;
	_ =	strace s9  }
0x27: {  	s1 =	sld [smem:$0x3FA7]  }
0x28: {  	s2 =	sld [smem:$0x3FA8]  }
0x29: {  	s4 =	sld [smem:$0x3FAA]  }
0x2a: {  	p0 =	seq.s32 s5, $0x0;
	s5 =	sld [smem:$0x3FAB]  }
0x2b: {  	s6 =	sld [smem:$0x3FAC]  }
0x2c: {  	s7 =	sld [smem:$0x3FAD]  }
0x2d: {  	s3 =	simm.s32 $0x108;
	s8 =	sld [smem:$0x3FAE]  }
0x2e: {  	s3 =	simm.s32 @!p0 $0x1082;
	s9 =	sld [smem:$0x3FAF]  }
0x2f: {  	lr =	sadd.s32 s0, s3;
	s0 =	sld [smem:$0x3FA6]  }
0x30: {  	s3 =	sld [smem:$0x3FA9]  }
0x31: {  	[smem:$0x3FB2] =	sst s10  }
0x32: {  	s10 =	sld [smem:$0x3FB0];
	_ =	sdelay $0x3  }
0x33: {  	p0 =	seq.s32 s10, $0x1;
	s10 =	sld [smem:$0x3FB2];
	_ =	sdelay $0x3  }
0x34: {  	[smem:$0x3FB2] =	sst s10  }
0x35: {  	s10 =	sld [smem:$0x3FB1];
	_ =	sdelay $0x3  }
0x36: {  	p1 =	seq.s32 s10, $0x1;
	s10 =	sld [smem:$0x3FB2];
	_ =	sdelay $0x3  }
0x37: {  	[smem:$0x3FB2] =	sst s10  }
0x38: {  	s10 =	sld [smem:$0x3FB3]  }
0x39: {  	_ = 	snop;
	(pc) =	sbr.ind lr, $3  }
0x3a: {  	_ = 	snop  }
0x3b: {  	_ = 	snop  }
0x3c: {  	p2 =	seq.s32 s10, $0x1;
	s10 =	sld [smem:$0x3FB2]  }
0x3d: {  	_ =	shalt  }
0x3e: {  	_ =	shalt  }
0x3f: {  	_ =	shalt  }
0x40: {  	_ =	shalt  }
0x41: {  	_ =	shalt  }
0x42: {  	_ =	shalt  }
0x43: {  	_ =	shalt  }
0x44: {  	_ =	shalt  }
0x45: {  	_ =	shalt  }
0x46: {  	_ =	shalt  }
0x47: {  	_ =	shalt  }
0x48: {  	_ =	shalt  }
0x49: {  	_ =	shalt  }
0x4a: {  	_ =	shalt  }
0x4b: {  	_ =	shalt  }
0x4c: {  	_ =	shalt  }
0x4d: {  	_ =	shalt  }
0x4e: {  	_ =	shalt  }
0x4f: {  	_ =	shalt  }
0x50: {  	_ =	shalt  }
0x51: {  	_ =	shalt  }
0x52: {  	_ =	shalt  }
0x53: {  	_ =	shalt  }
0x54: {  	_ =	shalt  }
0x55: {  	_ =	shalt  }
0x56: {  	_ =	shalt  }
0x57: {  	_ =	shalt  }
0x58: {  	_ =	shalt  }
0x59: {  	_ =	shalt  }
0x5a: {  	_ =	shalt  }
0x5b: {  	_ =	shalt  }
0x5c: {  	_ =	shalt  }
0x5d: {  	_ =	shalt  }
0x5e: {  	_ =	shalt  }
0x5f: {  	_ =	shalt  }
0x60: {  	_ =	shalt  }
0x61: {  	_ =	shalt  }
0x62: {  	_ =	shalt  }
0x63: {  	_ =	shalt  }
0x64: {  	_ =	shalt  }
0x65: {  	_ =	shalt  }
0x66: {  	_ =	shalt  }
0x67: {  	_ =	shalt  }
0x68: {  	_ =	shalt  }
0x69: {  	_ =	shalt  }
0x6a: {  	_ =	shalt  }
0x6b: {  	_ =	shalt  }
0x6c: {  	_ =	shalt  }
0x6d: {  	_ =	shalt  }
0x6e: {  	_ =	shalt  }
0x6f: {  	_ =	shalt  }
0x70: {  	_ =	shalt  }
0x71: {  	_ =	shalt  }
0x72: {  	_ =	shalt  }
0x73: {  	_ =	shalt  }
0x74: {  	_ =	shalt  }
0x75: {  	_ =	shalt  }
0x76: {  	_ =	shalt  }
0x77: {  	_ =	shalt  }
0x78: {  	_ =	shalt  }
0x79: {  	_ =	shalt  }
0x7a: {  	_ =	shalt  }
0x7b: {  	_ =	shalt  }
0x7c: {  	_ =	shalt  }
0x7d: {  	_ =	shalt  }
0x7e: {  	_ =	shalt  }
0x7f: {  	_ =	shalt  }
0x80: {  	_ =	shalt  }
0x81: {  	_ =	shalt  }
0x82: {  	_ =	shalt  }
0x83: {  	_ =	shalt  }
0x84: {  	_ =	shalt  }
0x85: {  	_ =	shalt  }
0x86: {  	_ =	shalt  }
0x87: {  	_ =	shalt  }
.Lfunc_end0:
.L_simem_size_0:
called_computation_lowered:
.L_overlay_start_0:
0x88: {  	s2 =	sld [smem:$0x3FD9]  }
0x89: {  	s3 =	sld [smem:$0x3FFE];
	_ =	sdelay $0x1  }
0x8a: {  	s1 =	srdreg.scid  }
0x8b: {  	s0 =	sand.u32 $0x1, s1  }
0x8c: {  	s17 =	sshll.u32 s0, $0xA;
	s2 =	sadd.s32 s3, s2  }
0x8d: {  	s2 =	sadd.s32 s2, s17  }
0x8e: {  	[smem:$0x3FBE] =	sst s2  }
0x8f: {  	_ = 	snop  }
0x90: {  	s2 =	sld [smem:$0x3FC4]  }
0x91: {  	s18 =	sld [smem:$0x3FD0];
	(tm) =	ssettm $0x1  }
0x92: {  	s4 =	sld [smem:$0x3FFB];
	_ =	sdelay $0x3  }
0x93: {  	_ =	strace s4  }
0x94: {  	s4 =	sld [smem:$0x3FFC];
	_ =	sdelay $0x3  }
0x95: {  	_ =	strace s4  }
0x96: {  	s4 =	sld [smem:$0x3FFD];
	_ =	sdelay $0x3  }
0x97: {  	_ =	strace s4  }
0x98: {  	_ =	strace $0x8FFFFFFF  }
0x99: {  	s19 =	sld [smem:$0x3FDB];
	_ =	sdelay $0x1  }
0x9a: {  	s5 =	simm.s32 $_scs_section_size  }
0x9b: {  	s6 =	simm.s32 $_size__tile_overlayer_lowered;
	s7 =	simm.s32 $_tile_overlayer_lowered  }
0x9c: {  	s22 =	simm.s32 $0x1BFF;
	s21 =	sshll.u32 s7, $0x1;
	s4 =	sadd.s32 s5, s19  }
0x9d: {  	s8 =	simm.s32 $0x0;
	s20 =	sshll.u32 s6, $0x1;
	s6 =	sadd.s32 s21, s4  }
0x9e: {  	[timem:s8], [sflag:s22] =	dma.local [hbm:s6], s20  }
0x9f: {  	_ =	swait.ge [sflag:s22], s20  }
0xa0: {  	s5 =	ssub.s32 $0x0, s20;
	[sflag:s22] =	ssyncset.done $0x0  }
0xa1: {  	[sflag:s22] =	ssyncadd.s32 s5;
	_ =	sdelay $0x1  }
0xa2: {  	s23 =	simm.s32 $0x1B8B  }
0xa3: {  	_ =	swait.ge [sflag:s23], $0x1  }
0xa4: {  	[sflag:s23] =	ssyncset.done $0x0  }
0xa5: {  	s25 =	simm.s32 $0x1B8E;
	s24 =	sld [smem:$0x3FFE];
	[sflag:s23] =	ssyncadd.s32 $0xFFFFFFFF  }
0xa6: {  	s26 =	simm.s32 $execute0_lowered;
	[smem:$0x3FD2] =	sst s25  }
0xa7: {  	s6 =	sshll.u32 s26, $0x1;
	_ =	strace $0x80000046;
	[dreg:$0x1] =	wrdreg $0xFFFFFFFF  }
0xa8: {  	s28 =	simm.s32 $_size_execute0_lowered;
	s4 =	sadd.s32 s4, s6;
	[dreg:$0x0] =	wrdreg $0x0  }
0xa9: {  	s6 =	sshll.u32 s28, $0x1;
	[dreg:$0x2] =	wrdreg s4  }
0xaa: {  	[dreg:$0x3] =	wrdreg s6  }
0xab: {  	[dreg:$0x4] =	wrdreg $0xC0  }
0xac: {  	_ =	task [dreg:s8], $0x5FFFF  }
0xad: {  	[dreg:$0x1] =	wrdreg $0xFFFFFFFF  }
0xae: {  	[dreg:$0x0] =	wrdreg $0x60  }
0xaf: {  	[dreg:$0x2] =	wrdreg s24  }
0xb0: {  	[dreg:$0x3] =	wrdreg s2  }
0xb1: {  	[dreg:$0x4] =	wrdreg s18  }
0xb2: {  	[dreg:$0x5] =	wrdreg $0x9  }
0xb3: {  	_ =	task.clear_ibuf [dreg:s8], $0x6FFFF;
	_ =	strace $0x90000046  }
0xb4: {  	s29 =	simm.s32 $0x9;
	_ =	strace $0x80000048  }
0xb5: {  	_ =	swait.ge [sflag:s29], $0x1  }
0xb6: {  	[sflag:s29] =	ssyncadd.s32 $0xFFFFFFFF  }
0xb7: {  	_ =	strace $0x90000048  }
0xb8: {  	_ =	sfence  }
0xb9: {  	s30 =	sld [smem:$0x0];
	_ =	sdelay $0x2  }
0xba: {  	s31 =	sshll.u32 s1, $0xD;
	s1 =	sshrl.u32 s1, $0x2  }
0xbb: {  	s3 =	sand.u32 $0x4000, s31;
	s1 =	sadd.s32 s1, s30  }
0xbc: {  	s0 =	sor.u32 s3, s0;
	s1 =	sshll.u32 s1, $0x11  }
0xbd: {  	s0 =	sor.u32 s1, s0  }
0xbe: {  	s0 =	sadd.s32 $0x8F2B, s0  }
0xbf: {  	[sflag:s0] =	ssyncadd.remote.s32 $0x1  }
0xc0: {  	_ =	sfence.sel $0xFFFF  }
0xc1: {  	[dreg:$0x0] =	wrdreg $0xFFFFFFFF;
	(pc) =	sbr.abs _section_cstart, $3  }
0xc2: {  	[dreg:$0x1] =	wrdreg $0xFFFFFFFF  }
0xc3: {  	_ =	task.clear_ibuf [dreg:s8], $0x2FFFF;
	_ =	strace $0x9FFFFFFF  }
0xc4: {  	(tm) =	ssettm $0x7FFFFFFF  }
0xc5: {  	_ =	shalt  }
tec
execute0_lowered:
.L_overlay_start_1:
0x0: {  	(tag) =	ssettag $0x1  }
0x1: {  	s0 =	rddreg [dreg:$0x0]  }
0x2: {  	s2 =	rddreg [dreg:$0x1]  }
0x3: {  	s3 =	rddreg [dreg:$0x2]  }
0x4: {  	s1 =	srdreg.scid;
	s5 =	stileid.u32  }
0x5: {  	s4 =	simm.s32 $0x0;
	s22 =	simm.s32 $0x3;
	s9 =	simm.s32 $0x6300  }
0x6: {  	s19 =	simm.s32 $0x6B00;
	s23 =	simm.s32 $0x7300;
	s28 =	simm.s32 $0x9300  }
0x7: {  	s29 =	simm.s32 $0x9B00;
	s30 =	simm.s32 $0xA300;
	s1 =	sand.u32 $0x1, s1  }
0x8: {  	s5 =	sshll.u32 s5, $0x9;
	[smem:$0x7FF] =	sst s4;
	s10 =	sadd.s32 $0x100, s2  }
0x9: {  	s11 =	sadd.s32 $0x200, s2;
	s12 =	sadd.s32 $0x100, s3;
	s13 =	sadd.s32 $0x200, s3  }
0xa: {  	s14 =	sadd.s32 $0x22400, s0;
	s15 =	sadd.s32 $0x42400, s0;
	s16 =	sadd.s32 $0x62400, s0  }
0xb: {  	s17 =	sadd.s32 $0x82400, s0;
	s6 =	sshll.u32 s1, $0x8;
	s1 =	ssub.s32 $0x2, s1  }
0xc: {  	s18 =	sadd.s32 $0xA2400, s0;
	s31 =	sor.u32 s6, s5;
	s7 =	sshrl.u32 s1, $0x1  }
0xd: {  	s3 =	simm.s32 $0x0;
	s5 =	sshrl.u32 s31, $0x3;
	s1 =	ssub.s32 s1, s7  }
0xe: {  	_ =	strace $0x80000047;
	s5 =	sadd.s32 s5, s0;
	s26 =	smax.u32 s1, $0x1  }
0xf: {  	s6 =	sadd.s32 $0x2400, s0;
	s24 =	sadd.s32 $0x1C00, s5;
	[dreg:$0x7] =	wrdreg s26  }
0x10: {  	v2 =	vlaneseq.u32;
	s1 =	simm.s32 $0x2;
	s25 =	sadd.s32 $0x2000, s5;
	[dreg:$0x4] =	wrdreg s24  }
0x11: {  	vm0 =	vmmov $0xffff;
	v1 =	vshrl.u32 v2, $0x3;
	s5 =	sadd.s32 $0x1800, s5;
	s26 =	simm.s32 $0x8B00;
	[dreg:$0x5] =	wrdreg s25  }
0x12: {  	v0 =	vand.u32 $0x7, v2;
	v2 =	vor.u32 $0x8, v2;
	v1 =	vmul.u32 $0x8, v1;
	[dreg:$0x6] =	wrdreg s5;
	s24 =	simm.s32 $0x7B00;
	s25 =	simm.s32 $0x8300  }
.LBB2_1:
0x13: {  	[dreg:$0x8] =	wrdreg s3  }
0x14: {  	s5 =	rddreg [dreg:$0x4]  }
0x15: {  	[tilespmem:s4], [sflag:$0x3] =	stream.linear.gather [hbm4b:s5+s4], $0x100, $0x38;
	[tilespmem:$0x18300] =	vst v63  }
0x16: {  	s8 =	rddreg [dreg:$0x5];
	s2 =	simm.s32 $0x100  }
0x17: {  	[tilespmem:s2], [sflag:$0x3] =	stream.linear.gather [hbm4b:s8+s4], $0x100, $0x38;
	[tilespmem:$0x18300] =	vst v63  }
0x18: {  	s20 =	rddreg [dreg:$0x6];
	s21 =	simm.s32 $0x200  }
0x19: {  	[tilespmem:s21], [sflag:$0x3] =	stream.linear.gather [hbm4b:s20+s4], $0x100, $0x38;
	[tilespmem:$0x18300] =	vst v63  }
0x1a: {  	_ =	swait.ge [sflag:s22], $0x100  }
0x1b: {  	[sflag:s22] =	ssyncset.done $0x0  }
0x1c: {  	[sflag:s22] =	ssyncadd.s32 $0xFFFFFF00  }
0x1d: {  	_ =	swait.ge [sflag:s22], $0x100  }
0x1e: {  	[sflag:s22] =	ssyncset.done $0x0  }
0x1f: {  	[sflag:s22] =	ssyncadd.s32 $0xFFFFFF00  }
0x20: {  	_ =	swait.ge [sflag:s22], $0x100  }
0x21: {  	[sflag:s22] =	ssyncset.done $0x0  }
0x22: {  	[sflag:s22] =	ssyncadd.s32 $0xFFFFFF00  }
0x23: {  	v3 =	vld [tilespmem:$0x100]  }
0x24: {  	v4 =	vld [tilespmem:$0x200]  }
0x25: {  	v5 =	vld [tilespmem:$0x110]  }
0x26: {  	v6 =	vld [tilespmem:$0x210]  }
0x27: {  	v7 =	vld [tilespmem:$0x120]  }
0x28: {  	v8 =	vld [tilespmem:$0x220]  }
0x29: {  	v9 =	vld [tilespmem:$0x130]  }
0x2a: {  	v10 =	vld [tilespmem:$0x230]  }
0x2b: {  	v11 =	vld [tilespmem:$0x140]  }
0x2c: {  	v12 =	vld [tilespmem:$0x240]  }
0x2d: {  	v13 =	vld [tilespmem:$0x150]  }
0x2e: {  	v14 =	vld [tilespmem:$0x250]  }
0x2f: {  	v15 =	vld [tilespmem:$0x160]  }
0x30: {  	v16 =	vld [tilespmem:$0x260]  }
0x31: {  	v17 =	vld [tilespmem:$0x170]  }
0x32: {  	v18 =	vld [tilespmem:$0x270]  }
0x33: {  	v19 =	vld [tilespmem:$0x180]  }
0x34: {  	v20 =	vld [tilespmem:$0x280]  }
0x35: {  	v21 =	vld [tilespmem:$0x190]  }
0x36: {  	v22 =	vld [tilespmem:$0x290]  }
0x37: {  	v23 =	vld [tilespmem:$0x1A0]  }
0x38: {  	v24 =	vld [tilespmem:$0x2A0];
	v4 =	vshll.u32 v4, $0x9  }
0x39: {  	v33 =	vld [tilespmem:$0x1B0];
	v32 =	vshll.u32 v6, $0x9;
	v3 =	vadd.s32 v3, v4  }
0x3a: {  	v35 =	vld [tilespmem:$0x0];
	v34 =	vshll.u32 v8, $0x9;
	[tilespmem:$0x100] =	vst v3;
	v3 =	vadd.s32 v5, v32  }
0x3b: {  	v37 =	vld [tilespmem:$0x2B0];
	v36 =	vshll.u32 v10, $0x9;
	[tilespmem:$0x110] =	vst v3;
	v3 =	vadd.s32 v7, v34  }
0x3c: {  	v39 =	vld [tilespmem:$0x1C0];
	v38 =	vshll.u32 v12, $0x9;
	[tilespmem:$0x120] =	vst v3;
	v3 =	vadd.s32 v9, v36  }
0x3d: {  	v41 =	vld [tilespmem:$0x2C0];
	v40 =	vshll.u32 v14, $0x9;
	[tilespmem:$0x130] =	vst v3;
	v3 =	vadd.s32 v11, v38  }
0x3e: {  	v43 =	vld [tilespmem:$0x1D0];
	v42 =	vshll.u32 v16, $0x9;
	[tilespmem:$0x140] =	vst v3;
	v3 =	vadd.s32 v13, v40  }
0x3f: {  	v45 =	vld [tilespmem:$0x2D0];
	v44 =	vshll.u32 v18, $0x9;
	v46 =	vshrl.u32 v35, $0x3;
	[tilespmem:$0x150] =	vst v3;
	v3 =	vadd.s32 v15, v42  }
0x40: {  	v48 =	vld [tilespmem:$0x1E0];
	v47 =	vshll.u32 v20, $0x9;
	v12 =	vmul.u32 $0x30, v46;
	[tilespmem:$0x160] =	vst v3;
	v3 =	vadd.s32 v17, v44  }
0x41: {  	v50 =	vld [tilespmem:$0x2E0];
	v49 =	vshll.u32 v22, $0x9;
	v5 =	vand.u32 $0x7, v35;
	[tilespmem:$0x170] =	vst v3;
	v3 =	vadd.s32 v19, v47  }
0x42: {  	v52 =	vld [tilespmem:$0x2F0];
	v51 =	vshll.u32 v24, $0x9;
	v5 =	vor.u32 v5, v12;
	[tilespmem:$0x180] =	vst v3;
	v3 =	vadd.s32 v21, v49  }
0x43: {  	v54 =	vld [tilespmem:$0x1F0];
	v53 =	vshll.u32 v37, $0x9;
	v55 =	vperm.xlane v5, v0;
	[tilespmem:$0x190] =	vst v3;
	v3 =	vadd.s32 v23, v51  }
0x44: {  	v56 =	vshll.u32 v41, $0x9;
	[tilespmem:$0x1A0] =	vst v3;
	v3 =	vadd.s32 v33, v53  }
0x45: {  	v57 =	vshll.u32 v45, $0x9;
	v58 =	vadd.s32 v1, v55;
	[tilespmem:$0x1B0] =	vst v3;
	v3 =	vadd.s32 v39, v56  }
0x46: {  	v59 =	vshll.u32 v50, $0x9;
	[tilespmem:$0x1C0] =	vst v3;
	v3 =	vadd.s32 v43, v57  }
0x47: {  	v60 =	vshll.u32 v52, $0x9;
	[tilespmem:$0x1D0] =	vst v3;
	v3 =	vadd.s32 v48, v59  }
0x48: {  	[tilespmem:$0x1E0] =	vst v3;
	v3 =	vadd.s32 v54, v60  }
0x49: {  	s0 =	simm.s32 $0x300;
	s2 =	rddreg [dreg:$0x1];
	[tilespmem:$0x1F0] =	vst v3;
	v3 =	vperm.xlane v5, v2  }
0x4a: {  	[tilespmem:s0], [sflag:$0x1] =	stream.indirect_vreg.gather [hbm4b:s2+s4], $0x80, v58, vm0, $0xb8;
	[tilespmem:$0x18300] =	vst v63  }
0x4b: {  	s3 =	simm.s32 $0xB00;
	v3 =	vadd.s32 v1, v3  }
0x4c: {  	[tilespmem:s3], [sflag:$0x1] =	stream.indirect_vreg.gather [hbm4b:s10+s4], $0x80, v58, vm0, $0xb8;
	[tilespmem:$0x18300] =	vst v63  }
0x4d: {  	s7 =	simm.s32 $0x1300  }
0x4e: {  	[tilespmem:s7], [sflag:$0x1] =	stream.indirect_vreg.gather [hbm4b:s11+s4], $0x80, v58, vm0, $0xb8;
	[tilespmem:$0x18300] =	vst v63  }
0x4f: {  	s8 =	simm.s32 $0x1B00  }
0x50: {  	[tilespmem:s8], [sflag:$0x1] =	stream.indirect_vreg.gather [hbm4b:s2+s4], $0x80, v3, vm0, $0xb8;
	[tilespmem:$0x18300] =	vst v63  }
0x51: {  	s20 =	simm.s32 $0x2300  }
0x52: {  	[tilespmem:s20], [sflag:$0x1] =	stream.indirect_vreg.gather [hbm4b:s10+s4], $0x80, v3, vm0, $0xb8;
	[tilespmem:$0x18300] =	vst v63  }
0x53: {  	s21 =	simm.s32 $0x2B00  }
0x54: {  	[tilespmem:s21], [sflag:$0x1] =	stream.indirect_vreg.gather [hbm4b:s11+s4], $0x80, v3, vm0, $0xb8;
	[tilespmem:$0x18300] =	vst v63  }
0x55: {  	v3 =	vld [tilespmem:$0x10];
	_ =	sdelay $0x4  }
0x56: {  	v61 =	vshrl.u32 v3, $0x3  }
0x57: {  	v4 =	vmul.u32 $0x30, v61  }
0x58: {  	v3 =	vand.u32 $0x7, v3  }
0x59: {  	v3 =	vor.u32 v3, v4  }
0x5a: {  	v4 =	vperm.xlane v3, v0;
	_ =	sdelay $0x1  }
0x5b: {  	v4 =	vadd.s32 v1, v4;
	_ =	sdelay $0x3  }
0x5c: {  	s0 =	simm.s32 $0x3300;
	v3 =	vperm.xlane v3, v2  }
0x5d: {  	[tilespmem:s0], [sflag:$0x1] =	stream.indirect_vreg.gather [hbm4b:s2+s4], $0x80, v4, vm0, $0xb8;
	[tilespmem:$0x18300] =	vst v63  }
0x5e: {  	s3 =	simm.s32 $0x3B00;
	v3 =	vadd.s32 v1, v3  }
0x5f: {  	[tilespmem:s3], [sflag:$0x1] =	stream.indirect_vreg.gather [hbm4b:s10+s4], $0x80, v4, vm0, $0xb8;
	[tilespmem:$0x18300] =	vst v63  }
0x60: {  	s7 =	simm.s32 $0x4300  }
0x61: {  	[tilespmem:s7], [sflag:$0x1] =	stream.indirect_vreg.gather [hbm4b:s11+s4], $0x80, v4, vm0, $0xb8;
	[tilespmem:$0x18300] =	vst v63  }
0x62: {  	s8 =	simm.s32 $0x4B00  }
0x63: {  	[tilespmem:s8], [sflag:$0x1] =	stream.indirect_vreg.gather [hbm4b:s2+s4], $0x80, v3, vm0, $0xb8;
	[tilespmem:$0x18300] =	vst v63  }
0x64: {  	s20 =	simm.s32 $0x5300  }
0x65: {  	[tilespmem:s20], [sflag:$0x1] =	stream.indirect_vreg.gather [hbm4b:s10+s4], $0x80, v3, vm0, $0xb8;
	[tilespmem:$0x18300] =	vst v63  }
0x66: {  	s21 =	simm.s32 $0x5B00  }
0x67: {  	[tilespmem:s21], [sflag:$0x1] =	stream.indirect_vreg.gather [hbm4b:s11+s4], $0x80, v3, vm0, $0xb8;
	[tilespmem:$0x18300] =	vst v63  }
0x68: {  	v3 =	vld [tilespmem:$0x100];
	_ =	sdelay $0x4  }
0x69: {  	v62 =	vshrl.u32 v3, $0x3  }
0x6a: {  	v4 =	vmul.u32 $0x30, v62  }
0x6b: {  	v3 =	vand.u32 $0x7, v3  }
0x6c: {  	v3 =	vor.u32 v3, v4  }
0x6d: {  	v4 =	vperm.xlane v3, v0;
	_ =	sdelay $0x1  }
0x6e: {  	v4 =	vadd.s32 v1, v4;
	_ =	sdelay $0x3  }
0x6f: {  	s0 =	simm.s32 $0xC300;
	s3 =	rddreg [dreg:$0x2];
	v3 =	vperm.xlane v3, v2  }
0x70: {  	[tilespmem:s0], [sflag:$0x1] =	stream.indirect_vreg.gather [hbm4b:s3+s4], $0x80, v4, vm0, $0xb8;
	[tilespmem:$0x18300] =	vst v63  }
0x71: {  	s5 =	simm.s32 $0xCB00;
	v3 =	vadd.s32 v1, v3  }
0x72: {  	[tilespmem:s5], [sflag:$0x1] =	stream.indirect_vreg.gather [hbm4b:s12+s4], $0x80, v4, vm0, $0xb8;
	[tilespmem:$0x18300] =	vst v63  }
0x73: {  	s7 =	simm.s32 $0xD300  }
0x74: {  	[tilespmem:s7], [sflag:$0x1] =	stream.indirect_vreg.gather [hbm4b:s13+s4], $0x80, v4, vm0, $0xb8;
	[tilespmem:$0x18300] =	vst v63  }
0x75: {  	s8 =	simm.s32 $0xDB00  }
0x76: {  	[tilespmem:s8], [sflag:$0x1] =	stream.indirect_vreg.gather [hbm4b:s3+s4], $0x80, v3, vm0, $0xb8;
	[tilespmem:$0x18300] =	vst v63  }
0x77: {  	s20 =	simm.s32 $0xE300  }
0x78: {  	[tilespmem:s20], [sflag:$0x1] =	stream.indirect_vreg.gather [hbm4b:s12+s4], $0x80, v3, vm0, $0xb8;
	[tilespmem:$0x18300] =	vst v63  }
0x79: {  	s21 =	simm.s32 $0xEB00  }
0x7a: {  	[tilespmem:s21], [sflag:$0x1] =	stream.indirect_vreg.gather [hbm4b:s13+s4], $0x80, v3, vm0, $0xb8;
	[tilespmem:$0x18300] =	vst v63  }
0x7b: {  	v3 =	vld [tilespmem:$0x110];
	_ =	sdelay $0x4  }
0x7c: {  	v63 =	vshrl.u32 v3, $0x3  }
0x7d: {  	v4 =	vmul.u32 $0x30, v63  }
0x7e: {  	v3 =	vand.u32 $0x7, v3  }
0x7f: {  	v3 =	vor.u32 v3, v4  }
0x80: {  	v4 =	vperm.xlane v3, v0;
	_ =	sdelay $0x1  }
0x81: {  	v4 =	vadd.s32 v1, v4;
	_ =	sdelay $0x3  }
0x82: {  	s0 =	simm.s32 $0xF300;
	v3 =	vperm.xlane v3, v2  }
0x83: {  	[tilespmem:s0], [sflag:$0x1] =	stream.indirect_vreg.gather [hbm4b:s3+s4], $0x80, v4, vm0, $0xb8;
	[tilespmem:$0x18300] =	vst v63  }
0x84: {  	s5 =	simm.s32 $0xFB00;
	v3 =	vadd.s32 v1, v3  }
0x85: {  	[tilespmem:s5], [sflag:$0x1] =	stream.indirect_vreg.gather [hbm4b:s12+s4], $0x80, v4, vm0, $0xb8;
	[tilespmem:$0x18300] =	vst v63  }
0x86: {  	s7 =	simm.s32 $0x10300  }
0x87: {  	[tilespmem:s7], [sflag:$0x1] =	stream.indirect_vreg.gather [hbm4b:s13+s4], $0x80, v4, vm0, $0xb8;
	[tilespmem:$0x18300] =	vst v63  }
0x88: {  	s8 =	simm.s32 $0x10B00  }
0x89: {  	[tilespmem:s8], [sflag:$0x1] =	stream.indirect_vreg.gather [hbm4b:s3+s4], $0x80, v3, vm0, $0xb8;
	[tilespmem:$0x18300] =	vst v63  }
0x8a: {  	s20 =	simm.s32 $0x11300  }
0x8b: {  	[tilespmem:s20], [sflag:$0x1] =	stream.indirect_vreg.gather [hbm4b:s12+s4], $0x80, v3, vm0, $0xb8;
	[tilespmem:$0x18300] =	vst v63  }
0x8c: {  	s21 =	simm.s32 $0x11B00;
	s20 =	simm.s32 $0x0  }
0x8d: {  	[tilespmem:s21], [sflag:$0x1] =	stream.indirect_vreg.gather [hbm4b:s13+s4], $0x80, v3, vm0, $0xb8;
	[tilespmem:$0x18300] =	vst v63  }
.LBB2_2:
0x8e: {  	p0 =	seq.s32 s20, $0x0  }
0x8f: {  	s5 =	simm.s32 @!p0 $0x4  }
0x90: {  	_ =	swait.ge @!p0 [sflag:s5], $0x1000  }
0x91: {  	[sflag:s5] =	ssyncset.done @!p0 $0x0  }
0x92: {  	[sflag:s5] =	ssyncadd.s32 @!p0 $0xFFFFF000  }
0x93: {  	_ =	swait.ge @!p0 [sflag:s5], $0x1000  }
0x94: {  	[sflag:s5] =	ssyncset.done @!p0 $0x0  }
0x95: {  	[sflag:s5] =	ssyncadd.s32 @!p0 $0xFFFFF000  }
0x96: {  	_ =	swait.ge @!p0 [sflag:s5], $0x1000  }
0x97: {  	[sflag:s5] =	ssyncset.done @!p0 $0x0  }
0x98: {  	[sflag:s5] =	ssyncadd.s32 @!p0 $0xFFFFF000  }
0x99: {  	_ =	swait.ge @!p0 [sflag:s5], $0x1000  }
0x9a: {  	[sflag:s5] =	ssyncset.done @!p0 $0x0  }
0x9b: {  	[sflag:s5] =	ssyncadd.s32 @!p0 $0xFFFFF000  }
0x9c: {  	_ =	swait.ge @!p0 [sflag:s5], $0x1000  }
0x9d: {  	[sflag:s5] =	ssyncset.done @!p0 $0x0  }
0x9e: {  	[sflag:s5] =	ssyncadd.s32 @!p0 $0xFFFFF000  }
0x9f: {  	_ =	swait.ge @!p0 [sflag:s5], $0x1000  }
0xa0: {  	s7 =	sshll.u32 s20, $0x6;
	[sflag:s5] =	ssyncset.done @!p0 $0x0  }
0xa1: {  	s21 =	sor.u32 $0x20, s7;
	[sflag:s5] =	ssyncadd.s32 @!p0 $0xFFFFF000  }
0xa2: {  	v3 =	vld [tilespmem:s21+$0x0];
	_ =	sdelay $0x4  }
0xa3: {  	v4 =	vshrl.u32 v3, $0x3  }
0xa4: {  	v4 =	vmul.u32 $0x30, v4  }
0xa5: {  	v3 =	vand.u32 $0x7, v3  }
0xa6: {  	v3 =	vor.u32 v3, v4  }
0xa7: {  	v4 =	vperm.xlane v3, v0;
	_ =	sdelay $0x1  }
0xa8: {  	v4 =	vadd.s32 v1, v4;
	_ =	sdelay $0x3  }
0xa9: {  	s8 =	simm.s32 $0x0;
	s5 =	rddreg [dreg:$0x1];
	v3 =	vperm.xlane v3, v2  }
0xaa: {  	[tilespmem:s9], [sflag:$0x2] =	stream.indirect_vreg.gather [hbm4b:s5+s8], $0x80, v4, vm0, $0xb8;
	[tilespmem:$0x18300] =	vst v63  }
0xab: {  	v3 =	vadd.s32 v1, v3  }
0xac: {  	[tilespmem:s19], [sflag:$0x2] =	stream.indirect_vreg.gather [hbm4b:s10+s8], $0x80, v4, vm0, $0xb8;
	[tilespmem:$0x18300] =	vst v63  }
0xad: {  	_ = 	snop  }
0xae: {  	[tilespmem:s23], [sflag:$0x2] =	stream.indirect_vreg.gather [hbm4b:s11+s8], $0x80, v4, vm0, $0xb8;
	[tilespmem:$0x18300] =	vst v63  }
0xaf: {  	_ = 	snop  }
0xb0: {  	[tilespmem:s24], [sflag:$0x2] =	stream.indirect_vreg.gather [hbm4b:s5+s8], $0x80, v3, vm0, $0xb8;
	[tilespmem:$0x18300] =	vst v63  }
0xb1: {  	_ = 	snop  }
0xb2: {  	[tilespmem:s25], [sflag:$0x2] =	stream.indirect_vreg.gather [hbm4b:s10+s8], $0x80, v3, vm0, $0xb8;
	[tilespmem:$0x18300] =	vst v63  }
0xb3: {  	_ = 	snop  }
0xb4: {  	[tilespmem:s26], [sflag:$0x2] =	stream.indirect_vreg.gather [hbm4b:s11+s8], $0x80, v3, vm0, $0xb8;
	[tilespmem:$0x18300] =	vst v63  }
0xb5: {  	v3 =	vld [tilespmem:s7+$0x30];
	_ =	sdelay $0x4  }
0xb6: {  	v4 =	vshrl.u32 v3, $0x3  }
0xb7: {  	v4 =	vmul.u32 $0x30, v4  }
0xb8: {  	v3 =	vand.u32 $0x7, v3  }
0xb9: {  	v3 =	vor.u32 v3, v4  }
0xba: {  	v4 =	vperm.xlane v3, v0;
	_ =	sdelay $0x1  }
0xbb: {  	v4 =	vadd.s32 v1, v4;
	_ =	sdelay $0x3  }
0xbc: {  	v3 =	vperm.xlane v3, v2  }
0xbd: {  	[tilespmem:s28], [sflag:$0x2] =	stream.indirect_vreg.gather [hbm4b:s5+s8], $0x80, v4, vm0, $0xb8;
	[tilespmem:$0x18300] =	vst v63  }
0xbe: {  	s2 =	smov.u32 s18;
	s18 =	smov.u32 s17;
	v3 =	vadd.s32 v1, v3  }
0xbf: {  	[tilespmem:s29], [sflag:$0x2] =	stream.indirect_vreg.gather [hbm4b:s10+s8], $0x80, v4, vm0, $0xb8;
	[tilespmem:$0x18300] =	vst v63  }
0xc0: {  	s17 =	smov.u32 s16;
	s16 =	smov.u32 s15;
	s15 =	smov.u32 s14  }
0xc1: {  	[tilespmem:s30], [sflag:$0x2] =	stream.indirect_vreg.gather [hbm4b:s11+s8], $0x80, v4, vm0, $0xb8;
	[tilespmem:$0x18300] =	vst v63  }
0xc2: {  	s14 =	smov.u32 s6;
	s6 =	smov.u32 s31;
	s31 =	simm.s32 $0xAB00  }
0xc3: {  	[tilespmem:s31], [sflag:$0x2] =	stream.indirect_vreg.gather [hbm4b:s5+s8], $0x80, v3, vm0, $0xb8;
	[tilespmem:$0x18300] =	vst v63  }
0xc4: {  	s3 =	simm.s32 $0xB300  }
0xc5: {  	[tilespmem:s3], [sflag:$0x2] =	stream.indirect_vreg.gather [hbm4b:s10+s8], $0x80, v3, vm0, $0xb8;
	[tilespmem:$0x18300] =	vst v63  }
0xc6: {  	s0 =	simm.s32 $0xBB00  }
0xc7: {  	[tilespmem:s0], [sflag:$0x2] =	stream.indirect_vreg.gather [hbm4b:s11+s8], $0x80, v3, vm0, $0xb8;
	[tilespmem:$0x18300] =	vst v63  }
0xc8: {  	v3 =	vld [tilespmem:s7+$0x120];
	_ =	sdelay $0x4  }
0xc9: {  	v4 =	vshrl.u32 v3, $0x3  }
0xca: {  	v4 =	vmul.u32 $0x30, v4  }
0xcb: {  	v3 =	vand.u32 $0x7, v3  }
0xcc: {  	v3 =	vor.u32 v3, v4  }
0xcd: {  	v4 =	vperm.xlane v3, v0;
	_ =	sdelay $0x1  }
0xce: {  	v4 =	vadd.s32 v1, v4;
	_ =	sdelay $0x3  }
0xcf: {  	s30 =	rddreg [dreg:$0x2];
	s31 =	simm.s32 $0x12300;
	v3 =	vperm.xlane v3, v2  }
0xd0: {  	[tilespmem:s31], [sflag:$0x2] =	stream.indirect_vreg.gather [hbm4b:s30+s8], $0x80, v4, vm0, $0xb8;
	[tilespmem:$0x18300] =	vst v63  }
0xd1: {  	s5 =	simm.s32 $0x12B00;
	v3 =	vadd.s32 v1, v3  }
0xd2: {  	[tilespmem:s5], [sflag:$0x2] =	stream.indirect_vreg.gather [hbm4b:s12+s8], $0x80, v4, vm0, $0xb8;
	[tilespmem:$0x18300] =	vst v63  }
0xd3: {  	s9 =	simm.s32 $0x13300  }
0xd4: {  	[tilespmem:s9], [sflag:$0x2] =	stream.indirect_vreg.gather [hbm4b:s13+s8], $0x80, v4, vm0, $0xb8;
	[tilespmem:$0x18300] =	vst v63  }
0xd5: {  	s19 =	simm.s32 $0x13B00  }
0xd6: {  	[tilespmem:s19], [sflag:$0x2] =	stream.indirect_vreg.gather [hbm4b:s30+s8], $0x80, v3, vm0, $0xb8;
	[tilespmem:$0x18300] =	vst v63  }
0xd7: {  	s23 =	simm.s32 $0x14300  }
0xd8: {  	[tilespmem:s23], [sflag:$0x2] =	stream.indirect_vreg.gather [hbm4b:s12+s8], $0x80, v3, vm0, $0xb8;
	[tilespmem:$0x18300] =	vst v63  }
0xd9: {  	s24 =	simm.s32 $0x14B00  }
0xda: {  	[tilespmem:s24], [sflag:$0x2] =	stream.indirect_vreg.gather [hbm4b:s13+s8], $0x80, v3, vm0, $0xb8;
	[tilespmem:$0x18300] =	vst v63  }
0xdb: {  	v3 =	vld [tilespmem:s7+$0x130];
	_ =	sdelay $0x4  }
0xdc: {  	v4 =	vshrl.u32 v3, $0x3  }
0xdd: {  	v4 =	vmul.u32 $0x30, v4  }
0xde: {  	v3 =	vand.u32 $0x7, v3  }
0xdf: {  	v3 =	vor.u32 v3, v4  }
0xe0: {  	v4 =	vperm.xlane v3, v0;
	_ =	sdelay $0x1  }
0xe1: {  	v4 =	vadd.s32 v1, v4;
	_ =	sdelay $0x3  }
0xe2: {  	s25 =	simm.s32 $0x15300;
	v3 =	vperm.xlane v3, v2  }
0xe3: {  	[tilespmem:s25], [sflag:$0x2] =	stream.indirect_vreg.gather [hbm4b:s30+s8], $0x80, v4, vm0, $0xb8;
	[tilespmem:$0x18300] =	vst v63  }
0xe4: {  	s26 =	simm.s32 $0x15B00;
	v3 =	vadd.s32 v1, v3  }
0xe5: {  	[tilespmem:s26], [sflag:$0x2] =	stream.indirect_vreg.gather [hbm4b:s12+s8], $0x80, v4, vm0, $0xb8;
	[tilespmem:$0x18300] =	vst v63  }
0xe6: {  	s28 =	simm.s32 $0x16300  }
0xe7: {  	[tilespmem:s28], [sflag:$0x2] =	stream.indirect_vreg.gather [hbm4b:s13+s8], $0x80, v4, vm0, $0xb8;
	[tilespmem:$0x18300] =	vst v63  }
0xe8: {  	s29 =	simm.s32 $0x16B00  }
0xe9: {  	[tilespmem:s29], [sflag:$0x2] =	stream.indirect_vreg.gather [hbm4b:s30+s8], $0x80, v3, vm0, $0xb8;
	[tilespmem:$0x18300] =	vst v63  }
0xea: {  	s30 =	simm.s32 $0x17300  }
0xeb: {  	[tilespmem:s30], [sflag:$0x2] =	stream.indirect_vreg.gather [hbm4b:s12+s8], $0x80, v3, vm0, $0xb8;
	[tilespmem:$0x18300] =	vst v63  }
0xec: {  	s3 =	simm.s32 $0x1;
	s31 =	simm.s32 $0x17B00  }
0xed: {  	[tilespmem:s31], [sflag:$0x2] =	stream.indirect_vreg.gather [hbm4b:s13+s8], $0x80, v3, vm0, $0xb8;
	[tilespmem:$0x18300] =	vst v63  }
0xee: {  	_ =	swait.ge [sflag:s3], $0x6000  }
0xef: {  	[sflag:s3] =	ssyncset.done $0x0  }
0xf0: {  	s9 =	simm.s32 $0x0;
	[sflag:s3] =	ssyncadd.s32 $0xFFFFA000  }
0xf1: {  	s19 =	smul.u32 $0x1800, s9;
	s9 =	sand.u32 $0x300, s8;
	_ =	swait.ge [sflag:s3], $0x6000  }
0xf2: {  	s24 =	sor.u32 $0x80, s9;
	[sflag:s3] =	ssyncset.done $0x0  }
0xf3: {  	s5 =	sor.u32 s19, s24;
	[sflag:s3] =	ssyncadd.s32 $0xFFFFA000  }
0xf4: {  	v3 =	vld [tilespmem:s5+$0x300]  }
0xf5: {  	v4 =	vld [tilespmem:s5+$0xC300]  }
0xf6: {  	v5 =	vld [tilespmem:s5+$0x310]  }
0xf7: {  	v6 =	vld [tilespmem:s5+$0xC310]  }
0xf8: {  	v7 =	vld [tilespmem:s5+$0x320]  }
0xf9: {  	v8 =	vld [tilespmem:s5+$0xC320]  }
0xfa: {  	v9 =	vld [tilespmem:s5+$0x330]  }
0xfb: {  	v10 =	vld [tilespmem:s5+$0xC330]  }
0xfc: {  	v11 =	vld [tilespmem:s5+$0x340]  }
0xfd: {  	v12 =	vld [tilespmem:s5+$0xC340]  }
0xfe: {  	v13 =	vld [tilespmem:s5+$0x350]  }
0xff: {  	v14 =	vld [tilespmem:s5+$0xC350]  }
0x100: {  	v15 =	vld [tilespmem:s5+$0x360]  }
0x101: {  	v16 =	vld [tilespmem:s5+$0xC360]  }
0x102: {  	v17 =	vld [tilespmem:s5+$0x370]  }
0x103: {  	v18 =	vld [tilespmem:s5+$0xC370]  }
0x104: {  	v19 =	vld [tilespmem:s5+$0x700]  }
0x105: {  	v20 =	vld [tilespmem:s5+$0xC700]  }
0x106: {  	v21 =	vld [tilespmem:s5+$0x710]  }
0x107: {  	v22 =	vld [tilespmem:s5+$0xC710]  }
0x108: {  	v23 =	vld [tilespmem:s5+$0x720]  }
0x109: {  	v36 =	vld [tilespmem:s5+$0xC760];
	v3 =	vadd.f32 v4, v3  }
0x10a: {  	v37 =	vld [tilespmem:s5+$0x770];
	v5 =	vadd.f32 v6, v5  }
0x10b: {  	v38 =	vld [tilespmem:s5+$0xC770];
	[tilespmem:s5+$0x300] =	vst v3;
	v3 =	vadd.f32 v8, v7  }
0x10c: {  	v4 =	vld [tilespmem:s5+$0xC720];
	[tilespmem:s5+$0x310] =	vst v5;
	v5 =	vadd.f32 v10, v9  }
0x10d: {  	v6 =	vld [tilespmem:s5+$0x730];
	[tilespmem:s5+$0x320] =	vst v3;
	v3 =	vadd.f32 v12, v11  }
0x10e: {  	v7 =	vld [tilespmem:s5+$0xC730];
	[tilespmem:s5+$0x330] =	vst v5;
	v5 =	vadd.f32 v14, v13  }
0x10f: {  	v9 =	vld [tilespmem:s5+$0x750];
	[tilespmem:s5+$0x340] =	vst v3;
	v3 =	vadd.f32 v16, v15  }
0x110: {  	v10 =	vld [tilespmem:s5+$0xC750];
	[tilespmem:s5+$0x350] =	vst v5;
	v5 =	vadd.f32 v18, v17  }
0x111: {  	v11 =	vld [tilespmem:s5+$0x760];
	[tilespmem:s5+$0x360] =	vst v3;
	v3 =	vadd.f32 v20, v19  }
0x112: {  	v8 =	vld [tilespmem:s5+$0x740];
	[tilespmem:s5+$0x370] =	vst v5;
	v5 =	vadd.f32 v22, v21  }
0x113: {  	[tilespmem:s5+$0x700] =	vst v3;
	v3 =	vadd.f32 v4, v23;
	v4 =	vld [tilespmem:s5+$0xC740]  }
0x114: {  	[tilespmem:s5+$0x710] =	vst v5;
	v5 =	vadd.f32 v7, v6  }
0x115: {  	s25 =	sor.u32 s9, s19;
	[tilespmem:s5+$0x720] =	vst v3;
	v3 =	vadd.f32 v10, v9  }
0x116: {  	v55 =	vld [tilespmem:s25+$0xC330];
	[tilespmem:s5+$0x730] =	vst v5;
	v5 =	vadd.f32 v36, v11  }
0x117: {  	v56 =	vld [tilespmem:s25+$0x340];
	[tilespmem:s5+$0x750] =	vst v3;
	v3 =	vadd.f32 v38, v37  }
0x118: {  	v57 =	vld [tilespmem:s25+$0xC340];
	[tilespmem:s5+$0x760] =	vst v5;
	v4 =	vadd.f32 v4, v8  }
0x119: {  	s29 =	sadd.s32 $0x800, s19;
	v58 =	vld [tilespmem:s25+$0x350];
	[tilespmem:s5+$0x770] =	vst v3  }
0x11a: {  	s3 =	sor.u32 s24, s29;
	v12 =	vld [tilespmem:s25+$0xC310];
	[tilespmem:s5+$0x740] =	vst v4  }
0x11b: {  	v3 =	vld [tilespmem:s3+$0x300]  }
0x11c: {  	v4 =	vld [tilespmem:s3+$0xC300]  }
0x11d: {  	v5 =	vld [tilespmem:s3+$0x310]  }
0x11e: {  	v6 =	vld [tilespmem:s3+$0xC310]  }
0x11f: {  	v7 =	vld [tilespmem:s3+$0x320]  }
0x120: {  	v8 =	vld [tilespmem:s3+$0xC320]  }
0x121: {  	v9 =	vld [tilespmem:s3+$0x330]  }
0x122: {  	v10 =	vld [tilespmem:s3+$0xC330]  }
0x123: {  	v11 =	vld [tilespmem:s3+$0x340]  }
0x124: {  	v39 =	vld [tilespmem:s3+$0x350]  }
0x125: {  	v40 =	vld [tilespmem:s3+$0xC350]  }
0x126: {  	v41 =	vld [tilespmem:s3+$0x360]  }
0x127: {  	v42 =	vld [tilespmem:s3+$0xC360]  }
0x128: {  	v3 =	vadd.f32 v4, v3;
	v4 =	vld [tilespmem:s3+$0x370]  }
0x129: {  	v5 =	vadd.f32 v6, v5;
	v6 =	vld [tilespmem:s3+$0xC370]  }
0x12a: {  	[tilespmem:s3+$0x300] =	vst v3;
	v3 =	vadd.f32 v8, v7;
	v7 =	vld [tilespmem:s3+$0xC340]  }
0x12b: {  	v8 =	vld [tilespmem:s25+$0x300]  }
0x12c: {  	[tilespmem:s3+$0x310] =	vst v5;
	v5 =	vadd.f32 v10, v9;
	v9 =	vld [tilespmem:s25+$0xC300]  }
0x12d: {  	v10 =	vld [tilespmem:s25+$0x310];
	[tilespmem:s3+$0x320] =	vst v3;
	v3 =	vadd.f32 v40, v39  }
0x12e: {  	[tilespmem:s3+$0x330] =	vst v5;
	v5 =	vadd.f32 v42, v41;
	v39 =	vld [tilespmem:s25+$0x370]  }
0x12f: {  	v41 =	vld [tilespmem:s25+$0xC370];
	[tilespmem:s3+$0x350] =	vst v3;
	v3 =	vadd.f32 v6, v4  }
0x130: {  	v4 =	vld [tilespmem:s25+$0x320];
	[tilespmem:s3+$0x360] =	vst v5;
	v6 =	vadd.f32 v7, v11  }
0x131: {  	s30 =	sadd.s32 $0xC00, s19;
	v5 =	vld [tilespmem:s25+$0xC320];
	[tilespmem:s3+$0x370] =	vst v3  }
0x132: {  	s31 =	sor.u32 s24, s30;
	v8 =	vadd.f32 v9, v8;
	v9 =	vld [tilespmem:s25+$0xC710];
	[tilespmem:s3+$0x340] =	vst v6  }
0x133: {  	v6 =	vld [tilespmem:s31+$0x300]  }
0x134: {  	v7 =	vld [tilespmem:s31+$0xC300]  }
0x135: {  	v11 =	vld [tilespmem:s31+$0x310]  }
0x136: {  	v43 =	vld [tilespmem:s31+$0xC310]  }
0x137: {  	v44 =	vld [tilespmem:s31+$0x320]  }
0x138: {  	v45 =	vld [tilespmem:s31+$0xC320]  }
0x139: {  	v46 =	vld [tilespmem:s31+$0x330]  }
0x13a: {  	v47 =	vld [tilespmem:s31+$0xC330]  }
0x13b: {  	v48 =	vld [tilespmem:s31+$0x340]  }
0x13c: {  	v49 =	vld [tilespmem:s31+$0x350]  }
0x13d: {  	v54 =	vld [tilespmem:s31+$0xC340]  }
0x13e: {  	v50 =	vld [tilespmem:s31+$0xC350]  }
0x13f: {  	v10 =	vadd.f32 v12, v10;
	v51 =	vld [tilespmem:s31+$0x360]  }
0x140: {  	[tilespmem:s25+$0x300] =	vst v8;
	v52 =	vld [tilespmem:s31+$0xC360];
	v6 =	vadd.f32 v7, v6  }
0x141: {  	[tilespmem:s25+$0x310] =	vst v10;
	v53 =	vld [tilespmem:s31+$0xC370];
	v11 =	vadd.f32 v43, v11  }
0x142: {  	v7 =	vld [tilespmem:s31+$0x370];
	v59 =	vadd.f32 v54, v48;
	[tilespmem:s31+$0x300] =	vst v6  }
0x143: {  	v3 =	vld [tilespmem:s25+$0x330];
	v6 =	vadd.f32 v45, v44;
	[tilespmem:s31+$0x310] =	vst v11  }
0x144: {  	v8 =	vld [tilespmem:s25+$0x730];
	v11 =	vadd.f32 v47, v46;
	[tilespmem:s31+$0x340] =	vst v59  }
0x145: {  	v10 =	vld [tilespmem:s25+$0xC730];
	[tilespmem:s31+$0x320] =	vst v6;
	v6 =	vadd.f32 v50, v49  }
0x146: {  	v4 =	vadd.f32 v5, v4;
	v5 =	vld [tilespmem:s25+$0xC720];
	[tilespmem:s31+$0x330] =	vst v11;
	v11 =	vadd.f32 v52, v51  }
0x147: {  	[tilespmem:s31+$0x350] =	vst v6;
	v6 =	vadd.f32 v53, v7;
	v7 =	vld [tilespmem:s25+$0xC350]  }
0x148: {  	s0 =	sadd.s32 $0x1000, s19;
	[tilespmem:s31+$0x360] =	vst v11;
	v11 =	vld [tilespmem:s25+$0x360]  }
0x149: {  	s3 =	sor.u32 s24, s0;
	[tilespmem:s31+$0x370] =	vst v6;
	v6 =	vld [tilespmem:s25+$0xC360]  }
0x14a: {  	v13 =	vld [tilespmem:s3+$0x300]  }
0x14b: {  	v60 =	vld [tilespmem:s3+$0xC300]  }
0x14c: {  	v61 =	vld [tilespmem:s3+$0x310]  }
0x14d: {  	v62 =	vld [tilespmem:s3+$0xC310]  }
0x14e: {  	v63 =	vld [tilespmem:s3+$0x320]  }
0x14f: {  	v32 =	vld [tilespmem:s3+$0xC320]  }
0x150: {  	v33 =	vld [tilespmem:s3+$0x330]  }
0x151: {  	v24 =	vld [tilespmem:s3+$0x340]  }
0x152: {  	v3 =	vadd.f32 v55, v3;
	v25 =	vld [tilespmem:s3+$0xC340]  }
0x153: {  	v26 =	vld [tilespmem:s3+$0x350]  }
0x154: {  	[tilespmem:s25+$0x330] =	vst v3;
	v27 =	vld [tilespmem:s3+$0xC350];
	v3 =	vadd.f32 v7, v58  }
0x155: {  	[tilespmem:s25+$0x320] =	vst v4;
	v4 =	vadd.f32 v57, v56;
	v28 =	vld [tilespmem:s3+$0x360]  }
0x156: {  	v29 =	vld [tilespmem:s3+$0xC360];
	[tilespmem:s25+$0x350] =	vst v3;
	v3 =	vadd.f32 v41, v39  }
0x157: {  	[tilespmem:s25+$0x340] =	vst v4;
	v34 =	vld [tilespmem:s3+$0x370];
	v13 =	vadd.f32 v60, v13  }
0x158: {  	v35 =	vld [tilespmem:s3+$0xC370];
	v18 =	vadd.f32 v62, v61;
	[tilespmem:s25+$0x370] =	vst v3  }
0x159: {  	v37 =	vld [tilespmem:s3+$0xC330];
	v36 =	vadd.f32 v32, v63;
	[tilespmem:s3+$0x300] =	vst v13  }
0x15a: {  	v43 =	vld [tilespmem:s25+$0x700];
	v38 =	vadd.f32 v25, v24;
	[tilespmem:s3+$0x310] =	vst v18  }
0x15b: {  	v47 =	vld [tilespmem:s25+$0x710];
	v40 =	vadd.f32 v27, v26;
	[tilespmem:s3+$0x320] =	vst v36  }
0x15c: {  	v45 =	vld [tilespmem:s25+$0xC700];
	v42 =	vadd.f32 v29, v28;
	[tilespmem:s3+$0x340] =	vst v38  }
0x15d: {  	v48 =	vld [tilespmem:s25+$0x720];
	v44 =	vadd.f32 v35, v34;
	[tilespmem:s3+$0x350] =	vst v40  }
0x15e: {  	v4 =	vadd.f32 v6, v11;
	v6 =	vld [tilespmem:s25+$0x740];
	v46 =	vadd.f32 v37, v33;
	[tilespmem:s3+$0x360] =	vst v42  }
0x15f: {  	s23 =	sadd.s32 $0x1400, s19;
	v11 =	vld [tilespmem:s25+$0xC740];
	[tilespmem:s3+$0x370] =	vst v44  }
0x160: {  	s19 =	sor.u32 s24, s23;
	v3 =	vadd.f32 v9, v47;
	v9 =	vld [tilespmem:s25+$0x750];
	[tilespmem:s3+$0x330] =	vst v46  }
0x161: {  	[tilespmem:s25+$0x360] =	vst v4;
	v4 =	vadd.f32 v45, v43;
	v7 =	vld [tilespmem:s19+$0x370]  }
0x162: {  	v13 =	vld [tilespmem:s19+$0xC370]  }
0x163: {  	[tilespmem:s25+$0x700] =	vst v4;
	v4 =	vadd.f32 v5, v48;
	v5 =	vld [tilespmem:s25+$0xC750]  }
0x164: {  	[tilespmem:s25+$0x710] =	vst v3;
	v3 =	vadd.f32 v10, v8;
	v8 =	vld [tilespmem:s25+$0x760]  }
0x165: {  	[tilespmem:s25+$0x720] =	vst v4;
	v4 =	vld [tilespmem:s25+$0xC760]  }
0x166: {  	v10 =	vld [tilespmem:s25+$0xC770]  }
0x167: {  	v6 =	vadd.f32 v11, v6;
	[tilespmem:s25+$0x730] =	vst v3;
	v3 =	vld [tilespmem:s25+$0x770]  }
0x168: {  	v51 =	vld [tilespmem:s19+$0xC300]  }
0x169: {  	s29 =	sor.u32 s9, s29;
	v56 =	vld [tilespmem:s19+$0xC320];
	[tilespmem:s25+$0x740] =	vst v6;
	v5 =	vadd.f32 v5, v9  }
0x16a: {  	v6 =	vld [tilespmem:s29+$0x300];
	v4 =	vadd.f32 v4, v8  }
0x16b: {  	v9 =	vld [tilespmem:s29+$0x310];
	[tilespmem:s25+$0x750] =	vst v5  }
0x16c: {  	v5 =	vadd.f32 v13, v7;
	v3 =	vadd.f32 v10, v3;
	v7 =	vld [tilespmem:s29+$0x320];
	[tilespmem:s25+$0x760] =	vst v4  }
0x16d: {  	v4 =	vld [tilespmem:s29+$0x330]  }
0x16e: {  	[tilespmem:s25+$0x770] =	vst v3;
	v3 =	vld [tilespmem:s19+$0x300]  }
0x16f: {  	[tilespmem:s19+$0x370] =	vst v5;
	v5 =	vld [tilespmem:s29+$0xC300]  }
0x170: {  	v8 =	vld [tilespmem:s29+$0xC310]  }
0x171: {  	v10 =	vld [tilespmem:s29+$0xC320]  }
0x172: {  	v11 =	vld [tilespmem:s29+$0xC330]  }
0x173: {  	v49 =	vld [tilespmem:s29+$0x340]  }
0x174: {  	v50 =	vld [tilespmem:s29+$0xC340];
	v5 =	vadd.f32 v5, v6  }
0x175: {  	v6 =	vadd.f32 v8, v9;
	v8 =	vld [tilespmem:s29+$0x350]  }
0x176: {  	[tilespmem:s29+$0x300] =	vst v5;
	v5 =	vadd.f32 v10, v7;
	v7 =	vld [tilespmem:s29+$0xC350]  }
0x177: {  	v4 =	vadd.f32 v11, v4;
	[tilespmem:s29+$0x310] =	vst v6;
	v6 =	vld [tilespmem:s29+$0x360]  }
0x178: {  	[tilespmem:s29+$0x320] =	vst v5;
	v5 =	vld [tilespmem:s29+$0xC360]  }
0x179: {  	v9 =	vadd.f32 v50, v49;
	[tilespmem:s29+$0x330] =	vst v4;
	v4 =	vld [tilespmem:s29+$0x370]  }
0x17a: {  	v10 =	vld [tilespmem:s29+$0xC370]  }
0x17b: {  	s30 =	sor.u32 s9, s30;
	v3 =	vadd.f32 v51, v3;
	v11 =	vld [tilespmem:s19+$0x310];
	[tilespmem:s29+$0x340] =	vst v9  }
0x17c: {  	v9 =	vld [tilespmem:s30+$0x310];
	v7 =	vadd.f32 v7, v8  }
0x17d: {  	[tilespmem:s19+$0x300] =	vst v3;
	v8 =	vld [tilespmem:s30+$0x300];
	v5 =	vadd.f32 v5, v6  }
0x17e: {  	[tilespmem:s29+$0x350] =	vst v7;
	v6 =	vld [tilespmem:s19+$0xC310]  }
0x17f: {  	v4 =	vadd.f32 v10, v4;
	v3 =	vld [tilespmem:s30+$0x320];
	[tilespmem:s29+$0x360] =	vst v5  }
0x180: {  	v5 =	vld [tilespmem:s30+$0x330]  }
0x181: {  	[tilespmem:s29+$0x370] =	vst v4;
	v4 =	vld [tilespmem:s19+$0x320]  }
0x182: {  	v7 =	vld [tilespmem:s30+$0xC300]  }
0x183: {  	v10 =	vld [tilespmem:s30+$0xC310]  }
0x184: {  	v52 =	vld [tilespmem:s30+$0xC320]  }
0x185: {  	v53 =	vld [tilespmem:s30+$0xC330]  }
0x186: {  	v54 =	vld [tilespmem:s30+$0x340]  }
0x187: {  	v55 =	vld [tilespmem:s30+$0xC340];
	v7 =	vadd.f32 v7, v8  }
0x188: {  	v8 =	vadd.f32 v10, v9;
	v9 =	vld [tilespmem:s30+$0x350]  }
0x189: {  	v3 =	vadd.f32 v52, v3;
	[tilespmem:s30+$0x300] =	vst v7;
	v7 =	vld [tilespmem:s30+$0xC350]  }
0x18a: {  	[tilespmem:s30+$0x310] =	vst v8;
	v8 =	vld [tilespmem:s30+$0x360]  }
0x18b: {  	v5 =	vadd.f32 v53, v5;
	[tilespmem:s30+$0x320] =	vst v3;
	v3 =	vld [tilespmem:s30+$0xC360]  }
0x18c: {  	v6 =	vadd.f32 v6, v11;
	v11 =	vld [tilespmem:s30+$0xC370];
	v10 =	vadd.f32 v55, v54  }
0x18d: {  	[tilespmem:s30+$0x330] =	vst v5;
	v5 =	vld [tilespmem:s30+$0x370]  }
0x18e: {  	s31 =	sor.u32 s9, s0;
	v4 =	vadd.f32 v56, v4;
	[tilespmem:s30+$0x340] =	vst v10  }
0x18f: {  	[tilespmem:s19+$0x310] =	vst v6;
	v6 =	vld [tilespmem:s31+$0x310];
	v7 =	vadd.f32 v7, v9  }
0x190: {  	[tilespmem:s19+$0x320] =	vst v4;
	v9 =	vld [tilespmem:s31+$0x300];
	v3 =	vadd.f32 v3, v8  }
0x191: {  	[tilespmem:s30+$0x350] =	vst v7;
	v7 =	vld [tilespmem:s19+$0x330]  }
0x192: {  	v4 =	vld [tilespmem:s31+$0x320];
	[tilespmem:s30+$0x360] =	vst v3;
	v3 =	vadd.f32 v11, v5  }
0x193: {  	v5 =	vld [tilespmem:s31+$0x330]  }
0x194: {  	[tilespmem:s30+$0x370] =	vst v3;
	v3 =	vld [tilespmem:s19+$0xC330]  }
0x195: {  	v8 =	vld [tilespmem:s31+$0xC300]  }
0x196: {  	v10 =	vld [tilespmem:s31+$0xC310]  }
0x197: {  	v11 =	vld [tilespmem:s31+$0xC320]  }
0x198: {  	v57 =	vld [tilespmem:s31+$0xC330]  }
0x199: {  	v58 =	vld [tilespmem:s31+$0x340]  }
0x19a: {  	v59 =	vld [tilespmem:s31+$0xC340];
	v8 =	vadd.f32 v8, v9  }
0x19b: {  	v6 =	vadd.f32 v10, v6;
	v9 =	vld [tilespmem:s31+$0x350]  }
0x19c: {  	v4 =	vadd.f32 v11, v4;
	[tilespmem:s31+$0x300] =	vst v8;
	v8 =	vld [tilespmem:s31+$0xC350]  }
0x19d: {  	[tilespmem:s31+$0x310] =	vst v6;
	v6 =	vld [tilespmem:s31+$0x360]  }
0x19e: {  	v5 =	vadd.f32 v57, v5;
	[tilespmem:s31+$0x320] =	vst v4;
	v4 =	vld [tilespmem:s31+$0xC360]  }
0x19f: {  	v3 =	vadd.f32 v3, v7;
	v7 =	vld [tilespmem:s31+$0xC370]  }
0x1a0: {  	v10 =	vadd.f32 v59, v58;
	[tilespmem:s31+$0x330] =	vst v5;
	v5 =	vld [tilespmem:s31+$0x370];
	_ =	sdelay $0x1  }
0x1a1: {  	s24 =	sor.u32 s9, s23;
	v60 =	vld [tilespmem:s19+$0x340];
	[tilespmem:s31+$0x340] =	vst v10;
	v8 =	vadd.f32 v8, v9  }
0x1a2: {  	[tilespmem:s19+$0x330] =	vst v3;
	v10 =	vld [tilespmem:s24+$0x310];
	v3 =	vadd.f32 v4, v6  }
0x1a3: {  	v9 =	vld [tilespmem:s24+$0x300];
	[tilespmem:s31+$0x350] =	vst v8  }
0x1a4: {  	v6 =	vld [tilespmem:s24+$0x320];
	[tilespmem:s31+$0x360] =	vst v3;
	v3 =	vadd.f32 v7, v5  }
0x1a5: {  	v11 =	vld [tilespmem:s19+$0xC350]  }
0x1a6: {  	v8 =	vld [tilespmem:s24+$0x330];
	[tilespmem:s31+$0x370] =	vst v3  }
0x1a7: {  	v5 =	vld [tilespmem:s24+$0xC300]  }
0x1a8: {  	v4 =	vld [tilespmem:s19+$0xC340]  }
0x1a9: {  	v7 =	vld [tilespmem:s19+$0x350]  }
0x1aa: {  	v61 =	vld [tilespmem:s24+$0xC310]  }
0x1ab: {  	v62 =	vld [tilespmem:s24+$0xC320]  }
0x1ac: {  	v63 =	vld [tilespmem:s24+$0xC330];
	v9 =	vadd.f32 v5, v9  }
0x1ad: {  	v15 =	vadd.f32 v4, v60;
	v3 =	vld [tilespmem:s24+$0x340]  }
0x1ae: {  	v5 =	vld [tilespmem:s24+$0xC340];
	[tilespmem:s24+$0x300] =	vst v9;
	v9 =	vadd.f32 v11, v7  }
0x1af: {  	v4 =	vld [tilespmem:s24+$0x350];
	[tilespmem:s19+$0x340] =	vst v15;
	v10 =	vadd.f32 v61, v10  }
0x1b0: {  	v7 =	vld [tilespmem:s24+$0xC350];
	[tilespmem:s19+$0x350] =	vst v9;
	v9 =	vadd.f32 v62, v6  }
0x1b1: {  	s9 =	simm.s32 $0x0;
	v8 =	vadd.f32 v63, v8;
	[tilespmem:s24+$0x310] =	vst v10;
	v6 =	vld [tilespmem:s24+$0x360]  }
.LBB2_3:
0x1b2: {  	s9 =	sadd.s32 $0x2, s9;
	[tilespmem:s24+$0x320] =	vst v9;
	v9 =	vld [tilespmem:s24+$0xC360]  }
0x1b3: {  	s8 =	sadd.s32 $0x100, s8;
	s5 =	sshrl.u32 s9, $0x3;
	p0 =	slt.u32 s9, $0x1E;
	[tilespmem:s24+$0x330] =	vst v8;
	v3 =	vadd.f32 v5, v3;
	v5 =	vld [tilespmem:s24+$0x370]  }
0x1b4: {  	s25 =	sand.u32 $0x300, s8;
	s28 =	smul.u32 $0x1800, s5;
	v8 =	vld [tilespmem:s24+$0xC370]  }
0x1b5: {  	s26 =	sor.u32 $0x80, s25;
	[tilespmem:s24+$0x340] =	vst v3;
	v3 =	vadd.f32 v7, v4;
	v4 =	vld [tilespmem:s19+$0x360]  }
0x1b6: {  	s23 =	sor.u32 s25, s28;
	s30 =	sor.u32 s28, s26;
	v7 =	vld [tilespmem:s19+$0xC360]  }
0x1b7: {  	v10 =	vld [tilespmem:s30+$0x300];
	[tilespmem:s24+$0x350] =	vst v3;
	v3 =	vadd.f32 v9, v6  }
0x1b8: {  	v6 =	vld [tilespmem:s30+$0xC300]  }
0x1b9: {  	v9 =	vld [tilespmem:s30+$0x310];
	[tilespmem:s24+$0x360] =	vst v3;
	v3 =	vadd.f32 v8, v5  }
0x1ba: {  	v5 =	vld [tilespmem:s30+$0xC310]  }
0x1bb: {  	v8 =	vld [tilespmem:s30+$0x320];
	[tilespmem:s24+$0x370] =	vst v3;
	v3 =	vadd.f32 v7, v4  }
0x1bc: {  	v4 =	vld [tilespmem:s30+$0xC320]  }
0x1bd: {  	v7 =	vld [tilespmem:s30+$0x330];
	[tilespmem:s19+$0x360] =	vst v3  }
0x1be: {  	v3 =	vld [tilespmem:s30+$0xC330]  }
0x1bf: {  	v11 =	vld [tilespmem:s30+$0x340]  }
0x1c0: {  	v12 =	vld [tilespmem:s30+$0xC340]  }
0x1c1: {  	v13 =	vld [tilespmem:s30+$0x350]  }
0x1c2: {  	v14 =	vld [tilespmem:s30+$0xC350]  }
0x1c3: {  	v15 =	vld [tilespmem:s30+$0x360]  }
0x1c4: {  	v16 =	vld [tilespmem:s30+$0xC360]  }
0x1c5: {  	v17 =	vld [tilespmem:s30+$0x370]  }
0x1c6: {  	v18 =	vld [tilespmem:s30+$0xC370]  }
0x1c7: {  	v19 =	vld [tilespmem:s30+$0x700]  }
0x1c8: {  	v20 =	vld [tilespmem:s30+$0xC700]  }
0x1c9: {  	v21 =	vld [tilespmem:s30+$0x710]  }
0x1ca: {  	v22 =	vld [tilespmem:s30+$0xC710]  }
0x1cb: {  	v23 =	vld [tilespmem:s30+$0x720]  }
0x1cc: {  	v6 =	vadd.f32 v6, v10;
	v10 =	vld [tilespmem:s30+$0xC720]  }
0x1cd: {  	v5 =	vadd.f32 v5, v9;
	v9 =	vld [tilespmem:s30+$0x730]  }
0x1ce: {  	v4 =	vadd.f32 v4, v8;
	[tilespmem:s30+$0x300] =	vst v6;
	v6 =	vld [tilespmem:s30+$0xC730]  }
0x1cf: {  	v3 =	vadd.f32 v3, v7;
	[tilespmem:s30+$0x310] =	vst v5;
	v5 =	vld [tilespmem:s30+$0x740]  }
0x1d0: {  	[tilespmem:s30+$0x320] =	vst v4;
	v4 =	vadd.f32 v12, v11;
	v7 =	vld [tilespmem:s30+$0x750]  }
0x1d1: {  	[tilespmem:s30+$0x330] =	vst v3;
	v3 =	vadd.f32 v14, v13;
	v8 =	vld [tilespmem:s30+$0xC750]  }
0x1d2: {  	[tilespmem:s30+$0x340] =	vst v4;
	v4 =	vadd.f32 v16, v15;
	v11 =	vld [tilespmem:s30+$0x760]  }
0x1d3: {  	[tilespmem:s30+$0x350] =	vst v3;
	v3 =	vadd.f32 v18, v17;
	v12 =	vld [tilespmem:s30+$0xC760]  }
0x1d4: {  	[tilespmem:s30+$0x360] =	vst v4;
	v4 =	vadd.f32 v20, v19;
	v13 =	vld [tilespmem:s30+$0x770]  }
0x1d5: {  	[tilespmem:s30+$0x370] =	vst v3;
	v3 =	vadd.f32 v22, v21;
	v14 =	vld [tilespmem:s30+$0xC770]  }
0x1d6: {  	[tilespmem:s30+$0x700] =	vst v4;
	v4 =	vadd.f32 v10, v23;
	v10 =	vld [tilespmem:s30+$0xC740]  }
0x1d7: {  	v15 =	vld [tilespmem:s23+$0x300];
	[tilespmem:s30+$0x710] =	vst v3;
	v3 =	vadd.f32 v6, v9  }
0x1d8: {  	v6 =	vld [tilespmem:s23+$0xC300];
	[tilespmem:s30+$0x720] =	vst v4;
	v4 =	vadd.f32 v8, v7  }
0x1d9: {  	v7 =	vld [tilespmem:s23+$0x310];
	[tilespmem:s30+$0x730] =	vst v3;
	v3 =	vadd.f32 v12, v11  }
0x1da: {  	v8 =	vld [tilespmem:s23+$0xC310];
	[tilespmem:s30+$0x750] =	vst v4;
	v4 =	vadd.f32 v14, v13  }
0x1db: {  	s5 =	sadd.s32 $0x800, s28;
	v9 =	vld [tilespmem:s23+$0x320];
	v5 =	vadd.f32 v10, v5;
	[tilespmem:s30+$0x760] =	vst v3  }
0x1dc: {  	s29 =	sor.u32 s25, s5;
	s19 =	sor.u32 s26, s5;
	v3 =	vld [tilespmem:s23+$0xC320];
	[tilespmem:s30+$0x770] =	vst v4  }
0x1dd: {  	v4 =	vadd.f32 v6, v15;
	[tilespmem:s30+$0x740] =	vst v5;
	v5 =	vld [tilespmem:s19+$0x300]  }
0x1de: {  	v6 =	vld [tilespmem:s19+$0xC300]  }
0x1df: {  	[tilespmem:s23+$0x300] =	vst v4;
	v4 =	vadd.f32 v8, v7;
	v7 =	vld [tilespmem:s19+$0x310]  }
0x1e0: {  	v8 =	vld [tilespmem:s19+$0xC310]  }
0x1e1: {  	[tilespmem:s23+$0x310] =	vst v4;
	v3 =	vadd.f32 v3, v9;
	v4 =	vld [tilespmem:s19+$0x320]  }
0x1e2: {  	v9 =	vld [tilespmem:s19+$0xC320]  }
0x1e3: {  	[tilespmem:s23+$0x320] =	vst v3;
	v3 =	vld [tilespmem:s19+$0x330]  }
0x1e4: {  	v10 =	vld [tilespmem:s19+$0xC330]  }
0x1e5: {  	v11 =	vld [tilespmem:s19+$0x340]  }
0x1e6: {  	v12 =	vld [tilespmem:s19+$0x350]  }
0x1e7: {  	v13 =	vld [tilespmem:s19+$0xC350]  }
0x1e8: {  	v14 =	vld [tilespmem:s19+$0x360]  }
0x1e9: {  	v15 =	vld [tilespmem:s19+$0xC360]  }
0x1ea: {  	v5 =	vadd.f32 v6, v5;
	v6 =	vld [tilespmem:s19+$0x370]  }
0x1eb: {  	v7 =	vadd.f32 v8, v7;
	v8 =	vld [tilespmem:s19+$0xC370]  }
0x1ec: {  	v4 =	vadd.f32 v9, v4;
	[tilespmem:s19+$0x300] =	vst v5;
	v5 =	vld [tilespmem:s19+$0xC340]  }
0x1ed: {  	v3 =	vadd.f32 v10, v3;
	v9 =	vld [tilespmem:s23+$0x330];
	[tilespmem:s19+$0x310] =	vst v7  }
0x1ee: {  	v7 =	vld [tilespmem:s23+$0xC330];
	[tilespmem:s19+$0x320] =	vst v4;
	v4 =	vadd.f32 v13, v12  }
0x1ef: {  	v10 =	vld [tilespmem:s23+$0x340];
	[tilespmem:s19+$0x330] =	vst v3;
	v3 =	vadd.f32 v15, v14  }
0x1f0: {  	v12 =	vld [tilespmem:s23+$0xC340];
	[tilespmem:s19+$0x350] =	vst v4;
	v4 =	vadd.f32 v8, v6  }
0x1f1: {  	s5 =	sadd.s32 $0xC00, s28;
	v6 =	vld [tilespmem:s23+$0x350];
	v5 =	vadd.f32 v5, v11;
	[tilespmem:s19+$0x360] =	vst v3  }
0x1f2: {  	s24 =	sor.u32 s26, s5;
	s30 =	sor.u32 s25, s5;
	v3 =	vld [tilespmem:s23+$0xC350];
	[tilespmem:s19+$0x370] =	vst v4  }
0x1f3: {  	v4 =	vadd.f32 v7, v9;
	[tilespmem:s19+$0x340] =	vst v5;
	v5 =	vld [tilespmem:s24+$0x300]  }
0x1f4: {  	v7 =	vld [tilespmem:s24+$0xC300]  }
0x1f5: {  	[tilespmem:s23+$0x330] =	vst v4;
	v4 =	vadd.f32 v12, v10;
	v8 =	vld [tilespmem:s24+$0x310]  }
0x1f6: {  	v9 =	vld [tilespmem:s24+$0xC310]  }
0x1f7: {  	[tilespmem:s23+$0x340] =	vst v4;
	v3 =	vadd.f32 v3, v6;
	v4 =	vld [tilespmem:s24+$0x320]  }
0x1f8: {  	v6 =	vld [tilespmem:s24+$0xC320]  }
0x1f9: {  	[tilespmem:s23+$0x350] =	vst v3;
	v3 =	vld [tilespmem:s24+$0x330]  }
0x1fa: {  	v10 =	vld [tilespmem:s24+$0xC330]  }
0x1fb: {  	v11 =	vld [tilespmem:s24+$0x340]  }
0x1fc: {  	v12 =	vld [tilespmem:s24+$0x350]  }
0x1fd: {  	v13 =	vld [tilespmem:s24+$0xC350]  }
0x1fe: {  	v14 =	vld [tilespmem:s24+$0x360]  }
0x1ff: {  	v15 =	vld [tilespmem:s24+$0xC360]  }
0x200: {  	v5 =	vadd.f32 v7, v5;
	v7 =	vld [tilespmem:s24+$0x370]  }
0x201: {  	v8 =	vadd.f32 v9, v8;
	v9 =	vld [tilespmem:s24+$0xC370]  }
0x202: {  	v4 =	vadd.f32 v6, v4;
	[tilespmem:s24+$0x300] =	vst v5;
	v5 =	vld [tilespmem:s24+$0xC340]  }
0x203: {  	v3 =	vadd.f32 v10, v3;
	v6 =	vld [tilespmem:s23+$0x360];
	[tilespmem:s24+$0x310] =	vst v8  }
0x204: {  	v8 =	vld [tilespmem:s23+$0xC360];
	[tilespmem:s24+$0x320] =	vst v4;
	v4 =	vadd.f32 v13, v12  }
0x205: {  	v10 =	vld [tilespmem:s23+$0x370];
	[tilespmem:s24+$0x330] =	vst v3;
	v3 =	vadd.f32 v15, v14  }
0x206: {  	v12 =	vld [tilespmem:s23+$0xC370];
	[tilespmem:s24+$0x350] =	vst v4;
	v4 =	vadd.f32 v9, v7  }
0x207: {  	s5 =	sadd.s32 $0x1000, s28;
	v7 =	vld [tilespmem:s23+$0x700];
	v5 =	vadd.f32 v5, v11;
	[tilespmem:s24+$0x360] =	vst v3  }
0x208: {  	s31 =	sor.u32 s25, s5;
	s5 =	sor.u32 s26, s5;
	v3 =	vld [tilespmem:s23+$0xC700];
	[tilespmem:s24+$0x370] =	vst v4  }
0x209: {  	v4 =	vadd.f32 v8, v6;
	[tilespmem:s24+$0x340] =	vst v5;
	v5 =	vld [tilespmem:s5+$0x300]  }
0x20a: {  	v6 =	vld [tilespmem:s5+$0xC300]  }
0x20b: {  	[tilespmem:s23+$0x360] =	vst v4;
	v4 =	vadd.f32 v12, v10;
	v8 =	vld [tilespmem:s5+$0x310]  }
0x20c: {  	v9 =	vld [tilespmem:s5+$0xC310]  }
0x20d: {  	[tilespmem:s23+$0x370] =	vst v4;
	v3 =	vadd.f32 v3, v7;
	v4 =	vld [tilespmem:s5+$0x320]  }
0x20e: {  	v7 =	vld [tilespmem:s5+$0xC320]  }
0x20f: {  	[tilespmem:s23+$0x700] =	vst v3;
	v3 =	vld [tilespmem:s5+$0x330]  }
0x210: {  	v10 =	vld [tilespmem:s5+$0x340]  }
0x211: {  	v11 =	vld [tilespmem:s5+$0xC340]  }
0x212: {  	v12 =	vld [tilespmem:s5+$0x350]  }
0x213: {  	v13 =	vld [tilespmem:s5+$0xC350]  }
0x214: {  	v14 =	vld [tilespmem:s5+$0x360]  }
0x215: {  	v15 =	vld [tilespmem:s5+$0xC360]  }
0x216: {  	v5 =	vadd.f32 v6, v5;
	v6 =	vld [tilespmem:s5+$0x370]  }
0x217: {  	v8 =	vadd.f32 v9, v8;
	v9 =	vld [tilespmem:s5+$0xC370]  }
0x218: {  	v4 =	vadd.f32 v7, v4;
	[tilespmem:s5+$0x300] =	vst v5;
	v5 =	vld [tilespmem:s5+$0xC330]  }
0x219: {  	v7 =	vld [tilespmem:s23+$0x710];
	[tilespmem:s5+$0x310] =	vst v8;
	v8 =	vadd.f32 v11, v10  }
0x21a: {  	v10 =	vld [tilespmem:s23+$0xC710];
	[tilespmem:s5+$0x320] =	vst v4;
	v4 =	vadd.f32 v13, v12  }
0x21b: {  	v11 =	vld [tilespmem:s23+$0x720];
	[tilespmem:s5+$0x340] =	vst v8;
	v8 =	vadd.f32 v15, v14  }
0x21c: {  	v12 =	vld [tilespmem:s23+$0xC720];
	[tilespmem:s5+$0x350] =	vst v4;
	v4 =	vadd.f32 v9, v6  }
0x21d: {  	s19 =	sadd.s32 $0x1400, s28;
	v6 =	vld [tilespmem:s23+$0x730];
	v3 =	vadd.f32 v5, v3;
	[tilespmem:s5+$0x360] =	vst v8  }
0x21e: {  	s24 =	sor.u32 s25, s19;
	s19 =	sor.u32 s26, s19;
	v5 =	vld [tilespmem:s23+$0xC730];
	[tilespmem:s5+$0x370] =	vst v4  }
0x21f: {  	v4 =	vadd.f32 v10, v7;
	[tilespmem:s5+$0x330] =	vst v3;
	v3 =	vld [tilespmem:s19+$0x370]  }
0x220: {  	v7 =	vld [tilespmem:s19+$0xC370]  }
0x221: {  	[tilespmem:s23+$0x710] =	vst v4;
	v4 =	vadd.f32 v12, v11;
	v8 =	vld [tilespmem:s23+$0x740]  }
0x222: {  	v9 =	vld [tilespmem:s23+$0xC740]  }
0x223: {  	[tilespmem:s23+$0x720] =	vst v4;
	v4 =	vadd.f32 v5, v6;
	v5 =	vld [tilespmem:s23+$0x750]  }
0x224: {  	v6 =	vld [tilespmem:s23+$0xC750]  }
0x225: {  	[tilespmem:s23+$0x730] =	vst v4;
	v4 =	vld [tilespmem:s23+$0x760];
	v3 =	vadd.f32 v7, v3  }
0x226: {  	v7 =	vld [tilespmem:s23+$0xC760]  }
0x227: {  	v8 =	vadd.f32 v9, v8;
	v9 =	vld [tilespmem:s23+$0x770];
	[tilespmem:s19+$0x370] =	vst v3  }
0x228: {  	v3 =	vld [tilespmem:s23+$0xC770]  }
0x229: {  	[tilespmem:s23+$0x740] =	vst v8;
	v5 =	vadd.f32 v6, v5;
	v6 =	vld [tilespmem:s29+$0x300]  }
0x22a: {  	v8 =	vld [tilespmem:s29+$0x310]  }
0x22b: {  	[tilespmem:s23+$0x750] =	vst v5;
	v4 =	vadd.f32 v7, v4;
	v5 =	vld [tilespmem:s19+$0x300]  }
0x22c: {  	v7 =	vld [tilespmem:s29+$0x320]  }
0x22d: {  	[tilespmem:s23+$0x760] =	vst v4;
	v3 =	vadd.f32 v3, v9;
	v4 =	vld [tilespmem:s19+$0xC300]  }
0x22e: {  	v9 =	vld [tilespmem:s29+$0x330]  }
0x22f: {  	[tilespmem:s23+$0x770] =	vst v3;
	v3 =	vld [tilespmem:s19+$0x310]  }
0x230: {  	v10 =	vld [tilespmem:s29+$0xC300]  }
0x231: {  	v11 =	vld [tilespmem:s29+$0xC310]  }
0x232: {  	v12 =	vld [tilespmem:s29+$0xC320];
	v4 =	vadd.f32 v4, v5  }
0x233: {  	v5 =	vld [tilespmem:s29+$0xC330]  }
0x234: {  	v13 =	vld [tilespmem:s29+$0x340];
	[tilespmem:s19+$0x300] =	vst v4  }
0x235: {  	v4 =	vadd.f32 v10, v6;
	v6 =	vld [tilespmem:s29+$0xC340]  }
0x236: {  	v8 =	vadd.f32 v11, v8;
	v10 =	vld [tilespmem:s29+$0x350]  }
0x237: {  	[tilespmem:s29+$0x300] =	vst v4;
	v4 =	vadd.f32 v12, v7;
	v7 =	vld [tilespmem:s29+$0xC350]  }
0x238: {  	[tilespmem:s29+$0x310] =	vst v8;
	v5 =	vadd.f32 v5, v9;
	v8 =	vld [tilespmem:s29+$0x360]  }
0x239: {  	[tilespmem:s29+$0x320] =	vst v4;
	v4 =	vld [tilespmem:s29+$0xC360]  }
0x23a: {  	[tilespmem:s29+$0x330] =	vst v5;
	v5 =	vadd.f32 v6, v13;
	v6 =	vld [tilespmem:s29+$0x370]  }
0x23b: {  	v9 =	vld [tilespmem:s29+$0xC370]  }
0x23c: {  	[tilespmem:s29+$0x340] =	vst v5;
	v5 =	vadd.f32 v7, v10;
	v7 =	vld [tilespmem:s30+$0x300]  }
0x23d: {  	v10 =	vld [tilespmem:s30+$0x310]  }
0x23e: {  	[tilespmem:s29+$0x350] =	vst v5;
	v4 =	vadd.f32 v4, v8;
	v5 =	vld [tilespmem:s19+$0xC310]  }
0x23f: {  	v8 =	vld [tilespmem:s30+$0x320]  }
0x240: {  	[tilespmem:s29+$0x360] =	vst v4;
	v4 =	vadd.f32 v9, v6;
	v6 =	vld [tilespmem:s19+$0x320]  }
0x241: {  	v9 =	vld [tilespmem:s30+$0x330]  }
0x242: {  	[tilespmem:s29+$0x370] =	vst v4;
	v4 =	vld [tilespmem:s19+$0xC320]  }
0x243: {  	v11 =	vld [tilespmem:s30+$0xC300];
	v3 =	vadd.f32 v5, v3  }
0x244: {  	v5 =	vld [tilespmem:s30+$0xC310]  }
0x245: {  	v12 =	vld [tilespmem:s30+$0xC320];
	[tilespmem:s19+$0x310] =	vst v3  }
0x246: {  	v3 =	vld [tilespmem:s30+$0xC330]  }
0x247: {  	v13 =	vld [tilespmem:s30+$0x340];
	v4 =	vadd.f32 v4, v6  }
0x248: {  	v6 =	vadd.f32 v11, v7;
	v7 =	vld [tilespmem:s30+$0xC340]  }
0x249: {  	v5 =	vadd.f32 v5, v10;
	v10 =	vld [tilespmem:s30+$0x350];
	[tilespmem:s19+$0x320] =	vst v4  }
0x24a: {  	[tilespmem:s30+$0x300] =	vst v6;
	v4 =	vadd.f32 v12, v8;
	v6 =	vld [tilespmem:s30+$0xC350]  }
0x24b: {  	[tilespmem:s30+$0x310] =	vst v5;
	v3 =	vadd.f32 v3, v9;
	v5 =	vld [tilespmem:s30+$0x360]  }
0x24c: {  	[tilespmem:s30+$0x320] =	vst v4;
	v4 =	vld [tilespmem:s30+$0xC360]  }
0x24d: {  	[tilespmem:s30+$0x330] =	vst v3;
	v3 =	vadd.f32 v7, v13;
	v7 =	vld [tilespmem:s30+$0x370]  }
0x24e: {  	v8 =	vld [tilespmem:s30+$0xC370]  }
0x24f: {  	[tilespmem:s30+$0x340] =	vst v3;
	v3 =	vadd.f32 v6, v10;
	v6 =	vld [tilespmem:s31+$0x300]  }
0x250: {  	v9 =	vld [tilespmem:s31+$0x310]  }
0x251: {  	[tilespmem:s30+$0x350] =	vst v3;
	v3 =	vadd.f32 v4, v5;
	v4 =	vld [tilespmem:s19+$0x330]  }
0x252: {  	v5 =	vld [tilespmem:s31+$0x320]  }
0x253: {  	[tilespmem:s30+$0x360] =	vst v3;
	v3 =	vadd.f32 v8, v7;
	v7 =	vld [tilespmem:s19+$0xC330]  }
0x254: {  	v8 =	vld [tilespmem:s31+$0x330]  }
0x255: {  	[tilespmem:s30+$0x370] =	vst v3;
	v3 =	vld [tilespmem:s19+$0x340]  }
0x256: {  	v10 =	vld [tilespmem:s31+$0xC300]  }
0x257: {  	v11 =	vld [tilespmem:s31+$0xC310]  }
0x258: {  	v12 =	vld [tilespmem:s31+$0xC320];
	v4 =	vadd.f32 v7, v4  }
0x259: {  	v7 =	vld [tilespmem:s31+$0xC330]  }
0x25a: {  	v13 =	vld [tilespmem:s31+$0x340];
	[tilespmem:s19+$0x330] =	vst v4  }
0x25b: {  	v4 =	vadd.f32 v10, v6;
	v6 =	vld [tilespmem:s31+$0xC340]  }
0x25c: {  	v9 =	vadd.f32 v11, v9;
	v10 =	vld [tilespmem:s31+$0x350]  }
0x25d: {  	[tilespmem:s31+$0x300] =	vst v4;
	v4 =	vadd.f32 v12, v5;
	v5 =	vld [tilespmem:s31+$0xC350]  }
0x25e: {  	[tilespmem:s31+$0x310] =	vst v9;
	v7 =	vadd.f32 v7, v8;
	v8 =	vld [tilespmem:s31+$0x360]  }
0x25f: {  	[tilespmem:s31+$0x320] =	vst v4;
	v4 =	vld [tilespmem:s31+$0xC360]  }
0x260: {  	[tilespmem:s31+$0x330] =	vst v7;
	v6 =	vadd.f32 v6, v13;
	v7 =	vld [tilespmem:s31+$0x370]  }
0x261: {  	v9 =	vld [tilespmem:s31+$0xC370]  }
0x262: {  	[tilespmem:s31+$0x340] =	vst v6;
	v5 =	vadd.f32 v5, v10;
	v6 =	vld [tilespmem:s24+$0x300]  }
0x263: {  	v10 =	vld [tilespmem:s24+$0x310]  }
0x264: {  	[tilespmem:s31+$0x350] =	vst v5;
	v4 =	vadd.f32 v4, v8;
	v5 =	vld [tilespmem:s19+$0xC340]  }
0x265: {  	v8 =	vld [tilespmem:s24+$0x320]  }
0x266: {  	[tilespmem:s31+$0x360] =	vst v4;
	v4 =	vadd.f32 v9, v7;
	v7 =	vld [tilespmem:s19+$0x350]  }
0x267: {  	v11 =	vld [tilespmem:s24+$0x330]  }
0x268: {  	[tilespmem:s31+$0x370] =	vst v4;
	v4 =	vld [tilespmem:s19+$0xC350]  }
0x269: {  	v9 =	vld [tilespmem:s24+$0xC300];
	v3 =	vadd.f32 v5, v3  }
0x26a: {  	v12 =	vld [tilespmem:s24+$0xC310]  }
0x26b: {  	v13 =	vld [tilespmem:s24+$0xC320];
	[tilespmem:s19+$0x340] =	vst v3  }
0x26c: {  	v14 =	vld [tilespmem:s24+$0xC330]  }
.Ltmp0:
0x26d: {  	v3 =	vld [tilespmem:s24+$0x340];
	v7 =	vadd.f32 v4, v7;
	(pc) =	sbr.rel @p0 .LBB2_3-.Ltmp0, $4  }
0x26e: {  	v6 =	vadd.f32 v9, v6;
	v5 =	vld [tilespmem:s24+$0xC340]  }
0x26f: {  	v10 =	vadd.f32 v12, v10;
	v4 =	vld [tilespmem:s24+$0x350];
	[tilespmem:s19+$0x350] =	vst v7  }
0x270: {  	[tilespmem:s24+$0x300] =	vst v6;
	v9 =	vadd.f32 v13, v8;
	v7 =	vld [tilespmem:s24+$0xC350]  }
0x271: {  	[tilespmem:s24+$0x310] =	vst v10;
	v8 =	vadd.f32 v14, v11;
	v6 =	vld [tilespmem:s24+$0x360]  }
0x272: {  	v61 =	vld [tilespmem:s24+$0xC360]  }
0x273: {  	v62 =	vld [tilespmem:s24+$0x370]  }
0x274: {  	v10 =	vld [tilespmem:s24+$0xC370]  }
0x275: {  	v11 =	vld [tilespmem:s19+$0x360]  }
0x276: {  	v12 =	vld [tilespmem:s19+$0xC360]  }
0x277: {  	[tilespmem:s24+$0x320] =	vst v9;
	v3 =	vadd.f32 v5, v3  }
0x278: {  	[tilespmem:s24+$0x330] =	vst v8;
	v4 =	vadd.f32 v7, v4  }
0x279: {  	[tilespmem:s24+$0x340] =	vst v3;
	v3 =	vadd.f32 v61, v6  }
0x27a: {  	[tilespmem:s24+$0x350] =	vst v4;
	v63 =	vadd.f32 v10, v62  }
0x27b: {  	s5 =	sor.u32 s6, s7;
	[tilespmem:s24+$0x360] =	vst v3;
	v3 =	vadd.f32 v12, v11  }
0x27c: {  	s5 =	sshll.u32 s5, $0x4;
	[tilespmem:s24+$0x370] =	vst v63  }
0x27d: {  	s9 =	simm.s32 $0x300;
	s8 =	sadd.s32 s14, s5;
	[tilespmem:s19+$0x360] =	vst v3  }
0x27e: {  	[hbm4b:s8+s4] =	stream.linear.scatter [tilespmem:s9], [sflag:$0x3], $0x400, $0x38;
	[tilespmem:$0x18300] =	vst v63  }
0x27f: {  	s28 =	simm.s32 $0x1B00;
	s26 =	sadd.s32 $0x80, s8  }
0x280: {  	[hbm4b:s26+s4] =	stream.linear.scatter [tilespmem:s28], [sflag:$0x3], $0x400, $0x38;
	[tilespmem:$0x18300] =	vst v63  }
0x281: {  	s30 =	simm.s32 $0x3300;
	s29 =	sadd.s32 $0x100, s8  }
0x282: {  	[hbm4b:s29+s4] =	stream.linear.scatter [tilespmem:s30], [sflag:$0x3], $0x400, $0x38;
	[tilespmem:$0x18300] =	vst v63  }
0x283: {  	s31 =	smov.u32 s6;
	s0 =	simm.s32 $0x4B00;
	s8 =	sadd.s32 $0x180, s8  }
0x284: {  	[hbm4b:s8+s4] =	stream.linear.scatter [tilespmem:s0], [sflag:$0x3], $0x400, $0x38;
	[tilespmem:$0x18300] =	vst v63  }
0x285: {  	s6 =	smov.u32 s14;
	s3 =	sadd.s32 s5, s15;
	s0 =	simm.s32 $0x700  }
0x286: {  	[hbm4b:s3+s4] =	stream.linear.scatter [tilespmem:s0], [sflag:$0x3], $0x400, $0x38;
	[tilespmem:$0x18300] =	vst v63  }
0x287: {  	s14 =	smov.u32 s15;
	s15 =	sadd.s32 $0x80, s3;
	s19 =	simm.s32 $0x1F00  }
0x288: {  	[hbm4b:s15+s4] =	stream.linear.scatter [tilespmem:s19], [sflag:$0x3], $0x400, $0x38;
	[tilespmem:$0x18300] =	vst v63  }
0x289: {  	s23 =	sadd.s32 $0x100, s3;
	s24 =	simm.s32 $0x3700  }
0x28a: {  	[hbm4b:s23+s4] =	stream.linear.scatter [tilespmem:s24], [sflag:$0x3], $0x400, $0x38;
	[tilespmem:$0x18300] =	vst v63  }
0x28b: {  	s25 =	simm.s32 $0x4F00;
	s8 =	sadd.s32 $0x180, s3  }
0x28c: {  	[hbm4b:s8+s4] =	stream.linear.scatter [tilespmem:s25], [sflag:$0x3], $0x400, $0x38;
	[tilespmem:$0x18300] =	vst v63  }
0x28d: {  	s26 =	sadd.s32 s5, s16;
	s28 =	simm.s32 $0xB00  }
0x28e: {  	[hbm4b:s26+s4] =	stream.linear.scatter [tilespmem:s28], [sflag:$0x3], $0x400, $0x38;
	[tilespmem:$0x18300] =	vst v63  }
0x28f: {  	s29 =	sadd.s32 $0x80, s26;
	s30 =	simm.s32 $0x2300  }
0x290: {  	[hbm4b:s29+s4] =	stream.linear.scatter [tilespmem:s30], [sflag:$0x3], $0x400, $0x38;
	[tilespmem:$0x18300] =	vst v63  }
0x291: {  	s0 =	sadd.s32 $0x100, s26;
	s3 =	simm.s32 $0x3B00  }
0x292: {  	[hbm4b:s0+s4] =	stream.linear.scatter [tilespmem:s3], [sflag:$0x3], $0x400, $0x38;
	[tilespmem:$0x18300] =	vst v63  }
0x293: {  	s15 =	smov.u32 s16;
	s16 =	simm.s32 $0x5300;
	s8 =	sadd.s32 $0x180, s26  }
0x294: {  	[hbm4b:s8+s4] =	stream.linear.scatter [tilespmem:s16], [sflag:$0x3], $0x400, $0x38;
	[tilespmem:$0x18300] =	vst v63  }
0x295: {  	s19 =	simm.s32 $0xF00;
	s16 =	smov.u32 s17;
	s17 =	sadd.s32 s5, s17  }
0x296: {  	[hbm4b:s17+s4] =	stream.linear.scatter [tilespmem:s19], [sflag:$0x3], $0x400, $0x38;
	[tilespmem:$0x18300] =	vst v63  }
0x297: {  	s24 =	simm.s32 $0x2700;
	s23 =	sadd.s32 $0x80, s17  }
0x298: {  	[hbm4b:s23+s4] =	stream.linear.scatter [tilespmem:s24], [sflag:$0x3], $0x400, $0x38;
	[tilespmem:$0x18300] =	vst v63  }
0x299: {  	s26 =	simm.s32 $0x3F00;
	s25 =	sadd.s32 $0x100, s17  }
0x29a: {  	[hbm4b:s25+s4] =	stream.linear.scatter [tilespmem:s26], [sflag:$0x3], $0x400, $0x38;
	[tilespmem:$0x18300] =	vst v63  }
0x29b: {  	s28 =	simm.s32 $0x5700;
	s8 =	sadd.s32 $0x180, s17  }
0x29c: {  	[hbm4b:s8+s4] =	stream.linear.scatter [tilespmem:s28], [sflag:$0x3], $0x400, $0x38;
	[tilespmem:$0x18300] =	vst v63  }
0x29d: {  	s29 =	sadd.s32 s5, s18;
	s30 =	simm.s32 $0x1300  }
0x29e: {  	[hbm4b:s29+s4] =	stream.linear.scatter [tilespmem:s30], [sflag:$0x3], $0x400, $0x38;
	[tilespmem:$0x18300] =	vst v63  }
0x29f: {  	s0 =	sadd.s32 $0x80, s29;
	s3 =	simm.s32 $0x2B00  }
0x2a0: {  	[hbm4b:s0+s4] =	stream.linear.scatter [tilespmem:s3], [sflag:$0x3], $0x400, $0x38;
	[tilespmem:$0x18300] =	vst v63  }
0x2a1: {  	s17 =	smov.u32 s18;
	s18 =	sadd.s32 $0x100, s29;
	s19 =	simm.s32 $0x4300  }
0x2a2: {  	[hbm4b:s18+s4] =	stream.linear.scatter [tilespmem:s19], [sflag:$0x3], $0x400, $0x38;
	[tilespmem:$0x18300] =	vst v63  }
0x2a3: {  	s23 =	simm.s32 $0x5B00;
	s8 =	sadd.s32 $0x180, s29  }
0x2a4: {  	[hbm4b:s8+s4] =	stream.linear.scatter [tilespmem:s23], [sflag:$0x3], $0x400, $0x38;
	[tilespmem:$0x18300] =	vst v63  }
0x2a5: {  	s5 =	sadd.s32 s5, s2;
	s24 =	simm.s32 $0x1700  }
0x2a6: {  	[hbm4b:s5+s4] =	stream.linear.scatter [tilespmem:s24], [sflag:$0x3], $0x400, $0x38;
	[tilespmem:$0x18300] =	vst v63  }
0x2a7: {  	p0 =	seq.s32 s20, $0x3;
	s25 =	sadd.s32 $0x80, s5;
	s26 =	simm.s32 $0x2F00  }
0x2a8: {  	[hbm4b:s25+s4] =	stream.linear.scatter [tilespmem:s26], [sflag:$0x3], $0x400, $0x38;
	[tilespmem:$0x18300] =	vst v63  }
.Ltmp1:
0x2a9: {  	_ = 	snop;
	(pc) =	sbr.rel @p0 .LBB2_6-.Ltmp1, $4  }
0x2aa: {  	s28 =	sadd.s32 $0x100, s5;
	s29 =	simm.s32 $0x4700  }
0x2ab: {  	[hbm4b:s28+s4] =	stream.linear.scatter [tilespmem:s29], [sflag:$0x3], $0x400, $0x38;
	[tilespmem:$0x18300] =	vst v63  }
0x2ac: {  	s30 =	simm.s32 $0x5F00;
	s18 =	smov.u32 s2;
	s5 =	sadd.s32 $0x180, s5  }
0x2ad: {  	[hbm4b:s5+s4] =	stream.linear.scatter [tilespmem:s30], [sflag:$0x3], $0x400, $0x38;
	[tilespmem:$0x18300] =	vst v63  }
0x2ae: {  	_ =	swait.ge [sflag:s22], $0x1000  }
0x2af: {  	[sflag:s22] =	ssyncset.done $0x0  }
0x2b0: {  	[sflag:s22] =	ssyncadd.s32 $0xFFFFF000  }
0x2b1: {  	_ =	swait.ge [sflag:s22], $0x1000  }
0x2b2: {  	[sflag:s22] =	ssyncset.done $0x0  }
0x2b3: {  	[sflag:s22] =	ssyncadd.s32 $0xFFFFF000  }
0x2b4: {  	_ =	swait.ge [sflag:s22], $0x1000  }
0x2b5: {  	[sflag:s22] =	ssyncset.done $0x0  }
0x2b6: {  	[sflag:s22] =	ssyncadd.s32 $0xFFFFF000  }
0x2b7: {  	_ =	swait.ge [sflag:s22], $0x1000  }
0x2b8: {  	[sflag:s22] =	ssyncset.done $0x0  }
0x2b9: {  	[sflag:s22] =	ssyncadd.s32 $0xFFFFF000  }
0x2ba: {  	_ =	swait.ge [sflag:s22], $0x1000  }
0x2bb: {  	[sflag:s22] =	ssyncset.done $0x0  }
0x2bc: {  	[sflag:s22] =	ssyncadd.s32 $0xFFFFF000  }
0x2bd: {  	_ =	swait.ge [sflag:s22], $0x1000  }
0x2be: {  	[sflag:s22] =	ssyncset.done $0x0  }
0x2bf: {  	[sflag:s22] =	ssyncadd.s32 $0xFFFFF000  }
0x2c0: {  	v3 =	vld [tilespmem:s7+$0x40];
	_ =	sdelay $0x4  }
0x2c1: {  	v4 =	vshrl.u32 v3, $0x3  }
0x2c2: {  	v4 =	vmul.u32 $0x30, v4  }
0x2c3: {  	v3 =	vand.u32 $0x7, v3  }
0x2c4: {  	v3 =	vor.u32 v3, v4  }
0x2c5: {  	v4 =	vperm.xlane v3, v0;
	_ =	sdelay $0x1  }
0x2c6: {  	v4 =	vadd.s32 v1, v4;
	_ =	sdelay $0x3  }
0x2c7: {  	s5 =	simm.s32 $0x300;
	s2 =	rddreg [dreg:$0x1];
	v3 =	vperm.xlane v3, v2  }
0x2c8: {  	[tilespmem:s5], [sflag:$0x1] =	stream.indirect_vreg.gather [hbm4b:s2+s4], $0x80, v4, vm0, $0xb8;
	[tilespmem:$0x18300] =	vst v63  }
0x2c9: {  	s3 =	simm.s32 $0xB00;
	v3 =	vadd.s32 v1, v3  }
0x2ca: {  	[tilespmem:s3], [sflag:$0x1] =	stream.indirect_vreg.gather [hbm4b:s10+s4], $0x80, v4, vm0, $0xb8;
	[tilespmem:$0x18300] =	vst v63  }
0x2cb: {  	s8 =	simm.s32 $0x1300  }
0x2cc: {  	[tilespmem:s8], [sflag:$0x1] =	stream.indirect_vreg.gather [hbm4b:s11+s4], $0x80, v4, vm0, $0xb8;
	[tilespmem:$0x18300] =	vst v63  }
0x2cd: {  	s9 =	simm.s32 $0x1B00  }
0x2ce: {  	[tilespmem:s9], [sflag:$0x1] =	stream.indirect_vreg.gather [hbm4b:s2+s4], $0x80, v3, vm0, $0xb8;
	[tilespmem:$0x18300] =	vst v63  }
0x2cf: {  	s19 =	simm.s32 $0x2300  }
0x2d0: {  	[tilespmem:s19], [sflag:$0x1] =	stream.indirect_vreg.gather [hbm4b:s10+s4], $0x80, v3, vm0, $0xb8;
	[tilespmem:$0x18300] =	vst v63  }
0x2d1: {  	s23 =	simm.s32 $0x2B00  }
0x2d2: {  	[tilespmem:s23], [sflag:$0x1] =	stream.indirect_vreg.gather [hbm4b:s11+s4], $0x80, v3, vm0, $0xb8;
	[tilespmem:$0x18300] =	vst v63  }
0x2d3: {  	v3 =	vld [tilespmem:s7+$0x50];
	_ =	sdelay $0x4  }
0x2d4: {  	v61 =	vshrl.u32 v3, $0x3  }
0x2d5: {  	v4 =	vmul.u32 $0x30, v61  }
0x2d6: {  	v3 =	vand.u32 $0x7, v3  }
0x2d7: {  	v3 =	vor.u32 v3, v4  }
0x2d8: {  	v4 =	vperm.xlane v3, v0;
	_ =	sdelay $0x1  }
0x2d9: {  	v4 =	vadd.s32 v1, v4;
	_ =	sdelay $0x3  }
0x2da: {  	s24 =	simm.s32 $0x3300;
	v3 =	vperm.xlane v3, v2  }
0x2db: {  	[tilespmem:s24], [sflag:$0x1] =	stream.indirect_vreg.gather [hbm4b:s2+s4], $0x80, v4, vm0, $0xb8;
	[tilespmem:$0x18300] =	vst v63  }
0x2dc: {  	s25 =	simm.s32 $0x3B00;
	v3 =	vadd.s32 v1, v3  }
0x2dd: {  	[tilespmem:s25], [sflag:$0x1] =	stream.indirect_vreg.gather [hbm4b:s10+s4], $0x80, v4, vm0, $0xb8;
	[tilespmem:$0x18300] =	vst v63  }
0x2de: {  	s26 =	simm.s32 $0x4300  }
0x2df: {  	[tilespmem:s26], [sflag:$0x1] =	stream.indirect_vreg.gather [hbm4b:s11+s4], $0x80, v4, vm0, $0xb8;
	[tilespmem:$0x18300] =	vst v63  }
0x2e0: {  	s28 =	simm.s32 $0x4B00  }
0x2e1: {  	[tilespmem:s28], [sflag:$0x1] =	stream.indirect_vreg.gather [hbm4b:s2+s4], $0x80, v3, vm0, $0xb8;
	[tilespmem:$0x18300] =	vst v63  }
0x2e2: {  	s29 =	simm.s32 $0x5300  }
0x2e3: {  	[tilespmem:s29], [sflag:$0x1] =	stream.indirect_vreg.gather [hbm4b:s10+s4], $0x80, v3, vm0, $0xb8;
	[tilespmem:$0x18300] =	vst v63  }
0x2e4: {  	s30 =	simm.s32 $0x5B00  }
0x2e5: {  	[tilespmem:s30], [sflag:$0x1] =	stream.indirect_vreg.gather [hbm4b:s11+s4], $0x80, v3, vm0, $0xb8;
	[tilespmem:$0x18300] =	vst v63  }
0x2e6: {  	v3 =	vld [tilespmem:s7+$0x140];
	_ =	sdelay $0x4  }
0x2e7: {  	v62 =	vshrl.u32 v3, $0x3  }
0x2e8: {  	v4 =	vmul.u32 $0x30, v62  }
0x2e9: {  	v3 =	vand.u32 $0x7, v3  }
0x2ea: {  	v3 =	vor.u32 v3, v4  }
0x2eb: {  	v4 =	vperm.xlane v3, v0;
	_ =	sdelay $0x1  }
0x2ec: {  	v4 =	vadd.s32 v1, v4;
	_ =	sdelay $0x3  }
0x2ed: {  	s0 =	simm.s32 $0xC300;
	s3 =	rddreg [dreg:$0x2];
	v3 =	vperm.xlane v3, v2  }
0x2ee: {  	[tilespmem:s0], [sflag:$0x1] =	stream.indirect_vreg.gather [hbm4b:s3+s4], $0x80, v4, vm0, $0xb8;
	[tilespmem:$0x18300] =	vst v63  }
0x2ef: {  	s5 =	simm.s32 $0xCB00;
	v3 =	vadd.s32 v1, v3  }
0x2f0: {  	[tilespmem:s5], [sflag:$0x1] =	stream.indirect_vreg.gather [hbm4b:s12+s4], $0x80, v4, vm0, $0xb8;
	[tilespmem:$0x18300] =	vst v63  }
0x2f1: {  	s8 =	simm.s32 $0xD300  }
0x2f2: {  	[tilespmem:s8], [sflag:$0x1] =	stream.indirect_vreg.gather [hbm4b:s13+s4], $0x80, v4, vm0, $0xb8;
	[tilespmem:$0x18300] =	vst v63  }
0x2f3: {  	s9 =	simm.s32 $0xDB00  }
0x2f4: {  	[tilespmem:s9], [sflag:$0x1] =	stream.indirect_vreg.gather [hbm4b:s3+s4], $0x80, v3, vm0, $0xb8;
	[tilespmem:$0x18300] =	vst v63  }
0x2f5: {  	s19 =	simm.s32 $0xE300  }
0x2f6: {  	[tilespmem:s19], [sflag:$0x1] =	stream.indirect_vreg.gather [hbm4b:s12+s4], $0x80, v3, vm0, $0xb8;
	[tilespmem:$0x18300] =	vst v63  }
0x2f7: {  	s23 =	simm.s32 $0xEB00  }
0x2f8: {  	[tilespmem:s23], [sflag:$0x1] =	stream.indirect_vreg.gather [hbm4b:s13+s4], $0x80, v3, vm0, $0xb8;
	[tilespmem:$0x18300] =	vst v63  }
0x2f9: {  	v3 =	vld [tilespmem:s7+$0x150];
	_ =	sdelay $0x4  }
0x2fa: {  	v63 =	vshrl.u32 v3, $0x3  }
0x2fb: {  	v4 =	vmul.u32 $0x30, v63  }
0x2fc: {  	v3 =	vand.u32 $0x7, v3  }
0x2fd: {  	v3 =	vor.u32 v3, v4  }
0x2fe: {  	v4 =	vperm.xlane v3, v0;
	_ =	sdelay $0x1  }
0x2ff: {  	v4 =	vadd.s32 v1, v4;
	_ =	sdelay $0x3  }
0x300: {  	s24 =	simm.s32 $0xF300;
	v3 =	vperm.xlane v3, v2  }
0x301: {  	[tilespmem:s24], [sflag:$0x1] =	stream.indirect_vreg.gather [hbm4b:s3+s4], $0x80, v4, vm0, $0xb8;
	[tilespmem:$0x18300] =	vst v63  }
0x302: {  	s25 =	simm.s32 $0xFB00;
	v3 =	vadd.s32 v1, v3  }
0x303: {  	[tilespmem:s25], [sflag:$0x1] =	stream.indirect_vreg.gather [hbm4b:s12+s4], $0x80, v4, vm0, $0xb8;
	[tilespmem:$0x18300] =	vst v63  }
0x304: {  	s26 =	simm.s32 $0x10300  }
0x305: {  	[tilespmem:s26], [sflag:$0x1] =	stream.indirect_vreg.gather [hbm4b:s13+s4], $0x80, v4, vm0, $0xb8;
	[tilespmem:$0x18300] =	vst v63  }
0x306: {  	s28 =	simm.s32 $0x10B00  }
0x307: {  	[tilespmem:s28], [sflag:$0x1] =	stream.indirect_vreg.gather [hbm4b:s3+s4], $0x80, v3, vm0, $0xb8;
	[tilespmem:$0x18300] =	vst v63  }
0x308: {  	s29 =	simm.s32 $0x11300  }
0x309: {  	[tilespmem:s29], [sflag:$0x1] =	stream.indirect_vreg.gather [hbm4b:s12+s4], $0x80, v3, vm0, $0xb8;
	[tilespmem:$0x18300] =	vst v63  }
0x30a: {  	s30 =	simm.s32 $0x11B00  }
0x30b: {  	[tilespmem:s30], [sflag:$0x1] =	stream.indirect_vreg.gather [hbm4b:s13+s4], $0x80, v3, vm0, $0xb8;
	[tilespmem:$0x18300] =	vst v63  }
.LBB2_6:
0x30c: {  	_ =	swait.ge [sflag:s1], $0x6000  }
0x30d: {  	[sflag:s1] =	ssyncset.done $0x0  }
0x30e: {  	s7 =	simm.s32 $0x0;
	s5 =	simm.s32 $0x0;
	[sflag:s1] =	ssyncadd.s32 $0xFFFFA000  }
0x30f: {  	s19 =	smul.u32 $0x1800, s5;
	s8 =	sand.u32 $0x300, s7;
	_ =	swait.ge [sflag:s1], $0x6000  }
0x310: {  	s9 =	sor.u32 $0x80, s8;
	[sflag:s1] =	ssyncset.done $0x0  }
0x311: {  	s5 =	sor.u32 s19, s9;
	[sflag:s1] =	ssyncadd.s32 $0xFFFFA000  }
0x312: {  	v3 =	vld [tilespmem:s5+$0x6300]  }
0x313: {  	v4 =	vld [tilespmem:s5+$0x12300]  }
0x314: {  	v5 =	vld [tilespmem:s5+$0x6310]  }
0x315: {  	v6 =	vld [tilespmem:s5+$0x12310]  }
0x316: {  	v7 =	vld [tilespmem:s5+$0x6320]  }
0x317: {  	v8 =	vld [tilespmem:s5+$0x12320]  }
0x318: {  	v9 =	vld [tilespmem:s5+$0x6330]  }
0x319: {  	v10 =	vld [tilespmem:s5+$0x12330]  }
0x31a: {  	v11 =	vld [tilespmem:s5+$0x6340]  }
0x31b: {  	v12 =	vld [tilespmem:s5+$0x12340]  }
0x31c: {  	v13 =	vld [tilespmem:s5+$0x6350]  }
0x31d: {  	v14 =	vld [tilespmem:s5+$0x12350]  }
0x31e: {  	v15 =	vld [tilespmem:s5+$0x6360]  }
0x31f: {  	v16 =	vld [tilespmem:s5+$0x12360]  }
0x320: {  	v17 =	vld [tilespmem:s5+$0x6370]  }
0x321: {  	v18 =	vld [tilespmem:s5+$0x12370]  }
0x322: {  	v19 =	vld [tilespmem:s5+$0x6700]  }
0x323: {  	v20 =	vld [tilespmem:s5+$0x12700]  }
0x324: {  	v21 =	vld [tilespmem:s5+$0x6710]  }
0x325: {  	v22 =	vld [tilespmem:s5+$0x12710]  }
0x326: {  	v23 =	vld [tilespmem:s5+$0x6720]  }
0x327: {  	v36 =	vld [tilespmem:s5+$0x12760];
	v3 =	vadd.f32 v4, v3  }
0x328: {  	v37 =	vld [tilespmem:s5+$0x6770];
	v5 =	vadd.f32 v6, v5  }
0x329: {  	v38 =	vld [tilespmem:s5+$0x12770];
	[tilespmem:s5+$0x6300] =	vst v3;
	v3 =	vadd.f32 v8, v7  }
0x32a: {  	v4 =	vld [tilespmem:s5+$0x12720];
	[tilespmem:s5+$0x6310] =	vst v5;
	v5 =	vadd.f32 v10, v9  }
0x32b: {  	v6 =	vld [tilespmem:s5+$0x6730];
	[tilespmem:s5+$0x6320] =	vst v3;
	v3 =	vadd.f32 v12, v11  }
0x32c: {  	v7 =	vld [tilespmem:s5+$0x12730];
	[tilespmem:s5+$0x6330] =	vst v5;
	v5 =	vadd.f32 v14, v13  }
0x32d: {  	v9 =	vld [tilespmem:s5+$0x6750];
	[tilespmem:s5+$0x6340] =	vst v3;
	v3 =	vadd.f32 v16, v15  }
0x32e: {  	v10 =	vld [tilespmem:s5+$0x12750];
	[tilespmem:s5+$0x6350] =	vst v5;
	v5 =	vadd.f32 v18, v17  }
0x32f: {  	v11 =	vld [tilespmem:s5+$0x6760];
	[tilespmem:s5+$0x6360] =	vst v3;
	v3 =	vadd.f32 v20, v19  }
0x330: {  	v8 =	vld [tilespmem:s5+$0x6740];
	[tilespmem:s5+$0x6370] =	vst v5;
	v5 =	vadd.f32 v22, v21  }
0x331: {  	[tilespmem:s5+$0x6700] =	vst v3;
	v3 =	vadd.f32 v4, v23;
	v4 =	vld [tilespmem:s5+$0x12740]  }
0x332: {  	s23 =	sor.u32 s8, s19;
	[tilespmem:s5+$0x6710] =	vst v5;
	v5 =	vadd.f32 v7, v6  }
0x333: {  	v46 =	vld [tilespmem:s23+$0x6320];
	[tilespmem:s5+$0x6720] =	vst v3;
	v3 =	vadd.f32 v10, v9  }
0x334: {  	v47 =	vld [tilespmem:s23+$0x12320];
	[tilespmem:s5+$0x6730] =	vst v5;
	v5 =	vadd.f32 v36, v11  }
0x335: {  	v48 =	vld [tilespmem:s23+$0x6330];
	[tilespmem:s5+$0x6750] =	vst v3;
	v3 =	vadd.f32 v38, v37  }
0x336: {  	v60 =	vld [tilespmem:s23+$0x6350];
	[tilespmem:s5+$0x6760] =	vst v5;
	v4 =	vadd.f32 v4, v8  }
0x337: {  	s24 =	sadd.s32 $0x800, s19;
	v6 =	vld [tilespmem:s23+$0x6300];
	[tilespmem:s5+$0x6770] =	vst v3  }
0x338: {  	s26 =	sor.u32 s9, s24;
	v5 =	vld [tilespmem:s23+$0x12300];
	[tilespmem:s5+$0x6740] =	vst v4  }
0x339: {  	v4 =	vld [tilespmem:s26+$0x6300]  }
0x33a: {  	v7 =	vld [tilespmem:s26+$0x12300]  }
0x33b: {  	v8 =	vld [tilespmem:s26+$0x6310]  }
0x33c: {  	v9 =	vld [tilespmem:s26+$0x12310]  }
0x33d: {  	v10 =	vld [tilespmem:s26+$0x6320]  }
0x33e: {  	v11 =	vld [tilespmem:s26+$0x12320]  }
0x33f: {  	v39 =	vld [tilespmem:s26+$0x6330]  }
0x340: {  	v40 =	vld [tilespmem:s26+$0x12330]  }
0x341: {  	v41 =	vld [tilespmem:s26+$0x6340]  }
0x342: {  	v42 =	vld [tilespmem:s26+$0x6350]  }
0x343: {  	v43 =	vld [tilespmem:s26+$0x12350]  }
0x344: {  	v44 =	vld [tilespmem:s26+$0x6360]  }
0x345: {  	v45 =	vld [tilespmem:s26+$0x12360];
	v5 =	vadd.f32 v5, v6  }
0x346: {  	v4 =	vadd.f32 v7, v4;
	v7 =	vld [tilespmem:s26+$0x6370]  }
0x347: {  	[tilespmem:s23+$0x6300] =	vst v5;
	v8 =	vadd.f32 v9, v8;
	v9 =	vld [tilespmem:s26+$0x12370]  }
0x348: {  	[tilespmem:s26+$0x6300] =	vst v4;
	v4 =	vadd.f32 v11, v10;
	v10 =	vld [tilespmem:s26+$0x12340]  }
0x349: {  	v62 =	vld [tilespmem:s23+$0x12350];
	[tilespmem:s26+$0x6310] =	vst v8;
	v8 =	vadd.f32 v40, v39  }
0x34a: {  	v63 =	vld [tilespmem:s23+$0x6360];
	[tilespmem:s26+$0x6320] =	vst v4;
	v4 =	vadd.f32 v43, v42  }
0x34b: {  	v32 =	vld [tilespmem:s23+$0x12360];
	[tilespmem:s26+$0x6330] =	vst v8;
	v8 =	vadd.f32 v45, v44  }
0x34c: {  	v34 =	vld [tilespmem:s23+$0x12370];
	[tilespmem:s26+$0x6350] =	vst v4;
	v4 =	vadd.f32 v9, v7  }
0x34d: {  	v3 =	vld [tilespmem:s23+$0x6310];
	[tilespmem:s26+$0x6360] =	vst v8;
	v9 =	vadd.f32 v10, v41  }
0x34e: {  	s25 =	sadd.s32 $0xC00, s19;
	v5 =	vadd.f32 v47, v46;
	v46 =	vld [tilespmem:s23+$0x12720];
	[tilespmem:s26+$0x6370] =	vst v4  }
0x34f: {  	s2 =	sor.u32 s9, s25;
	v11 =	vld [tilespmem:s23+$0x12310];
	[tilespmem:s26+$0x6340] =	vst v9  }
0x350: {  	v9 =	vld [tilespmem:s2+$0x6300]  }
0x351: {  	v10 =	vld [tilespmem:s2+$0x12300]  }
0x352: {  	v49 =	vld [tilespmem:s2+$0x6310]  }
0x353: {  	v50 =	vld [tilespmem:s2+$0x12310]  }
0x354: {  	v51 =	vld [tilespmem:s2+$0x6320]  }
0x355: {  	v52 =	vld [tilespmem:s2+$0x12320]  }
0x356: {  	v53 =	vld [tilespmem:s2+$0x6330]  }
0x357: {  	v54 =	vld [tilespmem:s2+$0x12330]  }
0x358: {  	v55 =	vld [tilespmem:s2+$0x6340]  }
0x359: {  	v56 =	vld [tilespmem:s2+$0x6350]  }
0x35a: {  	v57 =	vld [tilespmem:s2+$0x12350]  }
0x35b: {  	v24 =	vld [tilespmem:s2+$0x6360]  }
0x35c: {  	v25 =	vld [tilespmem:s2+$0x12360]  }
0x35d: {  	v58 =	vld [tilespmem:s2+$0x12370];
	v9 =	vadd.f32 v10, v9  }
0x35e: {  	v59 =	vld [tilespmem:s2+$0x12340];
	v14 =	vadd.f32 v50, v49  }
0x35f: {  	v10 =	vld [tilespmem:s2+$0x6370];
	v61 =	vadd.f32 v54, v53;
	[tilespmem:s2+$0x6300] =	vst v9  }
0x360: {  	v7 =	vld [tilespmem:s23+$0x12330];
	v9 =	vadd.f32 v52, v51;
	[tilespmem:s2+$0x6310] =	vst v14  }
0x361: {  	v44 =	vld [tilespmem:s23+$0x12700];
	v31 =	vadd.f32 v25, v24;
	[tilespmem:s2+$0x6330] =	vst v61  }
0x362: {  	v45 =	vld [tilespmem:s23+$0x6720];
	[tilespmem:s2+$0x6320] =	vst v9;
	v9 =	vadd.f32 v57, v56  }
0x363: {  	v8 =	vld [tilespmem:s23+$0x6340];
	v33 =	vadd.f32 v59, v55;
	[tilespmem:s2+$0x6360] =	vst v31  }
0x364: {  	v4 =	vld [tilespmem:s23+$0x12340];
	[tilespmem:s2+$0x6350] =	vst v9;
	v9 =	vadd.f32 v58, v10  }
0x365: {  	s3 =	sadd.s32 $0x1000, s19;
	v7 =	vadd.f32 v7, v48;
	v48 =	vld [tilespmem:s23+$0x6740];
	[tilespmem:s2+$0x6340] =	vst v33  }
0x366: {  	s28 =	sor.u32 s9, s3;
	v10 =	vld [tilespmem:s23+$0x6370];
	[tilespmem:s2+$0x6370] =	vst v9  }
0x367: {  	v16 =	vld [tilespmem:s28+$0x6300]  }
0x368: {  	v35 =	vld [tilespmem:s28+$0x12300]  }
0x369: {  	v36 =	vld [tilespmem:s28+$0x6310]  }
0x36a: {  	v37 =	vld [tilespmem:s28+$0x12310]  }
0x36b: {  	v38 =	vld [tilespmem:s28+$0x6320]  }
0x36c: {  	v39 =	vld [tilespmem:s28+$0x12320]  }
0x36d: {  	v27 =	vld [tilespmem:s28+$0x6340]  }
0x36e: {  	v28 =	vld [tilespmem:s28+$0x12340]  }
0x36f: {  	v29 =	vld [tilespmem:s28+$0x6350]  }
0x370: {  	[tilespmem:s23+$0x6320] =	vst v5;
	v3 =	vadd.f32 v11, v3;
	v6 =	vld [tilespmem:s28+$0x12350]  }
0x371: {  	[tilespmem:s23+$0x6330] =	vst v7;
	v7 =	vadd.f32 v62, v60;
	v11 =	vld [tilespmem:s28+$0x6360]  }
0x372: {  	[tilespmem:s23+$0x6310] =	vst v3;
	v41 =	vld [tilespmem:s28+$0x6370];
	v3 =	vadd.f32 v35, v16  }
0x373: {  	[tilespmem:s23+$0x6350] =	vst v7;
	v42 =	vld [tilespmem:s28+$0x12370];
	v5 =	vadd.f32 v37, v36  }
0x374: {  	v40 =	vld [tilespmem:s28+$0x12360];
	[tilespmem:s28+$0x6300] =	vst v3;
	v3 =	vadd.f32 v39, v38  }
0x375: {  	v26 =	vld [tilespmem:s28+$0x6330];
	[tilespmem:s28+$0x6310] =	vst v5;
	v5 =	vadd.f32 v28, v27  }
0x376: {  	v43 =	vld [tilespmem:s28+$0x12330];
	[tilespmem:s28+$0x6320] =	vst v3;
	v3 =	vadd.f32 v6, v29  }
0x377: {  	v7 =	vadd.f32 v34, v10;
	v6 =	vld [tilespmem:s23+$0x6710];
	[tilespmem:s28+$0x6340] =	vst v5  }
0x378: {  	v5 =	vld [tilespmem:s23+$0x12710];
	[tilespmem:s28+$0x6350] =	vst v3;
	v3 =	vadd.f32 v42, v41  }
0x379: {  	v9 =	vld [tilespmem:s23+$0x6700];
	[tilespmem:s23+$0x6370] =	vst v7;
	v11 =	vadd.f32 v40, v11  }
0x37a: {  	v10 =	vld [tilespmem:s23+$0x12740];
	[tilespmem:s28+$0x6370] =	vst v3;
	v3 =	vadd.f32 v4, v8  }
0x37b: {  	v7 =	vld [tilespmem:s23+$0x12750];
	v47 =	vadd.f32 v43, v26;
	[tilespmem:s28+$0x6360] =	vst v11  }
0x37c: {  	s19 =	sadd.s32 $0x1400, s19;
	v11 =	vld [tilespmem:s23+$0x6730];
	[tilespmem:s23+$0x6340] =	vst v3;
	v3 =	vadd.f32 v32, v63  }
0x37d: {  	s9 =	sor.u32 s9, s19;
	[tilespmem:s28+$0x6330] =	vst v47;
	v4 =	vld [tilespmem:s23+$0x12730];
	v5 =	vadd.f32 v5, v6  }
0x37e: {  	v8 =	vld [tilespmem:s9+$0x6370];
	[tilespmem:s23+$0x6360] =	vst v3;
	v3 =	vadd.f32 v44, v9  }
0x37f: {  	v6 =	vld [tilespmem:s23+$0x6750];
	[tilespmem:s23+$0x6710] =	vst v5  }
0x380: {  	v5 =	vld [tilespmem:s23+$0x6760];
	[tilespmem:s23+$0x6700] =	vst v3;
	v3 =	vadd.f32 v46, v45  }
0x381: {  	v9 =	vld [tilespmem:s9+$0x12370]  }
0x382: {  	v4 =	vadd.f32 v4, v11;
	[tilespmem:s23+$0x6720] =	vst v3;
	v3 =	vld [tilespmem:s23+$0x12760]  }
0x383: {  	v11 =	vld [tilespmem:s23+$0x12770]  }
0x384: {  	v10 =	vadd.f32 v10, v48;
	[tilespmem:s23+$0x6730] =	vst v4;
	v4 =	vld [tilespmem:s23+$0x6770]  }
0x385: {  	v51 =	vld [tilespmem:s9+$0x12300]  }
0x386: {  	[tilespmem:s23+$0x6740] =	vst v10;
	s28 =	sor.u32 s8, s24;
	v16 =	vld [tilespmem:s9+$0x12320];
	v6 =	vadd.f32 v7, v6  }
0x387: {  	v7 =	vld [tilespmem:s28+$0x6300];
	v3 =	vadd.f32 v3, v5  }
0x388: {  	v10 =	vld [tilespmem:s28+$0x6310];
	[tilespmem:s23+$0x6750] =	vst v6;
	v5 =	vadd.f32 v9, v8  }
0x389: {  	v6 =	vld [tilespmem:s28+$0x6320];
	[tilespmem:s23+$0x6760] =	vst v3;
	v3 =	vadd.f32 v11, v4  }
0x38a: {  	[tilespmem:s9+$0x6370] =	vst v5;
	v5 =	vld [tilespmem:s9+$0x6300]  }
0x38b: {  	v4 =	vld [tilespmem:s28+$0x6330];
	[tilespmem:s23+$0x6770] =	vst v3  }
0x38c: {  	v3 =	vld [tilespmem:s28+$0x12300]  }
0x38d: {  	v8 =	vld [tilespmem:s28+$0x12310]  }
0x38e: {  	v9 =	vld [tilespmem:s28+$0x12320]  }
0x38f: {  	v11 =	vld [tilespmem:s28+$0x12330]  }
0x390: {  	v49 =	vld [tilespmem:s28+$0x6340]  }
0x391: {  	v50 =	vld [tilespmem:s28+$0x12340];
	v3 =	vadd.f32 v3, v7  }
0x392: {  	v7 =	vadd.f32 v8, v10;
	v8 =	vld [tilespmem:s28+$0x6350]  }
0x393: {  	[tilespmem:s28+$0x6300] =	vst v3;
	v3 =	vadd.f32 v9, v6;
	v6 =	vld [tilespmem:s28+$0x12350]  }
0x394: {  	[tilespmem:s28+$0x6310] =	vst v7;
	v7 =	vld [tilespmem:s28+$0x6360]  }
0x395: {  	v4 =	vadd.f32 v11, v4;
	[tilespmem:s28+$0x6320] =	vst v3;
	v3 =	vld [tilespmem:s28+$0x12360]  }
0x396: {  	v10 =	vld [tilespmem:s28+$0x12370];
	v9 =	vadd.f32 v50, v49  }
0x397: {  	[tilespmem:s28+$0x6330] =	vst v4;
	v4 =	vld [tilespmem:s28+$0x6370]  }
0x398: {  	s29 =	sor.u32 s8, s25;
	v5 =	vadd.f32 v51, v5;
	v11 =	vld [tilespmem:s9+$0x6310];
	[tilespmem:s28+$0x6340] =	vst v9  }
0x399: {  	v9 =	vld [tilespmem:s29+$0x6310];
	v6 =	vadd.f32 v6, v8  }
0x39a: {  	[tilespmem:s9+$0x6300] =	vst v5;
	v8 =	vld [tilespmem:s29+$0x6300];
	v3 =	vadd.f32 v3, v7  }
0x39b: {  	[tilespmem:s28+$0x6350] =	vst v6;
	v6 =	vld [tilespmem:s9+$0x12310]  }
0x39c: {  	v5 =	vld [tilespmem:s29+$0x6320];
	[tilespmem:s28+$0x6360] =	vst v3;
	v3 =	vadd.f32 v10, v4  }
0x39d: {  	v7 =	vld [tilespmem:s9+$0x6320]  }
0x39e: {  	v4 =	vld [tilespmem:s29+$0x6330];
	[tilespmem:s28+$0x6370] =	vst v3  }
0x39f: {  	v3 =	vld [tilespmem:s29+$0x12300]  }
0x3a0: {  	v10 =	vld [tilespmem:s29+$0x12310]  }
0x3a1: {  	v52 =	vld [tilespmem:s29+$0x12320]  }
0x3a2: {  	v53 =	vld [tilespmem:s29+$0x12330]  }
0x3a3: {  	v54 =	vld [tilespmem:s29+$0x6340]  }
0x3a4: {  	v55 =	vld [tilespmem:s29+$0x12340];
	v3 =	vadd.f32 v3, v8  }
0x3a5: {  	v8 =	vadd.f32 v10, v9;
	v9 =	vld [tilespmem:s29+$0x6350]  }
0x3a6: {  	[tilespmem:s29+$0x6300] =	vst v3;
	v3 =	vadd.f32 v52, v5;
	v5 =	vld [tilespmem:s29+$0x12350]  }
0x3a7: {  	v6 =	vadd.f32 v6, v11;
	[tilespmem:s29+$0x6310] =	vst v8;
	v8 =	vld [tilespmem:s29+$0x6360]  }
0x3a8: {  	v4 =	vadd.f32 v53, v4;
	[tilespmem:s29+$0x6320] =	vst v3;
	v3 =	vld [tilespmem:s29+$0x12360]  }
0x3a9: {  	v11 =	vld [tilespmem:s29+$0x12370];
	[tilespmem:s9+$0x6310] =	vst v6;
	v6 =	vadd.f32 v16, v7  }
0x3aa: {  	v10 =	vadd.f32 v55, v54;
	[tilespmem:s29+$0x6330] =	vst v4;
	v4 =	vld [tilespmem:s29+$0x6370]  }
0x3ab: {  	v59 =	vld [tilespmem:s9+$0x6340];
	[tilespmem:s9+$0x6320] =	vst v6  }
0x3ac: {  	s30 =	sor.u32 s8, s3;
	v6 =	vld [tilespmem:s9+$0x6330];
	[tilespmem:s29+$0x6340] =	vst v10;
	v5 =	vadd.f32 v5, v9  }
0x3ad: {  	v7 =	vld [tilespmem:s30+$0x6310];
	v3 =	vadd.f32 v3, v8  }
0x3ae: {  	v9 =	vld [tilespmem:s30+$0x6300];
	[tilespmem:s29+$0x6350] =	vst v5  }
0x3af: {  	v5 =	vld [tilespmem:s30+$0x6320];
	[tilespmem:s29+$0x6360] =	vst v3;
	v3 =	vadd.f32 v11, v4  }
0x3b0: {  	v8 =	vld [tilespmem:s9+$0x12330]  }
0x3b1: {  	v4 =	vld [tilespmem:s30+$0x6330];
	[tilespmem:s29+$0x6370] =	vst v3  }
0x3b2: {  	v3 =	vld [tilespmem:s30+$0x12300]  }
0x3b3: {  	v10 =	vld [tilespmem:s30+$0x12310]  }
0x3b4: {  	v11 =	vld [tilespmem:s30+$0x12320]  }
0x3b5: {  	v56 =	vld [tilespmem:s30+$0x12330]  }
0x3b6: {  	v57 =	vld [tilespmem:s30+$0x6340]  }
0x3b7: {  	v58 =	vld [tilespmem:s30+$0x12340];
	v3 =	vadd.f32 v3, v9  }
0x3b8: {  	v7 =	vadd.f32 v10, v7;
	v9 =	vld [tilespmem:s30+$0x6350]  }
0x3b9: {  	[tilespmem:s30+$0x6300] =	vst v3;
	v3 =	vadd.f32 v11, v5;
	v5 =	vld [tilespmem:s30+$0x12350]  }
0x3ba: {  	[tilespmem:s30+$0x6310] =	vst v7;
	v7 =	vld [tilespmem:s30+$0x6360]  }
0x3bb: {  	v4 =	vadd.f32 v56, v4;
	[tilespmem:s30+$0x6320] =	vst v3;
	v3 =	vld [tilespmem:s30+$0x12360]  }
0x3bc: {  	v6 =	vadd.f32 v8, v6;
	v8 =	vld [tilespmem:s30+$0x12370];
	v10 =	vadd.f32 v58, v57  }
0x3bd: {  	[tilespmem:s30+$0x6330] =	vst v4;
	v4 =	vld [tilespmem:s30+$0x6370]  }
0x3be: {  	v60 =	vld [tilespmem:s9+$0x12350];
	s23 =	sor.u32 s8, s19;
	[tilespmem:s30+$0x6340] =	vst v10  }
0x3bf: {  	[tilespmem:s9+$0x6330] =	vst v6;
	v6 =	vld [tilespmem:s23+$0x6310];
	v5 =	vadd.f32 v5, v9  }
0x3c0: {  	v9 =	vld [tilespmem:s23+$0x6300];
	v3 =	vadd.f32 v3, v7  }
0x3c1: {  	[tilespmem:s30+$0x6350] =	vst v5;
	v7 =	vld [tilespmem:s9+$0x12340]  }
0x3c2: {  	v10 =	vld [tilespmem:s23+$0x6320];
	[tilespmem:s30+$0x6360] =	vst v3;
	v3 =	vadd.f32 v8, v4  }
0x3c3: {  	v8 =	vld [tilespmem:s9+$0x6350]  }
0x3c4: {  	v11 =	vld [tilespmem:s23+$0x6330];
	[tilespmem:s30+$0x6370] =	vst v3  }
0x3c5: {  	v4 =	vld [tilespmem:s23+$0x12300]  }
0x3c6: {  	v61 =	vld [tilespmem:s23+$0x12310]  }
0x3c7: {  	v62 =	vld [tilespmem:s23+$0x12320];
	v7 =	vadd.f32 v7, v59  }
0x3c8: {  	v63 =	vld [tilespmem:s23+$0x12330]  }
0x3c9: {  	v3 =	vld [tilespmem:s23+$0x6340];
	[tilespmem:s9+$0x6340] =	vst v7;
	v7 =	vadd.f32 v60, v8  }
0x3ca: {  	v5 =	vld [tilespmem:s23+$0x12340];
	v9 =	vadd.f32 v4, v9  }
0x3cb: {  	[tilespmem:s9+$0x6350] =	vst v7;
	v4 =	vld [tilespmem:s23+$0x6350];
	v13 =	vadd.f32 v61, v6  }
0x3cc: {  	v6 =	vld [tilespmem:s23+$0x12350];
	[tilespmem:s23+$0x6300] =	vst v9;
	v9 =	vadd.f32 v62, v10  }
0x3cd: {  	s20 =	sadd.s32 $0x1, s20;
	s8 =	simm.s32 $0x0;
	v7 =	vld [tilespmem:s23+$0x6360];
	v8 =	vadd.f32 v63, v11;
	[tilespmem:s23+$0x6310] =	vst v13  }
.LBB2_7:
0x3ce: {  	s8 =	sadd.s32 $0x2, s8;
	[tilespmem:s23+$0x6320] =	vst v9;
	v9 =	vld [tilespmem:s23+$0x12360]  }
0x3cf: {  	s7 =	sadd.s32 $0x100, s7;
	s5 =	sshrl.u32 s8, $0x3;
	p0 =	slt.u32 s8, $0x1E;
	[tilespmem:s23+$0x6330] =	vst v8;
	v3 =	vadd.f32 v5, v3;
	v5 =	vld [tilespmem:s23+$0x6370]  }
0x3d0: {  	s24 =	sand.u32 $0x300, s7;
	s26 =	smul.u32 $0x1800, s5;
	v8 =	vld [tilespmem:s23+$0x12370]  }
0x3d1: {  	s25 =	sor.u32 $0x80, s24;
	[tilespmem:s23+$0x6340] =	vst v3;
	v3 =	vadd.f32 v6, v4;
	v4 =	vld [tilespmem:s9+$0x6360]  }
0x3d2: {  	s19 =	sor.u32 s24, s26;
	s29 =	sor.u32 s26, s25;
	v6 =	vld [tilespmem:s9+$0x12360]  }
0x3d3: {  	v10 =	vld [tilespmem:s29+$0x6300];
	[tilespmem:s23+$0x6350] =	vst v3;
	v3 =	vadd.f32 v9, v7  }
0x3d4: {  	v7 =	vld [tilespmem:s29+$0x12300]  }
0x3d5: {  	v9 =	vld [tilespmem:s29+$0x6310];
	[tilespmem:s23+$0x6360] =	vst v3;
	v3 =	vadd.f32 v8, v5  }
0x3d6: {  	v5 =	vld [tilespmem:s29+$0x12310]  }
0x3d7: {  	v8 =	vld [tilespmem:s29+$0x6320];
	[tilespmem:s23+$0x6370] =	vst v3;
	v3 =	vadd.f32 v6, v4  }
0x3d8: {  	v4 =	vld [tilespmem:s29+$0x12320]  }
0x3d9: {  	v6 =	vld [tilespmem:s29+$0x6330];
	[tilespmem:s9+$0x6360] =	vst v3  }
0x3da: {  	v3 =	vld [tilespmem:s29+$0x12330]  }
0x3db: {  	v11 =	vld [tilespmem:s29+$0x6340]  }
0x3dc: {  	v12 =	vld [tilespmem:s29+$0x12340]  }
0x3dd: {  	v13 =	vld [tilespmem:s29+$0x6350]  }
0x3de: {  	v14 =	vld [tilespmem:s29+$0x12350]  }
0x3df: {  	v15 =	vld [tilespmem:s29+$0x6360]  }
0x3e0: {  	v16 =	vld [tilespmem:s29+$0x12360]  }
0x3e1: {  	v17 =	vld [tilespmem:s29+$0x6370]  }
0x3e2: {  	v18 =	vld [tilespmem:s29+$0x12370]  }
0x3e3: {  	v19 =	vld [tilespmem:s29+$0x6700]  }
0x3e4: {  	v20 =	vld [tilespmem:s29+$0x12700]  }
0x3e5: {  	v21 =	vld [tilespmem:s29+$0x6710]  }
0x3e6: {  	v22 =	vld [tilespmem:s29+$0x12710]  }
0x3e7: {  	v23 =	vld [tilespmem:s29+$0x6720]  }
0x3e8: {  	v7 =	vadd.f32 v7, v10;
	v10 =	vld [tilespmem:s29+$0x12720]  }
0x3e9: {  	v5 =	vadd.f32 v5, v9;
	v9 =	vld [tilespmem:s29+$0x6730]  }
0x3ea: {  	v4 =	vadd.f32 v4, v8;
	[tilespmem:s29+$0x6300] =	vst v7;
	v7 =	vld [tilespmem:s29+$0x12730]  }
0x3eb: {  	v3 =	vadd.f32 v3, v6;
	[tilespmem:s29+$0x6310] =	vst v5;
	v5 =	vld [tilespmem:s29+$0x6740]  }
0x3ec: {  	[tilespmem:s29+$0x6320] =	vst v4;
	v4 =	vadd.f32 v12, v11;
	v6 =	vld [tilespmem:s29+$0x6750]  }
0x3ed: {  	[tilespmem:s29+$0x6330] =	vst v3;
	v3 =	vadd.f32 v14, v13;
	v8 =	vld [tilespmem:s29+$0x12750]  }
0x3ee: {  	[tilespmem:s29+$0x6340] =	vst v4;
	v4 =	vadd.f32 v16, v15;
	v11 =	vld [tilespmem:s29+$0x6760]  }
0x3ef: {  	[tilespmem:s29+$0x6350] =	vst v3;
	v3 =	vadd.f32 v18, v17;
	v12 =	vld [tilespmem:s29+$0x12760]  }
0x3f0: {  	[tilespmem:s29+$0x6360] =	vst v4;
	v4 =	vadd.f32 v20, v19;
	v13 =	vld [tilespmem:s29+$0x6770]  }
0x3f1: {  	[tilespmem:s29+$0x6370] =	vst v3;
	v3 =	vadd.f32 v22, v21;
	v14 =	vld [tilespmem:s29+$0x12770]  }
0x3f2: {  	[tilespmem:s29+$0x6700] =	vst v4;
	v4 =	vadd.f32 v10, v23;
	v10 =	vld [tilespmem:s29+$0x12740]  }
0x3f3: {  	v15 =	vld [tilespmem:s19+$0x6300];
	[tilespmem:s29+$0x6710] =	vst v3;
	v3 =	vadd.f32 v7, v9  }
0x3f4: {  	v7 =	vld [tilespmem:s19+$0x12300];
	[tilespmem:s29+$0x6720] =	vst v4;
	v4 =	vadd.f32 v8, v6  }
0x3f5: {  	v6 =	vld [tilespmem:s19+$0x6310];
	[tilespmem:s29+$0x6730] =	vst v3;
	v3 =	vadd.f32 v12, v11  }
0x3f6: {  	v8 =	vld [tilespmem:s19+$0x12310];
	[tilespmem:s29+$0x6750] =	vst v4;
	v4 =	vadd.f32 v14, v13  }
0x3f7: {  	s5 =	sadd.s32 $0x800, s26;
	v9 =	vld [tilespmem:s19+$0x6320];
	v5 =	vadd.f32 v10, v5;
	[tilespmem:s29+$0x6760] =	vst v3  }
0x3f8: {  	s28 =	sor.u32 s24, s5;
	s5 =	sor.u32 s25, s5;
	v3 =	vld [tilespmem:s19+$0x12320];
	[tilespmem:s29+$0x6770] =	vst v4  }
0x3f9: {  	v4 =	vadd.f32 v7, v15;
	[tilespmem:s29+$0x6740] =	vst v5;
	v5 =	vld [tilespmem:s5+$0x6300]  }
0x3fa: {  	v7 =	vld [tilespmem:s5+$0x12300]  }
0x3fb: {  	[tilespmem:s19+$0x6300] =	vst v4;
	v4 =	vadd.f32 v8, v6;
	v6 =	vld [tilespmem:s5+$0x6310]  }
0x3fc: {  	v8 =	vld [tilespmem:s5+$0x12310]  }
0x3fd: {  	[tilespmem:s19+$0x6310] =	vst v4;
	v3 =	vadd.f32 v3, v9;
	v4 =	vld [tilespmem:s5+$0x6320]  }
0x3fe: {  	v9 =	vld [tilespmem:s5+$0x12320]  }
0x3ff: {  	[tilespmem:s19+$0x6320] =	vst v3;
	v3 =	vld [tilespmem:s5+$0x6330]  }
0x400: {  	v10 =	vld [tilespmem:s5+$0x12330]  }
0x401: {  	v11 =	vld [tilespmem:s5+$0x6340]  }
0x402: {  	v12 =	vld [tilespmem:s5+$0x6350]  }
0x403: {  	v13 =	vld [tilespmem:s5+$0x12350]  }
0x404: {  	v14 =	vld [tilespmem:s5+$0x6360]  }
0x405: {  	v15 =	vld [tilespmem:s5+$0x12360]  }
0x406: {  	v5 =	vadd.f32 v7, v5;
	v7 =	vld [tilespmem:s5+$0x6370]  }
0x407: {  	v6 =	vadd.f32 v8, v6;
	v8 =	vld [tilespmem:s5+$0x12370]  }
0x408: {  	v4 =	vadd.f32 v9, v4;
	[tilespmem:s5+$0x6300] =	vst v5;
	v5 =	vld [tilespmem:s5+$0x12340]  }
0x409: {  	v3 =	vadd.f32 v10, v3;
	v9 =	vld [tilespmem:s19+$0x6330];
	[tilespmem:s5+$0x6310] =	vst v6  }
0x40a: {  	v6 =	vld [tilespmem:s19+$0x12330];
	[tilespmem:s5+$0x6320] =	vst v4;
	v4 =	vadd.f32 v13, v12  }
0x40b: {  	v10 =	vld [tilespmem:s19+$0x6340];
	[tilespmem:s5+$0x6330] =	vst v3;
	v3 =	vadd.f32 v15, v14  }
0x40c: {  	v12 =	vld [tilespmem:s19+$0x12340];
	[tilespmem:s5+$0x6350] =	vst v4;
	v4 =	vadd.f32 v8, v7  }
0x40d: {  	s9 =	sadd.s32 $0xC00, s26;
	v7 =	vld [tilespmem:s19+$0x6350];
	v5 =	vadd.f32 v5, v11;
	[tilespmem:s5+$0x6360] =	vst v3  }
0x40e: {  	s29 =	sor.u32 s24, s9;
	s9 =	sor.u32 s25, s9;
	v3 =	vld [tilespmem:s19+$0x12350];
	[tilespmem:s5+$0x6370] =	vst v4  }
0x40f: {  	v4 =	vadd.f32 v6, v9;
	[tilespmem:s5+$0x6340] =	vst v5;
	v5 =	vld [tilespmem:s9+$0x6300]  }
0x410: {  	v6 =	vld [tilespmem:s9+$0x12300]  }
0x411: {  	[tilespmem:s19+$0x6330] =	vst v4;
	v4 =	vadd.f32 v12, v10;
	v8 =	vld [tilespmem:s9+$0x6310]  }
0x412: {  	v9 =	vld [tilespmem:s9+$0x12310]  }
0x413: {  	[tilespmem:s19+$0x6340] =	vst v4;
	v3 =	vadd.f32 v3, v7;
	v4 =	vld [tilespmem:s9+$0x6320]  }
0x414: {  	v7 =	vld [tilespmem:s9+$0x12320]  }
0x415: {  	[tilespmem:s19+$0x6350] =	vst v3;
	v3 =	vld [tilespmem:s9+$0x6330]  }
0x416: {  	v10 =	vld [tilespmem:s9+$0x12330]  }
0x417: {  	v11 =	vld [tilespmem:s9+$0x6340]  }
0x418: {  	v12 =	vld [tilespmem:s9+$0x6350]  }
0x419: {  	v13 =	vld [tilespmem:s9+$0x12350]  }
0x41a: {  	v14 =	vld [tilespmem:s9+$0x6360]  }
0x41b: {  	v15 =	vld [tilespmem:s9+$0x12360]  }
0x41c: {  	v5 =	vadd.f32 v6, v5;
	v6 =	vld [tilespmem:s9+$0x6370]  }
0x41d: {  	v8 =	vadd.f32 v9, v8;
	v9 =	vld [tilespmem:s9+$0x12370]  }
0x41e: {  	v4 =	vadd.f32 v7, v4;
	[tilespmem:s9+$0x6300] =	vst v5;
	v5 =	vld [tilespmem:s9+$0x12340]  }
0x41f: {  	v3 =	vadd.f32 v10, v3;
	v7 =	vld [tilespmem:s19+$0x6360];
	[tilespmem:s9+$0x6310] =	vst v8  }
0x420: {  	v8 =	vld [tilespmem:s19+$0x12360];
	[tilespmem:s9+$0x6320] =	vst v4;
	v4 =	vadd.f32 v13, v12  }
0x421: {  	v10 =	vld [tilespmem:s19+$0x6370];
	[tilespmem:s9+$0x6330] =	vst v3;
	v3 =	vadd.f32 v15, v14  }
0x422: {  	v12 =	vld [tilespmem:s19+$0x12370];
	[tilespmem:s9+$0x6350] =	vst v4;
	v4 =	vadd.f32 v9, v6  }
0x423: {  	s5 =	sadd.s32 $0x1000, s26;
	v6 =	vld [tilespmem:s19+$0x6700];
	v5 =	vadd.f32 v5, v11;
	[tilespmem:s9+$0x6360] =	vst v3  }
0x424: {  	s30 =	sor.u32 s24, s5;
	s5 =	sor.u32 s25, s5;
	v3 =	vld [tilespmem:s19+$0x12700];
	[tilespmem:s9+$0x6370] =	vst v4  }
0x425: {  	v4 =	vadd.f32 v8, v7;
	[tilespmem:s9+$0x6340] =	vst v5;
	v5 =	vld [tilespmem:s5+$0x6300]  }
0x426: {  	v7 =	vld [tilespmem:s5+$0x12300]  }
0x427: {  	[tilespmem:s19+$0x6360] =	vst v4;
	v4 =	vadd.f32 v12, v10;
	v8 =	vld [tilespmem:s5+$0x6310]  }
0x428: {  	v9 =	vld [tilespmem:s5+$0x12310]  }
0x429: {  	[tilespmem:s19+$0x6370] =	vst v4;
	v3 =	vadd.f32 v3, v6;
	v4 =	vld [tilespmem:s5+$0x6320]  }
0x42a: {  	v6 =	vld [tilespmem:s5+$0x12320]  }
0x42b: {  	[tilespmem:s19+$0x6700] =	vst v3;
	v3 =	vld [tilespmem:s5+$0x6330]  }
0x42c: {  	v10 =	vld [tilespmem:s5+$0x6340]  }
0x42d: {  	v11 =	vld [tilespmem:s5+$0x12340]  }
0x42e: {  	v12 =	vld [tilespmem:s5+$0x6350]  }
0x42f: {  	v13 =	vld [tilespmem:s5+$0x12350]  }
0x430: {  	v14 =	vld [tilespmem:s5+$0x6360]  }
0x431: {  	v15 =	vld [tilespmem:s5+$0x12360]  }
0x432: {  	v5 =	vadd.f32 v7, v5;
	v7 =	vld [tilespmem:s5+$0x6370]  }
0x433: {  	v8 =	vadd.f32 v9, v8;
	v9 =	vld [tilespmem:s5+$0x12370]  }
0x434: {  	v4 =	vadd.f32 v6, v4;
	[tilespmem:s5+$0x6300] =	vst v5;
	v5 =	vld [tilespmem:s5+$0x12330]  }
0x435: {  	v6 =	vld [tilespmem:s19+$0x6710];
	[tilespmem:s5+$0x6310] =	vst v8;
	v8 =	vadd.f32 v11, v10  }
0x436: {  	v10 =	vld [tilespmem:s19+$0x12710];
	[tilespmem:s5+$0x6320] =	vst v4;
	v4 =	vadd.f32 v13, v12  }
0x437: {  	v11 =	vld [tilespmem:s19+$0x6720];
	[tilespmem:s5+$0x6340] =	vst v8;
	v8 =	vadd.f32 v15, v14  }
0x438: {  	v12 =	vld [tilespmem:s19+$0x12720];
	[tilespmem:s5+$0x6350] =	vst v4;
	v4 =	vadd.f32 v9, v7  }
0x439: {  	s9 =	sadd.s32 $0x1400, s26;
	v7 =	vld [tilespmem:s19+$0x6730];
	v3 =	vadd.f32 v5, v3;
	[tilespmem:s5+$0x6360] =	vst v8  }
0x43a: {  	s23 =	sor.u32 s24, s9;
	s9 =	sor.u32 s25, s9;
	v5 =	vld [tilespmem:s19+$0x12730];
	[tilespmem:s5+$0x6370] =	vst v4  }
0x43b: {  	v4 =	vadd.f32 v10, v6;
	[tilespmem:s5+$0x6330] =	vst v3;
	v3 =	vld [tilespmem:s9+$0x6370]  }
0x43c: {  	v6 =	vld [tilespmem:s9+$0x12370]  }
0x43d: {  	[tilespmem:s19+$0x6710] =	vst v4;
	v4 =	vadd.f32 v12, v11;
	v8 =	vld [tilespmem:s19+$0x6740]  }
0x43e: {  	v9 =	vld [tilespmem:s19+$0x12740]  }
0x43f: {  	[tilespmem:s19+$0x6720] =	vst v4;
	v4 =	vadd.f32 v5, v7;
	v5 =	vld [tilespmem:s19+$0x6750]  }
0x440: {  	v7 =	vld [tilespmem:s19+$0x12750]  }
0x441: {  	[tilespmem:s19+$0x6730] =	vst v4;
	v4 =	vld [tilespmem:s19+$0x6760];
	v3 =	vadd.f32 v6, v3  }
0x442: {  	v6 =	vld [tilespmem:s19+$0x12760]  }
0x443: {  	v8 =	vadd.f32 v9, v8;
	v9 =	vld [tilespmem:s19+$0x6770];
	[tilespmem:s9+$0x6370] =	vst v3  }
0x444: {  	v3 =	vld [tilespmem:s19+$0x12770]  }
0x445: {  	[tilespmem:s19+$0x6740] =	vst v8;
	v5 =	vadd.f32 v7, v5;
	v7 =	vld [tilespmem:s28+$0x6300]  }
0x446: {  	v8 =	vld [tilespmem:s28+$0x6310]  }
0x447: {  	[tilespmem:s19+$0x6750] =	vst v5;
	v4 =	vadd.f32 v6, v4;
	v5 =	vld [tilespmem:s9+$0x6300]  }
0x448: {  	v6 =	vld [tilespmem:s28+$0x6320]  }
0x449: {  	[tilespmem:s19+$0x6760] =	vst v4;
	v3 =	vadd.f32 v3, v9;
	v4 =	vld [tilespmem:s9+$0x12300]  }
0x44a: {  	v9 =	vld [tilespmem:s28+$0x6330]  }
0x44b: {  	[tilespmem:s19+$0x6770] =	vst v3;
	v3 =	vld [tilespmem:s9+$0x6310]  }
0x44c: {  	v10 =	vld [tilespmem:s28+$0x12300]  }
0x44d: {  	v11 =	vld [tilespmem:s28+$0x12310]  }
0x44e: {  	v12 =	vld [tilespmem:s28+$0x12320];
	v4 =	vadd.f32 v4, v5  }
0x44f: {  	v5 =	vld [tilespmem:s28+$0x12330]  }
0x450: {  	v13 =	vld [tilespmem:s28+$0x6340];
	[tilespmem:s9+$0x6300] =	vst v4  }
0x451: {  	v4 =	vadd.f32 v10, v7;
	v7 =	vld [tilespmem:s28+$0x12340]  }
0x452: {  	v8 =	vadd.f32 v11, v8;
	v10 =	vld [tilespmem:s28+$0x6350]  }
0x453: {  	[tilespmem:s28+$0x6300] =	vst v4;
	v4 =	vadd.f32 v12, v6;
	v6 =	vld [tilespmem:s28+$0x12350]  }
0x454: {  	[tilespmem:s28+$0x6310] =	vst v8;
	v5 =	vadd.f32 v5, v9;
	v8 =	vld [tilespmem:s28+$0x6360]  }
0x455: {  	[tilespmem:s28+$0x6320] =	vst v4;
	v4 =	vld [tilespmem:s28+$0x12360]  }
0x456: {  	[tilespmem:s28+$0x6330] =	vst v5;
	v5 =	vadd.f32 v7, v13;
	v7 =	vld [tilespmem:s28+$0x6370]  }
0x457: {  	v9 =	vld [tilespmem:s28+$0x12370]  }
0x458: {  	[tilespmem:s28+$0x6340] =	vst v5;
	v5 =	vadd.f32 v6, v10;
	v6 =	vld [tilespmem:s29+$0x6300]  }
0x459: {  	v10 =	vld [tilespmem:s29+$0x6310]  }
0x45a: {  	[tilespmem:s28+$0x6350] =	vst v5;
	v4 =	vadd.f32 v4, v8;
	v5 =	vld [tilespmem:s9+$0x12310]  }
0x45b: {  	v8 =	vld [tilespmem:s29+$0x6320]  }
0x45c: {  	[tilespmem:s28+$0x6360] =	vst v4;
	v4 =	vadd.f32 v9, v7;
	v7 =	vld [tilespmem:s9+$0x6320]  }
0x45d: {  	v9 =	vld [tilespmem:s29+$0x6330]  }
0x45e: {  	[tilespmem:s28+$0x6370] =	vst v4;
	v4 =	vld [tilespmem:s9+$0x12320]  }
0x45f: {  	v11 =	vld [tilespmem:s29+$0x12300];
	v3 =	vadd.f32 v5, v3  }
0x460: {  	v5 =	vld [tilespmem:s29+$0x12310]  }
0x461: {  	v12 =	vld [tilespmem:s29+$0x12320];
	[tilespmem:s9+$0x6310] =	vst v3  }
0x462: {  	v3 =	vld [tilespmem:s29+$0x12330]  }
0x463: {  	v13 =	vld [tilespmem:s29+$0x6340];
	v4 =	vadd.f32 v4, v7  }
0x464: {  	v6 =	vadd.f32 v11, v6;
	v7 =	vld [tilespmem:s29+$0x12340]  }
0x465: {  	v5 =	vadd.f32 v5, v10;
	v10 =	vld [tilespmem:s29+$0x6350];
	[tilespmem:s9+$0x6320] =	vst v4  }
0x466: {  	[tilespmem:s29+$0x6300] =	vst v6;
	v4 =	vadd.f32 v12, v8;
	v6 =	vld [tilespmem:s29+$0x12350]  }
0x467: {  	[tilespmem:s29+$0x6310] =	vst v5;
	v3 =	vadd.f32 v3, v9;
	v5 =	vld [tilespmem:s29+$0x6360]  }
0x468: {  	[tilespmem:s29+$0x6320] =	vst v4;
	v4 =	vld [tilespmem:s29+$0x12360]  }
0x469: {  	[tilespmem:s29+$0x6330] =	vst v3;
	v3 =	vadd.f32 v7, v13;
	v7 =	vld [tilespmem:s29+$0x6370]  }
0x46a: {  	v8 =	vld [tilespmem:s29+$0x12370]  }
0x46b: {  	[tilespmem:s29+$0x6340] =	vst v3;
	v3 =	vadd.f32 v6, v10;
	v6 =	vld [tilespmem:s30+$0x6300]  }
0x46c: {  	v9 =	vld [tilespmem:s30+$0x6310]  }
0x46d: {  	[tilespmem:s29+$0x6350] =	vst v3;
	v3 =	vadd.f32 v4, v5;
	v4 =	vld [tilespmem:s9+$0x6330]  }
0x46e: {  	v5 =	vld [tilespmem:s30+$0x6320]  }
0x46f: {  	[tilespmem:s29+$0x6360] =	vst v3;
	v3 =	vadd.f32 v8, v7;
	v7 =	vld [tilespmem:s9+$0x12330]  }
0x470: {  	v8 =	vld [tilespmem:s30+$0x6330]  }
0x471: {  	[tilespmem:s29+$0x6370] =	vst v3;
	v3 =	vld [tilespmem:s9+$0x6340]  }
0x472: {  	v10 =	vld [tilespmem:s30+$0x12300]  }
0x473: {  	v11 =	vld [tilespmem:s30+$0x12310]  }
0x474: {  	v12 =	vld [tilespmem:s30+$0x12320];
	v4 =	vadd.f32 v7, v4  }
0x475: {  	v7 =	vld [tilespmem:s30+$0x12330]  }
0x476: {  	v13 =	vld [tilespmem:s30+$0x6340];
	[tilespmem:s9+$0x6330] =	vst v4  }
0x477: {  	v4 =	vadd.f32 v10, v6;
	v6 =	vld [tilespmem:s30+$0x12340]  }
0x478: {  	v9 =	vadd.f32 v11, v9;
	v10 =	vld [tilespmem:s30+$0x6350]  }
0x479: {  	[tilespmem:s30+$0x6300] =	vst v4;
	v4 =	vadd.f32 v12, v5;
	v5 =	vld [tilespmem:s30+$0x12350]  }
0x47a: {  	[tilespmem:s30+$0x6310] =	vst v9;
	v7 =	vadd.f32 v7, v8;
	v8 =	vld [tilespmem:s30+$0x6360]  }
0x47b: {  	[tilespmem:s30+$0x6320] =	vst v4;
	v4 =	vld [tilespmem:s30+$0x12360]  }
0x47c: {  	[tilespmem:s30+$0x6330] =	vst v7;
	v6 =	vadd.f32 v6, v13;
	v7 =	vld [tilespmem:s30+$0x6370]  }
0x47d: {  	v9 =	vld [tilespmem:s30+$0x12370]  }
0x47e: {  	[tilespmem:s30+$0x6340] =	vst v6;
	v5 =	vadd.f32 v5, v10;
	v6 =	vld [tilespmem:s23+$0x6300]  }
0x47f: {  	v10 =	vld [tilespmem:s23+$0x6310]  }
0x480: {  	[tilespmem:s30+$0x6350] =	vst v5;
	v4 =	vadd.f32 v4, v8;
	v5 =	vld [tilespmem:s9+$0x12340]  }
0x481: {  	v8 =	vld [tilespmem:s23+$0x6320]  }
0x482: {  	[tilespmem:s30+$0x6360] =	vst v4;
	v4 =	vadd.f32 v9, v7;
	v7 =	vld [tilespmem:s9+$0x6350]  }
0x483: {  	v11 =	vld [tilespmem:s23+$0x6330]  }
0x484: {  	[tilespmem:s30+$0x6370] =	vst v4;
	v4 =	vld [tilespmem:s9+$0x12350]  }
0x485: {  	v9 =	vld [tilespmem:s23+$0x12300];
	v3 =	vadd.f32 v5, v3  }
0x486: {  	v12 =	vld [tilespmem:s23+$0x12310]  }
0x487: {  	v13 =	vld [tilespmem:s23+$0x12320];
	[tilespmem:s9+$0x6340] =	vst v3  }
0x488: {  	v14 =	vld [tilespmem:s23+$0x12330]  }
.Ltmp2:
0x489: {  	v3 =	vld [tilespmem:s23+$0x6340];
	v7 =	vadd.f32 v4, v7;
	(pc) =	sbr.rel @p0 .LBB2_7-.Ltmp2, $4  }
0x48a: {  	v6 =	vadd.f32 v9, v6;
	v5 =	vld [tilespmem:s23+$0x12340]  }
0x48b: {  	v10 =	vadd.f32 v12, v10;
	v4 =	vld [tilespmem:s23+$0x6350];
	[tilespmem:s9+$0x6350] =	vst v7  }
0x48c: {  	[tilespmem:s23+$0x6300] =	vst v6;
	v9 =	vadd.f32 v13, v8;
	v6 =	vld [tilespmem:s23+$0x12350]  }
0x48d: {  	[tilespmem:s23+$0x6310] =	vst v10;
	v8 =	vadd.f32 v14, v11;
	v7 =	vld [tilespmem:s23+$0x6360]  }
0x48e: {  	v61 =	vld [tilespmem:s23+$0x12360]  }
0x48f: {  	v62 =	vld [tilespmem:s23+$0x6370]  }
0x490: {  	v10 =	vld [tilespmem:s23+$0x12370]  }
0x491: {  	v11 =	vld [tilespmem:s9+$0x6360]  }
0x492: {  	v12 =	vld [tilespmem:s9+$0x12360]  }
0x493: {  	[tilespmem:s23+$0x6320] =	vst v9;
	v3 =	vadd.f32 v5, v3  }
0x494: {  	[tilespmem:s23+$0x6330] =	vst v8;
	v4 =	vadd.f32 v6, v4  }
0x495: {  	[tilespmem:s23+$0x6340] =	vst v3;
	v3 =	vadd.f32 v61, v7  }
0x496: {  	[tilespmem:s23+$0x6350] =	vst v4;
	v63 =	vadd.f32 v10, v62  }
0x497: {  	s5 =	sor.u32 s31, s21;
	[tilespmem:s23+$0x6360] =	vst v3;
	v3 =	vadd.f32 v12, v11  }
0x498: {  	s5 =	sshll.u32 s5, $0x4;
	[tilespmem:s23+$0x6370] =	vst v63  }
0x499: {  	s7 =	sadd.s32 s6, s5;
	[tilespmem:s9+$0x6360] =	vst v3;
	s9 =	simm.s32 $0x6300  }
0x49a: {  	[hbm4b:s7+s4] =	stream.linear.scatter [tilespmem:s9], [sflag:$0x4], $0x400, $0x38;
	[tilespmem:$0x18300] =	vst v63  }
0x49b: {  	s24 =	simm.s32 $0x7B00;
	s8 =	sadd.s32 $0x80, s7  }
0x49c: {  	[hbm4b:s8+s4] =	stream.linear.scatter [tilespmem:s24], [sflag:$0x4], $0x400, $0x38;
	[tilespmem:$0x18300] =	vst v63  }
0x49d: {  	s28 =	simm.s32 $0x9300;
	s2 =	sadd.s32 $0x100, s7  }
0x49e: {  	[hbm4b:s2+s4] =	stream.linear.scatter [tilespmem:s28], [sflag:$0x4], $0x400, $0x38;
	[tilespmem:$0x18300] =	vst v63  }
0x49f: {  	s7 =	sadd.s32 $0x180, s7;
	s2 =	simm.s32 $0xAB00  }
0x4a0: {  	[hbm4b:s7+s4] =	stream.linear.scatter [tilespmem:s2], [sflag:$0x4], $0x400, $0x38;
	[tilespmem:$0x18300] =	vst v63  }
0x4a1: {  	s0 =	simm.s32 $0x6700;
	s3 =	sadd.s32 s5, s14  }
0x4a2: {  	[hbm4b:s3+s4] =	stream.linear.scatter [tilespmem:s0], [sflag:$0x4], $0x400, $0x38;
	[tilespmem:$0x18300] =	vst v63  }
0x4a3: {  	s21 =	simm.s32 $0x7F00;
	s19 =	sadd.s32 $0x80, s3  }
0x4a4: {  	[hbm4b:s19+s4] =	stream.linear.scatter [tilespmem:s21], [sflag:$0x4], $0x400, $0x38;
	[tilespmem:$0x18300] =	vst v63  }
0x4a5: {  	s25 =	simm.s32 $0x9700;
	s23 =	sadd.s32 $0x100, s3  }
0x4a6: {  	[hbm4b:s23+s4] =	stream.linear.scatter [tilespmem:s25], [sflag:$0x4], $0x400, $0x38;
	[tilespmem:$0x18300] =	vst v63  }
0x4a7: {  	s26 =	simm.s32 $0xAF00;
	s7 =	sadd.s32 $0x180, s3  }
0x4a8: {  	[hbm4b:s7+s4] =	stream.linear.scatter [tilespmem:s26], [sflag:$0x4], $0x400, $0x38;
	[tilespmem:$0x18300] =	vst v63  }
0x4a9: {  	s2 =	sadd.s32 s5, s15;
	s19 =	simm.s32 $0x6B00  }
0x4aa: {  	[hbm4b:s2+s4] =	stream.linear.scatter [tilespmem:s19], [sflag:$0x4], $0x400, $0x38;
	[tilespmem:$0x18300] =	vst v63  }
0x4ab: {  	s3 =	sadd.s32 $0x80, s2;
	s25 =	simm.s32 $0x8300  }
0x4ac: {  	[hbm4b:s3+s4] =	stream.linear.scatter [tilespmem:s25], [sflag:$0x4], $0x400, $0x38;
	[tilespmem:$0x18300] =	vst v63  }
0x4ad: {  	s29 =	simm.s32 $0x9B00;
	s21 =	sadd.s32 $0x100, s2  }
0x4ae: {  	[hbm4b:s21+s4] =	stream.linear.scatter [tilespmem:s29], [sflag:$0x4], $0x400, $0x38;
	[tilespmem:$0x18300] =	vst v63  }
0x4af: {  	s23 =	simm.s32 $0xB300;
	s7 =	sadd.s32 $0x180, s2  }
0x4b0: {  	[hbm4b:s7+s4] =	stream.linear.scatter [tilespmem:s23], [sflag:$0x4], $0x400, $0x38;
	[tilespmem:$0x18300] =	vst v63  }
0x4b1: {  	s26 =	simm.s32 $0x6F00;
	s7 =	sadd.s32 s5, s16  }
0x4b2: {  	[hbm4b:s7+s4] =	stream.linear.scatter [tilespmem:s26], [sflag:$0x4], $0x400, $0x38;
	[tilespmem:$0x18300] =	vst v63  }
0x4b3: {  	s3 =	simm.s32 $0x8700;
	s2 =	sadd.s32 $0x80, s7  }
0x4b4: {  	[hbm4b:s2+s4] =	stream.linear.scatter [tilespmem:s3], [sflag:$0x4], $0x400, $0x38;
	[tilespmem:$0x18300] =	vst v63  }
0x4b5: {  	s23 =	simm.s32 $0x9F00;
	s21 =	sadd.s32 $0x100, s7  }
0x4b6: {  	[hbm4b:s21+s4] =	stream.linear.scatter [tilespmem:s23], [sflag:$0x4], $0x400, $0x38;
	[tilespmem:$0x18300] =	vst v63  }
0x4b7: {  	s7 =	sadd.s32 $0x180, s7;
	s26 =	simm.s32 $0xB700  }
0x4b8: {  	[hbm4b:s7+s4] =	stream.linear.scatter [tilespmem:s26], [sflag:$0x4], $0x400, $0x38;
	[tilespmem:$0x18300] =	vst v63  }
0x4b9: {  	s0 =	sadd.s32 s5, s17;
	s23 =	simm.s32 $0x7300  }
0x4ba: {  	[hbm4b:s0+s4] =	stream.linear.scatter [tilespmem:s23], [sflag:$0x4], $0x400, $0x38;
	[tilespmem:$0x18300] =	vst v63  }
0x4bb: {  	s2 =	sadd.s32 $0x80, s0;
	s26 =	simm.s32 $0x8B00  }
0x4bc: {  	[hbm4b:s2+s4] =	stream.linear.scatter [tilespmem:s26], [sflag:$0x4], $0x400, $0x38;
	[tilespmem:$0x18300] =	vst v63  }
0x4bd: {  	s30 =	simm.s32 $0xA300;
	s3 =	sadd.s32 $0x100, s0  }
0x4be: {  	[hbm4b:s3+s4] =	stream.linear.scatter [tilespmem:s30], [sflag:$0x4], $0x400, $0x38;
	[tilespmem:$0x18300] =	vst v63  }
0x4bf: {  	s8 =	simm.s32 $0xBB00;
	s7 =	sadd.s32 $0x180, s0  }
0x4c0: {  	[hbm4b:s7+s4] =	stream.linear.scatter [tilespmem:s8], [sflag:$0x4], $0x400, $0x38;
	[tilespmem:$0x18300] =	vst v63  }
0x4c1: {  	s5 =	sadd.s32 s5, s18;
	s21 =	simm.s32 $0x7700  }
0x4c2: {  	[hbm4b:s5+s4] =	stream.linear.scatter [tilespmem:s21], [sflag:$0x4], $0x400, $0x38;
	[tilespmem:$0x18300] =	vst v63  }
0x4c3: {  	p0 =	sne.s32 s20, $0x4;
	s0 =	sadd.s32 $0x80, s5;
	s2 =	simm.s32 $0x8F00  }
0x4c4: {  	[hbm4b:s0+s4] =	stream.linear.scatter [tilespmem:s2], [sflag:$0x4], $0x400, $0x38;
	[tilespmem:$0x18300] =	vst v63  }
.Ltmp3:
0x4c5: {  	_ = 	snop;
	(pc) =	sbr.rel @p0 .LBB2_2-.Ltmp3, $4  }
0x4c6: {  	s3 =	sadd.s32 $0x100, s5;
	s8 =	simm.s32 $0xA700  }
0x4c7: {  	[hbm4b:s3+s4] =	stream.linear.scatter [tilespmem:s8], [sflag:$0x4], $0x400, $0x38;
	[tilespmem:$0x18300] =	vst v63  }
0x4c8: {  	s5 =	sadd.s32 $0x180, s5;
	s21 =	simm.s32 $0xBF00  }
0x4c9: {  	[hbm4b:s5+s4] =	stream.linear.scatter [tilespmem:s21], [sflag:$0x4], $0x400, $0x38;
	[tilespmem:$0x18300] =	vst v63  }
0x4ca: {  	_ =	swait.ge [sflag:s22], $0x1000  }
0x4cb: {  	[sflag:s22] =	ssyncset.done $0x0  }
0x4cc: {  	[sflag:s22] =	ssyncadd.s32 $0xFFFFF000  }
0x4cd: {  	_ =	swait.ge [sflag:s22], $0x1000  }
0x4ce: {  	[sflag:s22] =	ssyncset.done $0x0  }
0x4cf: {  	[sflag:s22] =	ssyncadd.s32 $0xFFFFF000  }
0x4d0: {  	_ =	swait.ge [sflag:s22], $0x1000  }
0x4d1: {  	[sflag:s22] =	ssyncset.done $0x0  }
0x4d2: {  	[sflag:s22] =	ssyncadd.s32 $0xFFFFF000  }
0x4d3: {  	_ =	swait.ge [sflag:s22], $0x1000  }
0x4d4: {  	[sflag:s22] =	ssyncset.done $0x0  }
0x4d5: {  	[sflag:s22] =	ssyncadd.s32 $0xFFFFF000  }
0x4d6: {  	_ =	swait.ge [sflag:s22], $0x1000  }
0x4d7: {  	[sflag:s22] =	ssyncset.done $0x0  }
0x4d8: {  	[sflag:s22] =	ssyncadd.s32 $0xFFFFF000  }
0x4d9: {  	_ =	swait.ge [sflag:s22], $0x1000  }
0x4da: {  	[sflag:s22] =	ssyncset.done $0x0  }
0x4db: {  	s0 =	simm.s32 $0x4;
	[sflag:s22] =	ssyncadd.s32 $0xFFFFF000  }
0x4dc: {  	_ =	swait.ge [sflag:s0], $0x1000  }
0x4dd: {  	[sflag:s0] =	ssyncset.done $0x0  }
0x4de: {  	[sflag:s0] =	ssyncadd.s32 $0xFFFFF000  }
0x4df: {  	_ =	swait.ge [sflag:s0], $0x1000  }
0x4e0: {  	[sflag:s0] =	ssyncset.done $0x0  }
0x4e1: {  	[sflag:s0] =	ssyncadd.s32 $0xFFFFF000  }
0x4e2: {  	_ =	swait.ge [sflag:s0], $0x1000  }
0x4e3: {  	[sflag:s0] =	ssyncset.done $0x0  }
0x4e4: {  	[sflag:s0] =	ssyncadd.s32 $0xFFFFF000  }
0x4e5: {  	_ =	swait.ge [sflag:s0], $0x1000  }
0x4e6: {  	[sflag:s0] =	ssyncset.done $0x0  }
0x4e7: {  	[sflag:s0] =	ssyncadd.s32 $0xFFFFF000  }
0x4e8: {  	_ =	swait.ge [sflag:s0], $0x1000  }
0x4e9: {  	[sflag:s0] =	ssyncset.done $0x0  }
0x4ea: {  	[sflag:s0] =	ssyncadd.s32 $0xFFFFF000  }
0x4eb: {  	_ =	swait.ge [sflag:s0], $0x1000  }
0x4ec: {  	s3 =	rddreg [dreg:$0x8]  }
0x4ed: {  	s2 =	rddreg [dreg:$0x7];
	s3 =	sadd.s32 $0x1, s3  }
0x4ee: {  	p0 =	sne.s32 s3, s2  }
.Ltmp4:
0x4ef: {  	_ = 	snop;
	(pc) =	sbr.rel @p0 .LBB2_1-.Ltmp4, $3  }
0x4f0: {  	_ =	sdelay $0x1  }
0x4f1: {  	[sflag:s0] =	ssyncset.done $0x0  }
0x4f2: {  	[sflag:s0] =	ssyncadd.s32 $0xFFFFF000  }
0x4f3: {  	_ =	sfence.sel $0x180000  }
0x4f4: {  	[bflag:$0x0] =	sbarrier.arrive $0xFFFF  }
0x4f5: {  	_ =	strace $0x90000047  }
0x4f6: {  	s0 =	stileid.u32;
	[bflag:$0x2] =	sbarrier.arrive $0xFFFF  }
0x4f7: {  	p0 =	sne.s32 s0, $0x0;
	s0 =	rddreg [dreg:$0x3]  }
0x4f8: {  	s0 =	sadd.s32 @!p0 $0x100000, s0  }
0x4f9: {  	[sflag:s0] =	ssyncadd.tile.s32 @!p0 $0x1;
	_ =	shalt  }
.Lfunc_end2:
_tile_overlayer_lowered:
.L_overlay_start_2:
0x4fa: {  	(tag) =	ssettag $0x2  }
0x4fb: {  	s0 =	rddreg [dreg:$0x0];
	s2 =	stileid.u32  }
0x4fc: {  	s1 =	rddreg [dreg:$0x1];
	p0 =	sne.s32 s2, $0x0  }
0x4fd: {  	s3 =	rddreg [dreg:$0x2];
	[bflag:$0x3] =	sbarrier.arrive $0xFFFF;
	s2 =	simm.s32 @!p0 $0x1C05  }
0x4fe: {  	[timem:s3], [sflag:s2] =	dma.local @!p0 [hbm:s0], s1  }
0x4ff: {  	s0 =	simm.s32 @!p0 $0x5  }
0x500: {  	_ =	swait.ge @!p0 [sflag:s0], s1  }
0x501: {  	s1 =	ssub.s32 @!p0 $0x0, s1;
	[sflag:s0] =	ssyncset.done @!p0 $0x0  }
0x502: {  	[sflag:s0] =	ssyncadd.s32 @!p0 s1  }
0x503: {  	[bflag:$0x3] =	sbarrier.arrive $0xFFFF  }
0x504: {  	_ =	shalt  }

// kernel: kernel.9.cloned.1.call-start
scs
__scs_entry_jumppad:
0x0: {  	(pc) =	sbr.rel $0x88, $3  }
0x1: {  	(tag) =	ssettag $0x0;
	lr =	simm.s32 $0x1  }
0x2: {  	[smem:$0x3F97] =	sst lr;
	_ =	strace $0xD0000000  }
0x3: {  	_ = 	snop  }
0x4: {  	_ = 	snop  }
0x5: {  	_ = 	snop  }
0x6: {  	_ = 	snop  }
0x7: {  	_ = 	snop  }
__scs_overlays_trampoline_lowered:
0x8: {  	[smem:$0x3FA6] =	sst s0  }
0x9: {  	[smem:$0x3FA7] =	sst s1  }
0xa: {  	[smem:$0x3FA8] =	sst s2  }
0xb: {  	[smem:$0x3FA9] =	sst s3  }
0xc: {  	[smem:$0x3FAA] =	sst s4  }
0xd: {  	[smem:$0x3FAB] =	sst s5  }
0xe: {  	[smem:$0x3FAC] =	sst s6  }
0xf: {  	[smem:$0x3FAD] =	sst s7  }
0x10: {  	[smem:$0x3FAE] =	sst s8  }
0x11: {  	[smem:$0x3FAF] =	sst s9;
	s0 =	simm.s32 @!p0 $0x0  }
0x12: {  	s1 =	sld [smem:$0x3F95];
	s0 =	simm.s32 @p0 $0x1  }
0x13: {  	[smem:$0x3FB0] =	sst s0;
	s0 =	simm.s32 @!p1 $0x0  }
0x14: {  	s2 =	sld [smem:$0x3F94];
	s0 =	simm.s32 @p1 $0x1  }
0x15: {  	[smem:$0x3FB1] =	sst s0;
	s0 =	simm.s32 @!p2 $0x0  }
0x16: {  	s3 =	sld [smem:$0x3FDB];
	s0 =	simm.s32 @p2 $0x1  }
0x17: {  	s4 =	simm.s32 $0x1BF5;
	[smem:$0x3FB3] =	sst s0  }
0x18: {  	s0 =	sld [smem:$0x3F96];
	_ =	swait.ge [sflag:s4], $0x0  }
0x19: {  	s7 =	sld [smem:$0x3F97]  }
0x1a: {  	s8 =	sadd.s32 $0xFFFFE003, lr  }
0x1b: {  	s9 =	sadd.s32 $0xFFFFFEF7, lr;
	s5 =	simm.s32 $0xFFFFFFFF;
	p2 =	slt.u32 s8, $0xFFFFF086  }
0x1c: {  	p1 =	slt.u32 s9, $0xF7A;
	s5 =	simm.s32 @!p2 $0x0  }
0x1d: {  	s5 =	simm.s32 @p1 $0x1;
	p0 =	seq.s32 s7, s2  }
0x1e: {  	s7 =	smul.u32 @!p0 $0xF7A, s2;
	p2 =	seq.s32 @!p0 s5, $0x0  }
0x1f: {  	s9 =	smul.u32 $0xF7A, s1;
	s8 =	simm.s32 @!p0 $0x1BF5;
	p2 =	por !p2, p0  }
0x20: {  	[sflag:s8] =	ssyncset.s32 @!p0 $0xFFFFF086;
	s6 =	sadd.s32 @!p0 s3, s7;
	s7 =	simm.s32 @!p0 $0x108  }
0x21: {  	s3 =	sadd.s32 s3, s9;
	s6 =	sadd.s32 @!p0 $0x88, s6;
	s7 =	simm.s32 @p2 $0x1082  }
0x22: {  	[simem:s7], [sflag:s8] =	dma.local @!p0 [hbm:s6], $0xF7A  }
0x23: {  	s9 =	sor.u32 $0xD0000000, s2;
	s6 =	simm.s32 $0x108;
	_ =	swait.ge @!p0 [sflag:s8], $0x0  }
0x24: {  	s3 =	sadd.s32 $0x88, s3;
	s6 =	simm.s32 @!p1 $0x1082;
	[sflag:s4] =	ssyncset.s32 $0xFFFFF086  }
0x25: {  	[simem:s6], [sflag:s4] =	dma.local [hbm:s3], $0xF7A  }
0x26: {  	[smem:$0x3F97] =	sst s1;
	(tag) =	ssettag s2;
	_ =	strace s9  }
0x27: {  	s1 =	sld [smem:$0x3FA7]  }
0x28: {  	s2 =	sld [smem:$0x3FA8]  }
0x29: {  	s4 =	sld [smem:$0x3FAA]  }
0x2a: {  	p0 =	seq.s32 s5, $0x0;
	s5 =	sld [smem:$0x3FAB]  }
0x2b: {  	s6 =	sld [smem:$0x3FAC]  }
0x2c: {  	s7 =	sld [smem:$0x3FAD]  }
0x2d: {  	s3 =	simm.s32 $0x108;
	s8 =	sld [smem:$0x3FAE]  }
0x2e: {  	s3 =	simm.s32 @!p0 $0x1082;
	s9 =	sld [smem:$0x3FAF]  }
0x2f: {  	lr =	sadd.s32 s0, s3;
	s0 =	sld [smem:$0x3FA6]  }
0x30: {  	s3 =	sld [smem:$0x3FA9]  }
0x31: {  	[smem:$0x3FB2] =	sst s10  }
0x32: {  	s10 =	sld [smem:$0x3FB0];
	_ =	sdelay $0x3  }
0x33: {  	p0 =	seq.s32 s10, $0x1;
	s10 =	sld [smem:$0x3FB2];
	_ =	sdelay $0x3  }
0x34: {  	[smem:$0x3FB2] =	sst s10  }
0x35: {  	s10 =	sld [smem:$0x3FB1];
	_ =	sdelay $0x3  }
0x36: {  	p1 =	seq.s32 s10, $0x1;
	s10 =	sld [smem:$0x3FB2];
	_ =	sdelay $0x3  }
0x37: {  	[smem:$0x3FB2] =	sst s10  }
0x38: {  	s10 =	sld [smem:$0x3FB3]  }
0x39: {  	_ = 	snop;
	(pc) =	sbr.ind lr, $3  }
0x3a: {  	_ = 	snop  }
0x3b: {  	_ = 	snop  }
0x3c: {  	p2 =	seq.s32 s10, $0x1;
	s10 =	sld [smem:$0x3FB2]  }
0x3d: {  	_ =	shalt  }
0x3e: {  	_ =	shalt  }
0x3f: {  	_ =	shalt  }
0x40: {  	_ =	shalt  }
0x41: {  	_ =	shalt  }
0x42: {  	_ =	shalt  }
0x43: {  	_ =	shalt  }
0x44: {  	_ =	shalt  }
0x45: {  	_ =	shalt  }
0x46: {  	_ =	shalt  }
0x47: {  	_ =	shalt  }
0x48: {  	_ =	shalt  }
0x49: {  	_ =	shalt  }
0x4a: {  	_ =	shalt  }
0x4b: {  	_ =	shalt  }
0x4c: {  	_ =	shalt  }
0x4d: {  	_ =	shalt  }
0x4e: {  	_ =	shalt  }
0x4f: {  	_ =	shalt  }
0x50: {  	_ =	shalt  }
0x51: {  	_ =	shalt  }
0x52: {  	_ =	shalt  }
0x53: {  	_ =	shalt  }
0x54: {  	_ =	shalt  }
0x55: {  	_ =	shalt  }
0x56: {  	_ =	shalt  }
0x57: {  	_ =	shalt  }
0x58: {  	_ =	shalt  }
0x59: {  	_ =	shalt  }
0x5a: {  	_ =	shalt  }
0x5b: {  	_ =	shalt  }
0x5c: {  	_ =	shalt  }
0x5d: {  	_ =	shalt  }
0x5e: {  	_ =	shalt  }
0x5f: {  	_ =	shalt  }
0x60: {  	_ =	shalt  }
0x61: {  	_ =	shalt  }
0x62: {  	_ =	shalt  }
0x63: {  	_ =	shalt  }
0x64: {  	_ =	shalt  }
0x65: {  	_ =	shalt  }
0x66: {  	_ =	shalt  }
0x67: {  	_ =	shalt  }
0x68: {  	_ =	shalt  }
0x69: {  	_ =	shalt  }
0x6a: {  	_ =	shalt  }
0x6b: {  	_ =	shalt  }
0x6c: {  	_ =	shalt  }
0x6d: {  	_ =	shalt  }
0x6e: {  	_ =	shalt  }
0x6f: {  	_ =	shalt  }
0x70: {  	_ =	shalt  }
0x71: {  	_ =	shalt  }
0x72: {  	_ =	shalt  }
0x73: {  	_ =	shalt  }
0x74: {  	_ =	shalt  }
0x75: {  	_ =	shalt  }
0x76: {  	_ =	shalt  }
0x77: {  	_ =	shalt  }
0x78: {  	_ =	shalt  }
0x79: {  	_ =	shalt  }
0x7a: {  	_ =	shalt  }
0x7b: {  	_ =	shalt  }
0x7c: {  	_ =	shalt  }
0x7d: {  	_ =	shalt  }
0x7e: {  	_ =	shalt  }
0x7f: {  	_ =	shalt  }
0x80: {  	_ =	shalt  }
0x81: {  	_ =	shalt  }
0x82: {  	_ =	shalt  }
0x83: {  	_ =	shalt  }
0x84: {  	_ =	shalt  }
0x85: {  	_ =	shalt  }
0x86: {  	_ =	shalt  }
0x87: {  	_ =	shalt  }
.Lfunc_end0:
.L_simem_size_0:
called_computation.1_lowered:
.L_overlay_start_0:
0x88: {  	s2 =	sld [smem:$0x3FD9]  }
0x89: {  	s3 =	sld [smem:$0x3FFE];
	_ =	sdelay $0x1  }
0x8a: {  	s1 =	srdreg.scid  }
0x8b: {  	s0 =	sand.u32 $0x1, s1  }
0x8c: {  	s17 =	sshll.u32 s0, $0xA;
	s2 =	sadd.s32 s3, s2  }
0x8d: {  	s2 =	sadd.s32 s2, s17  }
0x8e: {  	[smem:$0x3FBE] =	sst s2  }
0x8f: {  	_ = 	snop  }
0x90: {  	s2 =	sld [smem:$0x3FC7]  }
0x91: {  	s18 =	sld [smem:$0x3FD0];
	(tm) =	ssettm $0x1  }
0x92: {  	s4 =	sld [smem:$0x3FFB];
	_ =	sdelay $0x3  }
0x93: {  	_ =	strace s4  }
0x94: {  	s4 =	sld [smem:$0x3FFC];
	_ =	sdelay $0x3  }
0x95: {  	_ =	strace s4  }
0x96: {  	s4 =	sld [smem:$0x3FFD];
	_ =	sdelay $0x3  }
0x97: {  	_ =	strace s4  }
0x98: {  	_ =	strace $0x8FFFFFFF  }
0x99: {  	s19 =	sld [smem:$0x3FDB];
	_ =	sdelay $0x1  }
0x9a: {  	s5 =	simm.s32 $_scs_section_size  }
0x9b: {  	s6 =	simm.s32 $_size__tile_overlayer_lowered;
	s7 =	simm.s32 $_tile_overlayer_lowered  }
0x9c: {  	s22 =	simm.s32 $0x1BFF;
	s21 =	sshll.u32 s7, $0x1;
	s4 =	sadd.s32 s5, s19  }
0x9d: {  	s8 =	simm.s32 $0x0;
	s20 =	sshll.u32 s6, $0x1;
	s6 =	sadd.s32 s21, s4  }
0x9e: {  	[timem:s8], [sflag:s22] =	dma.local [hbm:s6], s20  }
0x9f: {  	_ =	swait.ge [sflag:s22], s20  }
0xa0: {  	s5 =	ssub.s32 $0x0, s20;
	[sflag:s22] =	ssyncset.done $0x0  }
0xa1: {  	[sflag:s22] =	ssyncadd.s32 s5;
	_ =	sdelay $0x1  }
0xa2: {  	s23 =	simm.s32 $0x1B8B  }
0xa3: {  	_ =	swait.ge [sflag:s23], $0x1  }
0xa4: {  	[sflag:s23] =	ssyncset.done $0x0  }
0xa5: {  	s25 =	simm.s32 $0x1B8E;
	s24 =	sld [smem:$0x3FFE];
	[sflag:s23] =	ssyncadd.s32 $0xFFFFFFFF  }
0xa6: {  	s26 =	simm.s32 $execute0_lowered;
	[smem:$0x3FD2] =	sst s25  }
0xa7: {  	s6 =	sshll.u32 s26, $0x1;
	_ =	strace $0x80000049;
	[dreg:$0x1] =	wrdreg $0xFFFFFFFF  }
0xa8: {  	s28 =	simm.s32 $_size_execute0_lowered;
	s4 =	sadd.s32 s4, s6;
	[dreg:$0x0] =	wrdreg $0x0  }
0xa9: {  	s6 =	sshll.u32 s28, $0x1;
	[dreg:$0x2] =	wrdreg s4  }
0xaa: {  	[dreg:$0x3] =	wrdreg s6  }
0xab: {  	[dreg:$0x4] =	wrdreg $0xC0  }
0xac: {  	_ =	task [dreg:s8], $0x5FFFF  }
0xad: {  	[dreg:$0x1] =	wrdreg $0xFFFFFFFF  }
0xae: {  	[dreg:$0x0] =	wrdreg $0x60  }
0xaf: {  	[dreg:$0x2] =	wrdreg s24  }
0xb0: {  	[dreg:$0x3] =	wrdreg s2  }
0xb1: {  	[dreg:$0x4] =	wrdreg s18  }
0xb2: {  	[dreg:$0x5] =	wrdreg $0x52000  }
0xb3: {  	[dreg:$0x6] =	wrdreg $0x9  }
0xb4: {  	_ =	task.clear_ibuf [dreg:s8], $0x7FFFF;
	_ =	strace $0x90000049  }
0xb5: {  	s29 =	simm.s32 $0x9;
	_ =	strace $0x8000004B  }
0xb6: {  	_ =	swait.ge [sflag:s29], $0x1  }
0xb7: {  	[sflag:s29] =	ssyncadd.s32 $0xFFFFFFFF  }
0xb8: {  	_ =	strace $0x9000004B  }
0xb9: {  	_ =	sfence  }
0xba: {  	s30 =	sld [smem:$0x0];
	_ =	sdelay $0x2  }
0xbb: {  	s31 =	sshll.u32 s1, $0xD;
	s1 =	sshrl.u32 s1, $0x2  }
0xbc: {  	s3 =	sand.u32 $0x4000, s31;
	s1 =	sadd.s32 s1, s30  }
0xbd: {  	s0 =	sor.u32 s3, s0;
	s1 =	sshll.u32 s1, $0x11  }
0xbe: {  	s0 =	sor.u32 s1, s0  }
0xbf: {  	s0 =	sadd.s32 $0x8F2B, s0  }
0xc0: {  	[sflag:s0] =	ssyncadd.remote.s32 $0x1  }
0xc1: {  	_ =	sfence.sel $0xFFFF  }
0xc2: {  	[dreg:$0x0] =	wrdreg $0xFFFFFFFF;
	(pc) =	sbr.abs _section_cstart, $3  }
0xc3: {  	[dreg:$0x1] =	wrdreg $0xFFFFFFFF  }
0xc4: {  	_ =	task.clear_ibuf [dreg:s8], $0x2FFFF;
	_ =	strace $0x9FFFFFFF  }
0xc5: {  	(tm) =	ssettm $0x7FFFFFFF  }
tec
execute0_lowered:
.L_overlay_start_1:
0x0: {  	(tag) =	ssettag $0x1  }
0x1: {  	s0 =	rddreg [dreg:$0x0]  }
0x2: {  	s2 =	rddreg [dreg:$0x1]  }
0x3: {  	s5 =	rddreg [dreg:$0x2]  }
0x4: {  	s1 =	rddreg [dreg:$0x3];
	s3 =	simm.s32 $0x0;
	s4 =	srdreg.scid  }
0x5: {  	s12 =	stileid.u32;
	[smem:$0x7FF] =	sst s3;
	s6 =	sand.u32 $0x1, s4  }
0x6: {  	s4 =	sadd.s32 $0x2400, s0;
	s7 =	sshll.u32 s12, $0x7;
	s10 =	smul.u32 $0x60000, s12  }
0x7: {  	s12 =	smul.u32 $0x3000, s12;
	_ =	strace $0x8000004A;
	s8 =	ssub.s32 $0x2, s6  }
0x8: {  	s0 =	sadd.s32 s7, s0;
	s11 =	smul.u32 $0x30000, s6;
	s2 =	sadd.s32 s2, s7  }
0x9: {  	s9 =	sshrl.u32 s8, $0x1;
	s25 =	sadd.s32 $0xC3400, s0;
	[dreg:$0x8] =	wrdreg s2  }
0xa: {  	s26 =	sadd.s32 $0xC2C00, s0;
	s0 =	sadd.s32 $0xC2400, s0;
	[dreg:$0x5] =	wrdreg s25  }
0xb: {  	s13 =	sshrl.u32 s10, $0x2;
	[dreg:$0x7] =	wrdreg s0;
	s0 =	sadd.s32 s12, s11  }
0xc: {  	s8 =	ssub.s32 s8, s9;
	[dreg:$0x6] =	wrdreg s26;
	s0 =	sadd.s32 s5, s0  }
0xd: {  	s9 =	sadd.s32 s13, s1;
	s15 =	smax.u32 s8, $0x1;
	[dreg:$0x9] =	wrdreg s0  }
0xe: {  	s28 =	simm.s32 $0x1200;
	s16 =	sadd.s32 $0x2000, s9;
	[dreg:$0xa] =	wrdreg s15  }
0xf: {  	s29 =	simm.s32 $0x5;
	s17 =	sadd.s32 $0x4000, s9;
	[dreg:$0xb] =	wrdreg s16  }
0x10: {  	s30 =	simm.s32 $0x40;
	s18 =	sadd.s32 $0x6000, s9;
	[dreg:$0xc] =	wrdreg s17  }
0x11: {  	s31 =	simm.s32 $0x1000;
	s19 =	sadd.s32 $0x8000, s9;
	[dreg:$0xd] =	wrdreg s18  }
0x12: {  	s14 =	smul.u32 $0x6000, s6;
	s20 =	sadd.s32 $0xA000, s9;
	[dreg:$0xe] =	wrdreg s19  }
0x13: {  	s7 =	simm.s32 $0x4;
	s21 =	sadd.s32 $0xC000, s9;
	[dreg:$0xf] =	wrdreg s20  }
0x14: {  	s10 =	smul.u32 $0x3, s6;
	s22 =	sadd.s32 $0xE000, s9;
	[dreg:$0x10] =	wrdreg s21  }
0x15: {  	s2 =	simm.s32 $0x2;
	s23 =	sadd.s32 $0x10000, s9;
	[dreg:$0x11] =	wrdreg s22  }
0x16: {  	s6 =	simm.s32 $0x3;
	s24 =	sadd.s32 $0x12000, s9;
	[dreg:$0x12] =	wrdreg s23  }
0x17: {  	s11 =	simm.s32 $0x0;
	s25 =	sadd.s32 $0x14000, s9;
	[dreg:$0x13] =	wrdreg s24  }
0x18: {  	s26 =	sadd.s32 $0x16000, s9;
	s5 =	simm.s32 $0x1080;
	[dreg:$0x14] =	wrdreg s25  }
0x19: {  	s8 =	simm.s32 $0x6;
	[dreg:$0x15] =	wrdreg s26;
	s26 =	simm.s32 $0xC00  }
0x1a: {  	v1 =	vimm.f32 $0.0e+00;
	v0 =	vmov s14;
	s0 =	simm.s32 $0x1180;
	s24 =	simm.s32 $0x3200;
	s25 =	simm.s32 $0x1  }
.LBB2_1:
0x1b: {  	s12 =	rddreg [dreg:$0x5]  }
0x1c: {  	[tilespmem:s3], [sflag:$0x5] =	stream.linear.gather [hbm4b:s12+s3], $0x400, $0x38;
	[tilespmem:$0x1D200] =	vst v63  }
0x1d: {  	s20 =	rddreg [dreg:$0x6];
	s13 =	simm.s32 $0x400  }
0x1e: {  	[tilespmem:s13], [sflag:$0x5] =	stream.linear.gather [hbm4b:s20+s3], $0x400, $0x38;
	[tilespmem:$0x1D200] =	vst v63  }
0x1f: {  	s21 =	rddreg [dreg:$0x7];
	s22 =	simm.s32 $0x800  }
0x20: {  	[tilespmem:s22], [sflag:$0x5] =	stream.linear.gather [hbm4b:s21+s3], $0x400, $0x38;
	[tilespmem:$0x1D200] =	vst v63  }
0x21: {  	s23 =	rddreg [dreg:$0x8];
	s12 =	simm.s32 $0x0;
	s13 =	simm.s32 $0x200  }
0x22: {  	[tilespmem:s26], [sflag:$0x5] =	stream.linear.gather [hbm4b:s23+s3], $0x400, $0x38;
	[tilespmem:$0x1D200] =	vst v63  }
.LBB2_2:
0x23: {  	p0 =	sne.s32 s13, $0x7E00;
	[tilespmem:s12+$0x1270] =	vst v1  }
0x24: {  	[tilespmem:s12+$0x1200] =	vst v1  }
0x25: {  	[tilespmem:s12+$0x1210] =	vst v1  }
.Ltmp0:
0x26: {  	[tilespmem:s12+$0x1220] =	vst v1;
	(pc) =	sbr.rel @p0 .LBB2_2-.Ltmp0, $4  }
0x27: {  	[tilespmem:s12+$0x1230] =	vst v1  }
0x28: {  	[tilespmem:s12+$0x1240] =	vst v1  }
0x29: {  	[tilespmem:s12+$0x1250] =	vst v1  }
0x2a: {  	[tilespmem:s12+$0x1260] =	vst v1;
	s12 =	sshra.s32 s13, $0x2;
	s13 =	sadd.s32 $0x200, s13  }
0x2b: {  	[tilespmem:s12+$0x1270] =	vst v1  }
0x2c: {  	[tilespmem:s12+$0x1200] =	vst v1  }
0x2d: {  	[tilespmem:s12+$0x1210] =	vst v1  }
0x2e: {  	[tilespmem:s12+$0x1220] =	vst v1  }
0x2f: {  	[tilespmem:s12+$0x1230] =	vst v1  }
0x30: {  	[tilespmem:s12+$0x1240] =	vst v1  }
0x31: {  	[tilespmem:s12+$0x1250] =	vst v1  }
0x32: {  	[tilespmem:s12+$0x1260] =	vst v1  }
0x33: {  	[spmem:s9] =	stream.linear.scatter [tilespmem:s28], [sflag:$0x5], $0x2000, $0x38;
	[tilespmem:$0x1D200] =	vst v63  }
0x34: {  	s23 =	rddreg [dreg:$0xb]  }
0x35: {  	[spmem:s23] =	stream.linear.scatter [tilespmem:s28], [sflag:$0x5], $0x2000, $0x38;
	[tilespmem:$0x1D200] =	vst v63  }
0x36: {  	s13 =	rddreg [dreg:$0xc]  }
0x37: {  	[spmem:s13] =	stream.linear.scatter [tilespmem:s28], [sflag:$0x5], $0x2000, $0x38;
	[tilespmem:$0x1D200] =	vst v63  }
0x38: {  	s14 =	rddreg [dreg:$0xd]  }
0x39: {  	[spmem:s14] =	stream.linear.scatter [tilespmem:s28], [sflag:$0x5], $0x2000, $0x38;
	[tilespmem:$0x1D200] =	vst v63  }
0x3a: {  	s15 =	rddreg [dreg:$0xe]  }
0x3b: {  	[spmem:s15] =	stream.linear.scatter [tilespmem:s28], [sflag:$0x5], $0x2000, $0x38;
	[tilespmem:$0x1D200] =	vst v63  }
0x3c: {  	s16 =	rddreg [dreg:$0xf]  }
0x3d: {  	[spmem:s16] =	stream.linear.scatter [tilespmem:s28], [sflag:$0x5], $0x2000, $0x38;
	[tilespmem:$0x1D200] =	vst v63  }
0x3e: {  	s17 =	rddreg [dreg:$0x10]  }
0x3f: {  	[spmem:s17] =	stream.linear.scatter [tilespmem:s28], [sflag:$0x5], $0x2000, $0x38;
	[tilespmem:$0x1D200] =	vst v63  }
0x40: {  	s18 =	rddreg [dreg:$0x11]  }
0x41: {  	[spmem:s18] =	stream.linear.scatter [tilespmem:s28], [sflag:$0x5], $0x2000, $0x38;
	[tilespmem:$0x1D200] =	vst v63  }
0x42: {  	s19 =	rddreg [dreg:$0x12]  }
0x43: {  	[spmem:s19] =	stream.linear.scatter [tilespmem:s28], [sflag:$0x5], $0x2000, $0x38;
	[tilespmem:$0x1D200] =	vst v63  }
0x44: {  	s20 =	rddreg [dreg:$0x13]  }
0x45: {  	[spmem:s20] =	stream.linear.scatter [tilespmem:s28], [sflag:$0x5], $0x2000, $0x38;
	[tilespmem:$0x1D200] =	vst v63  }
0x46: {  	s21 =	rddreg [dreg:$0x14]  }
0x47: {  	[spmem:s21] =	stream.linear.scatter [tilespmem:s28], [sflag:$0x5], $0x2000, $0x38;
	[tilespmem:$0x1D200] =	vst v63  }
0x48: {  	s22 =	rddreg [dreg:$0x15]  }
0x49: {  	[spmem:s22] =	stream.linear.scatter [tilespmem:s28], [sflag:$0x5], $0x2000, $0x38;
	[tilespmem:$0x1D200] =	vst v63  }
0x4a: {  	_ =	swait.ge [sflag:s29], $0x400  }
0x4b: {  	[sflag:s29] =	ssyncset.done $0x0  }
0x4c: {  	[sflag:s29] =	ssyncadd.s32 $0xFFFFFC00  }
0x4d: {  	_ =	swait.ge [sflag:s29], $0x400  }
0x4e: {  	[sflag:s29] =	ssyncset.done $0x0  }
0x4f: {  	[sflag:s29] =	ssyncadd.s32 $0xFFFFFC00  }
0x50: {  	_ =	swait.ge [sflag:s29], $0x400  }
0x51: {  	[sflag:s29] =	ssyncset.done $0x0  }
0x52: {  	[sflag:s29] =	ssyncadd.s32 $0xFFFFFC00  }
0x53: {  	_ =	swait.ge [sflag:s29], $0x400  }
0x54: {  	[sflag:s29] =	ssyncset.done $0x0  }
0x55: {  	[sflag:s29] =	ssyncadd.s32 $0xFFFFFC00  }
0x56: {  	_ =	swait.ge [sflag:s29], $0x2000  }
0x57: {  	[sflag:s29] =	ssyncset.done $0x0  }
0x58: {  	[sflag:s29] =	ssyncadd.s32 $0xFFFFE000  }
0x59: {  	_ =	swait.ge [sflag:s29], $0x2000  }
0x5a: {  	[sflag:s29] =	ssyncset.done $0x0  }
0x5b: {  	[sflag:s29] =	ssyncadd.s32 $0xFFFFE000  }
0x5c: {  	_ =	swait.ge [sflag:s29], $0x2000  }
0x5d: {  	[sflag:s29] =	ssyncset.done $0x0  }
0x5e: {  	[sflag:s29] =	ssyncadd.s32 $0xFFFFE000  }
0x5f: {  	_ =	swait.ge [sflag:s29], $0x2000  }
0x60: {  	[sflag:s29] =	ssyncset.done $0x0  }
0x61: {  	[sflag:s29] =	ssyncadd.s32 $0xFFFFE000  }
0x62: {  	_ =	swait.ge [sflag:s29], $0x2000  }
0x63: {  	[sflag:s29] =	ssyncset.done $0x0  }
0x64: {  	[sflag:s29] =	ssyncadd.s32 $0xFFFFE000  }
0x65: {  	_ =	swait.ge [sflag:s29], $0x2000  }
0x66: {  	[sflag:s29] =	ssyncset.done $0x0  }
0x67: {  	[sflag:s29] =	ssyncadd.s32 $0xFFFFE000  }
0x68: {  	_ =	swait.ge [sflag:s29], $0x2000  }
0x69: {  	[sflag:s29] =	ssyncset.done $0x0  }
0x6a: {  	[sflag:s29] =	ssyncadd.s32 $0xFFFFE000  }
0x6b: {  	_ =	swait.ge [sflag:s29], $0x2000  }
0x6c: {  	[sflag:s29] =	ssyncset.done $0x0  }
0x6d: {  	[sflag:s29] =	ssyncadd.s32 $0xFFFFE000  }
0x6e: {  	_ =	swait.ge [sflag:s29], $0x2000  }
0x6f: {  	[sflag:s29] =	ssyncset.done $0x0  }
0x70: {  	[sflag:s29] =	ssyncadd.s32 $0xFFFFE000  }
0x71: {  	_ =	swait.ge [sflag:s29], $0x2000  }
0x72: {  	[sflag:s29] =	ssyncset.done $0x0  }
0x73: {  	[sflag:s29] =	ssyncadd.s32 $0xFFFFE000  }
0x74: {  	_ =	swait.ge [sflag:s29], $0x2000  }
0x75: {  	[sflag:s29] =	ssyncset.done $0x0  }
0x76: {  	[sflag:s29] =	ssyncadd.s32 $0xFFFFE000  }
0x77: {  	_ =	swait.ge [sflag:s29], $0x2000  }
0x78: {  	[sflag:s29] =	ssyncset.done $0x0  }
0x79: {  	[sflag:s29] =	ssyncadd.s32 $0xFFFFE000  }
0x7a: {  	v2 =	vld [tilespmem:$0x0]  }
0x7b: {  	v3 =	vld [tilespmem:$0x400]  }
0x7c: {  	v4 =	vld [tilespmem:$0x800]  }
0x7d: {  	v5 =	vld [tilespmem:$0x10]  }
0x7e: {  	v6 =	vld [tilespmem:$0x410]  }
0x7f: {  	v7 =	vld [tilespmem:$0x810]  }
0x80: {  	v8 =	vld [tilespmem:$0x20]  }
0x81: {  	v9 =	vld [tilespmem:$0x420]  }
0x82: {  	v11 =	vld [tilespmem:$0x820];
	v10 =	vshll.u32 v2, $0x8;
	v2 =	vshll.u32 v2, $0x9  }
0x83: {  	v58 =	vld [tilespmem:$0x30];
	v3 =	vadd.s32 v3, v10;
	v2 =	vadd.s32 v0, v2  }
0x84: {  	v60 =	vld [tilespmem:$0x430];
	v59 =	vshll.u32 v5, $0x9;
	[tilespmem:$0x1000] =	vst v3;
	v2 =	vadd.s32 v4, v2;
	v3 =	vshll.u32 v5, $0x8  }
0x85: {  	v61 =	vld [tilespmem:$0x830];
	[tilespmem:$0x1100] =	vst v2;
	v2 =	vadd.s32 v6, v3;
	v3 =	vadd.s32 v0, v59  }
0x86: {  	v62 =	vshll.u32 v8, $0x9;
	[tilespmem:$0x1010] =	vst v2;
	v2 =	vadd.s32 v7, v3;
	v3 =	vshll.u32 v8, $0x8  }
0x87: {  	[tilespmem:$0x1110] =	vst v2;
	v2 =	vadd.s32 v9, v3;
	v3 =	vadd.s32 v0, v62  }
0x88: {  	v63 =	vshll.u32 v58, $0x9;
	[tilespmem:$0x1020] =	vst v2;
	v2 =	vadd.s32 v11, v3;
	v3 =	vshll.u32 v58, $0x8  }
0x89: {  	[tilespmem:$0x1120] =	vst v2;
	v2 =	vadd.s32 v60, v3;
	v3 =	vadd.s32 v0, v63  }
0x8a: {  	[tilespmem:$0x1030] =	vst v2;
	v2 =	vadd.s32 v61, v3  }
0x8b: {  	s12 =	simm.s32 $0x1;
	s23 =	simm.s32 $0x1100;
	[tilespmem:$0x1130] =	vst v2  }
0x8c: {  	[tilespmem:s28], [sflag:$0x1] =	stream.indirect.gather [hbm4b:s4+s30], $0x80, s23, s30, $0xb8;
	[tilespmem:$0x1D200] =	vst v63  }
0x8d: {  	s13 =	simm.s32 $0x0;
	s15 =	simm.s32 $0x0;
	[bflag:$0x0] =	sbarrier.arrive $0xFFFF  }
.LBB2_4:
0x8e: {  	s16 =	sshll.u32 s15, $0x1  }
0x8f: {  	s14 =	sor.u32 $0x1, s16  }
0x90: {  	p0 =	seq.s32 s15, $0x0;
	s17 =	sand.u32 $0xFF, s14  }
0x91: {  	s18 =	simm.s32 @!p0 $0x4;
	s17 =	smul.u32 $0xAB, s17  }
0x92: {  	_ =	swait.ge @!p0 [sflag:s18], $0x2000  }
0x93: {  	[sflag:s18] =	ssyncset.done @!p0 $0x0;
	s17 =	sshrl.u32 s17, $0x9  }
0x94: {  	[sflag:s18] =	ssyncadd.s32 @!p0 $0xFFFFE000;
	s19 =	sshll.u32 s17, $0x6  }
0x95: {  	v2 =	vld [tilespmem:s19+$0x0]  }
0x96: {  	s17 =	smul.u32 $0x3, s17;
	v3 =	vld [tilespmem:s19+$0x400];
	_ =	sdelay $0x1  }
0x97: {  	s14 =	ssub.s32 s14, s17  }
0x98: {  	s14 =	sand.u32 $0xFF, s14  }
0x99: {  	s18 =	sshll.u32 s14, $0xC  }
0x9a: {  	v4 =	vshll.u32 v2, $0x8;
	v3 =	vadd.s32 s18, v3  }
0x9b: {  	v3 =	vadd.s32 v4, v3  }
0x9c: {  	[tilespmem:$0x1080] =	vst v3  }
0x9d: {  	v3 =	vld [tilespmem:s19+$0x800];
	_ =	sdelay $0x1  }
0x9e: {  	s14 =	sadd.s32 s14, s10  }
0x9f: {  	s14 =	sshll.u32 s14, $0xD;
	v2 =	vshll.u32 v2, $0x9  }
0xa0: {  	v2 =	vadd.s32 s14, v2  }
0xa1: {  	v2 =	vadd.s32 v3, v2  }
0xa2: {  	[tilespmem:$0x1180] =	vst v2  }
0xa3: {  	v2 =	vld [tilespmem:s19+$0x10]  }
0xa4: {  	v3 =	vld [tilespmem:s19+$0x410];
	_ =	sdelay $0x4  }
0xa5: {  	v4 =	vshll.u32 v2, $0x8;
	v3 =	vadd.s32 s18, v3  }
0xa6: {  	v3 =	vadd.s32 v4, v3  }
0xa7: {  	[tilespmem:$0x1090] =	vst v3  }
0xa8: {  	v3 =	vld [tilespmem:s19+$0x810];
	_ =	sdelay $0x2  }
0xa9: {  	v2 =	vshll.u32 v2, $0x9  }
0xaa: {  	v2 =	vadd.s32 s14, v2  }
0xab: {  	v2 =	vadd.s32 v3, v2  }
0xac: {  	[tilespmem:$0x1190] =	vst v2  }
0xad: {  	v2 =	vld [tilespmem:s19+$0x20]  }
0xae: {  	v3 =	vld [tilespmem:s19+$0x420];
	_ =	sdelay $0x4  }
0xaf: {  	v4 =	vshll.u32 v2, $0x8;
	v3 =	vadd.s32 s18, v3  }
0xb0: {  	v3 =	vadd.s32 v4, v3  }
0xb1: {  	[tilespmem:$0x10A0] =	vst v3  }
0xb2: {  	v3 =	vld [tilespmem:s19+$0x820];
	_ =	sdelay $0x2  }
0xb3: {  	v2 =	vshll.u32 v2, $0x9  }
0xb4: {  	v2 =	vadd.s32 s14, v2  }
0xb5: {  	v2 =	vadd.s32 v3, v2  }
0xb6: {  	[tilespmem:$0x11A0] =	vst v2  }
0xb7: {  	v2 =	vld [tilespmem:s19+$0x30]  }
0xb8: {  	v3 =	vld [tilespmem:s19+$0x430];
	_ =	sdelay $0x4  }
0xb9: {  	s20 =	smulhi.u32 $0xAAAAAAAB, s13;
	v4 =	vshll.u32 v2, $0x8;
	v3 =	vadd.s32 s18, v3  }
0xba: {  	v3 =	vadd.s32 v4, v3  }
0xbb: {  	s21 =	sshll.u32 s20, $0x5;
	[tilespmem:$0x10B0] =	vst v3  }
0xbc: {  	s18 =	sand.u32 $0xFFFFFFC0, s21;
	v3 =	vld [tilespmem:s19+$0x830]  }
0xbd: {  	s22 =	sadd.s32 $0xFFFFFFFC, s18  }
0xbe: {  	s23 =	sadd.s32 $0x6, s22  }
0xbf: {  	v2 =	vshll.u32 v2, $0x9;
	v4 =	vmov s23  }
0xc0: {  	v2 =	vadd.s32 s14, v2;
	v4 =	vand.u32 $0xFFFFFFFE, v4  }
0xc1: {  	v4 =	vbroadcast v4, $0x0;
	v2 =	vadd.s32 v3, v2  }
0xc2: {  	s20 =	sadd.s32 $0x4, s22;
	[tilespmem:$0x11B0] =	vst v2  }
0xc3: {  	[tilespmem:s24], [sflag:$0x2] =	stream.indirect.gather [hbm4b:s4+s30], $0x80, s0, s30, $0xb8;
	[tilespmem:$0x1D200] =	vst v63  }
0xc4: {  	v3 =	vmov s20;
	_ =	swait.ge [sflag:s25], $0x2000  }
0xc5: {  	v2 =	vand.u32 $0xFFFFFFFC, v3;
	[sflag:s25] =	ssyncset.done $0x0  }
0xc6: {  	v3 =	vbroadcast v2, $0x0;
	[sflag:s25] =	ssyncadd.s32 $0xFFFFE000  }
0xc7: {  	s17 =	simm.s32 $0x1300;
	v2 =	vld.idx.msk [tilespmem:v4+s26+$0x0], $0xffff  }
0xc8: {  	s21 =	sadd.s32 $0x5, s22;
	v4 =	vld [tilespmem:s17+$0x70]  }
0xc9: {  	v5 =	vmov s21;
	v6 =	vld [tilespmem:s17+$0xFFFFFF00]  }
0xca: {  	v5 =	vand.u32 $0xFFFFFFFD, v5;
	v7 =	vld [tilespmem:s17+$0xFFFFFF10]  }
0xcb: {  	v5 =	vbroadcast v5, $0x0;
	v8 =	vld [tilespmem:s17+$0xFFFFFF20]  }
0xcc: {  	v3 =	vld.idx.msk [tilespmem:v3+s26+$0x0], $0xffff  }
0xcd: {  	v9 =	vld [tilespmem:s17+$0xFFFFFF30]  }
0xce: {  	v10 =	vld [tilespmem:s17+$0xFFFFFF40]  }
0xcf: {  	v11 =	vld [tilespmem:s17+$0xFFFFFF50]  }
0xd0: {  	v12 =	vld [tilespmem:s17+$0xFFFFFF60];
	v4 =	vmul.f32 v4, v2  }
0xd1: {  	v5 =	vld.idx.msk [tilespmem:v5+s26+$0x0], $0xffff;
	v6 =	vmul.f32 v6, v3  }
0xd2: {  	v63 =	vld [tilespmem:s17+$0xFFFFFFC0];
	[tilespmem:s17+$0x70] =	vst v4;
	v4 =	vmul.f32 v8, v3  }
0xd3: {  	[tilespmem:s17+$0xFFFFFF00] =	vst v6;
	v6 =	vmul.f32 v7, v3;
	v7 =	vld [tilespmem:s17+$0xFFFFFF70]  }
0xd4: {  	s22 =	sadd.s32 $0x7, s22;
	v8 =	vld [tilespmem:s17+$0xFFFFFF80];
	[tilespmem:s17+$0xFFFFFF20] =	vst v4;
	v4 =	vmul.f32 v10, v3  }
0xd5: {  	v13 =	vmov s22;
	[tilespmem:s17+$0xFFFFFF10] =	vst v6;
	v6 =	vmul.f32 v9, v3;
	v9 =	vld [tilespmem:s17+$0xFFFFFF90]  }
0xd6: {  	v10 =	vld [tilespmem:s17+$0xFFFFFFA0];
	[tilespmem:s17+$0xFFFFFF40] =	vst v4;
	v4 =	vmul.f32 v12, v3  }
0xd7: {  	v14 =	vld [tilespmem:s17+$0xFFFFFFD0];
	[tilespmem:s17+$0xFFFFFF30] =	vst v6;
	v6 =	vmul.f32 v11, v3  }
0xd8: {  	v11 =	vld [tilespmem:s17+$0xFFFFFFB0];
	[tilespmem:s17+$0xFFFFFF60] =	vst v4;
	v7 =	vmul.f32 v7, v3  }
0xd9: {  	v15 =	vld [tilespmem:s17+$0xFFFFFFE0];
	[tilespmem:s17+$0xFFFFFF50] =	vst v6;
	v6 =	vmul.f32 v8, v5  }
0xda: {  	v3 =	vld.idx.msk [tilespmem:v13+s26+$0x0], $0xffff;
	v4 =	vmul.f32 v9, v5;
	[tilespmem:s17+$0xFFFFFF70] =	vst v7  }
0xdb: {  	v9 =	vld [tilespmem:s17+$0xFFFFFFF0];
	[tilespmem:s17+$0xFFFFFF80] =	vst v6;
	v6 =	vmul.f32 v10, v5  }
0xdc: {  	v8 =	vld [tilespmem:s17+$0x0];
	v10 =	vmul.f32 v63, v5;
	[tilespmem:s17+$0xFFFFFF90] =	vst v4  }
0xdd: {  	s23 =	smulhi.u32 $0xAAAAAAAB, s12;
	v7 =	vld [tilespmem:s17+$0x10];
	v4 =	vmul.f32 v11, v5;
	[tilespmem:s17+$0xFFFFFFA0] =	vst v6  }
0xde: {  	v11 =	vmul.f32 v14, v5;
	v6 =	vld [tilespmem:s17+$0x20];
	[tilespmem:s17+$0xFFFFFFC0] =	vst v10  }
0xdf: {  	s14 =	sshll.u32 s23, $0x5;
	v10 =	vmul.f32 v15, v5;
	[tilespmem:s17+$0xFFFFFFB0] =	vst v4;
	v4 =	vld [tilespmem:s17+$0x30]  }
0xe0: {  	s19 =	simm.s32 $0x1300;
	s14 =	sand.u32 $0xFFFFFFC0, s14;
	s20 =	simm.s32 $0x0;
	[tilespmem:s17+$0xFFFFFFD0] =	vst v11;
	v9 =	vmul.f32 v9, v5;
	v5 =	vld [tilespmem:s17+$0x40]  }
.LBB2_5:
0xe1: {  	s21 =	sadd.s32 s20, s18;
	s20 =	sadd.s32 $0x4, s20;
	[tilespmem:s17+$0xFFFFFFE0] =	vst v10;
	v8 =	vmul.f32 v8, v2;
	v10 =	vld [tilespmem:s17+$0x50]  }
0xe2: {  	s22 =	sadd.s32 $0x4, s21;
	s23 =	sadd.s32 $0x6, s21;
	p0 =	slt.u32 s20, $0x3C;
	[tilespmem:s17+$0xFFFFFFF0] =	vst v9;
	v7 =	vmul.f32 v7, v2;
	v9 =	vld [tilespmem:s17+$0x60]  }
0xe3: {  	v11 =	vmov s22;
	s22 =	sadd.s32 $0x5, s21;
	v12 =	vmov s23;
	s21 =	sadd.s32 $0x7, s21;
	[tilespmem:s17+$0x0] =	vst v8;
	v6 =	vmul.f32 v6, v2;
	v8 =	vld [tilespmem:s17+$0x80]  }
0xe4: {  	v11 =	vand.u32 $0xFFFFFFFC, v11;
	v13 =	vmov s22;
	v12 =	vand.u32 $0xFFFFFFFE, v12;
	[tilespmem:s17+$0x10] =	vst v7;
	v7 =	vld [tilespmem:s17+$0x90]  }
0xe5: {  	v11 =	vbroadcast v11, $0x0;
	v13 =	vand.u32 $0xFFFFFFFD, v13;
	v12 =	vbroadcast v12, $0x0;
	[tilespmem:s17+$0x20] =	vst v6;
	v6 =	vld [tilespmem:s17+$0xA0]  }
0xe6: {  	v14 =	vmov s21;
	v4 =	vmul.f32 v4, v2;
	v13 =	vbroadcast v13, $0x0;
	v15 =	vld [tilespmem:s17+$0xB0]  }
0xe7: {  	v5 =	vmul.f32 v5, v2;
	v10 =	vmul.f32 v10, v2;
	v16 =	vld [tilespmem:s17+$0xC0]  }
0xe8: {  	[tilespmem:s17+$0x30] =	vst v4;
	v4 =	vmul.f32 v9, v2;
	v8 =	vmul.f32 v8, v3;
	v9 =	vld [tilespmem:s17+$0xD0]  }
0xe9: {  	[tilespmem:s17+$0x40] =	vst v5;
	v5 =	vmul.f32 v7, v3;
	v7 =	vld [tilespmem:s17+$0xE0]  }
0xea: {  	[tilespmem:s17+$0x50] =	vst v10;
	v6 =	vmul.f32 v6, v3;
	v10 =	vld [tilespmem:s17+$0xF0]  }
0xeb: {  	s17 =	sadd.s32 $0x200, s17;
	v2 =	vld.idx.msk [tilespmem:v12+s26+$0x0], $0xffff;
	[tilespmem:s19+$0x60] =	vst v4;
	v4 =	vmul.f32 v15, v3  }
0xec: {  	v12 =	vld [tilespmem:s17+$0x70];
	[tilespmem:s19+$0x80] =	vst v8;
	v8 =	vmul.f32 v16, v3  }
0xed: {  	v11 =	vld.idx.msk [tilespmem:v11+s26+$0x0], $0xffff;
	[tilespmem:s19+$0x90] =	vst v5;
	v5 =	vmul.f32 v9, v3  }
0xee: {  	v9 =	vld.idx.msk [tilespmem:v13+s26+$0x0], $0xffff;
	[tilespmem:s19+$0xA0] =	vst v6;
	v6 =	vmul.f32 v7, v3  }
0xef: {  	[tilespmem:s19+$0xB0] =	vst v4;
	v4 =	vmul.f32 v10, v3;
	v3 =	vld.idx.msk [tilespmem:v14+s26+$0x0], $0xffff  }
0xf0: {  	v7 =	vld [tilespmem:s17+$0xFFFFFF00];
	[tilespmem:s19+$0xC0] =	vst v8  }
0xf1: {  	v8 =	vld [tilespmem:s17+$0xFFFFFF10];
	v10 =	vmul.f32 v12, v2;
	[tilespmem:s19+$0xD0] =	vst v5  }
0xf2: {  	v5 =	vld [tilespmem:s17+$0xFFFFFF20];
	[tilespmem:s19+$0xE0] =	vst v6  }
0xf3: {  	v6 =	vld [tilespmem:s17+$0xFFFFFF30];
	[tilespmem:s17+$0x70] =	vst v10  }
0xf4: {  	v10 =	vld [tilespmem:s17+$0xFFFFFF40];
	[tilespmem:s19+$0xF0] =	vst v4;
	s19 =	smov.u32 s17  }
0xf5: {  	v4 =	vmul.f32 v7, v11;
	v7 =	vld [tilespmem:s17+$0xFFFFFF50]  }
0xf6: {  	v8 =	vmul.f32 v8, v11;
	v12 =	vld [tilespmem:s17+$0xFFFFFF60]  }
0xf7: {  	[tilespmem:s17+$0xFFFFFF00] =	vst v4;
	v4 =	vmul.f32 v5, v11;
	v5 =	vld [tilespmem:s17+$0xFFFFFF70]  }
0xf8: {  	[tilespmem:s17+$0xFFFFFF10] =	vst v8;
	v6 =	vmul.f32 v6, v11;
	v8 =	vld [tilespmem:s17+$0xFFFFFF80]  }
0xf9: {  	[tilespmem:s17+$0xFFFFFF20] =	vst v4;
	v4 =	vmul.f32 v10, v11;
	v10 =	vld [tilespmem:s17+$0xFFFFFF90]  }
0xfa: {  	[tilespmem:s17+$0xFFFFFF30] =	vst v6;
	v6 =	vmul.f32 v7, v11;
	v7 =	vld [tilespmem:s17+$0xFFFFFFA0]  }
0xfb: {  	[tilespmem:s17+$0xFFFFFF40] =	vst v4;
	v4 =	vmul.f32 v12, v11;
	v12 =	vld [tilespmem:s17+$0xFFFFFFB0]  }
0xfc: {  	[tilespmem:s17+$0xFFFFFF50] =	vst v6;
	v5 =	vmul.f32 v5, v11;
	v6 =	vld [tilespmem:s17+$0xFFFFFFC0]  }
0xfd: {  	[tilespmem:s17+$0xFFFFFF60] =	vst v4;
	v4 =	vmul.f32 v8, v9;
	v11 =	vld [tilespmem:s17+$0xFFFFFFD0]  }
0xfe: {  	[tilespmem:s17+$0xFFFFFF70] =	vst v5;
	v5 =	vmul.f32 v10, v9;
	v10 =	vld [tilespmem:s17+$0xFFFFFFE0]  }
0xff: {  	[tilespmem:s17+$0xFFFFFF80] =	vst v4;
	v4 =	vmul.f32 v7, v9;
	v13 =	vld [tilespmem:s17+$0xFFFFFFF0]  }
.Ltmp1:
0x100: {  	[tilespmem:s17+$0xFFFFFF90] =	vst v5;
	v5 =	vmul.f32 v12, v9;
	v8 =	vld [tilespmem:s17+$0x0];
	(pc) =	sbr.rel @p0 .LBB2_5-.Ltmp1, $4  }
0x101: {  	[tilespmem:s17+$0xFFFFFFA0] =	vst v4;
	v4 =	vmul.f32 v6, v9;
	v7 =	vld [tilespmem:s17+$0x10]  }
0x102: {  	[tilespmem:s17+$0xFFFFFFB0] =	vst v5;
	v5 =	vmul.f32 v11, v9;
	v6 =	vld [tilespmem:s17+$0x20]  }
0x103: {  	[tilespmem:s17+$0xFFFFFFC0] =	vst v4;
	v10 =	vmul.f32 v10, v9;
	v4 =	vld [tilespmem:s17+$0x30]  }
0x104: {  	[tilespmem:s17+$0xFFFFFFD0] =	vst v5;
	v9 =	vmul.f32 v13, v9;
	v5 =	vld [tilespmem:s17+$0x40]  }
0x105: {  	v11 =	vld [tilespmem:s17+$0x50];
	[tilespmem:s17+$0xFFFFFFE0] =	vst v10;
	v8 =	vmul.f32 v8, v2  }
0x106: {  	v10 =	vld [tilespmem:s17+$0x60];
	[tilespmem:s17+$0xFFFFFFF0] =	vst v9;
	v7 =	vmul.f32 v7, v2  }
0x107: {  	v9 =	vld [tilespmem:s17+$0x80];
	[tilespmem:s17+$0x0] =	vst v8;
	v6 =	vmul.f32 v6, v2  }
0x108: {  	v8 =	vld [tilespmem:s17+$0x90];
	[tilespmem:s17+$0x10] =	vst v7;
	v4 =	vmul.f32 v4, v2  }
0x109: {  	v7 =	vld [tilespmem:s17+$0xA0];
	[tilespmem:s17+$0x20] =	vst v6;
	v5 =	vmul.f32 v5, v2  }
0x10a: {  	v6 =	vld [tilespmem:s17+$0xB0];
	v11 =	vmul.f32 v11, v2;
	[tilespmem:s17+$0x30] =	vst v4  }
0x10b: {  	v12 =	vld [tilespmem:s17+$0xC0];
	v2 =	vmul.f32 v10, v2;
	[tilespmem:s17+$0x40] =	vst v5  }
0x10c: {  	v4 =	vld [tilespmem:s17+$0xD0];
	v5 =	vmul.f32 v9, v3;
	[tilespmem:s17+$0x50] =	vst v11  }
0x10d: {  	v9 =	vld [tilespmem:s17+$0xE0];
	v8 =	vmul.f32 v8, v3;
	[tilespmem:s19+$0x60] =	vst v2  }
0x10e: {  	v10 =	vld [tilespmem:s17+$0xF0];
	v2 =	vmul.f32 v7, v3;
	[tilespmem:s19+$0x80] =	vst v5  }
0x10f: {  	v5 =	vmul.f32 v6, v3;
	[tilespmem:s19+$0x90] =	vst v8  }
0x110: {  	v6 =	vmul.f32 v12, v3;
	[tilespmem:s19+$0xA0] =	vst v2  }
0x111: {  	v2 =	vmul.f32 v4, v3;
	[tilespmem:s19+$0xB0] =	vst v5  }
0x112: {  	v4 =	vmul.f32 v9, v3;
	[tilespmem:s19+$0xC0] =	vst v6  }
0x113: {  	v3 =	vmul.f32 v10, v3;
	[tilespmem:s19+$0xD0] =	vst v2  }
0x114: {  	p0 =	seq.s32 s15, $0x17;
	[tilespmem:s19+$0xE0] =	vst v4  }
0x115: {  	s16 =	sadd.s32 @!p0 $0x2, s16;
	s17 =	simm.s32 @!p0 $0x3;
	[tilespmem:s19+$0xF0] =	vst v3  }
0x116: {  	[spmem:s1] =	stream.indirect.scatter.add.f32 [tilespmem:s28], [sflag:$0x3], $0x80, s31, s30, $0xb8;
	[tilespmem:$0x1D200] =	vst v63  }
0x117: {  	s18 =	smulhi.u32 @!p0 $0x55555556, s16;
	_ =	swait.ge @!p0 [sflag:s17], $0x2000  }
0x118: {  	[sflag:s17] =	ssyncset.done @!p0 $0x0  }
0x119: {  	[sflag:s17] =	ssyncadd.s32 @!p0 $0xFFFFE000;
	s17 =	sshll.u32 @!p0 s18, $0x6  }
0x11a: {  	v2 =	vld @!p0 [tilespmem:s17+$0x0]  }
0x11b: {  	v3 =	vld @!p0 [tilespmem:s17+$0x400]  }
0x11c: {  	s18 =	smul.u32 @!p0 $0x3, s18;
	_ =	sdelay $0x1  }
0x11d: {  	s16 =	ssub.s32 @!p0 s16, s18  }
0x11e: {  	s18 =	sshll.u32 @!p0 s16, $0xC  }
0x11f: {  	v4 =	vshll.u32 @!p0 v2, $0x8;
	v3 =	vadd.s32 @!p0 s18, v3  }
0x120: {  	v3 =	vadd.s32 @!p0 v4, v3  }
0x121: {  	[tilespmem:$0x1000] =	vst @!p0 v3  }
0x122: {  	v3 =	vld @!p0 [tilespmem:s17+$0x800];
	_ =	sdelay $0x1  }
0x123: {  	s16 =	sadd.s32 @!p0 s10, s16  }
0x124: {  	s16 =	sshll.u32 @!p0 s16, $0xD;
	v2 =	vshll.u32 @!p0 v2, $0x9  }
0x125: {  	v2 =	vadd.s32 @!p0 s16, v2  }
0x126: {  	v2 =	vadd.s32 @!p0 v3, v2  }
0x127: {  	[tilespmem:$0x1100] =	vst @!p0 v2  }
0x128: {  	v2 =	vld @!p0 [tilespmem:s17+$0x10]  }
0x129: {  	v3 =	vld @!p0 [tilespmem:s17+$0x410];
	_ =	sdelay $0x4  }
0x12a: {  	v4 =	vshll.u32 @!p0 v2, $0x8;
	v3 =	vadd.s32 @!p0 s18, v3  }
0x12b: {  	v3 =	vadd.s32 @!p0 v4, v3  }
0x12c: {  	[tilespmem:$0x1010] =	vst @!p0 v3  }
0x12d: {  	v3 =	vld @!p0 [tilespmem:s17+$0x810];
	_ =	sdelay $0x2  }
0x12e: {  	v2 =	vshll.u32 @!p0 v2, $0x9  }
0x12f: {  	v2 =	vadd.s32 @!p0 s16, v2  }
0x130: {  	v2 =	vadd.s32 @!p0 v3, v2  }
0x131: {  	[tilespmem:$0x1110] =	vst @!p0 v2  }
0x132: {  	v2 =	vld @!p0 [tilespmem:s17+$0x20]  }
0x133: {  	v3 =	vld @!p0 [tilespmem:s17+$0x420];
	_ =	sdelay $0x4  }
0x134: {  	v4 =	vshll.u32 @!p0 v2, $0x8;
	v3 =	vadd.s32 @!p0 s18, v3  }
0x135: {  	v3 =	vadd.s32 @!p0 v4, v3  }
0x136: {  	[tilespmem:$0x1020] =	vst @!p0 v3  }
0x137: {  	v3 =	vld @!p0 [tilespmem:s17+$0x820];
	_ =	sdelay $0x2  }
0x138: {  	v2 =	vshll.u32 @!p0 v2, $0x9  }
0x139: {  	v2 =	vadd.s32 @!p0 s16, v2  }
0x13a: {  	v2 =	vadd.s32 @!p0 v3, v2  }
0x13b: {  	[tilespmem:$0x1120] =	vst @!p0 v2  }
0x13c: {  	v2 =	vld @!p0 [tilespmem:s17+$0x30]  }
0x13d: {  	v3 =	vld @!p0 [tilespmem:s17+$0x430];
	_ =	sdelay $0x4  }
0x13e: {  	v4 =	vshll.u32 @!p0 v2, $0x8;
	v3 =	vadd.s32 @!p0 s18, v3  }
0x13f: {  	v3 =	vadd.s32 @!p0 v4, v3  }
0x140: {  	[tilespmem:$0x1030] =	vst @!p0 v3  }
0x141: {  	v3 =	vld @!p0 [tilespmem:s17+$0x830]  }
0x142: {  	s20 =	sadd.s32 $0xFFFFFFFC, s14  }
0x143: {  	s21 =	sadd.s32 $0x6, s20  }
0x144: {  	v2 =	vshll.u32 @!p0 v2, $0x9;
	v4 =	vmov s21  }
0x145: {  	v2 =	vadd.s32 @!p0 s16, v2;
	v4 =	vand.u32 $0xFFFFFFFE, v4  }
0x146: {  	s22 =	sadd.s32 $0x4, s20;
	v4 =	vbroadcast v4, $0x0;
	v2 =	vadd.s32 @!p0 v3, v2  }
0x147: {  	s19 =	simm.s32 @!p0 $0x1200;
	s18 =	simm.s32 @!p0 $0x1100;
	s16 =	simm.s32 @!p0 $0x40;
	[tilespmem:$0x1130] =	vst @!p0 v2  }
0x148: {  	[tilespmem:s19], [sflag:$0x1] =	stream.indirect.gather @!p0 [hbm4b:s4+s16], $0x80, s18, s16, $0xb8;
	[tilespmem:$0x1D200] =	vst v63  }
0x149: {  	v3 =	vmov s22;
	_ =	swait.ge [sflag:s2], $0x2000  }
0x14a: {  	v2 =	vand.u32 $0xFFFFFFFC, v3;
	[sflag:s2] =	ssyncset.done $0x0  }
0x14b: {  	v3 =	vbroadcast v2, $0x0;
	[sflag:s2] =	ssyncadd.s32 $0xFFFFE000  }
0x14c: {  	s16 =	simm.s32 $0x3300;
	v2 =	vld.idx.msk [tilespmem:v4+s26+$0x0], $0xffff  }
0x14d: {  	s23 =	sadd.s32 $0x5, s20;
	v4 =	vld [tilespmem:s16+$0x70]  }
0x14e: {  	v5 =	vmov s23;
	v6 =	vld [tilespmem:s16+$0xFFFFFF00]  }
0x14f: {  	v5 =	vand.u32 $0xFFFFFFFD, v5;
	v7 =	vld [tilespmem:s16+$0xFFFFFF10]  }
0x150: {  	v5 =	vbroadcast v5, $0x0;
	v8 =	vld [tilespmem:s16+$0xFFFFFF20]  }
0x151: {  	v3 =	vld.idx.msk [tilespmem:v3+s26+$0x0], $0xffff  }
0x152: {  	v9 =	vld [tilespmem:s16+$0xFFFFFF30]  }
0x153: {  	v10 =	vld [tilespmem:s16+$0xFFFFFF40]  }
0x154: {  	v11 =	vld [tilespmem:s16+$0xFFFFFF50]  }
0x155: {  	v62 =	vld [tilespmem:s16+$0xFFFFFF60];
	v4 =	vmul.f32 v4, v2  }
0x156: {  	v5 =	vld.idx.msk [tilespmem:v5+s26+$0x0], $0xffff;
	v6 =	vmul.f32 v6, v3  }
0x157: {  	v63 =	vld [tilespmem:s16+$0xFFFFFFC0];
	[tilespmem:s16+$0x70] =	vst v4;
	v4 =	vmul.f32 v8, v3  }
0x158: {  	[tilespmem:s16+$0xFFFFFF00] =	vst v6;
	v6 =	vmul.f32 v7, v3;
	v7 =	vld [tilespmem:s16+$0xFFFFFF70]  }
0x159: {  	s17 =	sadd.s32 $0x7, s20;
	v8 =	vld [tilespmem:s16+$0xFFFFFF80];
	[tilespmem:s16+$0xFFFFFF20] =	vst v4;
	v4 =	vmul.f32 v10, v3  }
0x15a: {  	v13 =	vmov s17;
	[tilespmem:s16+$0xFFFFFF10] =	vst v6;
	v6 =	vmul.f32 v9, v3;
	v9 =	vld [tilespmem:s16+$0xFFFFFF90]  }
0x15b: {  	v10 =	vld [tilespmem:s16+$0xFFFFFFA0];
	[tilespmem:s16+$0xFFFFFF40] =	vst v4;
	v4 =	vmul.f32 v62, v3  }
0x15c: {  	v14 =	vld [tilespmem:s16+$0xFFFFFFD0];
	[tilespmem:s16+$0xFFFFFF30] =	vst v6;
	v6 =	vmul.f32 v11, v3  }
0x15d: {  	v11 =	vld [tilespmem:s16+$0xFFFFFFB0];
	[tilespmem:s16+$0xFFFFFF60] =	vst v4;
	v7 =	vmul.f32 v7, v3  }
0x15e: {  	v15 =	vld [tilespmem:s16+$0xFFFFFFE0];
	[tilespmem:s16+$0xFFFFFF50] =	vst v6;
	v6 =	vmul.f32 v8, v5  }
0x15f: {  	v3 =	vld.idx.msk [tilespmem:v13+s26+$0x0], $0xffff;
	v4 =	vmul.f32 v9, v5;
	[tilespmem:s16+$0xFFFFFF70] =	vst v7  }
0x160: {  	v9 =	vld [tilespmem:s16+$0xFFFFFFF0];
	[tilespmem:s16+$0xFFFFFF80] =	vst v6;
	v6 =	vmul.f32 v10, v5  }
0x161: {  	v8 =	vld [tilespmem:s16+$0x0];
	v10 =	vmul.f32 v63, v5;
	[tilespmem:s16+$0xFFFFFF90] =	vst v4  }
0x162: {  	v7 =	vld [tilespmem:s16+$0x10];
	v4 =	vmul.f32 v11, v5;
	[tilespmem:s16+$0xFFFFFFA0] =	vst v6  }
0x163: {  	v11 =	vmul.f32 v14, v5;
	v6 =	vld [tilespmem:s16+$0x20];
	[tilespmem:s16+$0xFFFFFFC0] =	vst v10  }
0x164: {  	v10 =	vmul.f32 v15, v5;
	[tilespmem:s16+$0xFFFFFFB0] =	vst v4;
	v4 =	vld [tilespmem:s16+$0x30]  }
0x165: {  	s15 =	sadd.s32 $0x1, s15;
	s17 =	simm.s32 $0x3300;
	s18 =	simm.s32 $0x0;
	[tilespmem:s16+$0xFFFFFFD0] =	vst v11;
	v9 =	vmul.f32 v9, v5;
	v5 =	vld [tilespmem:s16+$0x40]  }
.LBB2_7:
0x166: {  	s19 =	sadd.s32 s18, s14;
	s18 =	sadd.s32 $0x4, s18;
	[tilespmem:s16+$0xFFFFFFE0] =	vst v10;
	v8 =	vmul.f32 v8, v2;
	v10 =	vld [tilespmem:s16+$0x50]  }
0x167: {  	s20 =	sadd.s32 $0x4, s19;
	s21 =	sadd.s32 $0x6, s19;
	p0 =	slt.u32 s18, $0x3C;
	[tilespmem:s16+$0xFFFFFFF0] =	vst v9;
	v7 =	vmul.f32 v7, v2;
	v9 =	vld [tilespmem:s16+$0x60]  }
0x168: {  	v11 =	vmov s20;
	s20 =	sadd.s32 $0x5, s19;
	v12 =	vmov s21;
	s19 =	sadd.s32 $0x7, s19;
	[tilespmem:s16+$0x0] =	vst v8;
	v6 =	vmul.f32 v6, v2;
	v8 =	vld [tilespmem:s16+$0x80]  }
0x169: {  	v11 =	vand.u32 $0xFFFFFFFC, v11;
	v13 =	vmov s20;
	v12 =	vand.u32 $0xFFFFFFFE, v12;
	[tilespmem:s16+$0x10] =	vst v7;
	v7 =	vld [tilespmem:s16+$0x90]  }
0x16a: {  	v11 =	vbroadcast v11, $0x0;
	v13 =	vand.u32 $0xFFFFFFFD, v13;
	v12 =	vbroadcast v12, $0x0;
	[tilespmem:s16+$0x20] =	vst v6;
	v6 =	vld [tilespmem:s16+$0xA0]  }
0x16b: {  	v14 =	vmov s19;
	v4 =	vmul.f32 v4, v2;
	v13 =	vbroadcast v13, $0x0;
	v15 =	vld [tilespmem:s16+$0xB0]  }
0x16c: {  	v5 =	vmul.f32 v5, v2;
	v10 =	vmul.f32 v10, v2;
	v16 =	vld [tilespmem:s16+$0xC0]  }
0x16d: {  	[tilespmem:s16+$0x30] =	vst v4;
	v4 =	vmul.f32 v9, v2;
	v8 =	vmul.f32 v8, v3;
	v9 =	vld [tilespmem:s16+$0xD0]  }
0x16e: {  	[tilespmem:s16+$0x40] =	vst v5;
	v5 =	vmul.f32 v7, v3;
	v7 =	vld [tilespmem:s16+$0xE0]  }
0x16f: {  	[tilespmem:s16+$0x50] =	vst v10;
	v6 =	vmul.f32 v6, v3;
	v10 =	vld [tilespmem:s16+$0xF0]  }
0x170: {  	s16 =	sadd.s32 $0x200, s16;
	v2 =	vld.idx.msk [tilespmem:v12+s26+$0x0], $0xffff;
	[tilespmem:s17+$0x60] =	vst v4;
	v4 =	vmul.f32 v15, v3  }
0x171: {  	v12 =	vld [tilespmem:s16+$0x70];
	[tilespmem:s17+$0x80] =	vst v8;
	v8 =	vmul.f32 v16, v3  }
0x172: {  	v11 =	vld.idx.msk [tilespmem:v11+s26+$0x0], $0xffff;
	[tilespmem:s17+$0x90] =	vst v5;
	v5 =	vmul.f32 v9, v3  }
0x173: {  	v9 =	vld.idx.msk [tilespmem:v13+s26+$0x0], $0xffff;
	[tilespmem:s17+$0xA0] =	vst v6;
	v6 =	vmul.f32 v7, v3  }
0x174: {  	[tilespmem:s17+$0xB0] =	vst v4;
	v4 =	vmul.f32 v10, v3;
	v3 =	vld.idx.msk [tilespmem:v14+s26+$0x0], $0xffff  }
0x175: {  	v7 =	vld [tilespmem:s16+$0xFFFFFF00];
	[tilespmem:s17+$0xC0] =	vst v8  }
0x176: {  	v8 =	vld [tilespmem:s16+$0xFFFFFF10];
	v10 =	vmul.f32 v12, v2;
	[tilespmem:s17+$0xD0] =	vst v5  }
0x177: {  	v5 =	vld [tilespmem:s16+$0xFFFFFF20];
	[tilespmem:s17+$0xE0] =	vst v6  }
0x178: {  	v6 =	vld [tilespmem:s16+$0xFFFFFF30];
	[tilespmem:s16+$0x70] =	vst v10  }
0x179: {  	v10 =	vld [tilespmem:s16+$0xFFFFFF40];
	[tilespmem:s17+$0xF0] =	vst v4;
	s17 =	smov.u32 s16  }
0x17a: {  	v4 =	vmul.f32 v7, v11;
	v7 =	vld [tilespmem:s16+$0xFFFFFF50]  }
0x17b: {  	v8 =	vmul.f32 v8, v11;
	v12 =	vld [tilespmem:s16+$0xFFFFFF60]  }
0x17c: {  	[tilespmem:s16+$0xFFFFFF00] =	vst v4;
	v4 =	vmul.f32 v5, v11;
	v5 =	vld [tilespmem:s16+$0xFFFFFF70]  }
0x17d: {  	[tilespmem:s16+$0xFFFFFF10] =	vst v8;
	v6 =	vmul.f32 v6, v11;
	v8 =	vld [tilespmem:s16+$0xFFFFFF80]  }
0x17e: {  	[tilespmem:s16+$0xFFFFFF20] =	vst v4;
	v4 =	vmul.f32 v10, v11;
	v10 =	vld [tilespmem:s16+$0xFFFFFF90]  }
0x17f: {  	[tilespmem:s16+$0xFFFFFF30] =	vst v6;
	v6 =	vmul.f32 v7, v11;
	v7 =	vld [tilespmem:s16+$0xFFFFFFA0]  }
0x180: {  	[tilespmem:s16+$0xFFFFFF40] =	vst v4;
	v4 =	vmul.f32 v12, v11;
	v12 =	vld [tilespmem:s16+$0xFFFFFFB0]  }
0x181: {  	[tilespmem:s16+$0xFFFFFF50] =	vst v6;
	v5 =	vmul.f32 v5, v11;
	v6 =	vld [tilespmem:s16+$0xFFFFFFC0]  }
0x182: {  	[tilespmem:s16+$0xFFFFFF60] =	vst v4;
	v4 =	vmul.f32 v8, v9;
	v11 =	vld [tilespmem:s16+$0xFFFFFFD0]  }
0x183: {  	[tilespmem:s16+$0xFFFFFF70] =	vst v5;
	v5 =	vmul.f32 v10, v9;
	v10 =	vld [tilespmem:s16+$0xFFFFFFE0]  }
0x184: {  	[tilespmem:s16+$0xFFFFFF80] =	vst v4;
	v4 =	vmul.f32 v7, v9;
	v13 =	vld [tilespmem:s16+$0xFFFFFFF0]  }
.Ltmp2:
0x185: {  	[tilespmem:s16+$0xFFFFFF90] =	vst v5;
	v5 =	vmul.f32 v12, v9;
	v8 =	vld [tilespmem:s16+$0x0];
	(pc) =	sbr.rel @p0 .LBB2_7-.Ltmp2, $4  }
0x186: {  	[tilespmem:s16+$0xFFFFFFA0] =	vst v4;
	v4 =	vmul.f32 v6, v9;
	v7 =	vld [tilespmem:s16+$0x10]  }
0x187: {  	[tilespmem:s16+$0xFFFFFFB0] =	vst v5;
	v5 =	vmul.f32 v11, v9;
	v6 =	vld [tilespmem:s16+$0x20]  }
0x188: {  	[tilespmem:s16+$0xFFFFFFC0] =	vst v4;
	v10 =	vmul.f32 v10, v9;
	v4 =	vld [tilespmem:s16+$0x30]  }
0x189: {  	[tilespmem:s16+$0xFFFFFFD0] =	vst v5;
	v9 =	vmul.f32 v13, v9;
	v5 =	vld [tilespmem:s16+$0x40]  }
0x18a: {  	v11 =	vld [tilespmem:s16+$0x50]  }
0x18b: {  	[tilespmem:s16+$0xFFFFFFE0] =	vst v10;
	v8 =	vmul.f32 v8, v2;
	v52 =	vld [tilespmem:s16+$0x60]  }
0x18c: {  	v53 =	vld [tilespmem:s16+$0x80];
	[tilespmem:s16+$0xFFFFFFF0] =	vst v9;
	v7 =	vmul.f32 v7, v2  }
0x18d: {  	v54 =	vld [tilespmem:s16+$0x90];
	[tilespmem:s16+$0x0] =	vst v8;
	v6 =	vmul.f32 v6, v2  }
0x18e: {  	v56 =	vld [tilespmem:s16+$0xB0];
	[tilespmem:s16+$0x10] =	vst v7;
	v4 =	vmul.f32 v4, v2  }
0x18f: {  	v55 =	vld [tilespmem:s16+$0xA0];
	[tilespmem:s16+$0x20] =	vst v6;
	v5 =	vmul.f32 v5, v2  }
0x190: {  	v12 =	vld [tilespmem:s16+$0xC0];
	v11 =	vmul.f32 v11, v2;
	[tilespmem:s16+$0x30] =	vst v4  }
0x191: {  	v57 =	vld [tilespmem:s16+$0xD0];
	v58 =	vmul.f32 v53, v3;
	[tilespmem:s16+$0x40] =	vst v5  }
0x192: {  	v59 =	vld [tilespmem:s16+$0xE0];
	v8 =	vmul.f32 v54, v3;
	[tilespmem:s16+$0x50] =	vst v11  }
0x193: {  	v60 =	vld [tilespmem:s16+$0xF0];
	v61 =	vmul.f32 v56, v3;
	[tilespmem:s17+$0x80] =	vst v58  }
0x194: {  	v2 =	vmul.f32 v52, v2;
	[tilespmem:s17+$0x90] =	vst v8  }
0x195: {  	v62 =	vmul.f32 v12, v3;
	[tilespmem:s17+$0xB0] =	vst v61  }
0x196: {  	[tilespmem:s17+$0x60] =	vst v2;
	v2 =	vmul.f32 v55, v3  }
0x197: {  	p0 =	sne.s32 s15, $0x18;
	v63 =	vmul.f32 v59, v3;
	[tilespmem:s17+$0xC0] =	vst v62  }
.Ltmp3:
0x198: {  	[tilespmem:s17+$0xA0] =	vst v2;
	v2 =	vmul.f32 v57, v3;
	(pc) =	sbr.rel @p0 .LBB2_4-.Ltmp3, $4  }
0x199: {  	[tilespmem:s17+$0xE0] =	vst v63;
	v3 =	vmul.f32 v60, v3  }
0x19a: {  	[tilespmem:s17+$0xD0] =	vst v2  }
0x19b: {  	s13 =	sadd.s32 $0x2, s13;
	s12 =	sadd.s32 $0x2, s12;
	[tilespmem:s17+$0xF0] =	vst v3  }
0x19c: {  	[spmem:s1] =	stream.indirect.scatter.add.f32 [tilespmem:s24], [sflag:$0x4], $0x80, s5, s30, $0xb8;
	[tilespmem:$0x1D200] =	vst v63  }
0x19d: {  	_ =	swait.ge [sflag:s6], $0x2000  }
0x19e: {  	[sflag:s6] =	ssyncset.done $0x0  }
0x19f: {  	[sflag:s6] =	ssyncadd.s32 $0xFFFFE000  }
0x1a0: {  	_ =	swait.ge [sflag:s7], $0x2000  }
0x1a1: {  	[sflag:s7] =	ssyncset.done $0x0  }
0x1a2: {  	s12 =	stileid.u32;
	[sflag:s7] =	ssyncadd.s32 $0xFFFFE000  }
0x1a3: {  	s12 =	sshll.u32 s12, $0x6;
	[bflag:$0x0] =	sbarrier.arrive $0xFFFF  }
0x1a4: {  	s13 =	sshrl.u32 s9, $0x3;
	s12 =	sor.u32 $0x1C06, s12;
	s14 =	rddreg [dreg:$0x9]  }
0x1a5: {  	[hbm:s14], [sflag:s12] =	dma.local [spmem:s13], $0x3000  }
0x1a6: {  	_ =	swait.ge [sflag:s8], $0x3000  }
0x1a7: {  	s11 =	sadd.s32 $0x1, s11;
	s23 =	rddreg [dreg:$0xa]  }
0x1a8: {  	p0 =	sne.s32 s11, s23  }
.Ltmp4:
0x1a9: {  	_ = 	snop;
	(pc) =	sbr.rel @p0 .LBB2_1-.Ltmp4, $3  }
0x1aa: {  	_ =	sdelay $0x1  }
0x1ab: {  	[sflag:s8] =	ssyncset.done $0x0  }
0x1ac: {  	[sflag:s8] =	ssyncadd.s32 $0xFFFFD000  }
0x1ad: {  	_ =	sfence.sel $0x180000  }
0x1ae: {  	[bflag:$0x0] =	sbarrier.arrive $0xFFFF  }
0x1af: {  	_ =	strace $0x9000004A  }
0x1b0: {  	s0 =	stileid.u32;
	[bflag:$0x2] =	sbarrier.arrive $0xFFFF  }
0x1b1: {  	p0 =	sne.s32 s0, $0x0;
	s0 =	rddreg [dreg:$0x4]  }
0x1b2: {  	s0 =	sadd.s32 @!p0 $0x100000, s0  }
0x1b3: {  	[sflag:s0] =	ssyncadd.tile.s32 @!p0 $0x1;
	_ =	shalt  }
.Lfunc_end2:
_tile_overlayer_lowered:
.L_overlay_start_2:
0x1b4: {  	(tag) =	ssettag $0x2  }
0x1b5: {  	s0 =	rddreg [dreg:$0x0];
	s2 =	stileid.u32  }
0x1b6: {  	s1 =	rddreg [dreg:$0x1];
	p0 =	sne.s32 s2, $0x0  }
0x1b7: {  	s3 =	rddreg [dreg:$0x2];
	[bflag:$0x3] =	sbarrier.arrive $0xFFFF;
	s2 =	simm.s32 @!p0 $0x1C06  }
0x1b8: {  	[timem:s3], [sflag:s2] =	dma.local @!p0 [hbm:s0], s1  }
0x1b9: {  	s0 =	simm.s32 @!p0 $0x6  }
0x1ba: {  	_ =	swait.ge @!p0 [sflag:s0], s1  }
0x1bb: {  	s1 =	ssub.s32 @!p0 $0x0, s1;
	[sflag:s0] =	ssyncset.done @!p0 $0x0  }
0x1bc: {  	[sflag:s0] =	ssyncadd.s32 @!p0 s1  }
0x1bd: {  	[bflag:$0x3] =	sbarrier.arrive $0xFFFF  }
0x1be: {  	_ =	shalt  }

</sc_bundles>
